<compile_context>
chip_gen: v7x
topology: tpu7x:2x2x1
jax: 0.10.2.dev20260603
libtpu: 0.0.44.dev20260713+nightly
codegen_flags: <defaults>
</compile_context>

<pallas_src>
import functools

import jax
import jax.numpy as jnp
from jax import lax
from jax.experimental import pallas as pl
from jax.experimental.pallas import tpu as pltpu
from jax.experimental.pallas import tpu_sc as plsc

NC, NS = 2, 16
NW = NC * NS
B = 16384
D = 64
BPW = B // NW
NG = BPW // 16
KRING = 12
FDEPTH = 11
OCHUNK = 64
NOCH = BPW // OCHUNK

_mesh = plsc.VectorSubcoreMesh(core_axis_name="c", subcore_axis_name="s")


@functools.partial(
    pl.kernel,
    out_type=jax.ShapeDtypeStruct((B, 2 * D), jnp.float32),
    mesh=_mesh,
    scratch_types=[
        pltpu.VMEM((BPW,), jnp.int32),
        pltpu.VMEM((BPW,), jnp.int32),
        pltpu.VMEM((BPW,), jnp.int32),
        pltpu.VMEM((BPW + 16,), jnp.int32),
        pltpu.VMEM((NOCH, OCHUNK), jnp.int32),
        pltpu.VMEM((KRING, D, 128), jnp.float32),
        pltpu.VMEM((2, OCHUNK, 2 * D), jnp.float32),
        pltpu.SemaphoreType.DMA((KRING,)),
        pltpu.SemaphoreType.DMA((2,)),
    ],
    compiler_params=pltpu.CompilerParams(needs_layout_passes=False),
)
def _lookup(ids_hbm, row_hbm, tblt_hbm, out_hbm,
            ids_v, new_v, fc_v, runs_v, row_v, ring_v, big_v, gsems, osems):
    wid = lax.axis_index("s") * NC + lax.axis_index("c")

    pltpu.sync_copy(ids_hbm.at[wid], ids_v)
    pltpu.sync_copy(row_hbm.at[wid], row_v)

    rows16 = lax.iota(jnp.int32, 16)
    zrow = jnp.zeros((16,), jnp.float32)

    def _pre(g, nf):
        g16 = g * 16
        slabv = ids_v[pl.ds(g16, 16)] >> 7
        prevv = plsc.load_gather(
            ids_v, [jnp.maximum(rows16 + g16 - 1, 0)]
        ) >> 7
        newv = jnp.where(g16 + rows16 == 0, 1,
                         (slabv != prevv).astype(jnp.int32))
        fcv = plsc.cumsum(newv) + nf
        new_v[pl.ds(g16, 16)] = newv
        fc_v[pl.ds(g16, 16)] = fcv
        plsc.store_scatter(runs_v, [fcv - 1], slabv)
        return fcv[15]

    nruns = lax.fori_loop(0, NG, _pre, 0)

    def _fire(sl, slot):
        col = pl.multiple_of(sl * 128, 128)
        pltpu.async_copy(
            tblt_hbm.at[:, pl.ds(col, 128)], ring_v.at[slot], gsems.at[slot]
        )

    runs0 = runs_v[pl.ds(0, 16)]
    for r in range(FDEPTH):
        @pl.when(r < nruns)
        def _():
            _fire(runs0[r], r % KRING)

    def _zero(b, carry):
        for c in range(D // 16):
            big_v[b // OCHUNK, b % OCHUNK, pl.ds(D + c * 16, 16)] = zrow
        return carry

    lax.fori_loop(0, 2 * OCHUNK, _zero, 0)

    def _step(g, want_prev):
        g16 = g * 16
        idv = ids_v[pl.ds(g16, 16)]
        newv = new_v[pl.ds(g16, 16)]
        fcv = fc_v[pl.ds(g16, 16)]
        obank = (g // 4) % 2

        @pl.when(jnp.logical_and(g % 4 == 0, g >= 8))
        def _():
            pltpu.make_async_copy(
                big_v.at[obank], out_hbm.at[row_v.at[0]], osems.at[obank]
            ).wait()

        wp = want_prev
        for r in range(16):
            fci = fcv[r]
            slot = (fci - 1) % KRING

            want = jnp.minimum(fci + FDEPTH, nruns)
            fire_k = want - 1
            fslab = plsc.load_gather(runs_v, [jnp.full((16,), fire_k)])[0]

            @pl.when(want > wp)
            def _():
                _fire(fslab, fire_k % KRING)

            wp = want

            @pl.when(newv[r] == 1)
            def _():
                pltpu.make_async_copy(
                    tblt_hbm.at[:, pl.ds(0, 128)], ring_v.at[slot],
                    gsems.at[slot],
                ).wait()

            colv = jnp.full((16,), idv[r] & 127, jnp.int32)
            brow = (g % 4) * 16 + r
            for c in range(D // 16):
                vals = plsc.load_gather(ring_v.at[slot], [rows16 + c * 16, colv])
                big_v[obank, brow, pl.ds(c * 16, 16)] = vals

        @pl.when(g % 4 == 3)
        def _():
            pltpu.async_copy(
                big_v.at[obank],
                out_hbm.at[row_v.at[g // 4]],
                osems.at[obank],
            )

        return wp

    lax.fori_loop(0, NG, _step, jnp.minimum(FDEPTH, nruns))

    for obank in range(2):
        pltpu.make_async_copy(
            big_v.at[obank], out_hbm.at[row_v.at[0]], osems.at[obank]
        ).wait()


def kernel(entity_ids, entity_table):
    ids = entity_ids.astype(jnp.int32)
    pos = lax.iota(jnp.int32, B)
    key = ((ids >> 7) << 14) | pos
    key_s, ids_s = lax.sort((key, ids), num_keys=1, is_stable=False)
    order = key_s & (B - 1)
    rows = order.reshape(NW, NOCH, OCHUNK)
    return _lookup(ids_s.reshape(NW, BPW), rows, entity_table.T)

# --- scband reference (transcript-rebuilt; emitter-appended) ---
"""Pipeline reference for scband-box-estimator-20968030339376 (READ-ONLY COPY).

The authoritative reference and input builder live on the scoring server;
editing this copy changes nothing except your own understanding.
"""

import jax, jax.numpy as jnp
import numpy as np

NENTITY = 1000000
ENTITY_DIM = 64
BATCH = 16384


def setup_inputs(seed: int = 0) -> dict:
    key = jax.random.key(seed)
    k1, k2 = jax.random.split(key)
    entity_ids = jax.random.randint(k1, (BATCH,), 0, NENTITY)
    entity_table = jax.random.normal(k2, (NENTITY, ENTITY_DIM), dtype=jnp.float32) * 0.02
    return {"entity_ids": entity_ids, "entity_table": entity_table}


def reference(entity_ids, entity_table):
    # BoxEstimator.get_entity_embedding: embedding lookup for center, zeros for offset
    center_emb = jnp.take(entity_table, entity_ids, axis=0)
    offset_emb = jnp.zeros_like(center_emb)
    return jnp.concatenate((center_emb, offset_emb), axis=-1)

if __name__ == "__main__":
    import jax
    _d = setup_inputs()
    print(jax.jit(kernel)(*tuple(_d.values())))

</pallas_src>

<mosaic_0001>
#map = affine_map<(d0, d1) -> (0, 0)>
#map1 = affine_map<(d0, d1) -> (0, 0, 0)>
module attributes {stable_mosaic.version = 14 : i64} {
  func.func @_lookup(%arg0: i32, %arg1: i32, %arg2: memref<32x512xi32, #tpu.memory_space<hbm>>, %arg3: memref<32x8x64xi32, #tpu.memory_space<hbm>>, %arg4: memref<64x1000000xf32, #tpu.memory_space<hbm>>, %arg5: memref<16384x128xf32, #tpu.memory_space<hbm>>, %arg6: memref<512xi32, #tpu.memory_space<vmem>>, %arg7: memref<512xi32, #tpu.memory_space<vmem>>, %arg8: memref<512xi32, #tpu.memory_space<vmem>>, %arg9: memref<528xi32, #tpu.memory_space<vmem>>, %arg10: memref<8x64xi32, #tpu.memory_space<vmem>>, %arg11: memref<12x64x128xf32, #tpu.memory_space<vmem>>, %arg12: memref<2x64x128xf32, #tpu.memory_space<vmem>>, %arg13: memref<12x!tpu.dma_semaphore, #tpu.memory_space<semaphore_mem>>, %arg14: memref<2x!tpu.dma_semaphore, #tpu.memory_space<semaphore_mem>>) attributes {dimension_semantics = [#tpu.dimension_semantics<core_parallel>, #tpu.dimension_semantics<subcore_parallel>], iteration_bounds = array<i64: 2, 16>, scalar_prefetch = 0 : i64, scratch_operands = 9 : i64, tpu.core_type = #tpu.core_type<sc_vector_subcore>, window_params = [{transform_indices = #map}, {transform_indices = #map1}, {transform_indices = #map}, {transform_indices = #map}]} {
    %mul3A = arith.constant 2 : i32
    %mul3A_0 = arith.muli %arg1, %mul3A : i32
    %add3A = arith.addi %mul3A_0, %arg0 : i32
    "tpu.region"() ({
      %run_scoped3A = tpu.sem_alloc : memref<!tpu.dma_semaphore, #tpu.memory_space<semaphore_mem>>
      %dma_start3A = arith.constant 0 : i32
      %dma_start3A_103 = tpu.memref_slice %arg2[%add3A, %dma_start3A] : memref<32x512xi32, #tpu.memory_space<hbm>> -> memref<1x512xi32, #tpu.memory_space<hbm>>
      %dma_start3A_104 = tpu.memref_squeeze %dma_start3A_103 : memref<1x512xi32, #tpu.memory_space<hbm>> -> memref<512xi32, #tpu.memory_space<hbm>>
      %dma_start3A_105 = arith.constant 0 : i32
      %dma_start3A_106 = tpu.memref_slice %arg2[%add3A, %dma_start3A_105] : memref<32x512xi32, #tpu.memory_space<hbm>> -> memref<1x512xi32, #tpu.memory_space<hbm>>
      %dma_start3A_107 = tpu.memref_squeeze %dma_start3A_106 : memref<1x512xi32, #tpu.memory_space<hbm>> -> memref<512xi32, #tpu.memory_space<hbm>>
      tpu.enqueue_dma source(%dma_start3A_107 : memref<512xi32, #tpu.memory_space<hbm>>) target(%arg6 : memref<512xi32, #tpu.memory_space<vmem>>) target_semaphore(%run_scoped3A : memref<!tpu.dma_semaphore, #tpu.memory_space<semaphore_mem>>)
      %dma_wait3A_108 = arith.constant 0 : i32
      %dma_wait3A_109 = tpu.memref_slice %arg2[%add3A, %dma_wait3A_108] : memref<32x512xi32, #tpu.memory_space<hbm>> -> memref<1x512xi32, #tpu.memory_space<hbm>>
      %dma_wait3A_110 = tpu.memref_squeeze %dma_wait3A_109 : memref<1x512xi32, #tpu.memory_space<hbm>> -> memref<512xi32, #tpu.memory_space<hbm>>
      %dma_wait3A_111 = arith.constant 0 : i32
      %dma_wait3A_112 = tpu.memref_slice %arg2[%add3A, %dma_wait3A_111] : memref<32x512xi32, #tpu.memory_space<hbm>> -> memref<1x512xi32, #tpu.memory_space<hbm>>
      %dma_wait3A_113 = tpu.memref_squeeze %dma_wait3A_112 : memref<1x512xi32, #tpu.memory_space<hbm>> -> memref<512xi32, #tpu.memory_space<hbm>>
      tpu.wait_dma2 semaphore(%run_scoped3A : memref<!tpu.dma_semaphore, #tpu.memory_space<semaphore_mem>>) src(%dma_wait3A_113 : memref<512xi32, #tpu.memory_space<hbm>>) dst(%arg6 : memref<512xi32, #tpu.memory_space<vmem>>)
      tpu.yield
    }) : () -> ()
    "tpu.region"() ({
      %run_scoped3A = tpu.sem_alloc : memref<!tpu.dma_semaphore, #tpu.memory_space<semaphore_mem>>
      %dma_start3A = arith.constant 0 : i32
      %dma_start3A_103 = arith.constant 0 : i32
      %dma_start3A_104 = tpu.memref_slice %arg3[%add3A, %dma_start3A, %dma_start3A_103] : memref<32x8x64xi32, #tpu.memory_space<hbm>> -> memref<1x8x64xi32, #tpu.memory_space<hbm>>
      %dma_start3A_105 = tpu.memref_squeeze %dma_start3A_104 : memref<1x8x64xi32, #tpu.memory_space<hbm>> -> memref<8x64xi32, #tpu.memory_space<hbm>>
      %dma_start3A_106 = arith.constant 0 : i32
      %dma_start3A_107 = arith.constant 0 : i32
      %dma_start3A_108 = tpu.memref_slice %arg3[%add3A, %dma_start3A_106, %dma_start3A_107] : memref<32x8x64xi32, #tpu.memory_space<hbm>> -> memref<1x8x64xi32, #tpu.memory_space<hbm>>
      %dma_start3A_109 = tpu.memref_squeeze %dma_start3A_108 : memref<1x8x64xi32, #tpu.memory_space<hbm>> -> memref<8x64xi32, #tpu.memory_space<hbm>>
      tpu.enqueue_dma source(%dma_start3A_109 : memref<8x64xi32, #tpu.memory_space<hbm>>) target(%arg10 : memref<8x64xi32, #tpu.memory_space<vmem>>) target_semaphore(%run_scoped3A : memref<!tpu.dma_semaphore, #tpu.memory_space<semaphore_mem>>)
      %dma_wait3A_110 = arith.constant 0 : i32
      %dma_wait3A_111 = arith.constant 0 : i32
      %dma_wait3A_112 = tpu.memref_slice %arg3[%add3A, %dma_wait3A_110, %dma_wait3A_111] : memref<32x8x64xi32, #tpu.memory_space<hbm>> -> memref<1x8x64xi32, #tpu.memory_space<hbm>>
      %dma_wait3A_113 = tpu.memref_squeeze %dma_wait3A_112 : memref<1x8x64xi32, #tpu.memory_space<hbm>> -> memref<8x64xi32, #tpu.memory_space<hbm>>
      %dma_wait3A_114 = arith.constant 0 : i32
      %dma_wait3A_115 = arith.constant 0 : i32
      %dma_wait3A_116 = tpu.memref_slice %arg3[%add3A, %dma_wait3A_114, %dma_wait3A_115] : memref<32x8x64xi32, #tpu.memory_space<hbm>> -> memref<1x8x64xi32, #tpu.memory_space<hbm>>
      %dma_wait3A_117 = tpu.memref_squeeze %dma_wait3A_116 : memref<1x8x64xi32, #tpu.memory_space<hbm>> -> memref<8x64xi32, #tpu.memory_space<hbm>>
      tpu.wait_dma2 semaphore(%run_scoped3A : memref<!tpu.dma_semaphore, #tpu.memory_space<semaphore_mem>>) src(%dma_wait3A_117 : memref<8x64xi32, #tpu.memory_space<hbm>>) dst(%arg10 : memref<8x64xi32, #tpu.memory_space<vmem>>)
      tpu.yield
    }) : () -> ()
    %iota3A = tpu.iota {dimensions = array<i32: 0>} : vector<16xi32>
    %broadcast_in_dim3A = arith.constant 0.000000e+00 : f32
    %broadcast_in_dim3A_1 = vector.broadcast %broadcast_in_dim3A : f32 to vector<16xf32>
    %scan3A = arith.constant 0 : i32
    %scan3A_2 = arith.constant 0 : i32
    %scan3A_3 = arith.constant 32 : i32
    %scan3A_4 = arith.addi %scan3A_2, %scan3A_3 : i32
    %scan3A_5 = arith.constant 1 : i32
    %scan3A_6 = scf.for %scan3A_103 = %scan3A_2 to %scan3A_4 step %scan3A_5 iter_args(%scan3A_104 = %scan3A) -> (i32)  : i32 {
      %mul3A_105 = arith.constant 16 : i32
      %mul3A_106 = arith.muli %scan3A_103, %mul3A_105 : i32
      %get3A_107 = arith.index_cast %mul3A_106 : i32 to index
      %get3A_108 = tpu.vector_load %arg6[%get3A_107] {strides = array<i32>} : memref<512xi32, #tpu.memory_space<vmem>>, vector<16xi32>,
      %shift_right_arithmetic3A = arith.constant 7 : i32
      %shift_right_arithmetic3A_109 = vector.broadcast %shift_right_arithmetic3A : i32 to vector<16xi32>
      %shift_right_arithmetic3A_110 = arith.shrsi %get3A_108, %shift_right_arithmetic3A_109 : vector<16xi32>
      %add3A_111 = vector.broadcast %mul3A_106 : i32 to vector<16xi32>
      %add3A_112 = arith.addi %iota3A, %add3A_111 : vector<16xi32>
      %sub3A = arith.constant 1 : i32
      %sub3A_113 = vector.broadcast %sub3A : i32 to vector<16xi32>
      %sub3A_114 = arith.subi %add3A_112, %sub3A_113 : vector<16xi32>
      %max3A = arith.constant 0 : i32
      %max3A_115 = vector.broadcast %max3A : i32 to vector<16xi32>
      %max3A_116 = arith.maxsi %sub3A_114, %max3A_115 : vector<16xi32>
      %gather3A = tpu.vector_load_idx %arg6[%max3A_116] : memref<512xi32, #tpu.memory_space<vmem>>[vector<16xi32>], vector<16xi32>,
      %shift_right_arithmetic3A_117 = arith.constant 7 : i32
      %shift_right_arithmetic3A_118 = vector.broadcast %shift_right_arithmetic3A_117 : i32 to vector<16xi32>
      %shift_right_arithmetic3A_119 = arith.shrsi %gather3A, %shift_right_arithmetic3A_118 : vector<16xi32>
      %add3A_120 = vector.broadcast %mul3A_106 : i32 to vector<16xi32>
      %add3A_121 = arith.addi %add3A_120, %iota3A : vector<16xi32>
      %eq3A = arith.constant 0 : i32
      %eq3A_122 = vector.broadcast %eq3A : i32 to vector<16xi32>
      %eq3A_123 = arith.cmpi eq, %add3A_121, %eq3A_122 : vector<16xi32>
      %ne3A = arith.cmpi ne, %shift_right_arithmetic3A_110, %shift_right_arithmetic3A_119 : vector<16xi32>
      %convert_element_type3A_124 = arith.extui %ne3A : vector<16xi1> to vector<16xi32>
      %jit3A = arith.constant 1 : i32
      %broadcast_in_dim3A_125 = vector.broadcast %jit3A : i32 to vector<16xi32>
      %select_n3A = arith.select %eq3A_123, %broadcast_in_dim3A_125, %convert_element_type3A_124 : vector<16xi1>, vector<16xi32>
      %broadcast_in_dim3A_126 = arith.constant true
      %broadcast_in_dim3A_127 = vector.broadcast %broadcast_in_dim3A_126 : i1 to vector<16xi1>
      %masked_cumsum3A = tpu.scan <sum>, %select_n3A masked %broadcast_in_dim3A_127 : vector<16xi32>, vector<16xi1> -> vector<16xi32>
      %add3A_128 = vector.broadcast %scan3A_104 : i32 to vector<16xi32>
      %add3A_129 = arith.addi %masked_cumsum3A, %add3A_128 : vector<16xi32>
      %swap3A = arith.index_cast %mul3A_106 : i32 to index
      %swap3A_130 = tpu.vector_load %arg7[%swap3A] {strides = array<i32>} : memref<512xi32, #tpu.memory_space<vmem>>, vector<16xi32>,
      tpu.vector_store %arg7[%swap3A], %select_n3A {strides = array<i32>} : memref<512xi32, #tpu.memory_space<vmem>>, vector<16xi32>,
      %swap3A_131 = arith.index_cast %mul3A_106 : i32 to index
      %swap3A_132 = tpu.vector_load %arg8[%swap3A_131] {strides = array<i32>} : memref<512xi32, #tpu.memory_space<vmem>>, vector<16xi32>,
      tpu.vector_store %arg8[%swap3A_131], %add3A_129 {strides = array<i32>} : memref<512xi32, #tpu.memory_space<vmem>>, vector<16xi32>,
      %sub3A_133 = arith.constant 1 : i32
      %sub3A_134 = vector.broadcast %sub3A_133 : i32 to vector<16xi32>
      %sub3A_135 = arith.subi %add3A_129, %sub3A_134 : vector<16xi32>
      tpu.vector_store_idx %arg9[%sub3A_135], %shift_right_arithmetic3A_110 : memref<528xi32, #tpu.memory_space<vmem>>[vector<16xi32>], vector<16xi32>,
      %slice3A = vector.extract_strided_slice %add3A_129 {offsets = [15], sizes = [1], strides = [1]} : vector<16xi32> to vector<1xi32>
      %squeeze3A = vector.extract %slice3A[0] : i32 from vector<1xi32>
      scf.yield %squeeze3A : i32
    }
    %scan3A_7 = arith.constant 32 : i32
    %get3A = arith.constant 0 : index
    %get3A_8 = tpu.vector_load %arg9[%get3A] {strides = array<i32>} : memref<528xi32, #tpu.memory_space<vmem>>, vector<16xi32>,
    %gt3A = arith.constant 0 : i32
    %gt3A_9 = arith.cmpi sgt, %scan3A_6, %gt3A : i32
    %convert_element_type3A = arith.extui %gt3A_9 : i1 to i32
    %cond3A = arith.constant 0 : i32
    %cond3A_10 = arith.cmpi ne, %convert_element_type3A, %cond3A : i32
    scf.if %cond3A_10 {
      %slice3A = vector.extract_strided_slice %get3A_8 {offsets = [0], sizes = [1], strides = [1]} : vector<16xi32> to vector<1xi32>
      %squeeze3A = vector.extract %slice3A[0] : i32 from vector<1xi32>
      %mul3A_103 = arith.constant 128 : i32
      %mul3A_104 = arith.muli %squeeze3A, %mul3A_103 : i32
      %multiple_of3A = tpu.assume_multiple %mul3A_104, 128 : i32
      %dma_start3A = arith.constant 0 : i32
      %dma_start3A_105 = arith.constant 0 : i32
      %dma_start3A_106 = arith.constant 0 : i32
      %dma_start3A_107 = arith.constant 0 : i32
      %dma_start3A_108 = tpu.memref_slice %arg11[%dma_start3A, %dma_start3A_106, %dma_start3A_107] : memref<12x64x128xf32, #tpu.memory_space<vmem>> -> memref<1x64x128xf32, #tpu.memory_space<vmem>>
      %dma_start3A_109 = tpu.memref_squeeze %dma_start3A_108 : memref<1x64x128xf32, #tpu.memory_space<vmem>> -> memref<64x128xf32, #tpu.memory_space<vmem>>
      %dma_start3A_110 = arith.constant 0 : i32
      %dma_start3A_111 = tpu.memref_slice %arg4[%dma_start3A_110, %multiple_of3A] : memref<64x1000000xf32, #tpu.memory_space<hbm>> -> memref<64x128xf32, #tpu.memory_space<hbm>>
      %dma_start3A_112 = tpu.memref_slice %arg13[%dma_start3A_105] : memref<12x!tpu.dma_semaphore, #tpu.memory_space<semaphore_mem>> -> memref<1x!tpu.dma_semaphore, #tpu.memory_space<semaphore_mem>>
      %dma_start3A_113 = tpu.memref_squeeze %dma_start3A_112 : memref<1x!tpu.dma_semaphore, #tpu.memory_space<semaphore_mem>> -> memref<!tpu.dma_semaphore, #tpu.memory_space<semaphore_mem>>
      %dma_start3A_114 = arith.constant 0 : i32
      %dma_start3A_115 = arith.constant 0 : i32
      %dma_start3A_116 = tpu.memref_slice %arg11[%dma_start3A, %dma_start3A_114, %dma_start3A_115] : memref<12x64x128xf32, #tpu.memory_space<vmem>> -> memref<1x64x128xf32, #tpu.memory_space<vmem>>
      %dma_start3A_117 = tpu.memref_squeeze %dma_start3A_116 : memref<1x64x128xf32, #tpu.memory_space<vmem>> -> memref<64x128xf32, #tpu.memory_space<vmem>>
      %dma_start3A_118 = arith.constant 0 : i32
      %dma_start3A_119 = tpu.memref_slice %arg4[%dma_start3A_118, %multiple_of3A] : memref<64x1000000xf32, #tpu.memory_space<hbm>> -> memref<64x128xf32, #tpu.memory_space<hbm>>
      tpu.enqueue_dma source(%dma_start3A_119 : memref<64x128xf32, #tpu.memory_space<hbm>>) target(%dma_start3A_117 : memref<64x128xf32, #tpu.memory_space<vmem>>) target_semaphore(%dma_start3A_113 : memref<!tpu.dma_semaphore, #tpu.memory_space<semaphore_mem>>)
    } else {
    }
    %gt3A_11 = arith.constant 1 : i32
    %gt3A_12 = arith.cmpi sgt, %scan3A_6, %gt3A_11 : i32
    %convert_element_type3A_13 = arith.extui %gt3A_12 : i1 to i32
    %cond3A_14 = arith.constant 0 : i32
    %cond3A_15 = arith.cmpi ne, %convert_element_type3A_13, %cond3A_14 : i32
    scf.if %cond3A_15 {
      %slice3A = vector.extract_strided_slice %get3A_8 {offsets = [1], sizes = [1], strides = [1]} : vector<16xi32> to vector<1xi32>
      %squeeze3A = vector.extract %slice3A[0] : i32 from vector<1xi32>
      %mul3A_103 = arith.constant 128 : i32
      %mul3A_104 = arith.muli %squeeze3A, %mul3A_103 : i32
      %multiple_of3A = tpu.assume_multiple %mul3A_104, 128 : i32
      %dma_start3A = arith.constant 1 : i32
      %dma_start3A_105 = arith.constant 1 : i32
      %dma_start3A_106 = arith.constant 0 : i32
      %dma_start3A_107 = arith.constant 0 : i32
      %dma_start3A_108 = tpu.memref_slice %arg11[%dma_start3A, %dma_start3A_106, %dma_start3A_107] : memref<12x64x128xf32, #tpu.memory_space<vmem>> -> memref<1x64x128xf32, #tpu.memory_space<vmem>>
      %dma_start3A_109 = tpu.memref_squeeze %dma_start3A_108 : memref<1x64x128xf32, #tpu.memory_space<vmem>> -> memref<64x128xf32, #tpu.memory_space<vmem>>
      %dma_start3A_110 = arith.constant 0 : i32
      %dma_start3A_111 = tpu.memref_slice %arg4[%dma_start3A_110, %multiple_of3A] : memref<64x1000000xf32, #tpu.memory_space<hbm>> -> memref<64x128xf32, #tpu.memory_space<hbm>>
      %dma_start3A_112 = tpu.memref_slice %arg13[%dma_start3A_105] : memref<12x!tpu.dma_semaphore, #tpu.memory_space<semaphore_mem>> -> memref<1x!tpu.dma_semaphore, #tpu.memory_space<semaphore_mem>>
      %dma_start3A_113 = tpu.memref_squeeze %dma_start3A_112 : memref<1x!tpu.dma_semaphore, #tpu.memory_space<semaphore_mem>> -> memref<!tpu.dma_semaphore, #tpu.memory_space<semaphore_mem>>
      %dma_start3A_114 = arith.constant 0 : i32
      %dma_start3A_115 = arith.constant 0 : i32
      %dma_start3A_116 = tpu.memref_slice %arg11[%dma_start3A, %dma_start3A_114, %dma_start3A_115] : memref<12x64x128xf32, #tpu.memory_space<vmem>> -> memref<1x64x128xf32, #tpu.memory_space<vmem>>
      %dma_start3A_117 = tpu.memref_squeeze %dma_start3A_116 : memref<1x64x128xf32, #tpu.memory_space<vmem>> -> memref<64x128xf32, #tpu.memory_space<vmem>>
      %dma_start3A_118 = arith.constant 0 : i32
      %dma_start3A_119 = tpu.memref_slice %arg4[%dma_start3A_118, %multiple_of3A] : memref<64x1000000xf32, #tpu.memory_space<hbm>> -> memref<64x128xf32, #tpu.memory_space<hbm>>
      tpu.enqueue_dma source(%dma_start3A_119 : memref<64x128xf32, #tpu.memory_space<hbm>>) target(%dma_start3A_117 : memref<64x128xf32, #tpu.memory_space<vmem>>) target_semaphore(%dma_start3A_113 : memref<!tpu.dma_semaphore, #tpu.memory_space<semaphore_mem>>)
    } else {
    }
    %gt3A_16 = arith.constant 2 : i32
    %gt3A_17 = arith.cmpi sgt, %scan3A_6, %gt3A_16 : i32
    %convert_element_type3A_18 = arith.extui %gt3A_17 : i1 to i32
    %cond3A_19 = arith.constant 0 : i32
    %cond3A_20 = arith.cmpi ne, %convert_element_type3A_18, %cond3A_19 : i32
    scf.if %cond3A_20 {
      %slice3A = vector.extract_strided_slice %get3A_8 {offsets = [2], sizes = [1], strides = [1]} : vector<16xi32> to vector<1xi32>
      %squeeze3A = vector.extract %slice3A[0] : i32 from vector<1xi32>
      %mul3A_103 = arith.constant 128 : i32
      %mul3A_104 = arith.muli %squeeze3A, %mul3A_103 : i32
      %multiple_of3A = tpu.assume_multiple %mul3A_104, 128 : i32
      %dma_start3A = arith.constant 2 : i32
      %dma_start3A_105 = arith.constant 2 : i32
      %dma_start3A_106 = arith.constant 0 : i32
      %dma_start3A_107 = arith.constant 0 : i32
      %dma_start3A_108 = tpu.memref_slice %arg11[%dma_start3A, %dma_start3A_106, %dma_start3A_107] : memref<12x64x128xf32, #tpu.memory_space<vmem>> -> memref<1x64x128xf32, #tpu.memory_space<vmem>>
      %dma_start3A_109 = tpu.memref_squeeze %dma_start3A_108 : memref<1x64x128xf32, #tpu.memory_space<vmem>> -> memref<64x128xf32, #tpu.memory_space<vmem>>
      %dma_start3A_110 = arith.constant 0 : i32
      %dma_start3A_111 = tpu.memref_slice %arg4[%dma_start3A_110, %multiple_of3A] : memref<64x1000000xf32, #tpu.memory_space<hbm>> -> memref<64x128xf32, #tpu.memory_space<hbm>>
      %dma_start3A_112 = tpu.memref_slice %arg13[%dma_start3A_105] : memref<12x!tpu.dma_semaphore, #tpu.memory_space<semaphore_mem>> -> memref<1x!tpu.dma_semaphore, #tpu.memory_space<semaphore_mem>>
      %dma_start3A_113 = tpu.memref_squeeze %dma_start3A_112 : memref<1x!tpu.dma_semaphore, #tpu.memory_space<semaphore_mem>> -> memref<!tpu.dma_semaphore, #tpu.memory_space<semaphore_mem>>
      %dma_start3A_114 = arith.constant 0 : i32
      %dma_start3A_115 = arith.constant 0 : i32
      %dma_start3A_116 = tpu.memref_slice %arg11[%dma_start3A, %dma_start3A_114, %dma_start3A_115] : memref<12x64x128xf32, #tpu.memory_space<vmem>> -> memref<1x64x128xf32, #tpu.memory_space<vmem>>
      %dma_start3A_117 = tpu.memref_squeeze %dma_start3A_116 : memref<1x64x128xf32, #tpu.memory_space<vmem>> -> memref<64x128xf32, #tpu.memory_space<vmem>>
      %dma_start3A_118 = arith.constant 0 : i32
      %dma_start3A_119 = tpu.memref_slice %arg4[%dma_start3A_118, %multiple_of3A] : memref<64x1000000xf32, #tpu.memory_space<hbm>> -> memref<64x128xf32, #tpu.memory_space<hbm>>
      tpu.enqueue_dma source(%dma_start3A_119 : memref<64x128xf32, #tpu.memory_space<hbm>>) target(%dma_start3A_117 : memref<64x128xf32, #tpu.memory_space<vmem>>) target_semaphore(%dma_start3A_113 : memref<!tpu.dma_semaphore, #tpu.memory_space<semaphore_mem>>)
    } else {
    }
    %gt3A_21 = arith.constant 3 : i32
    %gt3A_22 = arith.cmpi sgt, %scan3A_6, %gt3A_21 : i32
    %convert_element_type3A_23 = arith.extui %gt3A_22 : i1 to i32
    %cond3A_24 = arith.constant 0 : i32
    %cond3A_25 = arith.cmpi ne, %convert_element_type3A_23, %cond3A_24 : i32
    scf.if %cond3A_25 {
      %slice3A = vector.extract_strided_slice %get3A_8 {offsets = [3], sizes = [1], strides = [1]} : vector<16xi32> to vector<1xi32>
      %squeeze3A = vector.extract %slice3A[0] : i32 from vector<1xi32>
      %mul3A_103 = arith.constant 128 : i32
      %mul3A_104 = arith.muli %squeeze3A, %mul3A_103 : i32
      %multiple_of3A = tpu.assume_multiple %mul3A_104, 128 : i32
      %dma_start3A = arith.constant 3 : i32
      %dma_start3A_105 = arith.constant 3 : i32
      %dma_start3A_106 = arith.constant 0 : i32
      %dma_start3A_107 = arith.constant 0 : i32
      %dma_start3A_108 = tpu.memref_slice %arg11[%dma_start3A, %dma_start3A_106, %dma_start3A_107] : memref<12x64x128xf32, #tpu.memory_space<vmem>> -> memref<1x64x128xf32, #tpu.memory_space<vmem>>
      %dma_start3A_109 = tpu.memref_squeeze %dma_start3A_108 : memref<1x64x128xf32, #tpu.memory_space<vmem>> -> memref<64x128xf32, #tpu.memory_space<vmem>>
      %dma_start3A_110 = arith.constant 0 : i32
      %dma_start3A_111 = tpu.memref_slice %arg4[%dma_start3A_110, %multiple_of3A] : memref<64x1000000xf32, #tpu.memory_space<hbm>> -> memref<64x128xf32, #tpu.memory_space<hbm>>
      %dma_start3A_112 = tpu.memref_slice %arg13[%dma_start3A_105] : memref<12x!tpu.dma_semaphore, #tpu.memory_space<semaphore_mem>> -> memref<1x!tpu.dma_semaphore, #tpu.memory_space<semaphore_mem>>
      %dma_start3A_113 = tpu.memref_squeeze %dma_start3A_112 : memref<1x!tpu.dma_semaphore, #tpu.memory_space<semaphore_mem>> -> memref<!tpu.dma_semaphore, #tpu.memory_space<semaphore_mem>>
      %dma_start3A_114 = arith.constant 0 : i32
      %dma_start3A_115 = arith.constant 0 : i32
      %dma_start3A_116 = tpu.memref_slice %arg11[%dma_start3A, %dma_start3A_114, %dma_start3A_115] : memref<12x64x128xf32, #tpu.memory_space<vmem>> -> memref<1x64x128xf32, #tpu.memory_space<vmem>>
      %dma_start3A_117 = tpu.memref_squeeze %dma_start3A_116 : memref<1x64x128xf32, #tpu.memory_space<vmem>> -> memref<64x128xf32, #tpu.memory_space<vmem>>
      %dma_start3A_118 = arith.constant 0 : i32
      %dma_start3A_119 = tpu.memref_slice %arg4[%dma_start3A_118, %multiple_of3A] : memref<64x1000000xf32, #tpu.memory_space<hbm>> -> memref<64x128xf32, #tpu.memory_space<hbm>>
      tpu.enqueue_dma source(%dma_start3A_119 : memref<64x128xf32, #tpu.memory_space<hbm>>) target(%dma_start3A_117 : memref<64x128xf32, #tpu.memory_space<vmem>>) target_semaphore(%dma_start3A_113 : memref<!tpu.dma_semaphore, #tpu.memory_space<semaphore_mem>>)
    } else {
    }
    %gt3A_26 = arith.constant 4 : i32
    %gt3A_27 = arith.cmpi sgt, %scan3A_6, %gt3A_26 : i32
    %convert_element_type3A_28 = arith.extui %gt3A_27 : i1 to i32
    %cond3A_29 = arith.constant 0 : i32
    %cond3A_30 = arith.cmpi ne, %convert_element_type3A_28, %cond3A_29 : i32
    scf.if %cond3A_30 {
      %slice3A = vector.extract_strided_slice %get3A_8 {offsets = [4], sizes = [1], strides = [1]} : vector<16xi32> to vector<1xi32>
      %squeeze3A = vector.extract %slice3A[0] : i32 from vector<1xi32>
      %mul3A_103 = arith.constant 128 : i32
      %mul3A_104 = arith.muli %squeeze3A, %mul3A_103 : i32
      %multiple_of3A = tpu.assume_multiple %mul3A_104, 128 : i32
      %dma_start3A = arith.constant 4 : i32
      %dma_start3A_105 = arith.constant 4 : i32
      %dma_start3A_106 = arith.constant 0 : i32
      %dma_start3A_107 = arith.constant 0 : i32
      %dma_start3A_108 = tpu.memref_slice %arg11[%dma_start3A, %dma_start3A_106, %dma_start3A_107] : memref<12x64x128xf32, #tpu.memory_space<vmem>> -> memref<1x64x128xf32, #tpu.memory_space<vmem>>
      %dma_start3A_109 = tpu.memref_squeeze %dma_start3A_108 : memref<1x64x128xf32, #tpu.memory_space<vmem>> -> memref<64x128xf32, #tpu.memory_space<vmem>>
      %dma_start3A_110 = arith.constant 0 : i32
      %dma_start3A_111 = tpu.memref_slice %arg4[%dma_start3A_110, %multiple_of3A] : memref<64x1000000xf32, #tpu.memory_space<hbm>> -> memref<64x128xf32, #tpu.memory_space<hbm>>
      %dma_start3A_112 = tpu.memref_slice %arg13[%dma_start3A_105] : memref<12x!tpu.dma_semaphore, #tpu.memory_space<semaphore_mem>> -> memref<1x!tpu.dma_semaphore, #tpu.memory_space<semaphore_mem>>
      %dma_start3A_113 = tpu.memref_squeeze %dma_start3A_112 : memref<1x!tpu.dma_semaphore, #tpu.memory_space<semaphore_mem>> -> memref<!tpu.dma_semaphore, #tpu.memory_space<semaphore_mem>>
      %dma_start3A_114 = arith.constant 0 : i32
      %dma_start3A_115 = arith.constant 0 : i32
      %dma_start3A_116 = tpu.memref_slice %arg11[%dma_start3A, %dma_start3A_114, %dma_start3A_115] : memref<12x64x128xf32, #tpu.memory_space<vmem>> -> memref<1x64x128xf32, #tpu.memory_space<vmem>>
      %dma_start3A_117 = tpu.memref_squeeze %dma_start3A_116 : memref<1x64x128xf32, #tpu.memory_space<vmem>> -> memref<64x128xf32, #tpu.memory_space<vmem>>
      %dma_start3A_118 = arith.constant 0 : i32
      %dma_start3A_119 = tpu.memref_slice %arg4[%dma_start3A_118, %multiple_of3A] : memref<64x1000000xf32, #tpu.memory_space<hbm>> -> memref<64x128xf32, #tpu.memory_space<hbm>>
      tpu.enqueue_dma source(%dma_start3A_119 : memref<64x128xf32, #tpu.memory_space<hbm>>) target(%dma_start3A_117 : memref<64x128xf32, #tpu.memory_space<vmem>>) target_semaphore(%dma_start3A_113 : memref<!tpu.dma_semaphore, #tpu.memory_space<semaphore_mem>>)
    } else {
    }
    %gt3A_31 = arith.constant 5 : i32
    %gt3A_32 = arith.cmpi sgt, %scan3A_6, %gt3A_31 : i32
    %convert_element_type3A_33 = arith.extui %gt3A_32 : i1 to i32
    %cond3A_34 = arith.constant 0 : i32
    %cond3A_35 = arith.cmpi ne, %convert_element_type3A_33, %cond3A_34 : i32
    scf.if %cond3A_35 {
      %slice3A = vector.extract_strided_slice %get3A_8 {offsets = [5], sizes = [1], strides = [1]} : vector<16xi32> to vector<1xi32>
      %squeeze3A = vector.extract %slice3A[0] : i32 from vector<1xi32>
      %mul3A_103 = arith.constant 128 : i32
      %mul3A_104 = arith.muli %squeeze3A, %mul3A_103 : i32
      %multiple_of3A = tpu.assume_multiple %mul3A_104, 128 : i32
      %dma_start3A = arith.constant 5 : i32
      %dma_start3A_105 = arith.constant 5 : i32
      %dma_start3A_106 = arith.constant 0 : i32
      %dma_start3A_107 = arith.constant 0 : i32
      %dma_start3A_108 = tpu.memref_slice %arg11[%dma_start3A, %dma_start3A_106, %dma_start3A_107] : memref<12x64x128xf32, #tpu.memory_space<vmem>> -> memref<1x64x128xf32, #tpu.memory_space<vmem>>
      %dma_start3A_109 = tpu.memref_squeeze %dma_start3A_108 : memref<1x64x128xf32, #tpu.memory_space<vmem>> -> memref<64x128xf32, #tpu.memory_space<vmem>>
      %dma_start3A_110 = arith.constant 0 : i32
      %dma_start3A_111 = tpu.memref_slice %arg4[%dma_start3A_110, %multiple_of3A] : memref<64x1000000xf32, #tpu.memory_space<hbm>> -> memref<64x128xf32, #tpu.memory_space<hbm>>
      %dma_start3A_112 = tpu.memref_slice %arg13[%dma_start3A_105] : memref<12x!tpu.dma_semaphore, #tpu.memory_space<semaphore_mem>> -> memref<1x!tpu.dma_semaphore, #tpu.memory_space<semaphore_mem>>
      %dma_start3A_113 = tpu.memref_squeeze %dma_start3A_112 : memref<1x!tpu.dma_semaphore, #tpu.memory_space<semaphore_mem>> -> memref<!tpu.dma_semaphore, #tpu.memory_space<semaphore_mem>>
      %dma_start3A_114 = arith.constant 0 : i32
      %dma_start3A_115 = arith.constant 0 : i32
      %dma_start3A_116 = tpu.memref_slice %arg11[%dma_start3A, %dma_start3A_114, %dma_start3A_115] : memref<12x64x128xf32, #tpu.memory_space<vmem>> -> memref<1x64x128xf32, #tpu.memory_space<vmem>>
      %dma_start3A_117 = tpu.memref_squeeze %dma_start3A_116 : memref<1x64x128xf32, #tpu.memory_space<vmem>> -> memref<64x128xf32, #tpu.memory_space<vmem>>
      %dma_start3A_118 = arith.constant 0 : i32
      %dma_start3A_119 = tpu.memref_slice %arg4[%dma_start3A_118, %multiple_of3A] : memref<64x1000000xf32, #tpu.memory_space<hbm>> -> memref<64x128xf32, #tpu.memory_space<hbm>>
      tpu.enqueue_dma source(%dma_start3A_119 : memref<64x128xf32, #tpu.memory_space<hbm>>) target(%dma_start3A_117 : memref<64x128xf32, #tpu.memory_space<vmem>>) target_semaphore(%dma_start3A_113 : memref<!tpu.dma_semaphore, #tpu.memory_space<semaphore_mem>>)
    } else {
    }
    %gt3A_36 = arith.constant 6 : i32
    %gt3A_37 = arith.cmpi sgt, %scan3A_6, %gt3A_36 : i32
    %convert_element_type3A_38 = arith.extui %gt3A_37 : i1 to i32
    %cond3A_39 = arith.constant 0 : i32
    %cond3A_40 = arith.cmpi ne, %convert_element_type3A_38, %cond3A_39 : i32
    scf.if %cond3A_40 {
      %slice3A = vector.extract_strided_slice %get3A_8 {offsets = [6], sizes = [1], strides = [1]} : vector<16xi32> to vector<1xi32>
      %squeeze3A = vector.extract %slice3A[0] : i32 from vector<1xi32>
      %mul3A_103 = arith.constant 128 : i32
      %mul3A_104 = arith.muli %squeeze3A, %mul3A_103 : i32
      %multiple_of3A = tpu.assume_multiple %mul3A_104, 128 : i32
      %dma_start3A = arith.constant 6 : i32
      %dma_start3A_105 = arith.constant 6 : i32
      %dma_start3A_106 = arith.constant 0 : i32
      %dma_start3A_107 = arith.constant 0 : i32
      %dma_start3A_108 = tpu.memref_slice %arg11[%dma_start3A, %dma_start3A_106, %dma_start3A_107] : memref<12x64x128xf32, #tpu.memory_space<vmem>> -> memref<1x64x128xf32, #tpu.memory_space<vmem>>
      %dma_start3A_109 = tpu.memref_squeeze %dma_start3A_108 : memref<1x64x128xf32, #tpu.memory_space<vmem>> -> memref<64x128xf32, #tpu.memory_space<vmem>>
      %dma_start3A_110 = arith.constant 0 : i32
      %dma_start3A_111 = tpu.memref_slice %arg4[%dma_start3A_110, %multiple_of3A] : memref<64x1000000xf32, #tpu.memory_space<hbm>> -> memref<64x128xf32, #tpu.memory_space<hbm>>
      %dma_start3A_112 = tpu.memref_slice %arg13[%dma_start3A_105] : memref<12x!tpu.dma_semaphore, #tpu.memory_space<semaphore_mem>> -> memref<1x!tpu.dma_semaphore, #tpu.memory_space<semaphore_mem>>
      %dma_start3A_113 = tpu.memref_squeeze %dma_start3A_112 : memref<1x!tpu.dma_semaphore, #tpu.memory_space<semaphore_mem>> -> memref<!tpu.dma_semaphore, #tpu.memory_space<semaphore_mem>>
      %dma_start3A_114 = arith.constant 0 : i32
      %dma_start3A_115 = arith.constant 0 : i32
      %dma_start3A_116 = tpu.memref_slice %arg11[%dma_start3A, %dma_start3A_114, %dma_start3A_115] : memref<12x64x128xf32, #tpu.memory_space<vmem>> -> memref<1x64x128xf32, #tpu.memory_space<vmem>>
      %dma_start3A_117 = tpu.memref_squeeze %dma_start3A_116 : memref<1x64x128xf32, #tpu.memory_space<vmem>> -> memref<64x128xf32, #tpu.memory_space<vmem>>
      %dma_start3A_118 = arith.constant 0 : i32
      %dma_start3A_119 = tpu.memref_slice %arg4[%dma_start3A_118, %multiple_of3A] : memref<64x1000000xf32, #tpu.memory_space<hbm>> -> memref<64x128xf32, #tpu.memory_space<hbm>>
      tpu.enqueue_dma source(%dma_start3A_119 : memref<64x128xf32, #tpu.memory_space<hbm>>) target(%dma_start3A_117 : memref<64x128xf32, #tpu.memory_space<vmem>>) target_semaphore(%dma_start3A_113 : memref<!tpu.dma_semaphore, #tpu.memory_space<semaphore_mem>>)
    } else {
    }
    %gt3A_41 = arith.constant 7 : i32
    %gt3A_42 = arith.cmpi sgt, %scan3A_6, %gt3A_41 : i32
    %convert_element_type3A_43 = arith.extui %gt3A_42 : i1 to i32
    %cond3A_44 = arith.constant 0 : i32
    %cond3A_45 = arith.cmpi ne, %convert_element_type3A_43, %cond3A_44 : i32
    scf.if %cond3A_45 {
      %slice3A = vector.extract_strided_slice %get3A_8 {offsets = [7], sizes = [1], strides = [1]} : vector<16xi32> to vector<1xi32>
      %squeeze3A = vector.extract %slice3A[0] : i32 from vector<1xi32>
      %mul3A_103 = arith.constant 128 : i32
      %mul3A_104 = arith.muli %squeeze3A, %mul3A_103 : i32
      %multiple_of3A = tpu.assume_multiple %mul3A_104, 128 : i32
      %dma_start3A = arith.constant 7 : i32
      %dma_start3A_105 = arith.constant 7 : i32
      %dma_start3A_106 = arith.constant 0 : i32
      %dma_start3A_107 = arith.constant 0 : i32
      %dma_start3A_108 = tpu.memref_slice %arg11[%dma_start3A, %dma_start3A_106, %dma_start3A_107] : memref<12x64x128xf32, #tpu.memory_space<vmem>> -> memref<1x64x128xf32, #tpu.memory_space<vmem>>
      %dma_start3A_109 = tpu.memref_squeeze %dma_start3A_108 : memref<1x64x128xf32, #tpu.memory_space<vmem>> -> memref<64x128xf32, #tpu.memory_space<vmem>>
      %dma_start3A_110 = arith.constant 0 : i32
      %dma_start3A_111 = tpu.memref_slice %arg4[%dma_start3A_110, %multiple_of3A] : memref<64x1000000xf32, #tpu.memory_space<hbm>> -> memref<64x128xf32, #tpu.memory_space<hbm>>
      %dma_start3A_112 = tpu.memref_slice %arg13[%dma_start3A_105] : memref<12x!tpu.dma_semaphore, #tpu.memory_space<semaphore_mem>> -> memref<1x!tpu.dma_semaphore, #tpu.memory_space<semaphore_mem>>
      %dma_start3A_113 = tpu.memref_squeeze %dma_start3A_112 : memref<1x!tpu.dma_semaphore, #tpu.memory_space<semaphore_mem>> -> memref<!tpu.dma_semaphore, #tpu.memory_space<semaphore_mem>>
      %dma_start3A_114 = arith.constant 0 : i32
      %dma_start3A_115 = arith.constant 0 : i32
      %dma_start3A_116 = tpu.memref_slice %arg11[%dma_start3A, %dma_start3A_114, %dma_start3A_115] : memref<12x64x128xf32, #tpu.memory_space<vmem>> -> memref<1x64x128xf32, #tpu.memory_space<vmem>>
      %dma_start3A_117 = tpu.memref_squeeze %dma_start3A_116 : memref<1x64x128xf32, #tpu.memory_space<vmem>> -> memref<64x128xf32, #tpu.memory_space<vmem>>
      %dma_start3A_118 = arith.constant 0 : i32
      %dma_start3A_119 = tpu.memref_slice %arg4[%dma_start3A_118, %multiple_of3A] : memref<64x1000000xf32, #tpu.memory_space<hbm>> -> memref<64x128xf32, #tpu.memory_space<hbm>>
      tpu.enqueue_dma source(%dma_start3A_119 : memref<64x128xf32, #tpu.memory_space<hbm>>) target(%dma_start3A_117 : memref<64x128xf32, #tpu.memory_space<vmem>>) target_semaphore(%dma_start3A_113 : memref<!tpu.dma_semaphore, #tpu.memory_space<semaphore_mem>>)
    } else {
    }
    %gt3A_46 = arith.constant 8 : i32
    %gt3A_47 = arith.cmpi sgt, %scan3A_6, %gt3A_46 : i32
    %convert_element_type3A_48 = arith.extui %gt3A_47 : i1 to i32
    %cond3A_49 = arith.constant 0 : i32
    %cond3A_50 = arith.cmpi ne, %convert_element_type3A_48, %cond3A_49 : i32
    scf.if %cond3A_50 {
      %slice3A = vector.extract_strided_slice %get3A_8 {offsets = [8], sizes = [1], strides = [1]} : vector<16xi32> to vector<1xi32>
      %squeeze3A = vector.extract %slice3A[0] : i32 from vector<1xi32>
      %mul3A_103 = arith.constant 128 : i32
      %mul3A_104 = arith.muli %squeeze3A, %mul3A_103 : i32
      %multiple_of3A = tpu.assume_multiple %mul3A_104, 128 : i32
      %dma_start3A = arith.constant 8 : i32
      %dma_start3A_105 = arith.constant 8 : i32
      %dma_start3A_106 = arith.constant 0 : i32
      %dma_start3A_107 = arith.constant 0 : i32
      %dma_start3A_108 = tpu.memref_slice %arg11[%dma_start3A, %dma_start3A_106, %dma_start3A_107] : memref<12x64x128xf32, #tpu.memory_space<vmem>> -> memref<1x64x128xf32, #tpu.memory_space<vmem>>
      %dma_start3A_109 = tpu.memref_squeeze %dma_start3A_108 : memref<1x64x128xf32, #tpu.memory_space<vmem>> -> memref<64x128xf32, #tpu.memory_space<vmem>>
      %dma_start3A_110 = arith.constant 0 : i32
      %dma_start3A_111 = tpu.memref_slice %arg4[%dma_start3A_110, %multiple_of3A] : memref<64x1000000xf32, #tpu.memory_space<hbm>> -> memref<64x128xf32, #tpu.memory_space<hbm>>
      %dma_start3A_112 = tpu.memref_slice %arg13[%dma_start3A_105] : memref<12x!tpu.dma_semaphore, #tpu.memory_space<semaphore_mem>> -> memref<1x!tpu.dma_semaphore, #tpu.memory_space<semaphore_mem>>
      %dma_start3A_113 = tpu.memref_squeeze %dma_start3A_112 : memref<1x!tpu.dma_semaphore, #tpu.memory_space<semaphore_mem>> -> memref<!tpu.dma_semaphore, #tpu.memory_space<semaphore_mem>>
      %dma_start3A_114 = arith.constant 0 : i32
      %dma_start3A_115 = arith.constant 0 : i32
      %dma_start3A_116 = tpu.memref_slice %arg11[%dma_start3A, %dma_start3A_114, %dma_start3A_115] : memref<12x64x128xf32, #tpu.memory_space<vmem>> -> memref<1x64x128xf32, #tpu.memory_space<vmem>>
      %dma_start3A_117 = tpu.memref_squeeze %dma_start3A_116 : memref<1x64x128xf32, #tpu.memory_space<vmem>> -> memref<64x128xf32, #tpu.memory_space<vmem>>
      %dma_start3A_118 = arith.constant 0 : i32
      %dma_start3A_119 = tpu.memref_slice %arg4[%dma_start3A_118, %multiple_of3A] : memref<64x1000000xf32, #tpu.memory_space<hbm>> -> memref<64x128xf32, #tpu.memory_space<hbm>>
      tpu.enqueue_dma source(%dma_start3A_119 : memref<64x128xf32, #tpu.memory_space<hbm>>) target(%dma_start3A_117 : memref<64x128xf32, #tpu.memory_space<vmem>>) target_semaphore(%dma_start3A_113 : memref<!tpu.dma_semaphore, #tpu.memory_space<semaphore_mem>>)
    } else {
    }
    %gt3A_51 = arith.constant 9 : i32
    %gt3A_52 = arith.cmpi sgt, %scan3A_6, %gt3A_51 : i32
    %convert_element_type3A_53 = arith.extui %gt3A_52 : i1 to i32
    %cond3A_54 = arith.constant 0 : i32
    %cond3A_55 = arith.cmpi ne, %convert_element_type3A_53, %cond3A_54 : i32
    scf.if %cond3A_55 {
      %slice3A = vector.extract_strided_slice %get3A_8 {offsets = [9], sizes = [1], strides = [1]} : vector<16xi32> to vector<1xi32>
      %squeeze3A = vector.extract %slice3A[0] : i32 from vector<1xi32>
      %mul3A_103 = arith.constant 128 : i32
      %mul3A_104 = arith.muli %squeeze3A, %mul3A_103 : i32
      %multiple_of3A = tpu.assume_multiple %mul3A_104, 128 : i32
      %dma_start3A = arith.constant 9 : i32
      %dma_start3A_105 = arith.constant 9 : i32
      %dma_start3A_106 = arith.constant 0 : i32
      %dma_start3A_107 = arith.constant 0 : i32
      %dma_start3A_108 = tpu.memref_slice %arg11[%dma_start3A, %dma_start3A_106, %dma_start3A_107] : memref<12x64x128xf32, #tpu.memory_space<vmem>> -> memref<1x64x128xf32, #tpu.memory_space<vmem>>
      %dma_start3A_109 = tpu.memref_squeeze %dma_start3A_108 : memref<1x64x128xf32, #tpu.memory_space<vmem>> -> memref<64x128xf32, #tpu.memory_space<vmem>>
      %dma_start3A_110 = arith.constant 0 : i32
      %dma_start3A_111 = tpu.memref_slice %arg4[%dma_start3A_110, %multiple_of3A] : memref<64x1000000xf32, #tpu.memory_space<hbm>> -> memref<64x128xf32, #tpu.memory_space<hbm>>
      %dma_start3A_112 = tpu.memref_slice %arg13[%dma_start3A_105] : memref<12x!tpu.dma_semaphore, #tpu.memory_space<semaphore_mem>> -> memref<1x!tpu.dma_semaphore, #tpu.memory_space<semaphore_mem>>
      %dma_start3A_113 = tpu.memref_squeeze %dma_start3A_112 : memref<1x!tpu.dma_semaphore, #tpu.memory_space<semaphore_mem>> -> memref<!tpu.dma_semaphore, #tpu.memory_space<semaphore_mem>>
      %dma_start3A_114 = arith.constant 0 : i32
      %dma_start3A_115 = arith.constant 0 : i32
      %dma_start3A_116 = tpu.memref_slice %arg11[%dma_start3A, %dma_start3A_114, %dma_start3A_115] : memref<12x64x128xf32, #tpu.memory_space<vmem>> -> memref<1x64x128xf32, #tpu.memory_space<vmem>>
      %dma_start3A_117 = tpu.memref_squeeze %dma_start3A_116 : memref<1x64x128xf32, #tpu.memory_space<vmem>> -> memref<64x128xf32, #tpu.memory_space<vmem>>
      %dma_start3A_118 = arith.constant 0 : i32
      %dma_start3A_119 = tpu.memref_slice %arg4[%dma_start3A_118, %multiple_of3A] : memref<64x1000000xf32, #tpu.memory_space<hbm>> -> memref<64x128xf32, #tpu.memory_space<hbm>>
      tpu.enqueue_dma source(%dma_start3A_119 : memref<64x128xf32, #tpu.memory_space<hbm>>) target(%dma_start3A_117 : memref<64x128xf32, #tpu.memory_space<vmem>>) target_semaphore(%dma_start3A_113 : memref<!tpu.dma_semaphore, #tpu.memory_space<semaphore_mem>>)
    } else {
    }
    %gt3A_56 = arith.constant 10 : i32
    %gt3A_57 = arith.cmpi sgt, %scan3A_6, %gt3A_56 : i32
    %convert_element_type3A_58 = arith.extui %gt3A_57 : i1 to i32
    %cond3A_59 = arith.constant 0 : i32
    %cond3A_60 = arith.cmpi ne, %convert_element_type3A_58, %cond3A_59 : i32
    scf.if %cond3A_60 {
      %slice3A = vector.extract_strided_slice %get3A_8 {offsets = [10], sizes = [1], strides = [1]} : vector<16xi32> to vector<1xi32>
      %squeeze3A = vector.extract %slice3A[0] : i32 from vector<1xi32>
      %mul3A_103 = arith.constant 128 : i32
      %mul3A_104 = arith.muli %squeeze3A, %mul3A_103 : i32
      %multiple_of3A = tpu.assume_multiple %mul3A_104, 128 : i32
      %dma_start3A = arith.constant 10 : i32
      %dma_start3A_105 = arith.constant 10 : i32
      %dma_start3A_106 = arith.constant 0 : i32
      %dma_start3A_107 = arith.constant 0 : i32
      %dma_start3A_108 = tpu.memref_slice %arg11[%dma_start3A, %dma_start3A_106, %dma_start3A_107] : memref<12x64x128xf32, #tpu.memory_space<vmem>> -> memref<1x64x128xf32, #tpu.memory_space<vmem>>
      %dma_start3A_109 = tpu.memref_squeeze %dma_start3A_108 : memref<1x64x128xf32, #tpu.memory_space<vmem>> -> memref<64x128xf32, #tpu.memory_space<vmem>>
      %dma_start3A_110 = arith.constant 0 : i32
      %dma_start3A_111 = tpu.memref_slice %arg4[%dma_start3A_110, %multiple_of3A] : memref<64x1000000xf32, #tpu.memory_space<hbm>> -> memref<64x128xf32, #tpu.memory_space<hbm>>
      %dma_start3A_112 = tpu.memref_slice %arg13[%dma_start3A_105] : memref<12x!tpu.dma_semaphore, #tpu.memory_space<semaphore_mem>> -> memref<1x!tpu.dma_semaphore, #tpu.memory_space<semaphore_mem>>
      %dma_start3A_113 = tpu.memref_squeeze %dma_start3A_112 : memref<1x!tpu.dma_semaphore, #tpu.memory_space<semaphore_mem>> -> memref<!tpu.dma_semaphore, #tpu.memory_space<semaphore_mem>>
      %dma_start3A_114 = arith.constant 0 : i32
      %dma_start3A_115 = arith.constant 0 : i32
      %dma_start3A_116 = tpu.memref_slice %arg11[%dma_start3A, %dma_start3A_114, %dma_start3A_115] : memref<12x64x128xf32, #tpu.memory_space<vmem>> -> memref<1x64x128xf32, #tpu.memory_space<vmem>>
      %dma_start3A_117 = tpu.memref_squeeze %dma_start3A_116 : memref<1x64x128xf32, #tpu.memory_space<vmem>> -> memref<64x128xf32, #tpu.memory_space<vmem>>
      %dma_start3A_118 = arith.constant 0 : i32
      %dma_start3A_119 = tpu.memref_slice %arg4[%dma_start3A_118, %multiple_of3A] : memref<64x1000000xf32, #tpu.memory_space<hbm>> -> memref<64x128xf32, #tpu.memory_space<hbm>>
      tpu.enqueue_dma source(%dma_start3A_119 : memref<64x128xf32, #tpu.memory_space<hbm>>) target(%dma_start3A_117 : memref<64x128xf32, #tpu.memory_space<vmem>>) target_semaphore(%dma_start3A_113 : memref<!tpu.dma_semaphore, #tpu.memory_space<semaphore_mem>>)
    } else {
    }
    %scan3A_61 = arith.constant 0 : i32
    %scan3A_62 = arith.constant 0 : i32
    %scan3A_63 = arith.constant 128 : i32
    %scan3A_64 = arith.addi %scan3A_62, %scan3A_63 : i32
    %scan3A_65 = arith.constant 1 : i32
    scf.for %scan3A_103 = %scan3A_62 to %scan3A_64 step %scan3A_65  : i32 {
      %jit3A = arith.constant 64 : i32
      %div3A = arith.divsi %scan3A_103, %jit3A : i32
      %sign3A = arith.constant 0 : i32
      %sign3A_104 = arith.cmpi sgt, %scan3A_103, %sign3A : i32
      %sign3A_105 = arith.extui %sign3A_104 : i1 to i32
      %sign3A_106 = arith.constant 0 : i32
      %sign3A_107 = arith.cmpi slt, %scan3A_103, %sign3A_106 : i32
      %sign3A_108 = arith.extui %sign3A_107 : i1 to i32
      %sign3A_109 = arith.subi %sign3A_105, %sign3A_108 : i32
      %sign3A_110 = arith.constant 0 : i32
      %sign3A_111 = arith.cmpi sgt, %jit3A, %sign3A_110 : i32
      %sign3A_112 = arith.extui %sign3A_111 : i1 to i32
      %sign3A_113 = arith.constant 0 : i32
      %sign3A_114 = arith.cmpi slt, %jit3A, %sign3A_113 : i32
      %sign3A_115 = arith.extui %sign3A_114 : i1 to i32
      %sign3A_116 = arith.subi %sign3A_112, %sign3A_115 : i32
      %ne3A = arith.cmpi ne, %sign3A_109, %sign3A_116 : i32
      %rem3A = arith.remsi %scan3A_103, %jit3A : i32
      %ne3A_117 = arith.constant 0 : i32
      %ne3A_118 = arith.cmpi ne, %rem3A, %ne3A_117 : i32
      %and3A = arith.andi %ne3A, %ne3A_118 : i1
      %sub3A = arith.constant 1 : i32
      %sub3A_119 = arith.subi %div3A, %sub3A : i32
      %select_n3A = arith.select %and3A, %sub3A_119, %div3A : i32
      %jit3A_120 = arith.constant 64 : i32
      %eq3A = arith.constant 0 : i32
      %eq3A_121 = arith.cmpi eq, %jit3A_120, %eq3A : i32
      %jit3A_122 = arith.constant 1 : i32
      %select_n3A_123 = arith.select %eq3A_121, %jit3A_122, %jit3A_120 : i32
      %rem3A_124 = arith.remsi %scan3A_103, %select_n3A_123 : i32
      %ne3A_125 = arith.constant 0 : i32
      %ne3A_126 = arith.cmpi ne, %rem3A_124, %ne3A_125 : i32
      %lt3A = arith.constant 0 : i32
      %lt3A_127 = arith.cmpi slt, %rem3A_124, %lt3A : i32
      %lt3A_128 = arith.constant 0 : i32
      %lt3A_129 = arith.cmpi slt, %select_n3A_123, %lt3A_128 : i32
      %ne3A_130 = arith.xori %lt3A_127, %lt3A_129 : i1
      %and3A_131 = arith.andi %ne3A_130, %ne3A_126 : i1
      %add3A_132 = arith.addi %rem3A_124, %select_n3A_123 : i32
      %select_n3A_133 = arith.select %and3A_131, %add3A_132, %rem3A_124 : i32
      %swap3A = arith.index_cast %select_n3A : i32 to index
      %swap3A_134 = arith.index_cast %select_n3A_133 : i32 to index
      %swap3A_135 = arith.constant 64 : index
      %swap3A_136 = tpu.vector_load %arg12[%swap3A, %swap3A_134, %swap3A_135] {strides = array<i32>} : memref<2x64x128xf32, #tpu.memory_space<vmem>>, vector<16xf32>,
      tpu.vector_store %arg12[%swap3A, %swap3A_134, %swap3A_135], %broadcast_in_dim3A_1 {strides = array<i32>} : memref<2x64x128xf32, #tpu.memory_space<vmem>>, vector<16xf32>,
      %jit3A_137 = arith.constant 64 : i32
      %div3A_138 = arith.divsi %scan3A_103, %jit3A_137 : i32
      %sign3A_139 = arith.constant 0 : i32
      %sign3A_140 = arith.cmpi sgt, %scan3A_103, %sign3A_139 : i32
      %sign3A_141 = arith.extui %sign3A_140 : i1 to i32
      %sign3A_142 = arith.constant 0 : i32
      %sign3A_143 = arith.cmpi slt, %scan3A_103, %sign3A_142 : i32
      %sign3A_144 = arith.extui %sign3A_143 : i1 to i32
      %sign3A_145 = arith.subi %sign3A_141, %sign3A_144 : i32
      %sign3A_146 = arith.constant 0 : i32
      %sign3A_147 = arith.cmpi sgt, %jit3A_137, %sign3A_146 : i32
      %sign3A_148 = arith.extui %sign3A_147 : i1 to i32
      %sign3A_149 = arith.constant 0 : i32
      %sign3A_150 = arith.cmpi slt, %jit3A_137, %sign3A_149 : i32
      %sign3A_151 = arith.extui %sign3A_150 : i1 to i32
      %sign3A_152 = arith.subi %sign3A_148, %sign3A_151 : i32
      %ne3A_153 = arith.cmpi ne, %sign3A_145, %sign3A_152 : i32
      %rem3A_154 = arith.remsi %scan3A_103, %jit3A_137 : i32
      %ne3A_155 = arith.constant 0 : i32
      %ne3A_156 = arith.cmpi ne, %rem3A_154, %ne3A_155 : i32
      %and3A_157 = arith.andi %ne3A_153, %ne3A_156 : i1
      %sub3A_158 = arith.constant 1 : i32
      %sub3A_159 = arith.subi %div3A_138, %sub3A_158 : i32
      %select_n3A_160 = arith.select %and3A_157, %sub3A_159, %div3A_138 : i32
      %jit3A_161 = arith.constant 64 : i32
      %eq3A_162 = arith.constant 0 : i32
      %eq3A_163 = arith.cmpi eq, %jit3A_161, %eq3A_162 : i32
      %jit3A_164 = arith.constant 1 : i32
      %select_n3A_165 = arith.select %eq3A_163, %jit3A_164, %jit3A_161 : i32
      %rem3A_166 = arith.remsi %scan3A_103, %select_n3A_165 : i32
      %ne3A_167 = arith.constant 0 : i32
      %ne3A_168 = arith.cmpi ne, %rem3A_166, %ne3A_167 : i32
      %lt3A_169 = arith.constant 0 : i32
      %lt3A_170 = arith.cmpi slt, %rem3A_166, %lt3A_169 : i32
      %lt3A_171 = arith.constant 0 : i32
      %lt3A_172 = arith.cmpi slt, %select_n3A_165, %lt3A_171 : i32
      %ne3A_173 = arith.xori %lt3A_170, %lt3A_172 : i1
      %and3A_174 = arith.andi %ne3A_173, %ne3A_168 : i1
      %add3A_175 = arith.addi %rem3A_166, %select_n3A_165 : i32
      %select_n3A_176 = arith.select %and3A_174, %add3A_175, %rem3A_166 : i32
      %swap3A_177 = arith.index_cast %select_n3A_160 : i32 to index
      %swap3A_178 = arith.index_cast %select_n3A_176 : i32 to index
      %swap3A_179 = arith.constant 80 : index
      %swap3A_180 = tpu.vector_load %arg12[%swap3A_177, %swap3A_178, %swap3A_179] {strides = array<i32>} : memref<2x64x128xf32, #tpu.memory_space<vmem>>, vector<16xf32>,
      tpu.vector_store %arg12[%swap3A_177, %swap3A_178, %swap3A_179], %broadcast_in_dim3A_1 {strides = array<i32>} : memref<2x64x128xf32, #tpu.memory_space<vmem>>, vector<16xf32>,
      %jit3A_181 = arith.constant 64 : i32
      %div3A_182 = arith.divsi %scan3A_103, %jit3A_181 : i32
      %sign3A_183 = arith.constant 0 : i32
      %sign3A_184 = arith.cmpi sgt, %scan3A_103, %sign3A_183 : i32
      %sign3A_185 = arith.extui %sign3A_184 : i1 to i32
      %sign3A_186 = arith.constant 0 : i32
      %sign3A_187 = arith.cmpi slt, %scan3A_103, %sign3A_186 : i32
      %sign3A_188 = arith.extui %sign3A_187 : i1 to i32
      %sign3A_189 = arith.subi %sign3A_185, %sign3A_188 : i32
      %sign3A_190 = arith.constant 0 : i32
      %sign3A_191 = arith.cmpi sgt, %jit3A_181, %sign3A_190 : i32
      %sign3A_192 = arith.extui %sign3A_191 : i1 to i32
      %sign3A_193 = arith.constant 0 : i32
      %sign3A_194 = arith.cmpi slt, %jit3A_181, %sign3A_193 : i32
      %sign3A_195 = arith.extui %sign3A_194 : i1 to i32
      %sign3A_196 = arith.subi %sign3A_192, %sign3A_195 : i32
      %ne3A_197 = arith.cmpi ne, %sign3A_189, %sign3A_196 : i32
      %rem3A_198 = arith.remsi %scan3A_103, %jit3A_181 : i32
      %ne3A_199 = arith.constant 0 : i32
      %ne3A_200 = arith.cmpi ne, %rem3A_198, %ne3A_199 : i32
      %and3A_201 = arith.andi %ne3A_197, %ne3A_200 : i1
      %sub3A_202 = arith.constant 1 : i32
      %sub3A_203 = arith.subi %div3A_182, %sub3A_202 : i32
      %select_n3A_204 = arith.select %and3A_201, %sub3A_203, %div3A_182 : i32
      %jit3A_205 = arith.constant 64 : i32
      %eq3A_206 = arith.constant 0 : i32
      %eq3A_207 = arith.cmpi eq, %jit3A_205, %eq3A_206 : i32
      %jit3A_208 = arith.constant 1 : i32
      %select_n3A_209 = arith.select %eq3A_207, %jit3A_208, %jit3A_205 : i32
      %rem3A_210 = arith.remsi %scan3A_103, %select_n3A_209 : i32
      %ne3A_211 = arith.constant 0 : i32
      %ne3A_212 = arith.cmpi ne, %rem3A_210, %ne3A_211 : i32
      %lt3A_213 = arith.constant 0 : i32
      %lt3A_214 = arith.cmpi slt, %rem3A_210, %lt3A_213 : i32
      %lt3A_215 = arith.constant 0 : i32
      %lt3A_216 = arith.cmpi slt, %select_n3A_209, %lt3A_215 : i32
      %ne3A_217 = arith.xori %lt3A_214, %lt3A_216 : i1
      %and3A_218 = arith.andi %ne3A_217, %ne3A_212 : i1
      %add3A_219 = arith.addi %rem3A_210, %select_n3A_209 : i32
      %select_n3A_220 = arith.select %and3A_218, %add3A_219, %rem3A_210 : i32
      %swap3A_221 = arith.index_cast %select_n3A_204 : i32 to index
      %swap3A_222 = arith.index_cast %select_n3A_220 : i32 to index
      %swap3A_223 = arith.constant 96 : index
      %swap3A_224 = tpu.vector_load %arg12[%swap3A_221, %swap3A_222, %swap3A_223] {strides = array<i32>} : memref<2x64x128xf32, #tpu.memory_space<vmem>>, vector<16xf32>,
      tpu.vector_store %arg12[%swap3A_221, %swap3A_222, %swap3A_223], %broadcast_in_dim3A_1 {strides = array<i32>} : memref<2x64x128xf32, #tpu.memory_space<vmem>>, vector<16xf32>,
      %jit3A_225 = arith.constant 64 : i32
      %div3A_226 = arith.divsi %scan3A_103, %jit3A_225 : i32
      %sign3A_227 = arith.constant 0 : i32
      %sign3A_228 = arith.cmpi sgt, %scan3A_103, %sign3A_227 : i32
      %sign3A_229 = arith.extui %sign3A_228 : i1 to i32
      %sign3A_230 = arith.constant 0 : i32
      %sign3A_231 = arith.cmpi slt, %scan3A_103, %sign3A_230 : i32
      %sign3A_232 = arith.extui %sign3A_231 : i1 to i32
      %sign3A_233 = arith.subi %sign3A_229, %sign3A_232 : i32
      %sign3A_234 = arith.constant 0 : i32
      %sign3A_235 = arith.cmpi sgt, %jit3A_225, %sign3A_234 : i32
      %sign3A_236 = arith.extui %sign3A_235 : i1 to i32
      %sign3A_237 = arith.constant 0 : i32
      %sign3A_238 = arith.cmpi slt, %jit3A_225, %sign3A_237 : i32
      %sign3A_239 = arith.extui %sign3A_238 : i1 to i32
      %sign3A_240 = arith.subi %sign3A_236, %sign3A_239 : i32
      %ne3A_241 = arith.cmpi ne, %sign3A_233, %sign3A_240 : i32
      %rem3A_242 = arith.remsi %scan3A_103, %jit3A_225 : i32
      %ne3A_243 = arith.constant 0 : i32
      %ne3A_244 = arith.cmpi ne, %rem3A_242, %ne3A_243 : i32
      %and3A_245 = arith.andi %ne3A_241, %ne3A_244 : i1
      %sub3A_246 = arith.constant 1 : i32
      %sub3A_247 = arith.subi %div3A_226, %sub3A_246 : i32
      %select_n3A_248 = arith.select %and3A_245, %sub3A_247, %div3A_226 : i32
      %jit3A_249 = arith.constant 64 : i32
      %eq3A_250 = arith.constant 0 : i32
      %eq3A_251 = arith.cmpi eq, %jit3A_249, %eq3A_250 : i32
      %jit3A_252 = arith.constant 1 : i32
      %select_n3A_253 = arith.select %eq3A_251, %jit3A_252, %jit3A_249 : i32
      %rem3A_254 = arith.remsi %scan3A_103, %select_n3A_253 : i32
      %ne3A_255 = arith.constant 0 : i32
      %ne3A_256 = arith.cmpi ne, %rem3A_254, %ne3A_255 : i32
      %lt3A_257 = arith.constant 0 : i32
      %lt3A_258 = arith.cmpi slt, %rem3A_254, %lt3A_257 : i32
      %lt3A_259 = arith.constant 0 : i32
      %lt3A_260 = arith.cmpi slt, %select_n3A_253, %lt3A_259 : i32
      %ne3A_261 = arith.xori %lt3A_258, %lt3A_260 : i1
      %and3A_262 = arith.andi %ne3A_261, %ne3A_256 : i1
      %add3A_263 = arith.addi %rem3A_254, %select_n3A_253 : i32
      %select_n3A_264 = arith.select %and3A_262, %add3A_263, %rem3A_254 : i32
      %swap3A_265 = arith.index_cast %select_n3A_248 : i32 to index
      %swap3A_266 = arith.index_cast %select_n3A_264 : i32 to index
      %swap3A_267 = arith.constant 112 : index
      %swap3A_268 = tpu.vector_load %arg12[%swap3A_265, %swap3A_266, %swap3A_267] {strides = array<i32>} : memref<2x64x128xf32, #tpu.memory_space<vmem>>, vector<16xf32>,
      tpu.vector_store %arg12[%swap3A_265, %swap3A_266, %swap3A_267], %broadcast_in_dim3A_1 {strides = array<i32>} : memref<2x64x128xf32, #tpu.memory_space<vmem>>, vector<16xf32>,
    }
    %scan3A_66 = arith.constant 128 : i32
    %min3A = arith.constant 11 : i32
    %min3A_67 = arith.minsi %min3A, %scan3A_6 : i32
    %scan3A_68 = arith.constant 0 : i32
    %scan3A_69 = arith.constant 32 : i32
    %scan3A_70 = arith.addi %scan3A_68, %scan3A_69 : i32
    %scan3A_71 = arith.constant 1 : i32
    %scan3A_72 = scf.for %scan3A_103 = %scan3A_68 to %scan3A_70 step %scan3A_71 iter_args(%scan3A_104 = %min3A_67) -> (i32)  : i32 {
      %mul3A_105 = arith.constant 16 : i32
      %mul3A_106 = arith.muli %scan3A_103, %mul3A_105 : i32
      %get3A_107 = arith.index_cast %mul3A_106 : i32 to index
      %get3A_108 = tpu.vector_load %arg6[%get3A_107] {strides = array<i32>} : memref<512xi32, #tpu.memory_space<vmem>>, vector<16xi32>,
      %get3A_109 = arith.index_cast %mul3A_106 : i32 to index
      %get3A_110 = tpu.vector_load %arg7[%get3A_109] {strides = array<i32>} : memref<512xi32, #tpu.memory_space<vmem>>, vector<16xi32>,
      %get3A_111 = arith.index_cast %mul3A_106 : i32 to index
      %get3A_112 = tpu.vector_load %arg8[%get3A_111] {strides = array<i32>} : memref<512xi32, #tpu.memory_space<vmem>>, vector<16xi32>,
      %jit3A = arith.constant 4 : i32
      %div3A = arith.divsi %scan3A_103, %jit3A : i32
      %sign3A = arith.constant 0 : i32
      %sign3A_113 = arith.cmpi sgt, %scan3A_103, %sign3A : i32
      %sign3A_114 = arith.extui %sign3A_113 : i1 to i32
      %sign3A_115 = arith.constant 0 : i32
      %sign3A_116 = arith.cmpi slt, %scan3A_103, %sign3A_115 : i32
      %sign3A_117 = arith.extui %sign3A_116 : i1 to i32
      %sign3A_118 = arith.subi %sign3A_114, %sign3A_117 : i32
      %sign3A_119 = arith.constant 0 : i32
      %sign3A_120 = arith.cmpi sgt, %jit3A, %sign3A_119 : i32
      %sign3A_121 = arith.extui %sign3A_120 : i1 to i32
      %sign3A_122 = arith.constant 0 : i32
      %sign3A_123 = arith.cmpi slt, %jit3A, %sign3A_122 : i32
      %sign3A_124 = arith.extui %sign3A_123 : i1 to i32
      %sign3A_125 = arith.subi %sign3A_121, %sign3A_124 : i32
      %ne3A = arith.cmpi ne, %sign3A_118, %sign3A_125 : i32
      %rem3A = arith.remsi %scan3A_103, %jit3A : i32
      %ne3A_126 = arith.constant 0 : i32
      %ne3A_127 = arith.cmpi ne, %rem3A, %ne3A_126 : i32
      %and3A = arith.andi %ne3A, %ne3A_127 : i1
      %sub3A = arith.constant 1 : i32
      %sub3A_128 = arith.subi %div3A, %sub3A : i32
      %select_n3A = arith.select %and3A, %sub3A_128, %div3A : i32
      %jit3A_129 = arith.constant 2 : i32
      %eq3A = arith.constant 0 : i32
      %eq3A_130 = arith.cmpi eq, %jit3A_129, %eq3A : i32
      %jit3A_131 = arith.constant 1 : i32
      %select_n3A_132 = arith.select %eq3A_130, %jit3A_131, %jit3A_129 : i32
      %rem3A_133 = arith.remsi %select_n3A, %select_n3A_132 : i32
      %ne3A_134 = arith.constant 0 : i32
      %ne3A_135 = arith.cmpi ne, %rem3A_133, %ne3A_134 : i32
      %lt3A = arith.constant 0 : i32
      %lt3A_136 = arith.cmpi slt, %rem3A_133, %lt3A : i32
      %lt3A_137 = arith.constant 0 : i32
      %lt3A_138 = arith.cmpi slt, %select_n3A_132, %lt3A_137 : i32
      %ne3A_139 = arith.xori %lt3A_136, %lt3A_138 : i1
      %and3A_140 = arith.andi %ne3A_139, %ne3A_135 : i1
      %add3A_141 = arith.addi %rem3A_133, %select_n3A_132 : i32
      %select_n3A_142 = arith.select %and3A_140, %add3A_141, %rem3A_133 : i32
      %jit3A_143 = arith.constant 4 : i32
      %eq3A_144 = arith.constant 0 : i32
      %eq3A_145 = arith.cmpi eq, %jit3A_143, %eq3A_144 : i32
      %jit3A_146 = arith.constant 1 : i32
      %select_n3A_147 = arith.select %eq3A_145, %jit3A_146, %jit3A_143 : i32
      %rem3A_148 = arith.remsi %scan3A_103, %select_n3A_147 : i32
      %ne3A_149 = arith.constant 0 : i32
      %ne3A_150 = arith.cmpi ne, %rem3A_148, %ne3A_149 : i32
      %lt3A_151 = arith.constant 0 : i32
      %lt3A_152 = arith.cmpi slt, %rem3A_148, %lt3A_151 : i32
      %lt3A_153 = arith.constant 0 : i32
      %lt3A_154 = arith.cmpi slt, %select_n3A_147, %lt3A_153 : i32
      %ne3A_155 = arith.xori %lt3A_152, %lt3A_154 : i1
      %and3A_156 = arith.andi %ne3A_155, %ne3A_150 : i1
      %add3A_157 = arith.addi %rem3A_148, %select_n3A_147 : i32
      %select_n3A_158 = arith.select %and3A_156, %add3A_157, %rem3A_148 : i32
      %eq3A_159 = arith.constant 0 : i32
      %eq3A_160 = arith.cmpi eq, %select_n3A_158, %eq3A_159 : i32
      %ge3A = arith.constant 8 : i32
      %ge3A_161 = arith.cmpi sge, %scan3A_103, %ge3A : i32
      %and3A_162 = arith.andi %eq3A_160, %ge3A_161 : i1
      %convert_element_type3A_163 = arith.extui %and3A_162 : i1 to i32
      %cond3A_164 = arith.constant 0 : i32
      %cond3A_165 = arith.cmpi ne, %convert_element_type3A_163, %cond3A_164 : i32
      scf.if %cond3A_165 {
        %dma_wait3A_1991 = arith.constant 0 : i32
        %dma_wait3A_1992 = arith.constant 0 : i32
        %dma_wait3A_1993 = arith.constant 0 : i32
        %dma_wait3A_1994 = tpu.memref_slice %arg12[%select_n3A_142, %dma_wait3A_1992, %dma_wait3A_1993] : memref<2x64x128xf32, #tpu.memory_space<vmem>> -> memref<1x64x128xf32, #tpu.memory_space<vmem>>
        %dma_wait3A_1995 = tpu.memref_squeeze %dma_wait3A_1994 : memref<1x64x128xf32, #tpu.memory_space<vmem>> -> memref<64x128xf32, #tpu.memory_space<vmem>>
        %dma_wait3A_1996 = arith.constant 0 : i32
        %dma_wait3A_1997 = tpu.memref_slice %arg10[%dma_wait3A_1991, %dma_wait3A_1996] : memref<8x64xi32, #tpu.memory_space<vmem>> -> memref<1x64xi32, #tpu.memory_space<vmem>>
        %dma_wait3A_1998 = tpu.memref_squeeze %dma_wait3A_1997 : memref<1x64xi32, #tpu.memory_space<vmem>> -> memref<64xi32, #tpu.memory_space<vmem>>
        %dma_wait3A_1999 = arith.constant 0 : i32
        %dma_wait3A_2000 = arith.constant 0 : i32
        %dma_wait3A_2001 = tpu.memref_slice %arg5[%dma_wait3A_1999, %dma_wait3A_2000] : memref<16384x128xf32, #tpu.memory_space<hbm>> -> memref<16384x128xf32, #tpu.memory_space<hbm>>
        %dma_wait3A_2002 = tpu.memref_slice %arg14[%select_n3A_142] : memref<2x!tpu.dma_semaphore, #tpu.memory_space<semaphore_mem>> -> memref<1x!tpu.dma_semaphore, #tpu.memory_space<semaphore_mem>>
        %dma_wait3A_2003 = tpu.memref_squeeze %dma_wait3A_2002 : memref<1x!tpu.dma_semaphore, #tpu.memory_space<semaphore_mem>> -> memref<!tpu.dma_semaphore, #tpu.memory_space<semaphore_mem>>
        tpu.wait_indirect_dma semaphore(%dma_wait3A_2003 : memref<!tpu.dma_semaphore, #tpu.memory_space<semaphore_mem>>) src(%dma_wait3A_1995 : memref<64x128xf32, #tpu.memory_space<vmem>>) dst(%dma_wait3A_2001 : memref<16384x128xf32, #tpu.memory_space<hbm>>)
      } else {
      }
      %slice3A = vector.extract_strided_slice %get3A_112 {offsets = [0], sizes = [1], strides = [1]} : vector<16xi32> to vector<1xi32>
      %squeeze3A = vector.extract %slice3A[0] : i32 from vector<1xi32>
      %sub3A_166 = arith.constant 1 : i32
      %sub3A_167 = arith.subi %squeeze3A, %sub3A_166 : i32
      %jit3A_168 = arith.constant 12 : i32
      %eq3A_169 = arith.constant 0 : i32
      %eq3A_170 = arith.cmpi eq, %jit3A_168, %eq3A_169 : i32
      %jit3A_171 = arith.constant 1 : i32
      %select_n3A_172 = arith.select %eq3A_170, %jit3A_171, %jit3A_168 : i32
      %rem3A_173 = arith.remsi %sub3A_167, %select_n3A_172 : i32
      %ne3A_174 = arith.constant 0 : i32
      %ne3A_175 = arith.cmpi ne, %rem3A_173, %ne3A_174 : i32
      %lt3A_176 = arith.constant 0 : i32
      %lt3A_177 = arith.cmpi slt, %rem3A_173, %lt3A_176 : i32
      %lt3A_178 = arith.constant 0 : i32
      %lt3A_179 = arith.cmpi slt, %select_n3A_172, %lt3A_178 : i32
      %ne3A_180 = arith.xori %lt3A_177, %lt3A_179 : i1
      %and3A_181 = arith.andi %ne3A_180, %ne3A_175 : i1
      %add3A_182 = arith.addi %rem3A_173, %select_n3A_172 : i32
      %select_n3A_183 = arith.select %and3A_181, %add3A_182, %rem3A_173 : i32
      %add3A_184 = arith.constant 11 : i32
      %add3A_185 = arith.addi %squeeze3A, %add3A_184 : i32
      %min3A_186 = arith.minsi %add3A_185, %scan3A_6 : i32
      %sub3A_187 = arith.constant 1 : i32
      %sub3A_188 = arith.subi %min3A_186, %sub3A_187 : i32
      %broadcast_in_dim3A_189 = vector.broadcast %sub3A_188 : i32 to vector<16xi32>
      %gather3A = tpu.vector_load_idx %arg9[%broadcast_in_dim3A_189] : memref<528xi32, #tpu.memory_space<vmem>>[vector<16xi32>], vector<16xi32>,
      %slice3A_190 = vector.extract_strided_slice %gather3A {offsets = [0], sizes = [1], strides = [1]} : vector<16xi32> to vector<1xi32>
      %squeeze3A_191 = vector.extract %slice3A_190[0] : i32 from vector<1xi32>
      %gt3A_192 = arith.cmpi sgt, %min3A_186, %scan3A_104 : i32
      %convert_element_type3A_193 = arith.extui %gt3A_192 : i1 to i32
      %cond3A_194 = arith.constant 0 : i32
      %cond3A_195 = arith.cmpi ne, %convert_element_type3A_193, %cond3A_194 : i32
      scf.if %cond3A_195 {
        %jit3A_1991 = arith.constant 12 : i32
        %eq3A_1992 = arith.constant 0 : i32
        %eq3A_1993 = arith.cmpi eq, %jit3A_1991, %eq3A_1992 : i32
        %jit3A_1994 = arith.constant 1 : i32
        %select_n3A_1995 = arith.select %eq3A_1993, %jit3A_1994, %jit3A_1991 : i32
        %rem3A_1996 = arith.remsi %sub3A_188, %select_n3A_1995 : i32
        %ne3A_1997 = arith.constant 0 : i32
        %ne3A_1998 = arith.cmpi ne, %rem3A_1996, %ne3A_1997 : i32
        %lt3A_1999 = arith.constant 0 : i32
        %lt3A_2000 = arith.cmpi slt, %rem3A_1996, %lt3A_1999 : i32
        %lt3A_2001 = arith.constant 0 : i32
        %lt3A_2002 = arith.cmpi slt, %select_n3A_1995, %lt3A_2001 : i32
        %ne3A_2003 = arith.xori %lt3A_2000, %lt3A_2002 : i1
        %and3A_2004 = arith.andi %ne3A_2003, %ne3A_1998 : i1
        %add3A_2005 = arith.addi %rem3A_1996, %select_n3A_1995 : i32
        %select_n3A_2006 = arith.select %and3A_2004, %add3A_2005, %rem3A_1996 : i32
        %mul3A_2007 = arith.constant 128 : i32
        %mul3A_2008 = arith.muli %squeeze3A_191, %mul3A_2007 : i32
        %multiple_of3A = tpu.assume_multiple %mul3A_2008, 128 : i32
        %dma_start3A = arith.constant 0 : i32
        %dma_start3A_2009 = arith.constant 0 : i32
        %dma_start3A_2010 = tpu.memref_slice %arg11[%select_n3A_2006, %dma_start3A, %dma_start3A_2009] : memref<12x64x128xf32, #tpu.memory_space<vmem>> -> memref<1x64x128xf32, #tpu.memory_space<vmem>>
        %dma_start3A_2011 = tpu.memref_squeeze %dma_start3A_2010 : memref<1x64x128xf32, #tpu.memory_space<vmem>> -> memref<64x128xf32, #tpu.memory_space<vmem>>
        %dma_start3A_2012 = arith.constant 0 : i32
        %dma_start3A_2013 = tpu.memref_slice %arg4[%dma_start3A_2012, %multiple_of3A] : memref<64x1000000xf32, #tpu.memory_space<hbm>> -> memref<64x128xf32, #tpu.memory_space<hbm>>
        %dma_start3A_2014 = tpu.memref_slice %arg13[%select_n3A_2006] : memref<12x!tpu.dma_semaphore, #tpu.memory_space<semaphore_mem>> -> memref<1x!tpu.dma_semaphore, #tpu.memory_space<semaphore_mem>>
        %dma_start3A_2015 = tpu.memref_squeeze %dma_start3A_2014 : memref<1x!tpu.dma_semaphore, #tpu.memory_space<semaphore_mem>> -> memref<!tpu.dma_semaphore, #tpu.memory_space<semaphore_mem>>
        %dma_start3A_2016 = arith.constant 0 : i32
        %dma_start3A_2017 = arith.constant 0 : i32
        %dma_start3A_2018 = tpu.memref_slice %arg11[%select_n3A_2006, %dma_start3A_2016, %dma_start3A_2017] : memref<12x64x128xf32, #tpu.memory_space<vmem>> -> memref<1x64x128xf32, #tpu.memory_space<vmem>>
        %dma_start3A_2019 = tpu.memref_squeeze %dma_start3A_2018 : memref<1x64x128xf32, #tpu.memory_space<vmem>> -> memref<64x128xf32, #tpu.memory_space<vmem>>
        %dma_start3A_2020 = arith.constant 0 : i32
        %dma_start3A_2021 = tpu.memref_slice %arg4[%dma_start3A_2020, %multiple_of3A] : memref<64x1000000xf32, #tpu.memory_space<hbm>> -> memref<64x128xf32, #tpu.memory_space<hbm>>
        tpu.enqueue_dma source(%dma_start3A_2021 : memref<64x128xf32, #tpu.memory_space<hbm>>) target(%dma_start3A_2019 : memref<64x128xf32, #tpu.memory_space<vmem>>) target_semaphore(%dma_start3A_2015 : memref<!tpu.dma_semaphore, #tpu.memory_space<semaphore_mem>>)
      } else {
      }
      %slice3A_196 = vector.extract_strided_slice %get3A_110 {offsets = [0], sizes = [1], strides = [1]} : vector<16xi32> to vector<1xi32>
      %squeeze3A_197 = vector.extract %slice3A_196[0] : i32 from vector<1xi32>
      %eq3A_198 = arith.constant 1 : i32
      %eq3A_199 = arith.cmpi eq, %squeeze3A_197, %eq3A_198 : i32
      %convert_element_type3A_200 = arith.extui %eq3A_199 : i1 to i32
      %cond3A_201 = arith.constant 0 : i32
      %cond3A_202 = arith.cmpi ne, %convert_element_type3A_200, %cond3A_201 : i32
      scf.if %cond3A_202 {
        %dma_wait3A_1991 = arith.constant 0 : i32
        %dma_wait3A_1992 = arith.constant 0 : i32
        %dma_wait3A_1993 = tpu.memref_slice %arg11[%select_n3A_183, %dma_wait3A_1991, %dma_wait3A_1992] : memref<12x64x128xf32, #tpu.memory_space<vmem>> -> memref<1x64x128xf32, #tpu.memory_space<vmem>>
        %dma_wait3A_1994 = tpu.memref_squeeze %dma_wait3A_1993 : memref<1x64x128xf32, #tpu.memory_space<vmem>> -> memref<64x128xf32, #tpu.memory_space<vmem>>
        %dma_wait3A_1995 = arith.constant 0 : i32
        %dma_wait3A_1996 = arith.constant 0 : i32
        %dma_wait3A_1997 = tpu.memref_slice %arg4[%dma_wait3A_1995, %dma_wait3A_1996] : memref<64x1000000xf32, #tpu.memory_space<hbm>> -> memref<64x128xf32, #tpu.memory_space<hbm>>
        %dma_wait3A_1998 = tpu.memref_slice %arg13[%select_n3A_183] : memref<12x!tpu.dma_semaphore, #tpu.memory_space<semaphore_mem>> -> memref<1x!tpu.dma_semaphore, #tpu.memory_space<semaphore_mem>>
        %dma_wait3A_1999 = tpu.memref_squeeze %dma_wait3A_1998 : memref<1x!tpu.dma_semaphore, #tpu.memory_space<semaphore_mem>> -> memref<!tpu.dma_semaphore, #tpu.memory_space<semaphore_mem>>
        %dma_wait3A_2000 = arith.constant 0 : i32
        %dma_wait3A_2001 = arith.constant 0 : i32
        %dma_wait3A_2002 = tpu.memref_slice %arg11[%select_n3A_183, %dma_wait3A_2000, %dma_wait3A_2001] : memref<12x64x128xf32, #tpu.memory_space<vmem>> -> memref<1x64x128xf32, #tpu.memory_space<vmem>>
        %dma_wait3A_2003 = tpu.memref_squeeze %dma_wait3A_2002 : memref<1x64x128xf32, #tpu.memory_space<vmem>> -> memref<64x128xf32, #tpu.memory_space<vmem>>
        %dma_wait3A_2004 = arith.constant 0 : i32
        %dma_wait3A_2005 = arith.constant 0 : i32
        %dma_wait3A_2006 = tpu.memref_slice %arg4[%dma_wait3A_2004, %dma_wait3A_2005] : memref<64x1000000xf32, #tpu.memory_space<hbm>> -> memref<64x128xf32, #tpu.memory_space<hbm>>
        tpu.wait_dma2 semaphore(%dma_wait3A_1999 : memref<!tpu.dma_semaphore, #tpu.memory_space<semaphore_mem>>) src(%dma_wait3A_2006 : memref<64x128xf32, #tpu.memory_space<hbm>>) dst(%dma_wait3A_2003 : memref<64x128xf32, #tpu.memory_space<vmem>>)
      } else {
      }
      %slice3A_203 = vector.extract_strided_slice %get3A_108 {offsets = [0], sizes = [1], strides = [1]} : vector<16xi32> to vector<1xi32>
      %squeeze3A_204 = vector.extract %slice3A_203[0] : i32 from vector<1xi32>
      %and3A_205 = arith.constant 127 : i32
      %and3A_206 = arith.andi %squeeze3A_204, %and3A_205 : i32
      %broadcast_in_dim3A_207 = vector.broadcast %and3A_206 : i32 to vector<16xi32>
      %jit3A_208 = arith.constant 4 : i32
      %eq3A_209 = arith.constant 0 : i32
      %eq3A_210 = arith.cmpi eq, %jit3A_208, %eq3A_209 : i32
      %jit3A_211 = arith.constant 1 : i32
      %select_n3A_212 = arith.select %eq3A_210, %jit3A_211, %jit3A_208 : i32
      %rem3A_213 = arith.remsi %scan3A_103, %select_n3A_212 : i32
      %ne3A_214 = arith.constant 0 : i32
      %ne3A_215 = arith.cmpi ne, %rem3A_213, %ne3A_214 : i32
      %lt3A_216 = arith.constant 0 : i32
      %lt3A_217 = arith.cmpi slt, %rem3A_213, %lt3A_216 : i32
      %lt3A_218 = arith.constant 0 : i32
      %lt3A_219 = arith.cmpi slt, %select_n3A_212, %lt3A_218 : i32
      %ne3A_220 = arith.xori %lt3A_217, %lt3A_219 : i1
      %and3A_221 = arith.andi %ne3A_220, %ne3A_215 : i1
      %add3A_222 = arith.addi %rem3A_213, %select_n3A_212 : i32
      %select_n3A_223 = arith.select %and3A_221, %add3A_222, %rem3A_213 : i32
      %mul3A_224 = arith.constant 16 : i32
      %mul3A_225 = arith.muli %select_n3A_223, %mul3A_224 : i32
      %add3A_226 = arith.constant 0 : i32
      %add3A_227 = arith.addi %mul3A_225, %add3A_226 : i32
      %add3A_228 = arith.constant 0 : i32
      %add3A_229 = vector.broadcast %add3A_228 : i32 to vector<16xi32>
      %add3A_230 = arith.addi %iota3A, %add3A_229 : vector<16xi32>
      %gather3A_231 = arith.constant 0 : i32
      %gather3A_232 = arith.constant 0 : i32
      %gather3A_233 = tpu.memref_slice %arg11[%select_n3A_183, %gather3A_231, %gather3A_232] : memref<12x64x128xf32, #tpu.memory_space<vmem>> -> memref<1x64x128xf32, #tpu.memory_space<vmem>>
      %gather3A_234 = tpu.memref_squeeze %gather3A_233 : memref<1x64x128xf32, #tpu.memory_space<vmem>> -> memref<64x128xf32, #tpu.memory_space<vmem>>
      %gather3A_235 = tpu.vector_load_idx %gather3A_234[%add3A_230, %broadcast_in_dim3A_207] : memref<64x128xf32, #tpu.memory_space<vmem>>[vector<16xi32>, vector<16xi32>], vector<16xf32>,
      %swap3A = arith.index_cast %select_n3A_142 : i32 to index
      %swap3A_236 = arith.index_cast %add3A_227 : i32 to index
      %swap3A_237 = arith.constant 0 : index
      %swap3A_238 = tpu.vector_load %arg12[%swap3A, %swap3A_236, %swap3A_237] {strides = array<i32>} : memref<2x64x128xf32, #tpu.memory_space<vmem>>, vector<16xf32>,
      tpu.vector_store %arg12[%swap3A, %swap3A_236, %swap3A_237], %gather3A_235 {strides = array<i32>} : memref<2x64x128xf32, #tpu.memory_space<vmem>>, vector<16xf32>,
      %add3A_239 = arith.constant 16 : i32
      %add3A_240 = vector.broadcast %add3A_239 : i32 to vector<16xi32>
      %add3A_241 = arith.addi %iota3A, %add3A_240 : vector<16xi32>
      %gather3A_242 = arith.constant 0 : i32
      %gather3A_243 = arith.constant 0 : i32
      %gather3A_244 = tpu.memref_slice %arg11[%select_n3A_183, %gather3A_242, %gather3A_243] : memref<12x64x128xf32, #tpu.memory_space<vmem>> -> memref<1x64x128xf32, #tpu.memory_space<vmem>>
      %gather3A_245 = tpu.memref_squeeze %gather3A_244 : memref<1x64x128xf32, #tpu.memory_space<vmem>> -> memref<64x128xf32, #tpu.memory_space<vmem>>
      %gather3A_246 = tpu.vector_load_idx %gather3A_245[%add3A_241, %broadcast_in_dim3A_207] : memref<64x128xf32, #tpu.memory_space<vmem>>[vector<16xi32>, vector<16xi32>], vector<16xf32>,
      %swap3A_247 = arith.index_cast %select_n3A_142 : i32 to index
      %swap3A_248 = arith.index_cast %add3A_227 : i32 to index
      %swap3A_249 = arith.constant 16 : index
      %swap3A_250 = tpu.vector_load %arg12[%swap3A_247, %swap3A_248, %swap3A_249] {strides = array<i32>} : memref<2x64x128xf32, #tpu.memory_space<vmem>>, vector<16xf32>,
      tpu.vector_store %arg12[%swap3A_247, %swap3A_248, %swap3A_249], %gather3A_246 {strides = array<i32>} : memref<2x64x128xf32, #tpu.memory_space<vmem>>, vector<16xf32>,
      %add3A_251 = arith.constant 32 : i32
      %add3A_252 = vector.broadcast %add3A_251 : i32 to vector<16xi32>
      %add3A_253 = arith.addi %iota3A, %add3A_252 : vector<16xi32>
      %gather3A_254 = arith.constant 0 : i32
      %gather3A_255 = arith.constant 0 : i32
      %gather3A_256 = tpu.memref_slice %arg11[%select_n3A_183, %gather3A_254, %gather3A_255] : memref<12x64x128xf32, #tpu.memory_space<vmem>> -> memref<1x64x128xf32, #tpu.memory_space<vmem>>
      %gather3A_257 = tpu.memref_squeeze %gather3A_256 : memref<1x64x128xf32, #tpu.memory_space<vmem>> -> memref<64x128xf32, #tpu.memory_space<vmem>>
      %gather3A_258 = tpu.vector_load_idx %gather3A_257[%add3A_253, %broadcast_in_dim3A_207] : memref<64x128xf32, #tpu.memory_space<vmem>>[vector<16xi32>, vector<16xi32>], vector<16xf32>,
      %swap3A_259 = arith.index_cast %select_n3A_142 : i32 to index
      %swap3A_260 = arith.index_cast %add3A_227 : i32 to index
      %swap3A_261 = arith.constant 32 : index
      %swap3A_262 = tpu.vector_load %arg12[%swap3A_259, %swap3A_260, %swap3A_261] {strides = array<i32>} : memref<2x64x128xf32, #tpu.memory_space<vmem>>, vector<16xf32>,
      tpu.vector_store %arg12[%swap3A_259, %swap3A_260, %swap3A_261], %gather3A_258 {strides = array<i32>} : memref<2x64x128xf32, #tpu.memory_space<vmem>>, vector<16xf32>,
      %add3A_263 = arith.constant 48 : i32
      %add3A_264 = vector.broadcast %add3A_263 : i32 to vector<16xi32>
      %add3A_265 = arith.addi %iota3A, %add3A_264 : vector<16xi32>
      %gather3A_266 = arith.constant 0 : i32
      %gather3A_267 = arith.constant 0 : i32
      %gather3A_268 = tpu.memref_slice %arg11[%select_n3A_183, %gather3A_266, %gather3A_267] : memref<12x64x128xf32, #tpu.memory_space<vmem>> -> memref<1x64x128xf32, #tpu.memory_space<vmem>>
      %gather3A_269 = tpu.memref_squeeze %gather3A_268 : memref<1x64x128xf32, #tpu.memory_space<vmem>> -> memref<64x128xf32, #tpu.memory_space<vmem>>
      %gather3A_270 = tpu.vector_load_idx %gather3A_269[%add3A_265, %broadcast_in_dim3A_207] : memref<64x128xf32, #tpu.memory_space<vmem>>[vector<16xi32>, vector<16xi32>], vector<16xf32>,
      %swap3A_271 = arith.index_cast %select_n3A_142 : i32 to index
      %swap3A_272 = arith.index_cast %add3A_227 : i32 to index
      %swap3A_273 = arith.constant 48 : index
      %swap3A_274 = tpu.vector_load %arg12[%swap3A_271, %swap3A_272, %swap3A_273] {strides = array<i32>} : memref<2x64x128xf32, #tpu.memory_space<vmem>>, vector<16xf32>,
      tpu.vector_store %arg12[%swap3A_271, %swap3A_272, %swap3A_273], %gather3A_270 {strides = array<i32>} : memref<2x64x128xf32, #tpu.memory_space<vmem>>, vector<16xf32>,
      %slice3A_275 = vector.extract_strided_slice %get3A_112 {offsets = [1], sizes = [1], strides = [1]} : vector<16xi32> to vector<1xi32>
      %squeeze3A_276 = vector.extract %slice3A_275[0] : i32 from vector<1xi32>
      %sub3A_277 = arith.constant 1 : i32
      %sub3A_278 = arith.subi %squeeze3A_276, %sub3A_277 : i32
      %jit3A_279 = arith.constant 12 : i32
      %eq3A_280 = arith.constant 0 : i32
      %eq3A_281 = arith.cmpi eq, %jit3A_279, %eq3A_280 : i32
      %jit3A_282 = arith.constant 1 : i32
      %select_n3A_283 = arith.select %eq3A_281, %jit3A_282, %jit3A_279 : i32
      %rem3A_284 = arith.remsi %sub3A_278, %select_n3A_283 : i32
      %ne3A_285 = arith.constant 0 : i32
      %ne3A_286 = arith.cmpi ne, %rem3A_284, %ne3A_285 : i32
      %lt3A_287 = arith.constant 0 : i32
      %lt3A_288 = arith.cmpi slt, %rem3A_284, %lt3A_287 : i32
      %lt3A_289 = arith.constant 0 : i32
      %lt3A_290 = arith.cmpi slt, %select_n3A_283, %lt3A_289 : i32
      %ne3A_291 = arith.xori %lt3A_288, %lt3A_290 : i1
      %and3A_292 = arith.andi %ne3A_291, %ne3A_286 : i1
      %add3A_293 = arith.addi %rem3A_284, %select_n3A_283 : i32
      %select_n3A_294 = arith.select %and3A_292, %add3A_293, %rem3A_284 : i32
      %add3A_295 = arith.constant 11 : i32
      %add3A_296 = arith.addi %squeeze3A_276, %add3A_295 : i32
      %min3A_297 = arith.minsi %add3A_296, %scan3A_6 : i32
      %sub3A_298 = arith.constant 1 : i32
      %sub3A_299 = arith.subi %min3A_297, %sub3A_298 : i32
      %broadcast_in_dim3A_300 = vector.broadcast %sub3A_299 : i32 to vector<16xi32>
      %gather3A_301 = tpu.vector_load_idx %arg9[%broadcast_in_dim3A_300] : memref<528xi32, #tpu.memory_space<vmem>>[vector<16xi32>], vector<16xi32>,
      %slice3A_302 = vector.extract_strided_slice %gather3A_301 {offsets = [0], sizes = [1], strides = [1]} : vector<16xi32> to vector<1xi32>
      %squeeze3A_303 = vector.extract %slice3A_302[0] : i32 from vector<1xi32>
      %gt3A_304 = arith.cmpi sgt, %min3A_297, %min3A_186 : i32
      %convert_element_type3A_305 = arith.extui %gt3A_304 : i1 to i32
      %cond3A_306 = arith.constant 0 : i32
      %cond3A_307 = arith.cmpi ne, %convert_element_type3A_305, %cond3A_306 : i32
      scf.if %cond3A_307 {
        %jit3A_1991 = arith.constant 12 : i32
        %eq3A_1992 = arith.constant 0 : i32
        %eq3A_1993 = arith.cmpi eq, %jit3A_1991, %eq3A_1992 : i32
        %jit3A_1994 = arith.constant 1 : i32
        %select_n3A_1995 = arith.select %eq3A_1993, %jit3A_1994, %jit3A_1991 : i32
        %rem3A_1996 = arith.remsi %sub3A_299, %select_n3A_1995 : i32
        %ne3A_1997 = arith.constant 0 : i32
        %ne3A_1998 = arith.cmpi ne, %rem3A_1996, %ne3A_1997 : i32
        %lt3A_1999 = arith.constant 0 : i32
        %lt3A_2000 = arith.cmpi slt, %rem3A_1996, %lt3A_1999 : i32
        %lt3A_2001 = arith.constant 0 : i32
        %lt3A_2002 = arith.cmpi slt, %select_n3A_1995, %lt3A_2001 : i32
        %ne3A_2003 = arith.xori %lt3A_2000, %lt3A_2002 : i1
        %and3A_2004 = arith.andi %ne3A_2003, %ne3A_1998 : i1
        %add3A_2005 = arith.addi %rem3A_1996, %select_n3A_1995 : i32
        %select_n3A_2006 = arith.select %and3A_2004, %add3A_2005, %rem3A_1996 : i32
        %mul3A_2007 = arith.constant 128 : i32
        %mul3A_2008 = arith.muli %squeeze3A_303, %mul3A_2007 : i32
        %multiple_of3A = tpu.assume_multiple %mul3A_2008, 128 : i32
        %dma_start3A = arith.constant 0 : i32
        %dma_start3A_2009 = arith.constant 0 : i32
        %dma_start3A_2010 = tpu.memref_slice %arg11[%select_n3A_2006, %dma_start3A, %dma_start3A_2009] : memref<12x64x128xf32, #tpu.memory_space<vmem>> -> memref<1x64x128xf32, #tpu.memory_space<vmem>>
        %dma_start3A_2011 = tpu.memref_squeeze %dma_start3A_2010 : memref<1x64x128xf32, #tpu.memory_space<vmem>> -> memref<64x128xf32, #tpu.memory_space<vmem>>
        %dma_start3A_2012 = arith.constant 0 : i32
        %dma_start3A_2013 = tpu.memref_slice %arg4[%dma_start3A_2012, %multiple_of3A] : memref<64x1000000xf32, #tpu.memory_space<hbm>> -> memref<64x128xf32, #tpu.memory_space<hbm>>
        %dma_start3A_2014 = tpu.memref_slice %arg13[%select_n3A_2006] : memref<12x!tpu.dma_semaphore, #tpu.memory_space<semaphore_mem>> -> memref<1x!tpu.dma_semaphore, #tpu.memory_space<semaphore_mem>>
        %dma_start3A_2015 = tpu.memref_squeeze %dma_start3A_2014 : memref<1x!tpu.dma_semaphore, #tpu.memory_space<semaphore_mem>> -> memref<!tpu.dma_semaphore, #tpu.memory_space<semaphore_mem>>
        %dma_start3A_2016 = arith.constant 0 : i32
        %dma_start3A_2017 = arith.constant 0 : i32
        %dma_start3A_2018 = tpu.memref_slice %arg11[%select_n3A_2006, %dma_start3A_2016, %dma_start3A_2017] : memref<12x64x128xf32, #tpu.memory_space<vmem>> -> memref<1x64x128xf32, #tpu.memory_space<vmem>>
        %dma_start3A_2019 = tpu.memref_squeeze %dma_start3A_2018 : memref<1x64x128xf32, #tpu.memory_space<vmem>> -> memref<64x128xf32, #tpu.memory_space<vmem>>
        %dma_start3A_2020 = arith.constant 0 : i32
        %dma_start3A_2021 = tpu.memref_slice %arg4[%dma_start3A_2020, %multiple_of3A] : memref<64x1000000xf32, #tpu.memory_space<hbm>> -> memref<64x128xf32, #tpu.memory_space<hbm>>
        tpu.enqueue_dma source(%dma_start3A_2021 : memref<64x128xf32, #tpu.memory_space<hbm>>) target(%dma_start3A_2019 : memref<64x128xf32, #tpu.memory_space<vmem>>) target_semaphore(%dma_start3A_2015 : memref<!tpu.dma_semaphore, #tpu.memory_space<semaphore_mem>>)
      } else {
      }
      %slice3A_308 = vector.extract_strided_slice %get3A_110 {offsets = [1], sizes = [1], strides = [1]} : vector<16xi32> to vector<1xi32>
      %squeeze3A_309 = vector.extract %slice3A_308[0] : i32 from vector<1xi32>
      %eq3A_310 = arith.constant 1 : i32
      %eq3A_311 = arith.cmpi eq, %squeeze3A_309, %eq3A_310 : i32
      %convert_element_type3A_312 = arith.extui %eq3A_311 : i1 to i32
      %cond3A_313 = arith.constant 0 : i32
      %cond3A_314 = arith.cmpi ne, %convert_element_type3A_312, %cond3A_313 : i32
      scf.if %cond3A_314 {
        %dma_wait3A_1991 = arith.constant 0 : i32
        %dma_wait3A_1992 = arith.constant 0 : i32
        %dma_wait3A_1993 = tpu.memref_slice %arg11[%select_n3A_294, %dma_wait3A_1991, %dma_wait3A_1992] : memref<12x64x128xf32, #tpu.memory_space<vmem>> -> memref<1x64x128xf32, #tpu.memory_space<vmem>>
        %dma_wait3A_1994 = tpu.memref_squeeze %dma_wait3A_1993 : memref<1x64x128xf32, #tpu.memory_space<vmem>> -> memref<64x128xf32, #tpu.memory_space<vmem>>
        %dma_wait3A_1995 = arith.constant 0 : i32
        %dma_wait3A_1996 = arith.constant 0 : i32
        %dma_wait3A_1997 = tpu.memref_slice %arg4[%dma_wait3A_1995, %dma_wait3A_1996] : memref<64x1000000xf32, #tpu.memory_space<hbm>> -> memref<64x128xf32, #tpu.memory_space<hbm>>
        %dma_wait3A_1998 = tpu.memref_slice %arg13[%select_n3A_294] : memref<12x!tpu.dma_semaphore, #tpu.memory_space<semaphore_mem>> -> memref<1x!tpu.dma_semaphore, #tpu.memory_space<semaphore_mem>>
        %dma_wait3A_1999 = tpu.memref_squeeze %dma_wait3A_1998 : memref<1x!tpu.dma_semaphore, #tpu.memory_space<semaphore_mem>> -> memref<!tpu.dma_semaphore, #tpu.memory_space<semaphore_mem>>
        %dma_wait3A_2000 = arith.constant 0 : i32
        %dma_wait3A_2001 = arith.constant 0 : i32
        %dma_wait3A_2002 = tpu.memref_slice %arg11[%select_n3A_294, %dma_wait3A_2000, %dma_wait3A_2001] : memref<12x64x128xf32, #tpu.memory_space<vmem>> -> memref<1x64x128xf32, #tpu.memory_space<vmem>>
        %dma_wait3A_2003 = tpu.memref_squeeze %dma_wait3A_2002 : memref<1x64x128xf32, #tpu.memory_space<vmem>> -> memref<64x128xf32, #tpu.memory_space<vmem>>
        %dma_wait3A_2004 = arith.constant 0 : i32
        %dma_wait3A_2005 = arith.constant 0 : i32
        %dma_wait3A_2006 = tpu.memref_slice %arg4[%dma_wait3A_2004, %dma_wait3A_2005] : memref<64x1000000xf32, #tpu.memory_space<hbm>> -> memref<64x128xf32, #tpu.memory_space<hbm>>
        tpu.wait_dma2 semaphore(%dma_wait3A_1999 : memref<!tpu.dma_semaphore, #tpu.memory_space<semaphore_mem>>) src(%dma_wait3A_2006 : memref<64x128xf32, #tpu.memory_space<hbm>>) dst(%dma_wait3A_2003 : memref<64x128xf32, #tpu.memory_space<vmem>>)
      } else {
      }
      %slice3A_315 = vector.extract_strided_slice %get3A_108 {offsets = [1], sizes = [1], strides = [1]} : vector<16xi32> to vector<1xi32>
      %squeeze3A_316 = vector.extract %slice3A_315[0] : i32 from vector<1xi32>
      %and3A_317 = arith.constant 127 : i32
      %and3A_318 = arith.andi %squeeze3A_316, %and3A_317 : i32
      %broadcast_in_dim3A_319 = vector.broadcast %and3A_318 : i32 to vector<16xi32>
      %jit3A_320 = arith.constant 4 : i32
      %eq3A_321 = arith.constant 0 : i32
      %eq3A_322 = arith.cmpi eq, %jit3A_320, %eq3A_321 : i32
      %jit3A_323 = arith.constant 1 : i32
      %select_n3A_324 = arith.select %eq3A_322, %jit3A_323, %jit3A_320 : i32
      %rem3A_325 = arith.remsi %scan3A_103, %select_n3A_324 : i32
      %ne3A_326 = arith.constant 0 : i32
      %ne3A_327 = arith.cmpi ne, %rem3A_325, %ne3A_326 : i32
      %lt3A_328 = arith.constant 0 : i32
      %lt3A_329 = arith.cmpi slt, %rem3A_325, %lt3A_328 : i32
      %lt3A_330 = arith.constant 0 : i32
      %lt3A_331 = arith.cmpi slt, %select_n3A_324, %lt3A_330 : i32
      %ne3A_332 = arith.xori %lt3A_329, %lt3A_331 : i1
      %and3A_333 = arith.andi %ne3A_332, %ne3A_327 : i1
      %add3A_334 = arith.addi %rem3A_325, %select_n3A_324 : i32
      %select_n3A_335 = arith.select %and3A_333, %add3A_334, %rem3A_325 : i32
      %mul3A_336 = arith.constant 16 : i32
      %mul3A_337 = arith.muli %select_n3A_335, %mul3A_336 : i32
      %add3A_338 = arith.constant 1 : i32
      %add3A_339 = arith.addi %mul3A_337, %add3A_338 : i32
      %add3A_340 = arith.constant 0 : i32
      %add3A_341 = vector.broadcast %add3A_340 : i32 to vector<16xi32>
      %add3A_342 = arith.addi %iota3A, %add3A_341 : vector<16xi32>
      %gather3A_343 = arith.constant 0 : i32
      %gather3A_344 = arith.constant 0 : i32
      %gather3A_345 = tpu.memref_slice %arg11[%select_n3A_294, %gather3A_343, %gather3A_344] : memref<12x64x128xf32, #tpu.memory_space<vmem>> -> memref<1x64x128xf32, #tpu.memory_space<vmem>>
      %gather3A_346 = tpu.memref_squeeze %gather3A_345 : memref<1x64x128xf32, #tpu.memory_space<vmem>> -> memref<64x128xf32, #tpu.memory_space<vmem>>
      %gather3A_347 = tpu.vector_load_idx %gather3A_346[%add3A_342, %broadcast_in_dim3A_319] : memref<64x128xf32, #tpu.memory_space<vmem>>[vector<16xi32>, vector<16xi32>], vector<16xf32>,
      %swap3A_348 = arith.index_cast %select_n3A_142 : i32 to index
      %swap3A_349 = arith.index_cast %add3A_339 : i32 to index
      %swap3A_350 = arith.constant 0 : index
      %swap3A_351 = tpu.vector_load %arg12[%swap3A_348, %swap3A_349, %swap3A_350] {strides = array<i32>} : memref<2x64x128xf32, #tpu.memory_space<vmem>>, vector<16xf32>,
      tpu.vector_store %arg12[%swap3A_348, %swap3A_349, %swap3A_350], %gather3A_347 {strides = array<i32>} : memref<2x64x128xf32, #tpu.memory_space<vmem>>, vector<16xf32>,
      %add3A_352 = arith.constant 16 : i32
      %add3A_353 = vector.broadcast %add3A_352 : i32 to vector<16xi32>
      %add3A_354 = arith.addi %iota3A, %add3A_353 : vector<16xi32>
      %gather3A_355 = arith.constant 0 : i32
      %gather3A_356 = arith.constant 0 : i32
      %gather3A_357 = tpu.memref_slice %arg11[%select_n3A_294, %gather3A_355, %gather3A_356] : memref<12x64x128xf32, #tpu.memory_space<vmem>> -> memref<1x64x128xf32, #tpu.memory_space<vmem>>
      %gather3A_358 = tpu.memref_squeeze %gather3A_357 : memref<1x64x128xf32, #tpu.memory_space<vmem>> -> memref<64x128xf32, #tpu.memory_space<vmem>>
      %gather3A_359 = tpu.vector_load_idx %gather3A_358[%add3A_354, %broadcast_in_dim3A_319] : memref<64x128xf32, #tpu.memory_space<vmem>>[vector<16xi32>, vector<16xi32>], vector<16xf32>,
      %swap3A_360 = arith.index_cast %select_n3A_142 : i32 to index
      %swap3A_361 = arith.index_cast %add3A_339 : i32 to index
      %swap3A_362 = arith.constant 16 : index
      %swap3A_363 = tpu.vector_load %arg12[%swap3A_360, %swap3A_361, %swap3A_362] {strides = array<i32>} : memref<2x64x128xf32, #tpu.memory_space<vmem>>, vector<16xf32>,
      tpu.vector_store %arg12[%swap3A_360, %swap3A_361, %swap3A_362], %gather3A_359 {strides = array<i32>} : memref<2x64x128xf32, #tpu.memory_space<vmem>>, vector<16xf32>,
      %add3A_364 = arith.constant 32 : i32
      %add3A_365 = vector.broadcast %add3A_364 : i32 to vector<16xi32>
      %add3A_366 = arith.addi %iota3A, %add3A_365 : vector<16xi32>
      %gather3A_367 = arith.constant 0 : i32
      %gather3A_368 = arith.constant 0 : i32
      %gather3A_369 = tpu.memref_slice %arg11[%select_n3A_294, %gather3A_367, %gather3A_368] : memref<12x64x128xf32, #tpu.memory_space<vmem>> -> memref<1x64x128xf32, #tpu.memory_space<vmem>>
      %gather3A_370 = tpu.memref_squeeze %gather3A_369 : memref<1x64x128xf32, #tpu.memory_space<vmem>> -> memref<64x128xf32, #tpu.memory_space<vmem>>
      %gather3A_371 = tpu.vector_load_idx %gather3A_370[%add3A_366, %broadcast_in_dim3A_319] : memref<64x128xf32, #tpu.memory_space<vmem>>[vector<16xi32>, vector<16xi32>], vector<16xf32>,
      %swap3A_372 = arith.index_cast %select_n3A_142 : i32 to index
      %swap3A_373 = arith.index_cast %add3A_339 : i32 to index
      %swap3A_374 = arith.constant 32 : index
      %swap3A_375 = tpu.vector_load %arg12[%swap3A_372, %swap3A_373, %swap3A_374] {strides = array<i32>} : memref<2x64x128xf32, #tpu.memory_space<vmem>>, vector<16xf32>,
      tpu.vector_store %arg12[%swap3A_372, %swap3A_373, %swap3A_374], %gather3A_371 {strides = array<i32>} : memref<2x64x128xf32, #tpu.memory_space<vmem>>, vector<16xf32>,
      %add3A_376 = arith.constant 48 : i32
      %add3A_377 = vector.broadcast %add3A_376 : i32 to vector<16xi32>
      %add3A_378 = arith.addi %iota3A, %add3A_377 : vector<16xi32>
      %gather3A_379 = arith.constant 0 : i32
      %gather3A_380 = arith.constant 0 : i32
      %gather3A_381 = tpu.memref_slice %arg11[%select_n3A_294, %gather3A_379, %gather3A_380] : memref<12x64x128xf32, #tpu.memory_space<vmem>> -> memref<1x64x128xf32, #tpu.memory_space<vmem>>
      %gather3A_382 = tpu.memref_squeeze %gather3A_381 : memref<1x64x128xf32, #tpu.memory_space<vmem>> -> memref<64x128xf32, #tpu.memory_space<vmem>>
      %gather3A_383 = tpu.vector_load_idx %gather3A_382[%add3A_378, %broadcast_in_dim3A_319] : memref<64x128xf32, #tpu.memory_space<vmem>>[vector<16xi32>, vector<16xi32>], vector<16xf32>,
      %swap3A_384 = arith.index_cast %select_n3A_142 : i32 to index
      %swap3A_385 = arith.index_cast %add3A_339 : i32 to index
      %swap3A_386 = arith.constant 48 : index
      %swap3A_387 = tpu.vector_load %arg12[%swap3A_384, %swap3A_385, %swap3A_386] {strides = array<i32>} : memref<2x64x128xf32, #tpu.memory_space<vmem>>, vector<16xf32>,
      tpu.vector_store %arg12[%swap3A_384, %swap3A_385, %swap3A_386], %gather3A_383 {strides = array<i32>} : memref<2x64x128xf32, #tpu.memory_space<vmem>>, vector<16xf32>,
      %slice3A_388 = vector.extract_strided_slice %get3A_112 {offsets = [2], sizes = [1], strides = [1]} : vector<16xi32> to vector<1xi32>
      %squeeze3A_389 = vector.extract %slice3A_388[0] : i32 from vector<1xi32>
      %sub3A_390 = arith.constant 1 : i32
      %sub3A_391 = arith.subi %squeeze3A_389, %sub3A_390 : i32
      %jit3A_392 = arith.constant 12 : i32
      %eq3A_393 = arith.constant 0 : i32
      %eq3A_394 = arith.cmpi eq, %jit3A_392, %eq3A_393 : i32
      %jit3A_395 = arith.constant 1 : i32
      %select_n3A_396 = arith.select %eq3A_394, %jit3A_395, %jit3A_392 : i32
      %rem3A_397 = arith.remsi %sub3A_391, %select_n3A_396 : i32
      %ne3A_398 = arith.constant 0 : i32
      %ne3A_399 = arith.cmpi ne, %rem3A_397, %ne3A_398 : i32
      %lt3A_400 = arith.constant 0 : i32
      %lt3A_401 = arith.cmpi slt, %rem3A_397, %lt3A_400 : i32
      %lt3A_402 = arith.constant 0 : i32
      %lt3A_403 = arith.cmpi slt, %select_n3A_396, %lt3A_402 : i32
      %ne3A_404 = arith.xori %lt3A_401, %lt3A_403 : i1
      %and3A_405 = arith.andi %ne3A_404, %ne3A_399 : i1
      %add3A_406 = arith.addi %rem3A_397, %select_n3A_396 : i32
      %select_n3A_407 = arith.select %and3A_405, %add3A_406, %rem3A_397 : i32
      %add3A_408 = arith.constant 11 : i32
      %add3A_409 = arith.addi %squeeze3A_389, %add3A_408 : i32
      %min3A_410 = arith.minsi %add3A_409, %scan3A_6 : i32
      %sub3A_411 = arith.constant 1 : i32
      %sub3A_412 = arith.subi %min3A_410, %sub3A_411 : i32
      %broadcast_in_dim3A_413 = vector.broadcast %sub3A_412 : i32 to vector<16xi32>
      %gather3A_414 = tpu.vector_load_idx %arg9[%broadcast_in_dim3A_413] : memref<528xi32, #tpu.memory_space<vmem>>[vector<16xi32>], vector<16xi32>,
      %slice3A_415 = vector.extract_strided_slice %gather3A_414 {offsets = [0], sizes = [1], strides = [1]} : vector<16xi32> to vector<1xi32>
      %squeeze3A_416 = vector.extract %slice3A_415[0] : i32 from vector<1xi32>
      %gt3A_417 = arith.cmpi sgt, %min3A_410, %min3A_297 : i32
      %convert_element_type3A_418 = arith.extui %gt3A_417 : i1 to i32
      %cond3A_419 = arith.constant 0 : i32
      %cond3A_420 = arith.cmpi ne, %convert_element_type3A_418, %cond3A_419 : i32
      scf.if %cond3A_420 {
        %jit3A_1991 = arith.constant 12 : i32
        %eq3A_1992 = arith.constant 0 : i32
        %eq3A_1993 = arith.cmpi eq, %jit3A_1991, %eq3A_1992 : i32
        %jit3A_1994 = arith.constant 1 : i32
        %select_n3A_1995 = arith.select %eq3A_1993, %jit3A_1994, %jit3A_1991 : i32
        %rem3A_1996 = arith.remsi %sub3A_412, %select_n3A_1995 : i32
        %ne3A_1997 = arith.constant 0 : i32
        %ne3A_1998 = arith.cmpi ne, %rem3A_1996, %ne3A_1997 : i32
        %lt3A_1999 = arith.constant 0 : i32
        %lt3A_2000 = arith.cmpi slt, %rem3A_1996, %lt3A_1999 : i32
        %lt3A_2001 = arith.constant 0 : i32
        %lt3A_2002 = arith.cmpi slt, %select_n3A_1995, %lt3A_2001 : i32
        %ne3A_2003 = arith.xori %lt3A_2000, %lt3A_2002 : i1
        %and3A_2004 = arith.andi %ne3A_2003, %ne3A_1998 : i1
        %add3A_2005 = arith.addi %rem3A_1996, %select_n3A_1995 : i32
        %select_n3A_2006 = arith.select %and3A_2004, %add3A_2005, %rem3A_1996 : i32
        %mul3A_2007 = arith.constant 128 : i32
        %mul3A_2008 = arith.muli %squeeze3A_416, %mul3A_2007 : i32
        %multiple_of3A = tpu.assume_multiple %mul3A_2008, 128 : i32
        %dma_start3A = arith.constant 0 : i32
        %dma_start3A_2009 = arith.constant 0 : i32
        %dma_start3A_2010 = tpu.memref_slice %arg11[%select_n3A_2006, %dma_start3A, %dma_start3A_2009] : memref<12x64x128xf32, #tpu.memory_space<vmem>> -> memref<1x64x128xf32, #tpu.memory_space<vmem>>
        %dma_start3A_2011 = tpu.memref_squeeze %dma_start3A_2010 : memref<1x64x128xf32, #tpu.memory_space<vmem>> -> memref<64x128xf32, #tpu.memory_space<vmem>>
        %dma_start3A_2012 = arith.constant 0 : i32
        %dma_start3A_2013 = tpu.memref_slice %arg4[%dma_start3A_2012, %multiple_of3A] : memref<64x1000000xf32, #tpu.memory_space<hbm>> -> memref<64x128xf32, #tpu.memory_space<hbm>>
        %dma_start3A_2014 = tpu.memref_slice %arg13[%select_n3A_2006] : memref<12x!tpu.dma_semaphore, #tpu.memory_space<semaphore_mem>> -> memref<1x!tpu.dma_semaphore, #tpu.memory_space<semaphore_mem>>
        %dma_start3A_2015 = tpu.memref_squeeze %dma_start3A_2014 : memref<1x!tpu.dma_semaphore, #tpu.memory_space<semaphore_mem>> -> memref<!tpu.dma_semaphore, #tpu.memory_space<semaphore_mem>>
        %dma_start3A_2016 = arith.constant 0 : i32
        %dma_start3A_2017 = arith.constant 0 : i32
        %dma_start3A_2018 = tpu.memref_slice %arg11[%select_n3A_2006, %dma_start3A_2016, %dma_start3A_2017] : memref<12x64x128xf32, #tpu.memory_space<vmem>> -> memref<1x64x128xf32, #tpu.memory_space<vmem>>
        %dma_start3A_2019 = tpu.memref_squeeze %dma_start3A_2018 : memref<1x64x128xf32, #tpu.memory_space<vmem>> -> memref<64x128xf32, #tpu.memory_space<vmem>>
        %dma_start3A_2020 = arith.constant 0 : i32
        %dma_start3A_2021 = tpu.memref_slice %arg4[%dma_start3A_2020, %multiple_of3A] : memref<64x1000000xf32, #tpu.memory_space<hbm>> -> memref<64x128xf32, #tpu.memory_space<hbm>>
        tpu.enqueue_dma source(%dma_start3A_2021 : memref<64x128xf32, #tpu.memory_space<hbm>>) target(%dma_start3A_2019 : memref<64x128xf32, #tpu.memory_space<vmem>>) target_semaphore(%dma_start3A_2015 : memref<!tpu.dma_semaphore, #tpu.memory_space<semaphore_mem>>)
      } else {
      }
      %slice3A_421 = vector.extract_strided_slice %get3A_110 {offsets = [2], sizes = [1], strides = [1]} : vector<16xi32> to vector<1xi32>
      %squeeze3A_422 = vector.extract %slice3A_421[0] : i32 from vector<1xi32>
      %eq3A_423 = arith.constant 1 : i32
      %eq3A_424 = arith.cmpi eq, %squeeze3A_422, %eq3A_423 : i32
      %convert_element_type3A_425 = arith.extui %eq3A_424 : i1 to i32
      %cond3A_426 = arith.constant 0 : i32
      %cond3A_427 = arith.cmpi ne, %convert_element_type3A_425, %cond3A_426 : i32
      scf.if %cond3A_427 {
        %dma_wait3A_1991 = arith.constant 0 : i32
        %dma_wait3A_1992 = arith.constant 0 : i32
        %dma_wait3A_1993 = tpu.memref_slice %arg11[%select_n3A_407, %dma_wait3A_1991, %dma_wait3A_1992] : memref<12x64x128xf32, #tpu.memory_space<vmem>> -> memref<1x64x128xf32, #tpu.memory_space<vmem>>
        %dma_wait3A_1994 = tpu.memref_squeeze %dma_wait3A_1993 : memref<1x64x128xf32, #tpu.memory_space<vmem>> -> memref<64x128xf32, #tpu.memory_space<vmem>>
        %dma_wait3A_1995 = arith.constant 0 : i32
        %dma_wait3A_1996 = arith.constant 0 : i32
        %dma_wait3A_1997 = tpu.memref_slice %arg4[%dma_wait3A_1995, %dma_wait3A_1996] : memref<64x1000000xf32, #tpu.memory_space<hbm>> -> memref<64x128xf32, #tpu.memory_space<hbm>>
        %dma_wait3A_1998 = tpu.memref_slice %arg13[%select_n3A_407] : memref<12x!tpu.dma_semaphore, #tpu.memory_space<semaphore_mem>> -> memref<1x!tpu.dma_semaphore, #tpu.memory_space<semaphore_mem>>
        %dma_wait3A_1999 = tpu.memref_squeeze %dma_wait3A_1998 : memref<1x!tpu.dma_semaphore, #tpu.memory_space<semaphore_mem>> -> memref<!tpu.dma_semaphore, #tpu.memory_space<semaphore_mem>>
        %dma_wait3A_2000 = arith.constant 0 : i32
        %dma_wait3A_2001 = arith.constant 0 : i32
        %dma_wait3A_2002 = tpu.memref_slice %arg11[%select_n3A_407, %dma_wait3A_2000, %dma_wait3A_2001] : memref<12x64x128xf32, #tpu.memory_space<vmem>> -> memref<1x64x128xf32, #tpu.memory_space<vmem>>
        %dma_wait3A_2003 = tpu.memref_squeeze %dma_wait3A_2002 : memref<1x64x128xf32, #tpu.memory_space<vmem>> -> memref<64x128xf32, #tpu.memory_space<vmem>>
        %dma_wait3A_2004 = arith.constant 0 : i32
        %dma_wait3A_2005 = arith.constant 0 : i32
        %dma_wait3A_2006 = tpu.memref_slice %arg4[%dma_wait3A_2004, %dma_wait3A_2005] : memref<64x1000000xf32, #tpu.memory_space<hbm>> -> memref<64x128xf32, #tpu.memory_space<hbm>>
        tpu.wait_dma2 semaphore(%dma_wait3A_1999 : memref<!tpu.dma_semaphore, #tpu.memory_space<semaphore_mem>>) src(%dma_wait3A_2006 : memref<64x128xf32, #tpu.memory_space<hbm>>) dst(%dma_wait3A_2003 : memref<64x128xf32, #tpu.memory_space<vmem>>)
      } else {
      }
      %slice3A_428 = vector.extract_strided_slice %get3A_108 {offsets = [2], sizes = [1], strides = [1]} : vector<16xi32> to vector<1xi32>
      %squeeze3A_429 = vector.extract %slice3A_428[0] : i32 from vector<1xi32>
      %and3A_430 = arith.constant 127 : i32
      %and3A_431 = arith.andi %squeeze3A_429, %and3A_430 : i32
      %broadcast_in_dim3A_432 = vector.broadcast %and3A_431 : i32 to vector<16xi32>
      %jit3A_433 = arith.constant 4 : i32
      %eq3A_434 = arith.constant 0 : i32
      %eq3A_435 = arith.cmpi eq, %jit3A_433, %eq3A_434 : i32
      %jit3A_436 = arith.constant 1 : i32
      %select_n3A_437 = arith.select %eq3A_435, %jit3A_436, %jit3A_433 : i32
      %rem3A_438 = arith.remsi %scan3A_103, %select_n3A_437 : i32
      %ne3A_439 = arith.constant 0 : i32
      %ne3A_440 = arith.cmpi ne, %rem3A_438, %ne3A_439 : i32
      %lt3A_441 = arith.constant 0 : i32
      %lt3A_442 = arith.cmpi slt, %rem3A_438, %lt3A_441 : i32
      %lt3A_443 = arith.constant 0 : i32
      %lt3A_444 = arith.cmpi slt, %select_n3A_437, %lt3A_443 : i32
      %ne3A_445 = arith.xori %lt3A_442, %lt3A_444 : i1
      %and3A_446 = arith.andi %ne3A_445, %ne3A_440 : i1
      %add3A_447 = arith.addi %rem3A_438, %select_n3A_437 : i32
      %select_n3A_448 = arith.select %and3A_446, %add3A_447, %rem3A_438 : i32
      %mul3A_449 = arith.constant 16 : i32
      %mul3A_450 = arith.muli %select_n3A_448, %mul3A_449 : i32
      %add3A_451 = arith.constant 2 : i32
      %add3A_452 = arith.addi %mul3A_450, %add3A_451 : i32
      %add3A_453 = arith.constant 0 : i32
      %add3A_454 = vector.broadcast %add3A_453 : i32 to vector<16xi32>
      %add3A_455 = arith.addi %iota3A, %add3A_454 : vector<16xi32>
      %gather3A_456 = arith.constant 0 : i32
      %gather3A_457 = arith.constant 0 : i32
      %gather3A_458 = tpu.memref_slice %arg11[%select_n3A_407, %gather3A_456, %gather3A_457] : memref<12x64x128xf32, #tpu.memory_space<vmem>> -> memref<1x64x128xf32, #tpu.memory_space<vmem>>
      %gather3A_459 = tpu.memref_squeeze %gather3A_458 : memref<1x64x128xf32, #tpu.memory_space<vmem>> -> memref<64x128xf32, #tpu.memory_space<vmem>>
      %gather3A_460 = tpu.vector_load_idx %gather3A_459[%add3A_455, %broadcast_in_dim3A_432] : memref<64x128xf32, #tpu.memory_space<vmem>>[vector<16xi32>, vector<16xi32>], vector<16xf32>,
      %swap3A_461 = arith.index_cast %select_n3A_142 : i32 to index
      %swap3A_462 = arith.index_cast %add3A_452 : i32 to index
      %swap3A_463 = arith.constant 0 : index
      %swap3A_464 = tpu.vector_load %arg12[%swap3A_461, %swap3A_462, %swap3A_463] {strides = array<i32>} : memref<2x64x128xf32, #tpu.memory_space<vmem>>, vector<16xf32>,
      tpu.vector_store %arg12[%swap3A_461, %swap3A_462, %swap3A_463], %gather3A_460 {strides = array<i32>} : memref<2x64x128xf32, #tpu.memory_space<vmem>>, vector<16xf32>,
      %add3A_465 = arith.constant 16 : i32
      %add3A_466 = vector.broadcast %add3A_465 : i32 to vector<16xi32>
      %add3A_467 = arith.addi %iota3A, %add3A_466 : vector<16xi32>
      %gather3A_468 = arith.constant 0 : i32
      %gather3A_469 = arith.constant 0 : i32
      %gather3A_470 = tpu.memref_slice %arg11[%select_n3A_407, %gather3A_468, %gather3A_469] : memref<12x64x128xf32, #tpu.memory_space<vmem>> -> memref<1x64x128xf32, #tpu.memory_space<vmem>>
      %gather3A_471 = tpu.memref_squeeze %gather3A_470 : memref<1x64x128xf32, #tpu.memory_space<vmem>> -> memref<64x128xf32, #tpu.memory_space<vmem>>
      %gather3A_472 = tpu.vector_load_idx %gather3A_471[%add3A_467, %broadcast_in_dim3A_432] : memref<64x128xf32, #tpu.memory_space<vmem>>[vector<16xi32>, vector<16xi32>], vector<16xf32>,
      %swap3A_473 = arith.index_cast %select_n3A_142 : i32 to index
      %swap3A_474 = arith.index_cast %add3A_452 : i32 to index
      %swap3A_475 = arith.constant 16 : index
      %swap3A_476 = tpu.vector_load %arg12[%swap3A_473, %swap3A_474, %swap3A_475] {strides = array<i32>} : memref<2x64x128xf32, #tpu.memory_space<vmem>>, vector<16xf32>,
      tpu.vector_store %arg12[%swap3A_473, %swap3A_474, %swap3A_475], %gather3A_472 {strides = array<i32>} : memref<2x64x128xf32, #tpu.memory_space<vmem>>, vector<16xf32>,
      %add3A_477 = arith.constant 32 : i32
      %add3A_478 = vector.broadcast %add3A_477 : i32 to vector<16xi32>
      %add3A_479 = arith.addi %iota3A, %add3A_478 : vector<16xi32>
      %gather3A_480 = arith.constant 0 : i32
      %gather3A_481 = arith.constant 0 : i32
      %gather3A_482 = tpu.memref_slice %arg11[%select_n3A_407, %gather3A_480, %gather3A_481] : memref<12x64x128xf32, #tpu.memory_space<vmem>> -> memref<1x64x128xf32, #tpu.memory_space<vmem>>
      %gather3A_483 = tpu.memref_squeeze %gather3A_482 : memref<1x64x128xf32, #tpu.memory_space<vmem>> -> memref<64x128xf32, #tpu.memory_space<vmem>>
      %gather3A_484 = tpu.vector_load_idx %gather3A_483[%add3A_479, %broadcast_in_dim3A_432] : memref<64x128xf32, #tpu.memory_space<vmem>>[vector<16xi32>, vector<16xi32>], vector<16xf32>,
      %swap3A_485 = arith.index_cast %select_n3A_142 : i32 to index
      %swap3A_486 = arith.index_cast %add3A_452 : i32 to index
      %swap3A_487 = arith.constant 32 : index
      %swap3A_488 = tpu.vector_load %arg12[%swap3A_485, %swap3A_486, %swap3A_487] {strides = array<i32>} : memref<2x64x128xf32, #tpu.memory_space<vmem>>, vector<16xf32>,
      tpu.vector_store %arg12[%swap3A_485, %swap3A_486, %swap3A_487], %gather3A_484 {strides = array<i32>} : memref<2x64x128xf32, #tpu.memory_space<vmem>>, vector<16xf32>,
      %add3A_489 = arith.constant 48 : i32
      %add3A_490 = vector.broadcast %add3A_489 : i32 to vector<16xi32>
      %add3A_491 = arith.addi %iota3A, %add3A_490 : vector<16xi32>
      %gather3A_492 = arith.constant 0 : i32
      %gather3A_493 = arith.constant 0 : i32
      %gather3A_494 = tpu.memref_slice %arg11[%select_n3A_407, %gather3A_492, %gather3A_493] : memref<12x64x128xf32, #tpu.memory_space<vmem>> -> memref<1x64x128xf32, #tpu.memory_space<vmem>>
      %gather3A_495 = tpu.memref_squeeze %gather3A_494 : memref<1x64x128xf32, #tpu.memory_space<vmem>> -> memref<64x128xf32, #tpu.memory_space<vmem>>
      %gather3A_496 = tpu.vector_load_idx %gather3A_495[%add3A_491, %broadcast_in_dim3A_432] : memref<64x128xf32, #tpu.memory_space<vmem>>[vector<16xi32>, vector<16xi32>], vector<16xf32>,
      %swap3A_497 = arith.index_cast %select_n3A_142 : i32 to index
      %swap3A_498 = arith.index_cast %add3A_452 : i32 to index
      %swap3A_499 = arith.constant 48 : index
      %swap3A_500 = tpu.vector_load %arg12[%swap3A_497, %swap3A_498, %swap3A_499] {strides = array<i32>} : memref<2x64x128xf32, #tpu.memory_space<vmem>>, vector<16xf32>,
      tpu.vector_store %arg12[%swap3A_497, %swap3A_498, %swap3A_499], %gather3A_496 {strides = array<i32>} : memref<2x64x128xf32, #tpu.memory_space<vmem>>, vector<16xf32>,
      %slice3A_501 = vector.extract_strided_slice %get3A_112 {offsets = [3], sizes = [1], strides = [1]} : vector<16xi32> to vector<1xi32>
      %squeeze3A_502 = vector.extract %slice3A_501[0] : i32 from vector<1xi32>
      %sub3A_503 = arith.constant 1 : i32
      %sub3A_504 = arith.subi %squeeze3A_502, %sub3A_503 : i32
      %jit3A_505 = arith.constant 12 : i32
      %eq3A_506 = arith.constant 0 : i32
      %eq3A_507 = arith.cmpi eq, %jit3A_505, %eq3A_506 : i32
      %jit3A_508 = arith.constant 1 : i32
      %select_n3A_509 = arith.select %eq3A_507, %jit3A_508, %jit3A_505 : i32
      %rem3A_510 = arith.remsi %sub3A_504, %select_n3A_509 : i32
      %ne3A_511 = arith.constant 0 : i32
      %ne3A_512 = arith.cmpi ne, %rem3A_510, %ne3A_511 : i32
      %lt3A_513 = arith.constant 0 : i32
      %lt3A_514 = arith.cmpi slt, %rem3A_510, %lt3A_513 : i32
      %lt3A_515 = arith.constant 0 : i32
      %lt3A_516 = arith.cmpi slt, %select_n3A_509, %lt3A_515 : i32
      %ne3A_517 = arith.xori %lt3A_514, %lt3A_516 : i1
      %and3A_518 = arith.andi %ne3A_517, %ne3A_512 : i1
      %add3A_519 = arith.addi %rem3A_510, %select_n3A_509 : i32
      %select_n3A_520 = arith.select %and3A_518, %add3A_519, %rem3A_510 : i32
      %add3A_521 = arith.constant 11 : i32
      %add3A_522 = arith.addi %squeeze3A_502, %add3A_521 : i32
      %min3A_523 = arith.minsi %add3A_522, %scan3A_6 : i32
      %sub3A_524 = arith.constant 1 : i32
      %sub3A_525 = arith.subi %min3A_523, %sub3A_524 : i32
      %broadcast_in_dim3A_526 = vector.broadcast %sub3A_525 : i32 to vector<16xi32>
      %gather3A_527 = tpu.vector_load_idx %arg9[%broadcast_in_dim3A_526] : memref<528xi32, #tpu.memory_space<vmem>>[vector<16xi32>], vector<16xi32>,
      %slice3A_528 = vector.extract_strided_slice %gather3A_527 {offsets = [0], sizes = [1], strides = [1]} : vector<16xi32> to vector<1xi32>
      %squeeze3A_529 = vector.extract %slice3A_528[0] : i32 from vector<1xi32>
      %gt3A_530 = arith.cmpi sgt, %min3A_523, %min3A_410 : i32
      %convert_element_type3A_531 = arith.extui %gt3A_530 : i1 to i32
      %cond3A_532 = arith.constant 0 : i32
      %cond3A_533 = arith.cmpi ne, %convert_element_type3A_531, %cond3A_532 : i32
      scf.if %cond3A_533 {
        %jit3A_1991 = arith.constant 12 : i32
        %eq3A_1992 = arith.constant 0 : i32
        %eq3A_1993 = arith.cmpi eq, %jit3A_1991, %eq3A_1992 : i32
        %jit3A_1994 = arith.constant 1 : i32
        %select_n3A_1995 = arith.select %eq3A_1993, %jit3A_1994, %jit3A_1991 : i32
        %rem3A_1996 = arith.remsi %sub3A_525, %select_n3A_1995 : i32
        %ne3A_1997 = arith.constant 0 : i32
        %ne3A_1998 = arith.cmpi ne, %rem3A_1996, %ne3A_1997 : i32
        %lt3A_1999 = arith.constant 0 : i32
        %lt3A_2000 = arith.cmpi slt, %rem3A_1996, %lt3A_1999 : i32
        %lt3A_2001 = arith.constant 0 : i32
        %lt3A_2002 = arith.cmpi slt, %select_n3A_1995, %lt3A_2001 : i32
        %ne3A_2003 = arith.xori %lt3A_2000, %lt3A_2002 : i1
        %and3A_2004 = arith.andi %ne3A_2003, %ne3A_1998 : i1
        %add3A_2005 = arith.addi %rem3A_1996, %select_n3A_1995 : i32
        %select_n3A_2006 = arith.select %and3A_2004, %add3A_2005, %rem3A_1996 : i32
        %mul3A_2007 = arith.constant 128 : i32
        %mul3A_2008 = arith.muli %squeeze3A_529, %mul3A_2007 : i32
        %multiple_of3A = tpu.assume_multiple %mul3A_2008, 128 : i32
        %dma_start3A = arith.constant 0 : i32
        %dma_start3A_2009 = arith.constant 0 : i32
        %dma_start3A_2010 = tpu.memref_slice %arg11[%select_n3A_2006, %dma_start3A, %dma_start3A_2009] : memref<12x64x128xf32, #tpu.memory_space<vmem>> -> memref<1x64x128xf32, #tpu.memory_space<vmem>>
        %dma_start3A_2011 = tpu.memref_squeeze %dma_start3A_2010 : memref<1x64x128xf32, #tpu.memory_space<vmem>> -> memref<64x128xf32, #tpu.memory_space<vmem>>
        %dma_start3A_2012 = arith.constant 0 : i32
        %dma_start3A_2013 = tpu.memref_slice %arg4[%dma_start3A_2012, %multiple_of3A] : memref<64x1000000xf32, #tpu.memory_space<hbm>> -> memref<64x128xf32, #tpu.memory_space<hbm>>
        %dma_start3A_2014 = tpu.memref_slice %arg13[%select_n3A_2006] : memref<12x!tpu.dma_semaphore, #tpu.memory_space<semaphore_mem>> -> memref<1x!tpu.dma_semaphore, #tpu.memory_space<semaphore_mem>>
        %dma_start3A_2015 = tpu.memref_squeeze %dma_start3A_2014 : memref<1x!tpu.dma_semaphore, #tpu.memory_space<semaphore_mem>> -> memref<!tpu.dma_semaphore, #tpu.memory_space<semaphore_mem>>
        %dma_start3A_2016 = arith.constant 0 : i32
        %dma_start3A_2017 = arith.constant 0 : i32
        %dma_start3A_2018 = tpu.memref_slice %arg11[%select_n3A_2006, %dma_start3A_2016, %dma_start3A_2017] : memref<12x64x128xf32, #tpu.memory_space<vmem>> -> memref<1x64x128xf32, #tpu.memory_space<vmem>>
        %dma_start3A_2019 = tpu.memref_squeeze %dma_start3A_2018 : memref<1x64x128xf32, #tpu.memory_space<vmem>> -> memref<64x128xf32, #tpu.memory_space<vmem>>
        %dma_start3A_2020 = arith.constant 0 : i32
        %dma_start3A_2021 = tpu.memref_slice %arg4[%dma_start3A_2020, %multiple_of3A] : memref<64x1000000xf32, #tpu.memory_space<hbm>> -> memref<64x128xf32, #tpu.memory_space<hbm>>
        tpu.enqueue_dma source(%dma_start3A_2021 : memref<64x128xf32, #tpu.memory_space<hbm>>) target(%dma_start3A_2019 : memref<64x128xf32, #tpu.memory_space<vmem>>) target_semaphore(%dma_start3A_2015 : memref<!tpu.dma_semaphore, #tpu.memory_space<semaphore_mem>>)
      } else {
      }
      %slice3A_534 = vector.extract_strided_slice %get3A_110 {offsets = [3], sizes = [1], strides = [1]} : vector<16xi32> to vector<1xi32>
      %squeeze3A_535 = vector.extract %slice3A_534[0] : i32 from vector<1xi32>
      %eq3A_536 = arith.constant 1 : i32
      %eq3A_537 = arith.cmpi eq, %squeeze3A_535, %eq3A_536 : i32
      %convert_element_type3A_538 = arith.extui %eq3A_537 : i1 to i32
      %cond3A_539 = arith.constant 0 : i32
      %cond3A_540 = arith.cmpi ne, %convert_element_type3A_538, %cond3A_539 : i32
      scf.if %cond3A_540 {
        %dma_wait3A_1991 = arith.constant 0 : i32
        %dma_wait3A_1992 = arith.constant 0 : i32
        %dma_wait3A_1993 = tpu.memref_slice %arg11[%select_n3A_520, %dma_wait3A_1991, %dma_wait3A_1992] : memref<12x64x128xf32, #tpu.memory_space<vmem>> -> memref<1x64x128xf32, #tpu.memory_space<vmem>>
        %dma_wait3A_1994 = tpu.memref_squeeze %dma_wait3A_1993 : memref<1x64x128xf32, #tpu.memory_space<vmem>> -> memref<64x128xf32, #tpu.memory_space<vmem>>
        %dma_wait3A_1995 = arith.constant 0 : i32
        %dma_wait3A_1996 = arith.constant 0 : i32
        %dma_wait3A_1997 = tpu.memref_slice %arg4[%dma_wait3A_1995, %dma_wait3A_1996] : memref<64x1000000xf32, #tpu.memory_space<hbm>> -> memref<64x128xf32, #tpu.memory_space<hbm>>
        %dma_wait3A_1998 = tpu.memref_slice %arg13[%select_n3A_520] : memref<12x!tpu.dma_semaphore, #tpu.memory_space<semaphore_mem>> -> memref<1x!tpu.dma_semaphore, #tpu.memory_space<semaphore_mem>>
        %dma_wait3A_1999 = tpu.memref_squeeze %dma_wait3A_1998 : memref<1x!tpu.dma_semaphore, #tpu.memory_space<semaphore_mem>> -> memref<!tpu.dma_semaphore, #tpu.memory_space<semaphore_mem>>
        %dma_wait3A_2000 = arith.constant 0 : i32
        %dma_wait3A_2001 = arith.constant 0 : i32
        %dma_wait3A_2002 = tpu.memref_slice %arg11[%select_n3A_520, %dma_wait3A_2000, %dma_wait3A_2001] : memref<12x64x128xf32, #tpu.memory_space<vmem>> -> memref<1x64x128xf32, #tpu.memory_space<vmem>>
        %dma_wait3A_2003 = tpu.memref_squeeze %dma_wait3A_2002 : memref<1x64x128xf32, #tpu.memory_space<vmem>> -> memref<64x128xf32, #tpu.memory_space<vmem>>
        %dma_wait3A_2004 = arith.constant 0 : i32
        %dma_wait3A_2005 = arith.constant 0 : i32
        %dma_wait3A_2006 = tpu.memref_slice %arg4[%dma_wait3A_2004, %dma_wait3A_2005] : memref<64x1000000xf32, #tpu.memory_space<hbm>> -> memref<64x128xf32, #tpu.memory_space<hbm>>
        tpu.wait_dma2 semaphore(%dma_wait3A_1999 : memref<!tpu.dma_semaphore, #tpu.memory_space<semaphore_mem>>) src(%dma_wait3A_2006 : memref<64x128xf32, #tpu.memory_space<hbm>>) dst(%dma_wait3A_2003 : memref<64x128xf32, #tpu.memory_space<vmem>>)
      } else {
      }
      %slice3A_541 = vector.extract_strided_slice %get3A_108 {offsets = [3], sizes = [1], strides = [1]} : vector<16xi32> to vector<1xi32>
      %squeeze3A_542 = vector.extract %slice3A_541[0] : i32 from vector<1xi32>
      %and3A_543 = arith.constant 127 : i32
      %and3A_544 = arith.andi %squeeze3A_542, %and3A_543 : i32
      %broadcast_in_dim3A_545 = vector.broadcast %and3A_544 : i32 to vector<16xi32>
      %jit3A_546 = arith.constant 4 : i32
      %eq3A_547 = arith.constant 0 : i32
      %eq3A_548 = arith.cmpi eq, %jit3A_546, %eq3A_547 : i32
      %jit3A_549 = arith.constant 1 : i32
      %select_n3A_550 = arith.select %eq3A_548, %jit3A_549, %jit3A_546 : i32
      %rem3A_551 = arith.remsi %scan3A_103, %select_n3A_550 : i32
      %ne3A_552 = arith.constant 0 : i32
      %ne3A_553 = arith.cmpi ne, %rem3A_551, %ne3A_552 : i32
      %lt3A_554 = arith.constant 0 : i32
      %lt3A_555 = arith.cmpi slt, %rem3A_551, %lt3A_554 : i32
      %lt3A_556 = arith.constant 0 : i32
      %lt3A_557 = arith.cmpi slt, %select_n3A_550, %lt3A_556 : i32
      %ne3A_558 = arith.xori %lt3A_555, %lt3A_557 : i1
      %and3A_559 = arith.andi %ne3A_558, %ne3A_553 : i1
      %add3A_560 = arith.addi %rem3A_551, %select_n3A_550 : i32
      %select_n3A_561 = arith.select %and3A_559, %add3A_560, %rem3A_551 : i32
      %mul3A_562 = arith.constant 16 : i32
      %mul3A_563 = arith.muli %select_n3A_561, %mul3A_562 : i32
      %add3A_564 = arith.constant 3 : i32
      %add3A_565 = arith.addi %mul3A_563, %add3A_564 : i32
      %add3A_566 = arith.constant 0 : i32
      %add3A_567 = vector.broadcast %add3A_566 : i32 to vector<16xi32>
      %add3A_568 = arith.addi %iota3A, %add3A_567 : vector<16xi32>
      %gather3A_569 = arith.constant 0 : i32
      %gather3A_570 = arith.constant 0 : i32
      %gather3A_571 = tpu.memref_slice %arg11[%select_n3A_520, %gather3A_569, %gather3A_570] : memref<12x64x128xf32, #tpu.memory_space<vmem>> -> memref<1x64x128xf32, #tpu.memory_space<vmem>>
      %gather3A_572 = tpu.memref_squeeze %gather3A_571 : memref<1x64x128xf32, #tpu.memory_space<vmem>> -> memref<64x128xf32, #tpu.memory_space<vmem>>
      %gather3A_573 = tpu.vector_load_idx %gather3A_572[%add3A_568, %broadcast_in_dim3A_545] : memref<64x128xf32, #tpu.memory_space<vmem>>[vector<16xi32>, vector<16xi32>], vector<16xf32>,
      %swap3A_574 = arith.index_cast %select_n3A_142 : i32 to index
      %swap3A_575 = arith.index_cast %add3A_565 : i32 to index
      %swap3A_576 = arith.constant 0 : index
      %swap3A_577 = tpu.vector_load %arg12[%swap3A_574, %swap3A_575, %swap3A_576] {strides = array<i32>} : memref<2x64x128xf32, #tpu.memory_space<vmem>>, vector<16xf32>,
      tpu.vector_store %arg12[%swap3A_574, %swap3A_575, %swap3A_576], %gather3A_573 {strides = array<i32>} : memref<2x64x128xf32, #tpu.memory_space<vmem>>, vector<16xf32>,
      %add3A_578 = arith.constant 16 : i32
      %add3A_579 = vector.broadcast %add3A_578 : i32 to vector<16xi32>
      %add3A_580 = arith.addi %iota3A, %add3A_579 : vector<16xi32>
      %gather3A_581 = arith.constant 0 : i32
      %gather3A_582 = arith.constant 0 : i32
      %gather3A_583 = tpu.memref_slice %arg11[%select_n3A_520, %gather3A_581, %gather3A_582] : memref<12x64x128xf32, #tpu.memory_space<vmem>> -> memref<1x64x128xf32, #tpu.memory_space<vmem>>
      %gather3A_584 = tpu.memref_squeeze %gather3A_583 : memref<1x64x128xf32, #tpu.memory_space<vmem>> -> memref<64x128xf32, #tpu.memory_space<vmem>>
      %gather3A_585 = tpu.vector_load_idx %gather3A_584[%add3A_580, %broadcast_in_dim3A_545] : memref<64x128xf32, #tpu.memory_space<vmem>>[vector<16xi32>, vector<16xi32>], vector<16xf32>,
      %swap3A_586 = arith.index_cast %select_n3A_142 : i32 to index
      %swap3A_587 = arith.index_cast %add3A_565 : i32 to index
      %swap3A_588 = arith.constant 16 : index
      %swap3A_589 = tpu.vector_load %arg12[%swap3A_586, %swap3A_587, %swap3A_588] {strides = array<i32>} : memref<2x64x128xf32, #tpu.memory_space<vmem>>, vector<16xf32>,
      tpu.vector_store %arg12[%swap3A_586, %swap3A_587, %swap3A_588], %gather3A_585 {strides = array<i32>} : memref<2x64x128xf32, #tpu.memory_space<vmem>>, vector<16xf32>,
      %add3A_590 = arith.constant 32 : i32
      %add3A_591 = vector.broadcast %add3A_590 : i32 to vector<16xi32>
      %add3A_592 = arith.addi %iota3A, %add3A_591 : vector<16xi32>
      %gather3A_593 = arith.constant 0 : i32
      %gather3A_594 = arith.constant 0 : i32
      %gather3A_595 = tpu.memref_slice %arg11[%select_n3A_520, %gather3A_593, %gather3A_594] : memref<12x64x128xf32, #tpu.memory_space<vmem>> -> memref<1x64x128xf32, #tpu.memory_space<vmem>>
      %gather3A_596 = tpu.memref_squeeze %gather3A_595 : memref<1x64x128xf32, #tpu.memory_space<vmem>> -> memref<64x128xf32, #tpu.memory_space<vmem>>
      %gather3A_597 = tpu.vector_load_idx %gather3A_596[%add3A_592, %broadcast_in_dim3A_545] : memref<64x128xf32, #tpu.memory_space<vmem>>[vector<16xi32>, vector<16xi32>], vector<16xf32>,
      %swap3A_598 = arith.index_cast %select_n3A_142 : i32 to index
      %swap3A_599 = arith.index_cast %add3A_565 : i32 to index
      %swap3A_600 = arith.constant 32 : index
      %swap3A_601 = tpu.vector_load %arg12[%swap3A_598, %swap3A_599, %swap3A_600] {strides = array<i32>} : memref<2x64x128xf32, #tpu.memory_space<vmem>>, vector<16xf32>,
      tpu.vector_store %arg12[%swap3A_598, %swap3A_599, %swap3A_600], %gather3A_597 {strides = array<i32>} : memref<2x64x128xf32, #tpu.memory_space<vmem>>, vector<16xf32>,
      %add3A_602 = arith.constant 48 : i32
      %add3A_603 = vector.broadcast %add3A_602 : i32 to vector<16xi32>
      %add3A_604 = arith.addi %iota3A, %add3A_603 : vector<16xi32>
      %gather3A_605 = arith.constant 0 : i32
      %gather3A_606 = arith.constant 0 : i32
      %gather3A_607 = tpu.memref_slice %arg11[%select_n3A_520, %gather3A_605, %gather3A_606] : memref<12x64x128xf32, #tpu.memory_space<vmem>> -> memref<1x64x128xf32, #tpu.memory_space<vmem>>
      %gather3A_608 = tpu.memref_squeeze %gather3A_607 : memref<1x64x128xf32, #tpu.memory_space<vmem>> -> memref<64x128xf32, #tpu.memory_space<vmem>>
      %gather3A_609 = tpu.vector_load_idx %gather3A_608[%add3A_604, %broadcast_in_dim3A_545] : memref<64x128xf32, #tpu.memory_space<vmem>>[vector<16xi32>, vector<16xi32>], vector<16xf32>,
      %swap3A_610 = arith.index_cast %select_n3A_142 : i32 to index
      %swap3A_611 = arith.index_cast %add3A_565 : i32 to index
      %swap3A_612 = arith.constant 48 : index
      %swap3A_613 = tpu.vector_load %arg12[%swap3A_610, %swap3A_611, %swap3A_612] {strides = array<i32>} : memref<2x64x128xf32, #tpu.memory_space<vmem>>, vector<16xf32>,
      tpu.vector_store %arg12[%swap3A_610, %swap3A_611, %swap3A_612], %gather3A_609 {strides = array<i32>} : memref<2x64x128xf32, #tpu.memory_space<vmem>>, vector<16xf32>,
      %slice3A_614 = vector.extract_strided_slice %get3A_112 {offsets = [4], sizes = [1], strides = [1]} : vector<16xi32> to vector<1xi32>
      %squeeze3A_615 = vector.extract %slice3A_614[0] : i32 from vector<1xi32>
      %sub3A_616 = arith.constant 1 : i32
      %sub3A_617 = arith.subi %squeeze3A_615, %sub3A_616 : i32
      %jit3A_618 = arith.constant 12 : i32
      %eq3A_619 = arith.constant 0 : i32
      %eq3A_620 = arith.cmpi eq, %jit3A_618, %eq3A_619 : i32
      %jit3A_621 = arith.constant 1 : i32
      %select_n3A_622 = arith.select %eq3A_620, %jit3A_621, %jit3A_618 : i32
      %rem3A_623 = arith.remsi %sub3A_617, %select_n3A_622 : i32
      %ne3A_624 = arith.constant 0 : i32
      %ne3A_625 = arith.cmpi ne, %rem3A_623, %ne3A_624 : i32
      %lt3A_626 = arith.constant 0 : i32
      %lt3A_627 = arith.cmpi slt, %rem3A_623, %lt3A_626 : i32
      %lt3A_628 = arith.constant 0 : i32
      %lt3A_629 = arith.cmpi slt, %select_n3A_622, %lt3A_628 : i32
      %ne3A_630 = arith.xori %lt3A_627, %lt3A_629 : i1
      %and3A_631 = arith.andi %ne3A_630, %ne3A_625 : i1
      %add3A_632 = arith.addi %rem3A_623, %select_n3A_622 : i32
      %select_n3A_633 = arith.select %and3A_631, %add3A_632, %rem3A_623 : i32
      %add3A_634 = arith.constant 11 : i32
      %add3A_635 = arith.addi %squeeze3A_615, %add3A_634 : i32
      %min3A_636 = arith.minsi %add3A_635, %scan3A_6 : i32
      %sub3A_637 = arith.constant 1 : i32
      %sub3A_638 = arith.subi %min3A_636, %sub3A_637 : i32
      %broadcast_in_dim3A_639 = vector.broadcast %sub3A_638 : i32 to vector<16xi32>
      %gather3A_640 = tpu.vector_load_idx %arg9[%broadcast_in_dim3A_639] : memref<528xi32, #tpu.memory_space<vmem>>[vector<16xi32>], vector<16xi32>,
      %slice3A_641 = vector.extract_strided_slice %gather3A_640 {offsets = [0], sizes = [1], strides = [1]} : vector<16xi32> to vector<1xi32>
      %squeeze3A_642 = vector.extract %slice3A_641[0] : i32 from vector<1xi32>
      %gt3A_643 = arith.cmpi sgt, %min3A_636, %min3A_523 : i32
      %convert_element_type3A_644 = arith.extui %gt3A_643 : i1 to i32
      %cond3A_645 = arith.constant 0 : i32
      %cond3A_646 = arith.cmpi ne, %convert_element_type3A_644, %cond3A_645 : i32
      scf.if %cond3A_646 {
        %jit3A_1991 = arith.constant 12 : i32
        %eq3A_1992 = arith.constant 0 : i32
        %eq3A_1993 = arith.cmpi eq, %jit3A_1991, %eq3A_1992 : i32
        %jit3A_1994 = arith.constant 1 : i32
        %select_n3A_1995 = arith.select %eq3A_1993, %jit3A_1994, %jit3A_1991 : i32
        %rem3A_1996 = arith.remsi %sub3A_638, %select_n3A_1995 : i32
        %ne3A_1997 = arith.constant 0 : i32
        %ne3A_1998 = arith.cmpi ne, %rem3A_1996, %ne3A_1997 : i32
        %lt3A_1999 = arith.constant 0 : i32
        %lt3A_2000 = arith.cmpi slt, %rem3A_1996, %lt3A_1999 : i32
        %lt3A_2001 = arith.constant 0 : i32
        %lt3A_2002 = arith.cmpi slt, %select_n3A_1995, %lt3A_2001 : i32
        %ne3A_2003 = arith.xori %lt3A_2000, %lt3A_2002 : i1
        %and3A_2004 = arith.andi %ne3A_2003, %ne3A_1998 : i1
        %add3A_2005 = arith.addi %rem3A_1996, %select_n3A_1995 : i32
        %select_n3A_2006 = arith.select %and3A_2004, %add3A_2005, %rem3A_1996 : i32
        %mul3A_2007 = arith.constant 128 : i32
        %mul3A_2008 = arith.muli %squeeze3A_642, %mul3A_2007 : i32
        %multiple_of3A = tpu.assume_multiple %mul3A_2008, 128 : i32
        %dma_start3A = arith.constant 0 : i32
        %dma_start3A_2009 = arith.constant 0 : i32
        %dma_start3A_2010 = tpu.memref_slice %arg11[%select_n3A_2006, %dma_start3A, %dma_start3A_2009] : memref<12x64x128xf32, #tpu.memory_space<vmem>> -> memref<1x64x128xf32, #tpu.memory_space<vmem>>
        %dma_start3A_2011 = tpu.memref_squeeze %dma_start3A_2010 : memref<1x64x128xf32, #tpu.memory_space<vmem>> -> memref<64x128xf32, #tpu.memory_space<vmem>>
        %dma_start3A_2012 = arith.constant 0 : i32
        %dma_start3A_2013 = tpu.memref_slice %arg4[%dma_start3A_2012, %multiple_of3A] : memref<64x1000000xf32, #tpu.memory_space<hbm>> -> memref<64x128xf32, #tpu.memory_space<hbm>>
        %dma_start3A_2014 = tpu.memref_slice %arg13[%select_n3A_2006] : memref<12x!tpu.dma_semaphore, #tpu.memory_space<semaphore_mem>> -> memref<1x!tpu.dma_semaphore, #tpu.memory_space<semaphore_mem>>
        %dma_start3A_2015 = tpu.memref_squeeze %dma_start3A_2014 : memref<1x!tpu.dma_semaphore, #tpu.memory_space<semaphore_mem>> -> memref<!tpu.dma_semaphore, #tpu.memory_space<semaphore_mem>>
        %dma_start3A_2016 = arith.constant 0 : i32
        %dma_start3A_2017 = arith.constant 0 : i32
        %dma_start3A_2018 = tpu.memref_slice %arg11[%select_n3A_2006, %dma_start3A_2016, %dma_start3A_2017] : memref<12x64x128xf32, #tpu.memory_space<vmem>> -> memref<1x64x128xf32, #tpu.memory_space<vmem>>
        %dma_start3A_2019 = tpu.memref_squeeze %dma_start3A_2018 : memref<1x64x128xf32, #tpu.memory_space<vmem>> -> memref<64x128xf32, #tpu.memory_space<vmem>>
        %dma_start3A_2020 = arith.constant 0 : i32
        %dma_start3A_2021 = tpu.memref_slice %arg4[%dma_start3A_2020, %multiple_of3A] : memref<64x1000000xf32, #tpu.memory_space<hbm>> -> memref<64x128xf32, #tpu.memory_space<hbm>>
        tpu.enqueue_dma source(%dma_start3A_2021 : memref<64x128xf32, #tpu.memory_space<hbm>>) target(%dma_start3A_2019 : memref<64x128xf32, #tpu.memory_space<vmem>>) target_semaphore(%dma_start3A_2015 : memref<!tpu.dma_semaphore, #tpu.memory_space<semaphore_mem>>)
      } else {
      }
      %slice3A_647 = vector.extract_strided_slice %get3A_110 {offsets = [4], sizes = [1], strides = [1]} : vector<16xi32> to vector<1xi32>
      %squeeze3A_648 = vector.extract %slice3A_647[0] : i32 from vector<1xi32>
      %eq3A_649 = arith.constant 1 : i32
      %eq3A_650 = arith.cmpi eq, %squeeze3A_648, %eq3A_649 : i32
      %convert_element_type3A_651 = arith.extui %eq3A_650 : i1 to i32
      %cond3A_652 = arith.constant 0 : i32
      %cond3A_653 = arith.cmpi ne, %convert_element_type3A_651, %cond3A_652 : i32
      scf.if %cond3A_653 {
        %dma_wait3A_1991 = arith.constant 0 : i32
        %dma_wait3A_1992 = arith.constant 0 : i32
        %dma_wait3A_1993 = tpu.memref_slice %arg11[%select_n3A_633, %dma_wait3A_1991, %dma_wait3A_1992] : memref<12x64x128xf32, #tpu.memory_space<vmem>> -> memref<1x64x128xf32, #tpu.memory_space<vmem>>
        %dma_wait3A_1994 = tpu.memref_squeeze %dma_wait3A_1993 : memref<1x64x128xf32, #tpu.memory_space<vmem>> -> memref<64x128xf32, #tpu.memory_space<vmem>>
        %dma_wait3A_1995 = arith.constant 0 : i32
        %dma_wait3A_1996 = arith.constant 0 : i32
        %dma_wait3A_1997 = tpu.memref_slice %arg4[%dma_wait3A_1995, %dma_wait3A_1996] : memref<64x1000000xf32, #tpu.memory_space<hbm>> -> memref<64x128xf32, #tpu.memory_space<hbm>>
        %dma_wait3A_1998 = tpu.memref_slice %arg13[%select_n3A_633] : memref<12x!tpu.dma_semaphore, #tpu.memory_space<semaphore_mem>> -> memref<1x!tpu.dma_semaphore, #tpu.memory_space<semaphore_mem>>
        %dma_wait3A_1999 = tpu.memref_squeeze %dma_wait3A_1998 : memref<1x!tpu.dma_semaphore, #tpu.memory_space<semaphore_mem>> -> memref<!tpu.dma_semaphore, #tpu.memory_space<semaphore_mem>>
        %dma_wait3A_2000 = arith.constant 0 : i32
        %dma_wait3A_2001 = arith.constant 0 : i32
        %dma_wait3A_2002 = tpu.memref_slice %arg11[%select_n3A_633, %dma_wait3A_2000, %dma_wait3A_2001] : memref<12x64x128xf32, #tpu.memory_space<vmem>> -> memref<1x64x128xf32, #tpu.memory_space<vmem>>
        %dma_wait3A_2003 = tpu.memref_squeeze %dma_wait3A_2002 : memref<1x64x128xf32, #tpu.memory_space<vmem>> -> memref<64x128xf32, #tpu.memory_space<vmem>>
        %dma_wait3A_2004 = arith.constant 0 : i32
        %dma_wait3A_2005 = arith.constant 0 : i32
        %dma_wait3A_2006 = tpu.memref_slice %arg4[%dma_wait3A_2004, %dma_wait3A_2005] : memref<64x1000000xf32, #tpu.memory_space<hbm>> -> memref<64x128xf32, #tpu.memory_space<hbm>>
        tpu.wait_dma2 semaphore(%dma_wait3A_1999 : memref<!tpu.dma_semaphore, #tpu.memory_space<semaphore_mem>>) src(%dma_wait3A_2006 : memref<64x128xf32, #tpu.memory_space<hbm>>) dst(%dma_wait3A_2003 : memref<64x128xf32, #tpu.memory_space<vmem>>)
      } else {
      }
      %slice3A_654 = vector.extract_strided_slice %get3A_108 {offsets = [4], sizes = [1], strides = [1]} : vector<16xi32> to vector<1xi32>
      %squeeze3A_655 = vector.extract %slice3A_654[0] : i32 from vector<1xi32>
      %and3A_656 = arith.constant 127 : i32
      %and3A_657 = arith.andi %squeeze3A_655, %and3A_656 : i32
      %broadcast_in_dim3A_658 = vector.broadcast %and3A_657 : i32 to vector<16xi32>
      %jit3A_659 = arith.constant 4 : i32
      %eq3A_660 = arith.constant 0 : i32
      %eq3A_661 = arith.cmpi eq, %jit3A_659, %eq3A_660 : i32
      %jit3A_662 = arith.constant 1 : i32
      %select_n3A_663 = arith.select %eq3A_661, %jit3A_662, %jit3A_659 : i32
      %rem3A_664 = arith.remsi %scan3A_103, %select_n3A_663 : i32
      %ne3A_665 = arith.constant 0 : i32
      %ne3A_666 = arith.cmpi ne, %rem3A_664, %ne3A_665 : i32
      %lt3A_667 = arith.constant 0 : i32
      %lt3A_668 = arith.cmpi slt, %rem3A_664, %lt3A_667 : i32
      %lt3A_669 = arith.constant 0 : i32
      %lt3A_670 = arith.cmpi slt, %select_n3A_663, %lt3A_669 : i32
      %ne3A_671 = arith.xori %lt3A_668, %lt3A_670 : i1
      %and3A_672 = arith.andi %ne3A_671, %ne3A_666 : i1
      %add3A_673 = arith.addi %rem3A_664, %select_n3A_663 : i32
      %select_n3A_674 = arith.select %and3A_672, %add3A_673, %rem3A_664 : i32
      %mul3A_675 = arith.constant 16 : i32
      %mul3A_676 = arith.muli %select_n3A_674, %mul3A_675 : i32
      %add3A_677 = arith.constant 4 : i32
      %add3A_678 = arith.addi %mul3A_676, %add3A_677 : i32
      %add3A_679 = arith.constant 0 : i32
      %add3A_680 = vector.broadcast %add3A_679 : i32 to vector<16xi32>
      %add3A_681 = arith.addi %iota3A, %add3A_680 : vector<16xi32>
      %gather3A_682 = arith.constant 0 : i32
      %gather3A_683 = arith.constant 0 : i32
      %gather3A_684 = tpu.memref_slice %arg11[%select_n3A_633, %gather3A_682, %gather3A_683] : memref<12x64x128xf32, #tpu.memory_space<vmem>> -> memref<1x64x128xf32, #tpu.memory_space<vmem>>
      %gather3A_685 = tpu.memref_squeeze %gather3A_684 : memref<1x64x128xf32, #tpu.memory_space<vmem>> -> memref<64x128xf32, #tpu.memory_space<vmem>>
      %gather3A_686 = tpu.vector_load_idx %gather3A_685[%add3A_681, %broadcast_in_dim3A_658] : memref<64x128xf32, #tpu.memory_space<vmem>>[vector<16xi32>, vector<16xi32>], vector<16xf32>,
      %swap3A_687 = arith.index_cast %select_n3A_142 : i32 to index
      %swap3A_688 = arith.index_cast %add3A_678 : i32 to index
      %swap3A_689 = arith.constant 0 : index
      %swap3A_690 = tpu.vector_load %arg12[%swap3A_687, %swap3A_688, %swap3A_689] {strides = array<i32>} : memref<2x64x128xf32, #tpu.memory_space<vmem>>, vector<16xf32>,
      tpu.vector_store %arg12[%swap3A_687, %swap3A_688, %swap3A_689], %gather3A_686 {strides = array<i32>} : memref<2x64x128xf32, #tpu.memory_space<vmem>>, vector<16xf32>,
      %add3A_691 = arith.constant 16 : i32
      %add3A_692 = vector.broadcast %add3A_691 : i32 to vector<16xi32>
      %add3A_693 = arith.addi %iota3A, %add3A_692 : vector<16xi32>
      %gather3A_694 = arith.constant 0 : i32
      %gather3A_695 = arith.constant 0 : i32
      %gather3A_696 = tpu.memref_slice %arg11[%select_n3A_633, %gather3A_694, %gather3A_695] : memref<12x64x128xf32, #tpu.memory_space<vmem>> -> memref<1x64x128xf32, #tpu.memory_space<vmem>>
      %gather3A_697 = tpu.memref_squeeze %gather3A_696 : memref<1x64x128xf32, #tpu.memory_space<vmem>> -> memref<64x128xf32, #tpu.memory_space<vmem>>
      %gather3A_698 = tpu.vector_load_idx %gather3A_697[%add3A_693, %broadcast_in_dim3A_658] : memref<64x128xf32, #tpu.memory_space<vmem>>[vector<16xi32>, vector<16xi32>], vector<16xf32>,
      %swap3A_699 = arith.index_cast %select_n3A_142 : i32 to index
      %swap3A_700 = arith.index_cast %add3A_678 : i32 to index
      %swap3A_701 = arith.constant 16 : index
      %swap3A_702 = tpu.vector_load %arg12[%swap3A_699, %swap3A_700, %swap3A_701] {strides = array<i32>} : memref<2x64x128xf32, #tpu.memory_space<vmem>>, vector<16xf32>,
      tpu.vector_store %arg12[%swap3A_699, %swap3A_700, %swap3A_701], %gather3A_698 {strides = array<i32>} : memref<2x64x128xf32, #tpu.memory_space<vmem>>, vector<16xf32>,
      %add3A_703 = arith.constant 32 : i32
      %add3A_704 = vector.broadcast %add3A_703 : i32 to vector<16xi32>
      %add3A_705 = arith.addi %iota3A, %add3A_704 : vector<16xi32>
      %gather3A_706 = arith.constant 0 : i32
      %gather3A_707 = arith.constant 0 : i32
      %gather3A_708 = tpu.memref_slice %arg11[%select_n3A_633, %gather3A_706, %gather3A_707] : memref<12x64x128xf32, #tpu.memory_space<vmem>> -> memref<1x64x128xf32, #tpu.memory_space<vmem>>
      %gather3A_709 = tpu.memref_squeeze %gather3A_708 : memref<1x64x128xf32, #tpu.memory_space<vmem>> -> memref<64x128xf32, #tpu.memory_space<vmem>>
      %gather3A_710 = tpu.vector_load_idx %gather3A_709[%add3A_705, %broadcast_in_dim3A_658] : memref<64x128xf32, #tpu.memory_space<vmem>>[vector<16xi32>, vector<16xi32>], vector<16xf32>,
      %swap3A_711 = arith.index_cast %select_n3A_142 : i32 to index
      %swap3A_712 = arith.index_cast %add3A_678 : i32 to index
      %swap3A_713 = arith.constant 32 : index
      %swap3A_714 = tpu.vector_load %arg12[%swap3A_711, %swap3A_712, %swap3A_713] {strides = array<i32>} : memref<2x64x128xf32, #tpu.memory_space<vmem>>, vector<16xf32>,
      tpu.vector_store %arg12[%swap3A_711, %swap3A_712, %swap3A_713], %gather3A_710 {strides = array<i32>} : memref<2x64x128xf32, #tpu.memory_space<vmem>>, vector<16xf32>,
      %add3A_715 = arith.constant 48 : i32
      %add3A_716 = vector.broadcast %add3A_715 : i32 to vector<16xi32>
      %add3A_717 = arith.addi %iota3A, %add3A_716 : vector<16xi32>
      %gather3A_718 = arith.constant 0 : i32
      %gather3A_719 = arith.constant 0 : i32
      %gather3A_720 = tpu.memref_slice %arg11[%select_n3A_633, %gather3A_718, %gather3A_719] : memref<12x64x128xf32, #tpu.memory_space<vmem>> -> memref<1x64x128xf32, #tpu.memory_space<vmem>>
      %gather3A_721 = tpu.memref_squeeze %gather3A_720 : memref<1x64x128xf32, #tpu.memory_space<vmem>> -> memref<64x128xf32, #tpu.memory_space<vmem>>
      %gather3A_722 = tpu.vector_load_idx %gather3A_721[%add3A_717, %broadcast_in_dim3A_658] : memref<64x128xf32, #tpu.memory_space<vmem>>[vector<16xi32>, vector<16xi32>], vector<16xf32>,
      %swap3A_723 = arith.index_cast %select_n3A_142 : i32 to index
      %swap3A_724 = arith.index_cast %add3A_678 : i32 to index
      %swap3A_725 = arith.constant 48 : index
      %swap3A_726 = tpu.vector_load %arg12[%swap3A_723, %swap3A_724, %swap3A_725] {strides = array<i32>} : memref<2x64x128xf32, #tpu.memory_space<vmem>>, vector<16xf32>,
      tpu.vector_store %arg12[%swap3A_723, %swap3A_724, %swap3A_725], %gather3A_722 {strides = array<i32>} : memref<2x64x128xf32, #tpu.memory_space<vmem>>, vector<16xf32>,
      %slice3A_727 = vector.extract_strided_slice %get3A_112 {offsets = [5], sizes = [1], strides = [1]} : vector<16xi32> to vector<1xi32>
      %squeeze3A_728 = vector.extract %slice3A_727[0] : i32 from vector<1xi32>
      %sub3A_729 = arith.constant 1 : i32
      %sub3A_730 = arith.subi %squeeze3A_728, %sub3A_729 : i32
      %jit3A_731 = arith.constant 12 : i32
      %eq3A_732 = arith.constant 0 : i32
      %eq3A_733 = arith.cmpi eq, %jit3A_731, %eq3A_732 : i32
      %jit3A_734 = arith.constant 1 : i32
      %select_n3A_735 = arith.select %eq3A_733, %jit3A_734, %jit3A_731 : i32
      %rem3A_736 = arith.remsi %sub3A_730, %select_n3A_735 : i32
      %ne3A_737 = arith.constant 0 : i32
      %ne3A_738 = arith.cmpi ne, %rem3A_736, %ne3A_737 : i32
      %lt3A_739 = arith.constant 0 : i32
      %lt3A_740 = arith.cmpi slt, %rem3A_736, %lt3A_739 : i32
      %lt3A_741 = arith.constant 0 : i32
      %lt3A_742 = arith.cmpi slt, %select_n3A_735, %lt3A_741 : i32
      %ne3A_743 = arith.xori %lt3A_740, %lt3A_742 : i1
      %and3A_744 = arith.andi %ne3A_743, %ne3A_738 : i1
      %add3A_745 = arith.addi %rem3A_736, %select_n3A_735 : i32
      %select_n3A_746 = arith.select %and3A_744, %add3A_745, %rem3A_736 : i32
      %add3A_747 = arith.constant 11 : i32
      %add3A_748 = arith.addi %squeeze3A_728, %add3A_747 : i32
      %min3A_749 = arith.minsi %add3A_748, %scan3A_6 : i32
      %sub3A_750 = arith.constant 1 : i32
      %sub3A_751 = arith.subi %min3A_749, %sub3A_750 : i32
      %broadcast_in_dim3A_752 = vector.broadcast %sub3A_751 : i32 to vector<16xi32>
      %gather3A_753 = tpu.vector_load_idx %arg9[%broadcast_in_dim3A_752] : memref<528xi32, #tpu.memory_space<vmem>>[vector<16xi32>], vector<16xi32>,
      %slice3A_754 = vector.extract_strided_slice %gather3A_753 {offsets = [0], sizes = [1], strides = [1]} : vector<16xi32> to vector<1xi32>
      %squeeze3A_755 = vector.extract %slice3A_754[0] : i32 from vector<1xi32>
      %gt3A_756 = arith.cmpi sgt, %min3A_749, %min3A_636 : i32
      %convert_element_type3A_757 = arith.extui %gt3A_756 : i1 to i32
      %cond3A_758 = arith.constant 0 : i32
      %cond3A_759 = arith.cmpi ne, %convert_element_type3A_757, %cond3A_758 : i32
      scf.if %cond3A_759 {
        %jit3A_1991 = arith.constant 12 : i32
        %eq3A_1992 = arith.constant 0 : i32
        %eq3A_1993 = arith.cmpi eq, %jit3A_1991, %eq3A_1992 : i32
        %jit3A_1994 = arith.constant 1 : i32
        %select_n3A_1995 = arith.select %eq3A_1993, %jit3A_1994, %jit3A_1991 : i32
        %rem3A_1996 = arith.remsi %sub3A_751, %select_n3A_1995 : i32
        %ne3A_1997 = arith.constant 0 : i32
        %ne3A_1998 = arith.cmpi ne, %rem3A_1996, %ne3A_1997 : i32
        %lt3A_1999 = arith.constant 0 : i32
        %lt3A_2000 = arith.cmpi slt, %rem3A_1996, %lt3A_1999 : i32
        %lt3A_2001 = arith.constant 0 : i32
        %lt3A_2002 = arith.cmpi slt, %select_n3A_1995, %lt3A_2001 : i32
        %ne3A_2003 = arith.xori %lt3A_2000, %lt3A_2002 : i1
        %and3A_2004 = arith.andi %ne3A_2003, %ne3A_1998 : i1
        %add3A_2005 = arith.addi %rem3A_1996, %select_n3A_1995 : i32
        %select_n3A_2006 = arith.select %and3A_2004, %add3A_2005, %rem3A_1996 : i32
        %mul3A_2007 = arith.constant 128 : i32
        %mul3A_2008 = arith.muli %squeeze3A_755, %mul3A_2007 : i32
        %multiple_of3A = tpu.assume_multiple %mul3A_2008, 128 : i32
        %dma_start3A = arith.constant 0 : i32
        %dma_start3A_2009 = arith.constant 0 : i32
        %dma_start3A_2010 = tpu.memref_slice %arg11[%select_n3A_2006, %dma_start3A, %dma_start3A_2009] : memref<12x64x128xf32, #tpu.memory_space<vmem>> -> memref<1x64x128xf32, #tpu.memory_space<vmem>>
        %dma_start3A_2011 = tpu.memref_squeeze %dma_start3A_2010 : memref<1x64x128xf32, #tpu.memory_space<vmem>> -> memref<64x128xf32, #tpu.memory_space<vmem>>
        %dma_start3A_2012 = arith.constant 0 : i32
        %dma_start3A_2013 = tpu.memref_slice %arg4[%dma_start3A_2012, %multiple_of3A] : memref<64x1000000xf32, #tpu.memory_space<hbm>> -> memref<64x128xf32, #tpu.memory_space<hbm>>
        %dma_start3A_2014 = tpu.memref_slice %arg13[%select_n3A_2006] : memref<12x!tpu.dma_semaphore, #tpu.memory_space<semaphore_mem>> -> memref<1x!tpu.dma_semaphore, #tpu.memory_space<semaphore_mem>>
        %dma_start3A_2015 = tpu.memref_squeeze %dma_start3A_2014 : memref<1x!tpu.dma_semaphore, #tpu.memory_space<semaphore_mem>> -> memref<!tpu.dma_semaphore, #tpu.memory_space<semaphore_mem>>
        %dma_start3A_2016 = arith.constant 0 : i32
        %dma_start3A_2017 = arith.constant 0 : i32
        %dma_start3A_2018 = tpu.memref_slice %arg11[%select_n3A_2006, %dma_start3A_2016, %dma_start3A_2017] : memref<12x64x128xf32, #tpu.memory_space<vmem>> -> memref<1x64x128xf32, #tpu.memory_space<vmem>>
        %dma_start3A_2019 = tpu.memref_squeeze %dma_start3A_2018 : memref<1x64x128xf32, #tpu.memory_space<vmem>> -> memref<64x128xf32, #tpu.memory_space<vmem>>
        %dma_start3A_2020 = arith.constant 0 : i32
        %dma_start3A_2021 = tpu.memref_slice %arg4[%dma_start3A_2020, %multiple_of3A] : memref<64x1000000xf32, #tpu.memory_space<hbm>> -> memref<64x128xf32, #tpu.memory_space<hbm>>
        tpu.enqueue_dma source(%dma_start3A_2021 : memref<64x128xf32, #tpu.memory_space<hbm>>) target(%dma_start3A_2019 : memref<64x128xf32, #tpu.memory_space<vmem>>) target_semaphore(%dma_start3A_2015 : memref<!tpu.dma_semaphore, #tpu.memory_space<semaphore_mem>>)
      } else {
      }
      %slice3A_760 = vector.extract_strided_slice %get3A_110 {offsets = [5], sizes = [1], strides = [1]} : vector<16xi32> to vector<1xi32>
      %squeeze3A_761 = vector.extract %slice3A_760[0] : i32 from vector<1xi32>
      %eq3A_762 = arith.constant 1 : i32
      %eq3A_763 = arith.cmpi eq, %squeeze3A_761, %eq3A_762 : i32
      %convert_element_type3A_764 = arith.extui %eq3A_763 : i1 to i32
      %cond3A_765 = arith.constant 0 : i32
      %cond3A_766 = arith.cmpi ne, %convert_element_type3A_764, %cond3A_765 : i32
      scf.if %cond3A_766 {
        %dma_wait3A_1991 = arith.constant 0 : i32
        %dma_wait3A_1992 = arith.constant 0 : i32
        %dma_wait3A_1993 = tpu.memref_slice %arg11[%select_n3A_746, %dma_wait3A_1991, %dma_wait3A_1992] : memref<12x64x128xf32, #tpu.memory_space<vmem>> -> memref<1x64x128xf32, #tpu.memory_space<vmem>>
        %dma_wait3A_1994 = tpu.memref_squeeze %dma_wait3A_1993 : memref<1x64x128xf32, #tpu.memory_space<vmem>> -> memref<64x128xf32, #tpu.memory_space<vmem>>
        %dma_wait3A_1995 = arith.constant 0 : i32
        %dma_wait3A_1996 = arith.constant 0 : i32
        %dma_wait3A_1997 = tpu.memref_slice %arg4[%dma_wait3A_1995, %dma_wait3A_1996] : memref<64x1000000xf32, #tpu.memory_space<hbm>> -> memref<64x128xf32, #tpu.memory_space<hbm>>
        %dma_wait3A_1998 = tpu.memref_slice %arg13[%select_n3A_746] : memref<12x!tpu.dma_semaphore, #tpu.memory_space<semaphore_mem>> -> memref<1x!tpu.dma_semaphore, #tpu.memory_space<semaphore_mem>>
        %dma_wait3A_1999 = tpu.memref_squeeze %dma_wait3A_1998 : memref<1x!tpu.dma_semaphore, #tpu.memory_space<semaphore_mem>> -> memref<!tpu.dma_semaphore, #tpu.memory_space<semaphore_mem>>
        %dma_wait3A_2000 = arith.constant 0 : i32
        %dma_wait3A_2001 = arith.constant 0 : i32
        %dma_wait3A_2002 = tpu.memref_slice %arg11[%select_n3A_746, %dma_wait3A_2000, %dma_wait3A_2001] : memref<12x64x128xf32, #tpu.memory_space<vmem>> -> memref<1x64x128xf32, #tpu.memory_space<vmem>>
        %dma_wait3A_2003 = tpu.memref_squeeze %dma_wait3A_2002 : memref<1x64x128xf32, #tpu.memory_space<vmem>> -> memref<64x128xf32, #tpu.memory_space<vmem>>
        %dma_wait3A_2004 = arith.constant 0 : i32
        %dma_wait3A_2005 = arith.constant 0 : i32
        %dma_wait3A_2006 = tpu.memref_slice %arg4[%dma_wait3A_2004, %dma_wait3A_2005] : memref<64x1000000xf32, #tpu.memory_space<hbm>> -> memref<64x128xf32, #tpu.memory_space<hbm>>
        tpu.wait_dma2 semaphore(%dma_wait3A_1999 : memref<!tpu.dma_semaphore, #tpu.memory_space<semaphore_mem>>) src(%dma_wait3A_2006 : memref<64x128xf32, #tpu.memory_space<hbm>>) dst(%dma_wait3A_2003 : memref<64x128xf32, #tpu.memory_space<vmem>>)
      } else {
      }
      %slice3A_767 = vector.extract_strided_slice %get3A_108 {offsets = [5], sizes = [1], strides = [1]} : vector<16xi32> to vector<1xi32>
      %squeeze3A_768 = vector.extract %slice3A_767[0] : i32 from vector<1xi32>
      %and3A_769 = arith.constant 127 : i32
      %and3A_770 = arith.andi %squeeze3A_768, %and3A_769 : i32
      %broadcast_in_dim3A_771 = vector.broadcast %and3A_770 : i32 to vector<16xi32>
      %jit3A_772 = arith.constant 4 : i32
      %eq3A_773 = arith.constant 0 : i32
      %eq3A_774 = arith.cmpi eq, %jit3A_772, %eq3A_773 : i32
      %jit3A_775 = arith.constant 1 : i32
      %select_n3A_776 = arith.select %eq3A_774, %jit3A_775, %jit3A_772 : i32
      %rem3A_777 = arith.remsi %scan3A_103, %select_n3A_776 : i32
      %ne3A_778 = arith.constant 0 : i32
      %ne3A_779 = arith.cmpi ne, %rem3A_777, %ne3A_778 : i32
      %lt3A_780 = arith.constant 0 : i32
      %lt3A_781 = arith.cmpi slt, %rem3A_777, %lt3A_780 : i32
      %lt3A_782 = arith.constant 0 : i32
      %lt3A_783 = arith.cmpi slt, %select_n3A_776, %lt3A_782 : i32
      %ne3A_784 = arith.xori %lt3A_781, %lt3A_783 : i1
      %and3A_785 = arith.andi %ne3A_784, %ne3A_779 : i1
      %add3A_786 = arith.addi %rem3A_777, %select_n3A_776 : i32
      %select_n3A_787 = arith.select %and3A_785, %add3A_786, %rem3A_777 : i32
      %mul3A_788 = arith.constant 16 : i32
      %mul3A_789 = arith.muli %select_n3A_787, %mul3A_788 : i32
      %add3A_790 = arith.constant 5 : i32
      %add3A_791 = arith.addi %mul3A_789, %add3A_790 : i32
      %add3A_792 = arith.constant 0 : i32
      %add3A_793 = vector.broadcast %add3A_792 : i32 to vector<16xi32>
      %add3A_794 = arith.addi %iota3A, %add3A_793 : vector<16xi32>
      %gather3A_795 = arith.constant 0 : i32
      %gather3A_796 = arith.constant 0 : i32
      %gather3A_797 = tpu.memref_slice %arg11[%select_n3A_746, %gather3A_795, %gather3A_796] : memref<12x64x128xf32, #tpu.memory_space<vmem>> -> memref<1x64x128xf32, #tpu.memory_space<vmem>>
      %gather3A_798 = tpu.memref_squeeze %gather3A_797 : memref<1x64x128xf32, #tpu.memory_space<vmem>> -> memref<64x128xf32, #tpu.memory_space<vmem>>
      %gather3A_799 = tpu.vector_load_idx %gather3A_798[%add3A_794, %broadcast_in_dim3A_771] : memref<64x128xf32, #tpu.memory_space<vmem>>[vector<16xi32>, vector<16xi32>], vector<16xf32>,
      %swap3A_800 = arith.index_cast %select_n3A_142 : i32 to index
      %swap3A_801 = arith.index_cast %add3A_791 : i32 to index
      %swap3A_802 = arith.constant 0 : index
      %swap3A_803 = tpu.vector_load %arg12[%swap3A_800, %swap3A_801, %swap3A_802] {strides = array<i32>} : memref<2x64x128xf32, #tpu.memory_space<vmem>>, vector<16xf32>,
      tpu.vector_store %arg12[%swap3A_800, %swap3A_801, %swap3A_802], %gather3A_799 {strides = array<i32>} : memref<2x64x128xf32, #tpu.memory_space<vmem>>, vector<16xf32>,
      %add3A_804 = arith.constant 16 : i32
      %add3A_805 = vector.broadcast %add3A_804 : i32 to vector<16xi32>
      %add3A_806 = arith.addi %iota3A, %add3A_805 : vector<16xi32>
      %gather3A_807 = arith.constant 0 : i32
      %gather3A_808 = arith.constant 0 : i32
      %gather3A_809 = tpu.memref_slice %arg11[%select_n3A_746, %gather3A_807, %gather3A_808] : memref<12x64x128xf32, #tpu.memory_space<vmem>> -> memref<1x64x128xf32, #tpu.memory_space<vmem>>
      %gather3A_810 = tpu.memref_squeeze %gather3A_809 : memref<1x64x128xf32, #tpu.memory_space<vmem>> -> memref<64x128xf32, #tpu.memory_space<vmem>>
      %gather3A_811 = tpu.vector_load_idx %gather3A_810[%add3A_806, %broadcast_in_dim3A_771] : memref<64x128xf32, #tpu.memory_space<vmem>>[vector<16xi32>, vector<16xi32>], vector<16xf32>,
      %swap3A_812 = arith.index_cast %select_n3A_142 : i32 to index
      %swap3A_813 = arith.index_cast %add3A_791 : i32 to index
      %swap3A_814 = arith.constant 16 : index
      %swap3A_815 = tpu.vector_load %arg12[%swap3A_812, %swap3A_813, %swap3A_814] {strides = array<i32>} : memref<2x64x128xf32, #tpu.memory_space<vmem>>, vector<16xf32>,
      tpu.vector_store %arg12[%swap3A_812, %swap3A_813, %swap3A_814], %gather3A_811 {strides = array<i32>} : memref<2x64x128xf32, #tpu.memory_space<vmem>>, vector<16xf32>,
      %add3A_816 = arith.constant 32 : i32
      %add3A_817 = vector.broadcast %add3A_816 : i32 to vector<16xi32>
      %add3A_818 = arith.addi %iota3A, %add3A_817 : vector<16xi32>
      %gather3A_819 = arith.constant 0 : i32
      %gather3A_820 = arith.constant 0 : i32
      %gather3A_821 = tpu.memref_slice %arg11[%select_n3A_746, %gather3A_819, %gather3A_820] : memref<12x64x128xf32, #tpu.memory_space<vmem>> -> memref<1x64x128xf32, #tpu.memory_space<vmem>>
      %gather3A_822 = tpu.memref_squeeze %gather3A_821 : memref<1x64x128xf32, #tpu.memory_space<vmem>> -> memref<64x128xf32, #tpu.memory_space<vmem>>
      %gather3A_823 = tpu.vector_load_idx %gather3A_822[%add3A_818, %broadcast_in_dim3A_771] : memref<64x128xf32, #tpu.memory_space<vmem>>[vector<16xi32>, vector<16xi32>], vector<16xf32>,
      %swap3A_824 = arith.index_cast %select_n3A_142 : i32 to index
      %swap3A_825 = arith.index_cast %add3A_791 : i32 to index
      %swap3A_826 = arith.constant 32 : index
      %swap3A_827 = tpu.vector_load %arg12[%swap3A_824, %swap3A_825, %swap3A_826] {strides = array<i32>} : memref<2x64x128xf32, #tpu.memory_space<vmem>>, vector<16xf32>,
      tpu.vector_store %arg12[%swap3A_824, %swap3A_825, %swap3A_826], %gather3A_823 {strides = array<i32>} : memref<2x64x128xf32, #tpu.memory_space<vmem>>, vector<16xf32>,
      %add3A_828 = arith.constant 48 : i32
      %add3A_829 = vector.broadcast %add3A_828 : i32 to vector<16xi32>
      %add3A_830 = arith.addi %iota3A, %add3A_829 : vector<16xi32>
      %gather3A_831 = arith.constant 0 : i32
      %gather3A_832 = arith.constant 0 : i32
      %gather3A_833 = tpu.memref_slice %arg11[%select_n3A_746, %gather3A_831, %gather3A_832] : memref<12x64x128xf32, #tpu.memory_space<vmem>> -> memref<1x64x128xf32, #tpu.memory_space<vmem>>
      %gather3A_834 = tpu.memref_squeeze %gather3A_833 : memref<1x64x128xf32, #tpu.memory_space<vmem>> -> memref<64x128xf32, #tpu.memory_space<vmem>>
      %gather3A_835 = tpu.vector_load_idx %gather3A_834[%add3A_830, %broadcast_in_dim3A_771] : memref<64x128xf32, #tpu.memory_space<vmem>>[vector<16xi32>, vector<16xi32>], vector<16xf32>,
      %swap3A_836 = arith.index_cast %select_n3A_142 : i32 to index
      %swap3A_837 = arith.index_cast %add3A_791 : i32 to index
      %swap3A_838 = arith.constant 48 : index
      %swap3A_839 = tpu.vector_load %arg12[%swap3A_836, %swap3A_837, %swap3A_838] {strides = array<i32>} : memref<2x64x128xf32, #tpu.memory_space<vmem>>, vector<16xf32>,
      tpu.vector_store %arg12[%swap3A_836, %swap3A_837, %swap3A_838], %gather3A_835 {strides = array<i32>} : memref<2x64x128xf32, #tpu.memory_space<vmem>>, vector<16xf32>,
      %slice3A_840 = vector.extract_strided_slice %get3A_112 {offsets = [6], sizes = [1], strides = [1]} : vector<16xi32> to vector<1xi32>
      %squeeze3A_841 = vector.extract %slice3A_840[0] : i32 from vector<1xi32>
      %sub3A_842 = arith.constant 1 : i32
      %sub3A_843 = arith.subi %squeeze3A_841, %sub3A_842 : i32
      %jit3A_844 = arith.constant 12 : i32
      %eq3A_845 = arith.constant 0 : i32
      %eq3A_846 = arith.cmpi eq, %jit3A_844, %eq3A_845 : i32
      %jit3A_847 = arith.constant 1 : i32
      %select_n3A_848 = arith.select %eq3A_846, %jit3A_847, %jit3A_844 : i32
      %rem3A_849 = arith.remsi %sub3A_843, %select_n3A_848 : i32
      %ne3A_850 = arith.constant 0 : i32
      %ne3A_851 = arith.cmpi ne, %rem3A_849, %ne3A_850 : i32
      %lt3A_852 = arith.constant 0 : i32
      %lt3A_853 = arith.cmpi slt, %rem3A_849, %lt3A_852 : i32
      %lt3A_854 = arith.constant 0 : i32
      %lt3A_855 = arith.cmpi slt, %select_n3A_848, %lt3A_854 : i32
      %ne3A_856 = arith.xori %lt3A_853, %lt3A_855 : i1
      %and3A_857 = arith.andi %ne3A_856, %ne3A_851 : i1
      %add3A_858 = arith.addi %rem3A_849, %select_n3A_848 : i32
      %select_n3A_859 = arith.select %and3A_857, %add3A_858, %rem3A_849 : i32
      %add3A_860 = arith.constant 11 : i32
      %add3A_861 = arith.addi %squeeze3A_841, %add3A_860 : i32
      %min3A_862 = arith.minsi %add3A_861, %scan3A_6 : i32
      %sub3A_863 = arith.constant 1 : i32
      %sub3A_864 = arith.subi %min3A_862, %sub3A_863 : i32
      %broadcast_in_dim3A_865 = vector.broadcast %sub3A_864 : i32 to vector<16xi32>
      %gather3A_866 = tpu.vector_load_idx %arg9[%broadcast_in_dim3A_865] : memref<528xi32, #tpu.memory_space<vmem>>[vector<16xi32>], vector<16xi32>,
      %slice3A_867 = vector.extract_strided_slice %gather3A_866 {offsets = [0], sizes = [1], strides = [1]} : vector<16xi32> to vector<1xi32>
      %squeeze3A_868 = vector.extract %slice3A_867[0] : i32 from vector<1xi32>
      %gt3A_869 = arith.cmpi sgt, %min3A_862, %min3A_749 : i32
      %convert_element_type3A_870 = arith.extui %gt3A_869 : i1 to i32
      %cond3A_871 = arith.constant 0 : i32
      %cond3A_872 = arith.cmpi ne, %convert_element_type3A_870, %cond3A_871 : i32
      scf.if %cond3A_872 {
        %jit3A_1991 = arith.constant 12 : i32
        %eq3A_1992 = arith.constant 0 : i32
        %eq3A_1993 = arith.cmpi eq, %jit3A_1991, %eq3A_1992 : i32
        %jit3A_1994 = arith.constant 1 : i32
        %select_n3A_1995 = arith.select %eq3A_1993, %jit3A_1994, %jit3A_1991 : i32
        %rem3A_1996 = arith.remsi %sub3A_864, %select_n3A_1995 : i32
        %ne3A_1997 = arith.constant 0 : i32
        %ne3A_1998 = arith.cmpi ne, %rem3A_1996, %ne3A_1997 : i32
        %lt3A_1999 = arith.constant 0 : i32
        %lt3A_2000 = arith.cmpi slt, %rem3A_1996, %lt3A_1999 : i32
        %lt3A_2001 = arith.constant 0 : i32
        %lt3A_2002 = arith.cmpi slt, %select_n3A_1995, %lt3A_2001 : i32
        %ne3A_2003 = arith.xori %lt3A_2000, %lt3A_2002 : i1
        %and3A_2004 = arith.andi %ne3A_2003, %ne3A_1998 : i1
        %add3A_2005 = arith.addi %rem3A_1996, %select_n3A_1995 : i32
        %select_n3A_2006 = arith.select %and3A_2004, %add3A_2005, %rem3A_1996 : i32
        %mul3A_2007 = arith.constant 128 : i32
        %mul3A_2008 = arith.muli %squeeze3A_868, %mul3A_2007 : i32
        %multiple_of3A = tpu.assume_multiple %mul3A_2008, 128 : i32
        %dma_start3A = arith.constant 0 : i32
        %dma_start3A_2009 = arith.constant 0 : i32
        %dma_start3A_2010 = tpu.memref_slice %arg11[%select_n3A_2006, %dma_start3A, %dma_start3A_2009] : memref<12x64x128xf32, #tpu.memory_space<vmem>> -> memref<1x64x128xf32, #tpu.memory_space<vmem>>
        %dma_start3A_2011 = tpu.memref_squeeze %dma_start3A_2010 : memref<1x64x128xf32, #tpu.memory_space<vmem>> -> memref<64x128xf32, #tpu.memory_space<vmem>>
        %dma_start3A_2012 = arith.constant 0 : i32
        %dma_start3A_2013 = tpu.memref_slice %arg4[%dma_start3A_2012, %multiple_of3A] : memref<64x1000000xf32, #tpu.memory_space<hbm>> -> memref<64x128xf32, #tpu.memory_space<hbm>>
        %dma_start3A_2014 = tpu.memref_slice %arg13[%select_n3A_2006] : memref<12x!tpu.dma_semaphore, #tpu.memory_space<semaphore_mem>> -> memref<1x!tpu.dma_semaphore, #tpu.memory_space<semaphore_mem>>
        %dma_start3A_2015 = tpu.memref_squeeze %dma_start3A_2014 : memref<1x!tpu.dma_semaphore, #tpu.memory_space<semaphore_mem>> -> memref<!tpu.dma_semaphore, #tpu.memory_space<semaphore_mem>>
        %dma_start3A_2016 = arith.constant 0 : i32
        %dma_start3A_2017 = arith.constant 0 : i32
        %dma_start3A_2018 = tpu.memref_slice %arg11[%select_n3A_2006, %dma_start3A_2016, %dma_start3A_2017] : memref<12x64x128xf32, #tpu.memory_space<vmem>> -> memref<1x64x128xf32, #tpu.memory_space<vmem>>
        %dma_start3A_2019 = tpu.memref_squeeze %dma_start3A_2018 : memref<1x64x128xf32, #tpu.memory_space<vmem>> -> memref<64x128xf32, #tpu.memory_space<vmem>>
        %dma_start3A_2020 = arith.constant 0 : i32
        %dma_start3A_2021 = tpu.memref_slice %arg4[%dma_start3A_2020, %multiple_of3A] : memref<64x1000000xf32, #tpu.memory_space<hbm>> -> memref<64x128xf32, #tpu.memory_space<hbm>>
        tpu.enqueue_dma source(%dma_start3A_2021 : memref<64x128xf32, #tpu.memory_space<hbm>>) target(%dma_start3A_2019 : memref<64x128xf32, #tpu.memory_space<vmem>>) target_semaphore(%dma_start3A_2015 : memref<!tpu.dma_semaphore, #tpu.memory_space<semaphore_mem>>)
      } else {
      }
      %slice3A_873 = vector.extract_strided_slice %get3A_110 {offsets = [6], sizes = [1], strides = [1]} : vector<16xi32> to vector<1xi32>
      %squeeze3A_874 = vector.extract %slice3A_873[0] : i32 from vector<1xi32>
      %eq3A_875 = arith.constant 1 : i32
      %eq3A_876 = arith.cmpi eq, %squeeze3A_874, %eq3A_875 : i32
      %convert_element_type3A_877 = arith.extui %eq3A_876 : i1 to i32
      %cond3A_878 = arith.constant 0 : i32
      %cond3A_879 = arith.cmpi ne, %convert_element_type3A_877, %cond3A_878 : i32
      scf.if %cond3A_879 {
        %dma_wait3A_1991 = arith.constant 0 : i32
        %dma_wait3A_1992 = arith.constant 0 : i32
        %dma_wait3A_1993 = tpu.memref_slice %arg11[%select_n3A_859, %dma_wait3A_1991, %dma_wait3A_1992] : memref<12x64x128xf32, #tpu.memory_space<vmem>> -> memref<1x64x128xf32, #tpu.memory_space<vmem>>
        %dma_wait3A_1994 = tpu.memref_squeeze %dma_wait3A_1993 : memref<1x64x128xf32, #tpu.memory_space<vmem>> -> memref<64x128xf32, #tpu.memory_space<vmem>>
        %dma_wait3A_1995 = arith.constant 0 : i32
        %dma_wait3A_1996 = arith.constant 0 : i32
        %dma_wait3A_1997 = tpu.memref_slice %arg4[%dma_wait3A_1995, %dma_wait3A_1996] : memref<64x1000000xf32, #tpu.memory_space<hbm>> -> memref<64x128xf32, #tpu.memory_space<hbm>>
        %dma_wait3A_1998 = tpu.memref_slice %arg13[%select_n3A_859] : memref<12x!tpu.dma_semaphore, #tpu.memory_space<semaphore_mem>> -> memref<1x!tpu.dma_semaphore, #tpu.memory_space<semaphore_mem>>
        %dma_wait3A_1999 = tpu.memref_squeeze %dma_wait3A_1998 : memref<1x!tpu.dma_semaphore, #tpu.memory_space<semaphore_mem>> -> memref<!tpu.dma_semaphore, #tpu.memory_space<semaphore_mem>>
        %dma_wait3A_2000 = arith.constant 0 : i32
        %dma_wait3A_2001 = arith.constant 0 : i32
        %dma_wait3A_2002 = tpu.memref_slice %arg11[%select_n3A_859, %dma_wait3A_2000, %dma_wait3A_2001] : memref<12x64x128xf32, #tpu.memory_space<vmem>> -> memref<1x64x128xf32, #tpu.memory_space<vmem>>
        %dma_wait3A_2003 = tpu.memref_squeeze %dma_wait3A_2002 : memref<1x64x128xf32, #tpu.memory_space<vmem>> -> memref<64x128xf32, #tpu.memory_space<vmem>>
        %dma_wait3A_2004 = arith.constant 0 : i32
        %dma_wait3A_2005 = arith.constant 0 : i32
        %dma_wait3A_2006 = tpu.memref_slice %arg4[%dma_wait3A_2004, %dma_wait3A_2005] : memref<64x1000000xf32, #tpu.memory_space<hbm>> -> memref<64x128xf32, #tpu.memory_space<hbm>>
        tpu.wait_dma2 semaphore(%dma_wait3A_1999 : memref<!tpu.dma_semaphore, #tpu.memory_space<semaphore_mem>>) src(%dma_wait3A_2006 : memref<64x128xf32, #tpu.memory_space<hbm>>) dst(%dma_wait3A_2003 : memref<64x128xf32, #tpu.memory_space<vmem>>)
      } else {
      }
      %slice3A_880 = vector.extract_strided_slice %get3A_108 {offsets = [6], sizes = [1], strides = [1]} : vector<16xi32> to vector<1xi32>
      %squeeze3A_881 = vector.extract %slice3A_880[0] : i32 from vector<1xi32>
      %and3A_882 = arith.constant 127 : i32
      %and3A_883 = arith.andi %squeeze3A_881, %and3A_882 : i32
      %broadcast_in_dim3A_884 = vector.broadcast %and3A_883 : i32 to vector<16xi32>
      %jit3A_885 = arith.constant 4 : i32
      %eq3A_886 = arith.constant 0 : i32
      %eq3A_887 = arith.cmpi eq, %jit3A_885, %eq3A_886 : i32
      %jit3A_888 = arith.constant 1 : i32
      %select_n3A_889 = arith.select %eq3A_887, %jit3A_888, %jit3A_885 : i32
      %rem3A_890 = arith.remsi %scan3A_103, %select_n3A_889 : i32
      %ne3A_891 = arith.constant 0 : i32
      %ne3A_892 = arith.cmpi ne, %rem3A_890, %ne3A_891 : i32
      %lt3A_893 = arith.constant 0 : i32
      %lt3A_894 = arith.cmpi slt, %rem3A_890, %lt3A_893 : i32
      %lt3A_895 = arith.constant 0 : i32
      %lt3A_896 = arith.cmpi slt, %select_n3A_889, %lt3A_895 : i32
      %ne3A_897 = arith.xori %lt3A_894, %lt3A_896 : i1
      %and3A_898 = arith.andi %ne3A_897, %ne3A_892 : i1
      %add3A_899 = arith.addi %rem3A_890, %select_n3A_889 : i32
      %select_n3A_900 = arith.select %and3A_898, %add3A_899, %rem3A_890 : i32
      %mul3A_901 = arith.constant 16 : i32
      %mul3A_902 = arith.muli %select_n3A_900, %mul3A_901 : i32
      %add3A_903 = arith.constant 6 : i32
      %add3A_904 = arith.addi %mul3A_902, %add3A_903 : i32
      %add3A_905 = arith.constant 0 : i32
      %add3A_906 = vector.broadcast %add3A_905 : i32 to vector<16xi32>
      %add3A_907 = arith.addi %iota3A, %add3A_906 : vector<16xi32>
      %gather3A_908 = arith.constant 0 : i32
      %gather3A_909 = arith.constant 0 : i32
      %gather3A_910 = tpu.memref_slice %arg11[%select_n3A_859, %gather3A_908, %gather3A_909] : memref<12x64x128xf32, #tpu.memory_space<vmem>> -> memref<1x64x128xf32, #tpu.memory_space<vmem>>
      %gather3A_911 = tpu.memref_squeeze %gather3A_910 : memref<1x64x128xf32, #tpu.memory_space<vmem>> -> memref<64x128xf32, #tpu.memory_space<vmem>>
      %gather3A_912 = tpu.vector_load_idx %gather3A_911[%add3A_907, %broadcast_in_dim3A_884] : memref<64x128xf32, #tpu.memory_space<vmem>>[vector<16xi32>, vector<16xi32>], vector<16xf32>,
      %swap3A_913 = arith.index_cast %select_n3A_142 : i32 to index
      %swap3A_914 = arith.index_cast %add3A_904 : i32 to index
      %swap3A_915 = arith.constant 0 : index
      %swap3A_916 = tpu.vector_load %arg12[%swap3A_913, %swap3A_914, %swap3A_915] {strides = array<i32>} : memref<2x64x128xf32, #tpu.memory_space<vmem>>, vector<16xf32>,
      tpu.vector_store %arg12[%swap3A_913, %swap3A_914, %swap3A_915], %gather3A_912 {strides = array<i32>} : memref<2x64x128xf32, #tpu.memory_space<vmem>>, vector<16xf32>,
      %add3A_917 = arith.constant 16 : i32
      %add3A_918 = vector.broadcast %add3A_917 : i32 to vector<16xi32>
      %add3A_919 = arith.addi %iota3A, %add3A_918 : vector<16xi32>
      %gather3A_920 = arith.constant 0 : i32
      %gather3A_921 = arith.constant 0 : i32
      %gather3A_922 = tpu.memref_slice %arg11[%select_n3A_859, %gather3A_920, %gather3A_921] : memref<12x64x128xf32, #tpu.memory_space<vmem>> -> memref<1x64x128xf32, #tpu.memory_space<vmem>>
      %gather3A_923 = tpu.memref_squeeze %gather3A_922 : memref<1x64x128xf32, #tpu.memory_space<vmem>> -> memref<64x128xf32, #tpu.memory_space<vmem>>
      %gather3A_924 = tpu.vector_load_idx %gather3A_923[%add3A_919, %broadcast_in_dim3A_884] : memref<64x128xf32, #tpu.memory_space<vmem>>[vector<16xi32>, vector<16xi32>], vector<16xf32>,
      %swap3A_925 = arith.index_cast %select_n3A_142 : i32 to index
      %swap3A_926 = arith.index_cast %add3A_904 : i32 to index
      %swap3A_927 = arith.constant 16 : index
      %swap3A_928 = tpu.vector_load %arg12[%swap3A_925, %swap3A_926, %swap3A_927] {strides = array<i32>} : memref<2x64x128xf32, #tpu.memory_space<vmem>>, vector<16xf32>,
      tpu.vector_store %arg12[%swap3A_925, %swap3A_926, %swap3A_927], %gather3A_924 {strides = array<i32>} : memref<2x64x128xf32, #tpu.memory_space<vmem>>, vector<16xf32>,
      %add3A_929 = arith.constant 32 : i32
      %add3A_930 = vector.broadcast %add3A_929 : i32 to vector<16xi32>
      %add3A_931 = arith.addi %iota3A, %add3A_930 : vector<16xi32>
      %gather3A_932 = arith.constant 0 : i32
      %gather3A_933 = arith.constant 0 : i32
      %gather3A_934 = tpu.memref_slice %arg11[%select_n3A_859, %gather3A_932, %gather3A_933] : memref<12x64x128xf32, #tpu.memory_space<vmem>> -> memref<1x64x128xf32, #tpu.memory_space<vmem>>
      %gather3A_935 = tpu.memref_squeeze %gather3A_934 : memref<1x64x128xf32, #tpu.memory_space<vmem>> -> memref<64x128xf32, #tpu.memory_space<vmem>>
      %gather3A_936 = tpu.vector_load_idx %gather3A_935[%add3A_931, %broadcast_in_dim3A_884] : memref<64x128xf32, #tpu.memory_space<vmem>>[vector<16xi32>, vector<16xi32>], vector<16xf32>,
      %swap3A_937 = arith.index_cast %select_n3A_142 : i32 to index
      %swap3A_938 = arith.index_cast %add3A_904 : i32 to index
      %swap3A_939 = arith.constant 32 : index
      %swap3A_940 = tpu.vector_load %arg12[%swap3A_937, %swap3A_938, %swap3A_939] {strides = array<i32>} : memref<2x64x128xf32, #tpu.memory_space<vmem>>, vector<16xf32>,
      tpu.vector_store %arg12[%swap3A_937, %swap3A_938, %swap3A_939], %gather3A_936 {strides = array<i32>} : memref<2x64x128xf32, #tpu.memory_space<vmem>>, vector<16xf32>,
      %add3A_941 = arith.constant 48 : i32
      %add3A_942 = vector.broadcast %add3A_941 : i32 to vector<16xi32>
      %add3A_943 = arith.addi %iota3A, %add3A_942 : vector<16xi32>
      %gather3A_944 = arith.constant 0 : i32
      %gather3A_945 = arith.constant 0 : i32
      %gather3A_946 = tpu.memref_slice %arg11[%select_n3A_859, %gather3A_944, %gather3A_945] : memref<12x64x128xf32, #tpu.memory_space<vmem>> -> memref<1x64x128xf32, #tpu.memory_space<vmem>>
      %gather3A_947 = tpu.memref_squeeze %gather3A_946 : memref<1x64x128xf32, #tpu.memory_space<vmem>> -> memref<64x128xf32, #tpu.memory_space<vmem>>
      %gather3A_948 = tpu.vector_load_idx %gather3A_947[%add3A_943, %broadcast_in_dim3A_884] : memref<64x128xf32, #tpu.memory_space<vmem>>[vector<16xi32>, vector<16xi32>], vector<16xf32>,
      %swap3A_949 = arith.index_cast %select_n3A_142 : i32 to index
      %swap3A_950 = arith.index_cast %add3A_904 : i32 to index
      %swap3A_951 = arith.constant 48 : index
      %swap3A_952 = tpu.vector_load %arg12[%swap3A_949, %swap3A_950, %swap3A_951] {strides = array<i32>} : memref<2x64x128xf32, #tpu.memory_space<vmem>>, vector<16xf32>,
      tpu.vector_store %arg12[%swap3A_949, %swap3A_950, %swap3A_951], %gather3A_948 {strides = array<i32>} : memref<2x64x128xf32, #tpu.memory_space<vmem>>, vector<16xf32>,
      %slice3A_953 = vector.extract_strided_slice %get3A_112 {offsets = [7], sizes = [1], strides = [1]} : vector<16xi32> to vector<1xi32>
      %squeeze3A_954 = vector.extract %slice3A_953[0] : i32 from vector<1xi32>
      %sub3A_955 = arith.constant 1 : i32
      %sub3A_956 = arith.subi %squeeze3A_954, %sub3A_955 : i32
      %jit3A_957 = arith.constant 12 : i32
      %eq3A_958 = arith.constant 0 : i32
      %eq3A_959 = arith.cmpi eq, %jit3A_957, %eq3A_958 : i32
      %jit3A_960 = arith.constant 1 : i32
      %select_n3A_961 = arith.select %eq3A_959, %jit3A_960, %jit3A_957 : i32
      %rem3A_962 = arith.remsi %sub3A_956, %select_n3A_961 : i32
      %ne3A_963 = arith.constant 0 : i32
      %ne3A_964 = arith.cmpi ne, %rem3A_962, %ne3A_963 : i32
      %lt3A_965 = arith.constant 0 : i32
      %lt3A_966 = arith.cmpi slt, %rem3A_962, %lt3A_965 : i32
      %lt3A_967 = arith.constant 0 : i32
      %lt3A_968 = arith.cmpi slt, %select_n3A_961, %lt3A_967 : i32
      %ne3A_969 = arith.xori %lt3A_966, %lt3A_968 : i1
      %and3A_970 = arith.andi %ne3A_969, %ne3A_964 : i1
      %add3A_971 = arith.addi %rem3A_962, %select_n3A_961 : i32
      %select_n3A_972 = arith.select %and3A_970, %add3A_971, %rem3A_962 : i32
      %add3A_973 = arith.constant 11 : i32
      %add3A_974 = arith.addi %squeeze3A_954, %add3A_973 : i32
      %min3A_975 = arith.minsi %add3A_974, %scan3A_6 : i32
      %sub3A_976 = arith.constant 1 : i32
      %sub3A_977 = arith.subi %min3A_975, %sub3A_976 : i32
      %broadcast_in_dim3A_978 = vector.broadcast %sub3A_977 : i32 to vector<16xi32>
      %gather3A_979 = tpu.vector_load_idx %arg9[%broadcast_in_dim3A_978] : memref<528xi32, #tpu.memory_space<vmem>>[vector<16xi32>], vector<16xi32>,
      %slice3A_980 = vector.extract_strided_slice %gather3A_979 {offsets = [0], sizes = [1], strides = [1]} : vector<16xi32> to vector<1xi32>
      %squeeze3A_981 = vector.extract %slice3A_980[0] : i32 from vector<1xi32>
      %gt3A_982 = arith.cmpi sgt, %min3A_975, %min3A_862 : i32
      %convert_element_type3A_983 = arith.extui %gt3A_982 : i1 to i32
      %cond3A_984 = arith.constant 0 : i32
      %cond3A_985 = arith.cmpi ne, %convert_element_type3A_983, %cond3A_984 : i32
      scf.if %cond3A_985 {
        %jit3A_1991 = arith.constant 12 : i32
        %eq3A_1992 = arith.constant 0 : i32
        %eq3A_1993 = arith.cmpi eq, %jit3A_1991, %eq3A_1992 : i32
        %jit3A_1994 = arith.constant 1 : i32
        %select_n3A_1995 = arith.select %eq3A_1993, %jit3A_1994, %jit3A_1991 : i32
        %rem3A_1996 = arith.remsi %sub3A_977, %select_n3A_1995 : i32
        %ne3A_1997 = arith.constant 0 : i32
        %ne3A_1998 = arith.cmpi ne, %rem3A_1996, %ne3A_1997 : i32
        %lt3A_1999 = arith.constant 0 : i32
        %lt3A_2000 = arith.cmpi slt, %rem3A_1996, %lt3A_1999 : i32
        %lt3A_2001 = arith.constant 0 : i32
        %lt3A_2002 = arith.cmpi slt, %select_n3A_1995, %lt3A_2001 : i32
        %ne3A_2003 = arith.xori %lt3A_2000, %lt3A_2002 : i1
        %and3A_2004 = arith.andi %ne3A_2003, %ne3A_1998 : i1
        %add3A_2005 = arith.addi %rem3A_1996, %select_n3A_1995 : i32
        %select_n3A_2006 = arith.select %and3A_2004, %add3A_2005, %rem3A_1996 : i32
        %mul3A_2007 = arith.constant 128 : i32
        %mul3A_2008 = arith.muli %squeeze3A_981, %mul3A_2007 : i32
        %multiple_of3A = tpu.assume_multiple %mul3A_2008, 128 : i32
        %dma_start3A = arith.constant 0 : i32
        %dma_start3A_2009 = arith.constant 0 : i32
        %dma_start3A_2010 = tpu.memref_slice %arg11[%select_n3A_2006, %dma_start3A, %dma_start3A_2009] : memref<12x64x128xf32, #tpu.memory_space<vmem>> -> memref<1x64x128xf32, #tpu.memory_space<vmem>>
        %dma_start3A_2011 = tpu.memref_squeeze %dma_start3A_2010 : memref<1x64x128xf32, #tpu.memory_space<vmem>> -> memref<64x128xf32, #tpu.memory_space<vmem>>
        %dma_start3A_2012 = arith.constant 0 : i32
        %dma_start3A_2013 = tpu.memref_slice %arg4[%dma_start3A_2012, %multiple_of3A] : memref<64x1000000xf32, #tpu.memory_space<hbm>> -> memref<64x128xf32, #tpu.memory_space<hbm>>
        %dma_start3A_2014 = tpu.memref_slice %arg13[%select_n3A_2006] : memref<12x!tpu.dma_semaphore, #tpu.memory_space<semaphore_mem>> -> memref<1x!tpu.dma_semaphore, #tpu.memory_space<semaphore_mem>>
        %dma_start3A_2015 = tpu.memref_squeeze %dma_start3A_2014 : memref<1x!tpu.dma_semaphore, #tpu.memory_space<semaphore_mem>> -> memref<!tpu.dma_semaphore, #tpu.memory_space<semaphore_mem>>
        %dma_start3A_2016 = arith.constant 0 : i32
        %dma_start3A_2017 = arith.constant 0 : i32
        %dma_start3A_2018 = tpu.memref_slice %arg11[%select_n3A_2006, %dma_start3A_2016, %dma_start3A_2017] : memref<12x64x128xf32, #tpu.memory_space<vmem>> -> memref<1x64x128xf32, #tpu.memory_space<vmem>>
        %dma_start3A_2019 = tpu.memref_squeeze %dma_start3A_2018 : memref<1x64x128xf32, #tpu.memory_space<vmem>> -> memref<64x128xf32, #tpu.memory_space<vmem>>
        %dma_start3A_2020 = arith.constant 0 : i32
        %dma_start3A_2021 = tpu.memref_slice %arg4[%dma_start3A_2020, %multiple_of3A] : memref<64x1000000xf32, #tpu.memory_space<hbm>> -> memref<64x128xf32, #tpu.memory_space<hbm>>
        tpu.enqueue_dma source(%dma_start3A_2021 : memref<64x128xf32, #tpu.memory_space<hbm>>) target(%dma_start3A_2019 : memref<64x128xf32, #tpu.memory_space<vmem>>) target_semaphore(%dma_start3A_2015 : memref<!tpu.dma_semaphore, #tpu.memory_space<semaphore_mem>>)
      } else {
      }
      %slice3A_986 = vector.extract_strided_slice %get3A_110 {offsets = [7], sizes = [1], strides = [1]} : vector<16xi32> to vector<1xi32>
      %squeeze3A_987 = vector.extract %slice3A_986[0] : i32 from vector<1xi32>
      %eq3A_988 = arith.constant 1 : i32
      %eq3A_989 = arith.cmpi eq, %squeeze3A_987, %eq3A_988 : i32
      %convert_element_type3A_990 = arith.extui %eq3A_989 : i1 to i32
      %cond3A_991 = arith.constant 0 : i32
      %cond3A_992 = arith.cmpi ne, %convert_element_type3A_990, %cond3A_991 : i32
      scf.if %cond3A_992 {
        %dma_wait3A_1991 = arith.constant 0 : i32
        %dma_wait3A_1992 = arith.constant 0 : i32
        %dma_wait3A_1993 = tpu.memref_slice %arg11[%select_n3A_972, %dma_wait3A_1991, %dma_wait3A_1992] : memref<12x64x128xf32, #tpu.memory_space<vmem>> -> memref<1x64x128xf32, #tpu.memory_space<vmem>>
        %dma_wait3A_1994 = tpu.memref_squeeze %dma_wait3A_1993 : memref<1x64x128xf32, #tpu.memory_space<vmem>> -> memref<64x128xf32, #tpu.memory_space<vmem>>
        %dma_wait3A_1995 = arith.constant 0 : i32
        %dma_wait3A_1996 = arith.constant 0 : i32
        %dma_wait3A_1997 = tpu.memref_slice %arg4[%dma_wait3A_1995, %dma_wait3A_1996] : memref<64x1000000xf32, #tpu.memory_space<hbm>> -> memref<64x128xf32, #tpu.memory_space<hbm>>
        %dma_wait3A_1998 = tpu.memref_slice %arg13[%select_n3A_972] : memref<12x!tpu.dma_semaphore, #tpu.memory_space<semaphore_mem>> -> memref<1x!tpu.dma_semaphore, #tpu.memory_space<semaphore_mem>>
        %dma_wait3A_1999 = tpu.memref_squeeze %dma_wait3A_1998 : memref<1x!tpu.dma_semaphore, #tpu.memory_space<semaphore_mem>> -> memref<!tpu.dma_semaphore, #tpu.memory_space<semaphore_mem>>
        %dma_wait3A_2000 = arith.constant 0 : i32
        %dma_wait3A_2001 = arith.constant 0 : i32
        %dma_wait3A_2002 = tpu.memref_slice %arg11[%select_n3A_972, %dma_wait3A_2000, %dma_wait3A_2001] : memref<12x64x128xf32, #tpu.memory_space<vmem>> -> memref<1x64x128xf32, #tpu.memory_space<vmem>>
        %dma_wait3A_2003 = tpu.memref_squeeze %dma_wait3A_2002 : memref<1x64x128xf32, #tpu.memory_space<vmem>> -> memref<64x128xf32, #tpu.memory_space<vmem>>
        %dma_wait3A_2004 = arith.constant 0 : i32
        %dma_wait3A_2005 = arith.constant 0 : i32
        %dma_wait3A_2006 = tpu.memref_slice %arg4[%dma_wait3A_2004, %dma_wait3A_2005] : memref<64x1000000xf32, #tpu.memory_space<hbm>> -> memref<64x128xf32, #tpu.memory_space<hbm>>
        tpu.wait_dma2 semaphore(%dma_wait3A_1999 : memref<!tpu.dma_semaphore, #tpu.memory_space<semaphore_mem>>) src(%dma_wait3A_2006 : memref<64x128xf32, #tpu.memory_space<hbm>>) dst(%dma_wait3A_2003 : memref<64x128xf32, #tpu.memory_space<vmem>>)
      } else {
      }
      %slice3A_993 = vector.extract_strided_slice %get3A_108 {offsets = [7], sizes = [1], strides = [1]} : vector<16xi32> to vector<1xi32>
      %squeeze3A_994 = vector.extract %slice3A_993[0] : i32 from vector<1xi32>
      %and3A_995 = arith.constant 127 : i32
      %and3A_996 = arith.andi %squeeze3A_994, %and3A_995 : i32
      %broadcast_in_dim3A_997 = vector.broadcast %and3A_996 : i32 to vector<16xi32>
      %jit3A_998 = arith.constant 4 : i32
      %eq3A_999 = arith.constant 0 : i32
      %eq3A_1000 = arith.cmpi eq, %jit3A_998, %eq3A_999 : i32
      %jit3A_1001 = arith.constant 1 : i32
      %select_n3A_1002 = arith.select %eq3A_1000, %jit3A_1001, %jit3A_998 : i32
      %rem3A_1003 = arith.remsi %scan3A_103, %select_n3A_1002 : i32
      %ne3A_1004 = arith.constant 0 : i32
      %ne3A_1005 = arith.cmpi ne, %rem3A_1003, %ne3A_1004 : i32
      %lt3A_1006 = arith.constant 0 : i32
      %lt3A_1007 = arith.cmpi slt, %rem3A_1003, %lt3A_1006 : i32
      %lt3A_1008 = arith.constant 0 : i32
      %lt3A_1009 = arith.cmpi slt, %select_n3A_1002, %lt3A_1008 : i32
      %ne3A_1010 = arith.xori %lt3A_1007, %lt3A_1009 : i1
      %and3A_1011 = arith.andi %ne3A_1010, %ne3A_1005 : i1
      %add3A_1012 = arith.addi %rem3A_1003, %select_n3A_1002 : i32
      %select_n3A_1013 = arith.select %and3A_1011, %add3A_1012, %rem3A_1003 : i32
      %mul3A_1014 = arith.constant 16 : i32
      %mul3A_1015 = arith.muli %select_n3A_1013, %mul3A_1014 : i32
      %add3A_1016 = arith.constant 7 : i32
      %add3A_1017 = arith.addi %mul3A_1015, %add3A_1016 : i32
      %add3A_1018 = arith.constant 0 : i32
      %add3A_1019 = vector.broadcast %add3A_1018 : i32 to vector<16xi32>
      %add3A_1020 = arith.addi %iota3A, %add3A_1019 : vector<16xi32>
      %gather3A_1021 = arith.constant 0 : i32
      %gather3A_1022 = arith.constant 0 : i32
      %gather3A_1023 = tpu.memref_slice %arg11[%select_n3A_972, %gather3A_1021, %gather3A_1022] : memref<12x64x128xf32, #tpu.memory_space<vmem>> -> memref<1x64x128xf32, #tpu.memory_space<vmem>>
      %gather3A_1024 = tpu.memref_squeeze %gather3A_1023 : memref<1x64x128xf32, #tpu.memory_space<vmem>> -> memref<64x128xf32, #tpu.memory_space<vmem>>
      %gather3A_1025 = tpu.vector_load_idx %gather3A_1024[%add3A_1020, %broadcast_in_dim3A_997] : memref<64x128xf32, #tpu.memory_space<vmem>>[vector<16xi32>, vector<16xi32>], vector<16xf32>,
      %swap3A_1026 = arith.index_cast %select_n3A_142 : i32 to index
      %swap3A_1027 = arith.index_cast %add3A_1017 : i32 to index
      %swap3A_1028 = arith.constant 0 : index
      %swap3A_1029 = tpu.vector_load %arg12[%swap3A_1026, %swap3A_1027, %swap3A_1028] {strides = array<i32>} : memref<2x64x128xf32, #tpu.memory_space<vmem>>, vector<16xf32>,
      tpu.vector_store %arg12[%swap3A_1026, %swap3A_1027, %swap3A_1028], %gather3A_1025 {strides = array<i32>} : memref<2x64x128xf32, #tpu.memory_space<vmem>>, vector<16xf32>,
      %add3A_1030 = arith.constant 16 : i32
      %add3A_1031 = vector.broadcast %add3A_1030 : i32 to vector<16xi32>
      %add3A_1032 = arith.addi %iota3A, %add3A_1031 : vector<16xi32>
      %gather3A_1033 = arith.constant 0 : i32
      %gather3A_1034 = arith.constant 0 : i32
      %gather3A_1035 = tpu.memref_slice %arg11[%select_n3A_972, %gather3A_1033, %gather3A_1034] : memref<12x64x128xf32, #tpu.memory_space<vmem>> -> memref<1x64x128xf32, #tpu.memory_space<vmem>>
      %gather3A_1036 = tpu.memref_squeeze %gather3A_1035 : memref<1x64x128xf32, #tpu.memory_space<vmem>> -> memref<64x128xf32, #tpu.memory_space<vmem>>
      %gather3A_1037 = tpu.vector_load_idx %gather3A_1036[%add3A_1032, %broadcast_in_dim3A_997] : memref<64x128xf32, #tpu.memory_space<vmem>>[vector<16xi32>, vector<16xi32>], vector<16xf32>,
      %swap3A_1038 = arith.index_cast %select_n3A_142 : i32 to index
      %swap3A_1039 = arith.index_cast %add3A_1017 : i32 to index
      %swap3A_1040 = arith.constant 16 : index
      %swap3A_1041 = tpu.vector_load %arg12[%swap3A_1038, %swap3A_1039, %swap3A_1040] {strides = array<i32>} : memref<2x64x128xf32, #tpu.memory_space<vmem>>, vector<16xf32>,
      tpu.vector_store %arg12[%swap3A_1038, %swap3A_1039, %swap3A_1040], %gather3A_1037 {strides = array<i32>} : memref<2x64x128xf32, #tpu.memory_space<vmem>>, vector<16xf32>,
      %add3A_1042 = arith.constant 32 : i32
      %add3A_1043 = vector.broadcast %add3A_1042 : i32 to vector<16xi32>
      %add3A_1044 = arith.addi %iota3A, %add3A_1043 : vector<16xi32>
      %gather3A_1045 = arith.constant 0 : i32
      %gather3A_1046 = arith.constant 0 : i32
      %gather3A_1047 = tpu.memref_slice %arg11[%select_n3A_972, %gather3A_1045, %gather3A_1046] : memref<12x64x128xf32, #tpu.memory_space<vmem>> -> memref<1x64x128xf32, #tpu.memory_space<vmem>>
      %gather3A_1048 = tpu.memref_squeeze %gather3A_1047 : memref<1x64x128xf32, #tpu.memory_space<vmem>> -> memref<64x128xf32, #tpu.memory_space<vmem>>
      %gather3A_1049 = tpu.vector_load_idx %gather3A_1048[%add3A_1044, %broadcast_in_dim3A_997] : memref<64x128xf32, #tpu.memory_space<vmem>>[vector<16xi32>, vector<16xi32>], vector<16xf32>,
      %swap3A_1050 = arith.index_cast %select_n3A_142 : i32 to index
      %swap3A_1051 = arith.index_cast %add3A_1017 : i32 to index
      %swap3A_1052 = arith.constant 32 : index
      %swap3A_1053 = tpu.vector_load %arg12[%swap3A_1050, %swap3A_1051, %swap3A_1052] {strides = array<i32>} : memref<2x64x128xf32, #tpu.memory_space<vmem>>, vector<16xf32>,
      tpu.vector_store %arg12[%swap3A_1050, %swap3A_1051, %swap3A_1052], %gather3A_1049 {strides = array<i32>} : memref<2x64x128xf32, #tpu.memory_space<vmem>>, vector<16xf32>,
      %add3A_1054 = arith.constant 48 : i32
      %add3A_1055 = vector.broadcast %add3A_1054 : i32 to vector<16xi32>
      %add3A_1056 = arith.addi %iota3A, %add3A_1055 : vector<16xi32>
      %gather3A_1057 = arith.constant 0 : i32
      %gather3A_1058 = arith.constant 0 : i32
      %gather3A_1059 = tpu.memref_slice %arg11[%select_n3A_972, %gather3A_1057, %gather3A_1058] : memref<12x64x128xf32, #tpu.memory_space<vmem>> -> memref<1x64x128xf32, #tpu.memory_space<vmem>>
      %gather3A_1060 = tpu.memref_squeeze %gather3A_1059 : memref<1x64x128xf32, #tpu.memory_space<vmem>> -> memref<64x128xf32, #tpu.memory_space<vmem>>
      %gather3A_1061 = tpu.vector_load_idx %gather3A_1060[%add3A_1056, %broadcast_in_dim3A_997] : memref<64x128xf32, #tpu.memory_space<vmem>>[vector<16xi32>, vector<16xi32>], vector<16xf32>,
      %swap3A_1062 = arith.index_cast %select_n3A_142 : i32 to index
      %swap3A_1063 = arith.index_cast %add3A_1017 : i32 to index
      %swap3A_1064 = arith.constant 48 : index
      %swap3A_1065 = tpu.vector_load %arg12[%swap3A_1062, %swap3A_1063, %swap3A_1064] {strides = array<i32>} : memref<2x64x128xf32, #tpu.memory_space<vmem>>, vector<16xf32>,
      tpu.vector_store %arg12[%swap3A_1062, %swap3A_1063, %swap3A_1064], %gather3A_1061 {strides = array<i32>} : memref<2x64x128xf32, #tpu.memory_space<vmem>>, vector<16xf32>,
      %slice3A_1066 = vector.extract_strided_slice %get3A_112 {offsets = [8], sizes = [1], strides = [1]} : vector<16xi32> to vector<1xi32>
      %squeeze3A_1067 = vector.extract %slice3A_1066[0] : i32 from vector<1xi32>
      %sub3A_1068 = arith.constant 1 : i32
      %sub3A_1069 = arith.subi %squeeze3A_1067, %sub3A_1068 : i32
      %jit3A_1070 = arith.constant 12 : i32
      %eq3A_1071 = arith.constant 0 : i32
      %eq3A_1072 = arith.cmpi eq, %jit3A_1070, %eq3A_1071 : i32
      %jit3A_1073 = arith.constant 1 : i32
      %select_n3A_1074 = arith.select %eq3A_1072, %jit3A_1073, %jit3A_1070 : i32
      %rem3A_1075 = arith.remsi %sub3A_1069, %select_n3A_1074 : i32
      %ne3A_1076 = arith.constant 0 : i32
      %ne3A_1077 = arith.cmpi ne, %rem3A_1075, %ne3A_1076 : i32
      %lt3A_1078 = arith.constant 0 : i32
      %lt3A_1079 = arith.cmpi slt, %rem3A_1075, %lt3A_1078 : i32
      %lt3A_1080 = arith.constant 0 : i32
      %lt3A_1081 = arith.cmpi slt, %select_n3A_1074, %lt3A_1080 : i32
      %ne3A_1082 = arith.xori %lt3A_1079, %lt3A_1081 : i1
      %and3A_1083 = arith.andi %ne3A_1082, %ne3A_1077 : i1
      %add3A_1084 = arith.addi %rem3A_1075, %select_n3A_1074 : i32
      %select_n3A_1085 = arith.select %and3A_1083, %add3A_1084, %rem3A_1075 : i32
      %add3A_1086 = arith.constant 11 : i32
      %add3A_1087 = arith.addi %squeeze3A_1067, %add3A_1086 : i32
      %min3A_1088 = arith.minsi %add3A_1087, %scan3A_6 : i32
      %sub3A_1089 = arith.constant 1 : i32
      %sub3A_1090 = arith.subi %min3A_1088, %sub3A_1089 : i32
      %broadcast_in_dim3A_1091 = vector.broadcast %sub3A_1090 : i32 to vector<16xi32>
      %gather3A_1092 = tpu.vector_load_idx %arg9[%broadcast_in_dim3A_1091] : memref<528xi32, #tpu.memory_space<vmem>>[vector<16xi32>], vector<16xi32>,
      %slice3A_1093 = vector.extract_strided_slice %gather3A_1092 {offsets = [0], sizes = [1], strides = [1]} : vector<16xi32> to vector<1xi32>
      %squeeze3A_1094 = vector.extract %slice3A_1093[0] : i32 from vector<1xi32>
      %gt3A_1095 = arith.cmpi sgt, %min3A_1088, %min3A_975 : i32
      %convert_element_type3A_1096 = arith.extui %gt3A_1095 : i1 to i32
      %cond3A_1097 = arith.constant 0 : i32
      %cond3A_1098 = arith.cmpi ne, %convert_element_type3A_1096, %cond3A_1097 : i32
      scf.if %cond3A_1098 {
        %jit3A_1991 = arith.constant 12 : i32
        %eq3A_1992 = arith.constant 0 : i32
        %eq3A_1993 = arith.cmpi eq, %jit3A_1991, %eq3A_1992 : i32
        %jit3A_1994 = arith.constant 1 : i32
        %select_n3A_1995 = arith.select %eq3A_1993, %jit3A_1994, %jit3A_1991 : i32
        %rem3A_1996 = arith.remsi %sub3A_1090, %select_n3A_1995 : i32
        %ne3A_1997 = arith.constant 0 : i32
        %ne3A_1998 = arith.cmpi ne, %rem3A_1996, %ne3A_1997 : i32
        %lt3A_1999 = arith.constant 0 : i32
        %lt3A_2000 = arith.cmpi slt, %rem3A_1996, %lt3A_1999 : i32
        %lt3A_2001 = arith.constant 0 : i32
        %lt3A_2002 = arith.cmpi slt, %select_n3A_1995, %lt3A_2001 : i32
        %ne3A_2003 = arith.xori %lt3A_2000, %lt3A_2002 : i1
        %and3A_2004 = arith.andi %ne3A_2003, %ne3A_1998 : i1
        %add3A_2005 = arith.addi %rem3A_1996, %select_n3A_1995 : i32
        %select_n3A_2006 = arith.select %and3A_2004, %add3A_2005, %rem3A_1996 : i32
        %mul3A_2007 = arith.constant 128 : i32
        %mul3A_2008 = arith.muli %squeeze3A_1094, %mul3A_2007 : i32
        %multiple_of3A = tpu.assume_multiple %mul3A_2008, 128 : i32
        %dma_start3A = arith.constant 0 : i32
        %dma_start3A_2009 = arith.constant 0 : i32
        %dma_start3A_2010 = tpu.memref_slice %arg11[%select_n3A_2006, %dma_start3A, %dma_start3A_2009] : memref<12x64x128xf32, #tpu.memory_space<vmem>> -> memref<1x64x128xf32, #tpu.memory_space<vmem>>
        %dma_start3A_2011 = tpu.memref_squeeze %dma_start3A_2010 : memref<1x64x128xf32, #tpu.memory_space<vmem>> -> memref<64x128xf32, #tpu.memory_space<vmem>>
        %dma_start3A_2012 = arith.constant 0 : i32
        %dma_start3A_2013 = tpu.memref_slice %arg4[%dma_start3A_2012, %multiple_of3A] : memref<64x1000000xf32, #tpu.memory_space<hbm>> -> memref<64x128xf32, #tpu.memory_space<hbm>>
        %dma_start3A_2014 = tpu.memref_slice %arg13[%select_n3A_2006] : memref<12x!tpu.dma_semaphore, #tpu.memory_space<semaphore_mem>> -> memref<1x!tpu.dma_semaphore, #tpu.memory_space<semaphore_mem>>
        %dma_start3A_2015 = tpu.memref_squeeze %dma_start3A_2014 : memref<1x!tpu.dma_semaphore, #tpu.memory_space<semaphore_mem>> -> memref<!tpu.dma_semaphore, #tpu.memory_space<semaphore_mem>>
        %dma_start3A_2016 = arith.constant 0 : i32
        %dma_start3A_2017 = arith.constant 0 : i32
        %dma_start3A_2018 = tpu.memref_slice %arg11[%select_n3A_2006, %dma_start3A_2016, %dma_start3A_2017] : memref<12x64x128xf32, #tpu.memory_space<vmem>> -> memref<1x64x128xf32, #tpu.memory_space<vmem>>
        %dma_start3A_2019 = tpu.memref_squeeze %dma_start3A_2018 : memref<1x64x128xf32, #tpu.memory_space<vmem>> -> memref<64x128xf32, #tpu.memory_space<vmem>>
        %dma_start3A_2020 = arith.constant 0 : i32
        %dma_start3A_2021 = tpu.memref_slice %arg4[%dma_start3A_2020, %multiple_of3A] : memref<64x1000000xf32, #tpu.memory_space<hbm>> -> memref<64x128xf32, #tpu.memory_space<hbm>>
        tpu.enqueue_dma source(%dma_start3A_2021 : memref<64x128xf32, #tpu.memory_space<hbm>>) target(%dma_start3A_2019 : memref<64x128xf32, #tpu.memory_space<vmem>>) target_semaphore(%dma_start3A_2015 : memref<!tpu.dma_semaphore, #tpu.memory_space<semaphore_mem>>)
      } else {
      }
      %slice3A_1099 = vector.extract_strided_slice %get3A_110 {offsets = [8], sizes = [1], strides = [1]} : vector<16xi32> to vector<1xi32>
      %squeeze3A_1100 = vector.extract %slice3A_1099[0] : i32 from vector<1xi32>
      %eq3A_1101 = arith.constant 1 : i32
      %eq3A_1102 = arith.cmpi eq, %squeeze3A_1100, %eq3A_1101 : i32
      %convert_element_type3A_1103 = arith.extui %eq3A_1102 : i1 to i32
      %cond3A_1104 = arith.constant 0 : i32
      %cond3A_1105 = arith.cmpi ne, %convert_element_type3A_1103, %cond3A_1104 : i32
      scf.if %cond3A_1105 {
        %dma_wait3A_1991 = arith.constant 0 : i32
        %dma_wait3A_1992 = arith.constant 0 : i32
        %dma_wait3A_1993 = tpu.memref_slice %arg11[%select_n3A_1085, %dma_wait3A_1991, %dma_wait3A_1992] : memref<12x64x128xf32, #tpu.memory_space<vmem>> -> memref<1x64x128xf32, #tpu.memory_space<vmem>>
        %dma_wait3A_1994 = tpu.memref_squeeze %dma_wait3A_1993 : memref<1x64x128xf32, #tpu.memory_space<vmem>> -> memref<64x128xf32, #tpu.memory_space<vmem>>
        %dma_wait3A_1995 = arith.constant 0 : i32
        %dma_wait3A_1996 = arith.constant 0 : i32
        %dma_wait3A_1997 = tpu.memref_slice %arg4[%dma_wait3A_1995, %dma_wait3A_1996] : memref<64x1000000xf32, #tpu.memory_space<hbm>> -> memref<64x128xf32, #tpu.memory_space<hbm>>
        %dma_wait3A_1998 = tpu.memref_slice %arg13[%select_n3A_1085] : memref<12x!tpu.dma_semaphore, #tpu.memory_space<semaphore_mem>> -> memref<1x!tpu.dma_semaphore, #tpu.memory_space<semaphore_mem>>
        %dma_wait3A_1999 = tpu.memref_squeeze %dma_wait3A_1998 : memref<1x!tpu.dma_semaphore, #tpu.memory_space<semaphore_mem>> -> memref<!tpu.dma_semaphore, #tpu.memory_space<semaphore_mem>>
        %dma_wait3A_2000 = arith.constant 0 : i32
        %dma_wait3A_2001 = arith.constant 0 : i32
        %dma_wait3A_2002 = tpu.memref_slice %arg11[%select_n3A_1085, %dma_wait3A_2000, %dma_wait3A_2001] : memref<12x64x128xf32, #tpu.memory_space<vmem>> -> memref<1x64x128xf32, #tpu.memory_space<vmem>>
        %dma_wait3A_2003 = tpu.memref_squeeze %dma_wait3A_2002 : memref<1x64x128xf32, #tpu.memory_space<vmem>> -> memref<64x128xf32, #tpu.memory_space<vmem>>
        %dma_wait3A_2004 = arith.constant 0 : i32
        %dma_wait3A_2005 = arith.constant 0 : i32
        %dma_wait3A_2006 = tpu.memref_slice %arg4[%dma_wait3A_2004, %dma_wait3A_2005] : memref<64x1000000xf32, #tpu.memory_space<hbm>> -> memref<64x128xf32, #tpu.memory_space<hbm>>
        tpu.wait_dma2 semaphore(%dma_wait3A_1999 : memref<!tpu.dma_semaphore, #tpu.memory_space<semaphore_mem>>) src(%dma_wait3A_2006 : memref<64x128xf32, #tpu.memory_space<hbm>>) dst(%dma_wait3A_2003 : memref<64x128xf32, #tpu.memory_space<vmem>>)
      } else {
      }
      %slice3A_1106 = vector.extract_strided_slice %get3A_108 {offsets = [8], sizes = [1], strides = [1]} : vector<16xi32> to vector<1xi32>
      %squeeze3A_1107 = vector.extract %slice3A_1106[0] : i32 from vector<1xi32>
      %and3A_1108 = arith.constant 127 : i32
      %and3A_1109 = arith.andi %squeeze3A_1107, %and3A_1108 : i32
      %broadcast_in_dim3A_1110 = vector.broadcast %and3A_1109 : i32 to vector<16xi32>
      %jit3A_1111 = arith.constant 4 : i32
      %eq3A_1112 = arith.constant 0 : i32
      %eq3A_1113 = arith.cmpi eq, %jit3A_1111, %eq3A_1112 : i32
      %jit3A_1114 = arith.constant 1 : i32
      %select_n3A_1115 = arith.select %eq3A_1113, %jit3A_1114, %jit3A_1111 : i32
      %rem3A_1116 = arith.remsi %scan3A_103, %select_n3A_1115 : i32
      %ne3A_1117 = arith.constant 0 : i32
      %ne3A_1118 = arith.cmpi ne, %rem3A_1116, %ne3A_1117 : i32
      %lt3A_1119 = arith.constant 0 : i32
      %lt3A_1120 = arith.cmpi slt, %rem3A_1116, %lt3A_1119 : i32
      %lt3A_1121 = arith.constant 0 : i32
      %lt3A_1122 = arith.cmpi slt, %select_n3A_1115, %lt3A_1121 : i32
      %ne3A_1123 = arith.xori %lt3A_1120, %lt3A_1122 : i1
      %and3A_1124 = arith.andi %ne3A_1123, %ne3A_1118 : i1
      %add3A_1125 = arith.addi %rem3A_1116, %select_n3A_1115 : i32
      %select_n3A_1126 = arith.select %and3A_1124, %add3A_1125, %rem3A_1116 : i32
      %mul3A_1127 = arith.constant 16 : i32
      %mul3A_1128 = arith.muli %select_n3A_1126, %mul3A_1127 : i32
      %add3A_1129 = arith.constant 8 : i32
      %add3A_1130 = arith.addi %mul3A_1128, %add3A_1129 : i32
      %add3A_1131 = arith.constant 0 : i32
      %add3A_1132 = vector.broadcast %add3A_1131 : i32 to vector<16xi32>
      %add3A_1133 = arith.addi %iota3A, %add3A_1132 : vector<16xi32>
      %gather3A_1134 = arith.constant 0 : i32
      %gather3A_1135 = arith.constant 0 : i32
      %gather3A_1136 = tpu.memref_slice %arg11[%select_n3A_1085, %gather3A_1134, %gather3A_1135] : memref<12x64x128xf32, #tpu.memory_space<vmem>> -> memref<1x64x128xf32, #tpu.memory_space<vmem>>
      %gather3A_1137 = tpu.memref_squeeze %gather3A_1136 : memref<1x64x128xf32, #tpu.memory_space<vmem>> -> memref<64x128xf32, #tpu.memory_space<vmem>>
      %gather3A_1138 = tpu.vector_load_idx %gather3A_1137[%add3A_1133, %broadcast_in_dim3A_1110] : memref<64x128xf32, #tpu.memory_space<vmem>>[vector<16xi32>, vector<16xi32>], vector<16xf32>,
      %swap3A_1139 = arith.index_cast %select_n3A_142 : i32 to index
      %swap3A_1140 = arith.index_cast %add3A_1130 : i32 to index
      %swap3A_1141 = arith.constant 0 : index
      %swap3A_1142 = tpu.vector_load %arg12[%swap3A_1139, %swap3A_1140, %swap3A_1141] {strides = array<i32>} : memref<2x64x128xf32, #tpu.memory_space<vmem>>, vector<16xf32>,
      tpu.vector_store %arg12[%swap3A_1139, %swap3A_1140, %swap3A_1141], %gather3A_1138 {strides = array<i32>} : memref<2x64x128xf32, #tpu.memory_space<vmem>>, vector<16xf32>,
      %add3A_1143 = arith.constant 16 : i32
      %add3A_1144 = vector.broadcast %add3A_1143 : i32 to vector<16xi32>
      %add3A_1145 = arith.addi %iota3A, %add3A_1144 : vector<16xi32>
      %gather3A_1146 = arith.constant 0 : i32
      %gather3A_1147 = arith.constant 0 : i32
      %gather3A_1148 = tpu.memref_slice %arg11[%select_n3A_1085, %gather3A_1146, %gather3A_1147] : memref<12x64x128xf32, #tpu.memory_space<vmem>> -> memref<1x64x128xf32, #tpu.memory_space<vmem>>
      %gather3A_1149 = tpu.memref_squeeze %gather3A_1148 : memref<1x64x128xf32, #tpu.memory_space<vmem>> -> memref<64x128xf32, #tpu.memory_space<vmem>>
      %gather3A_1150 = tpu.vector_load_idx %gather3A_1149[%add3A_1145, %broadcast_in_dim3A_1110] : memref<64x128xf32, #tpu.memory_space<vmem>>[vector<16xi32>, vector<16xi32>], vector<16xf32>,
      %swap3A_1151 = arith.index_cast %select_n3A_142 : i32 to index
      %swap3A_1152 = arith.index_cast %add3A_1130 : i32 to index
      %swap3A_1153 = arith.constant 16 : index
      %swap3A_1154 = tpu.vector_load %arg12[%swap3A_1151, %swap3A_1152, %swap3A_1153] {strides = array<i32>} : memref<2x64x128xf32, #tpu.memory_space<vmem>>, vector<16xf32>,
      tpu.vector_store %arg12[%swap3A_1151, %swap3A_1152, %swap3A_1153], %gather3A_1150 {strides = array<i32>} : memref<2x64x128xf32, #tpu.memory_space<vmem>>, vector<16xf32>,
      %add3A_1155 = arith.constant 32 : i32
      %add3A_1156 = vector.broadcast %add3A_1155 : i32 to vector<16xi32>
      %add3A_1157 = arith.addi %iota3A, %add3A_1156 : vector<16xi32>
      %gather3A_1158 = arith.constant 0 : i32
      %gather3A_1159 = arith.constant 0 : i32
      %gather3A_1160 = tpu.memref_slice %arg11[%select_n3A_1085, %gather3A_1158, %gather3A_1159] : memref<12x64x128xf32, #tpu.memory_space<vmem>> -> memref<1x64x128xf32, #tpu.memory_space<vmem>>
      %gather3A_1161 = tpu.memref_squeeze %gather3A_1160 : memref<1x64x128xf32, #tpu.memory_space<vmem>> -> memref<64x128xf32, #tpu.memory_space<vmem>>
      %gather3A_1162 = tpu.vector_load_idx %gather3A_1161[%add3A_1157, %broadcast_in_dim3A_1110] : memref<64x128xf32, #tpu.memory_space<vmem>>[vector<16xi32>, vector<16xi32>], vector<16xf32>,
      %swap3A_1163 = arith.index_cast %select_n3A_142 : i32 to index
      %swap3A_1164 = arith.index_cast %add3A_1130 : i32 to index
      %swap3A_1165 = arith.constant 32 : index
      %swap3A_1166 = tpu.vector_load %arg12[%swap3A_1163, %swap3A_1164, %swap3A_1165] {strides = array<i32>} : memref<2x64x128xf32, #tpu.memory_space<vmem>>, vector<16xf32>,
      tpu.vector_store %arg12[%swap3A_1163, %swap3A_1164, %swap3A_1165], %gather3A_1162 {strides = array<i32>} : memref<2x64x128xf32, #tpu.memory_space<vmem>>, vector<16xf32>,
      %add3A_1167 = arith.constant 48 : i32
      %add3A_1168 = vector.broadcast %add3A_1167 : i32 to vector<16xi32>
      %add3A_1169 = arith.addi %iota3A, %add3A_1168 : vector<16xi32>
      %gather3A_1170 = arith.constant 0 : i32
      %gather3A_1171 = arith.constant 0 : i32
      %gather3A_1172 = tpu.memref_slice %arg11[%select_n3A_1085, %gather3A_1170, %gather3A_1171] : memref<12x64x128xf32, #tpu.memory_space<vmem>> -> memref<1x64x128xf32, #tpu.memory_space<vmem>>
      %gather3A_1173 = tpu.memref_squeeze %gather3A_1172 : memref<1x64x128xf32, #tpu.memory_space<vmem>> -> memref<64x128xf32, #tpu.memory_space<vmem>>
      %gather3A_1174 = tpu.vector_load_idx %gather3A_1173[%add3A_1169, %broadcast_in_dim3A_1110] : memref<64x128xf32, #tpu.memory_space<vmem>>[vector<16xi32>, vector<16xi32>], vector<16xf32>,
      %swap3A_1175 = arith.index_cast %select_n3A_142 : i32 to index
      %swap3A_1176 = arith.index_cast %add3A_1130 : i32 to index
      %swap3A_1177 = arith.constant 48 : index
      %swap3A_1178 = tpu.vector_load %arg12[%swap3A_1175, %swap3A_1176, %swap3A_1177] {strides = array<i32>} : memref<2x64x128xf32, #tpu.memory_space<vmem>>, vector<16xf32>,
      tpu.vector_store %arg12[%swap3A_1175, %swap3A_1176, %swap3A_1177], %gather3A_1174 {strides = array<i32>} : memref<2x64x128xf32, #tpu.memory_space<vmem>>, vector<16xf32>,
      %slice3A_1179 = vector.extract_strided_slice %get3A_112 {offsets = [9], sizes = [1], strides = [1]} : vector<16xi32> to vector<1xi32>
      %squeeze3A_1180 = vector.extract %slice3A_1179[0] : i32 from vector<1xi32>
      %sub3A_1181 = arith.constant 1 : i32
      %sub3A_1182 = arith.subi %squeeze3A_1180, %sub3A_1181 : i32
      %jit3A_1183 = arith.constant 12 : i32
      %eq3A_1184 = arith.constant 0 : i32
      %eq3A_1185 = arith.cmpi eq, %jit3A_1183, %eq3A_1184 : i32
      %jit3A_1186 = arith.constant 1 : i32
      %select_n3A_1187 = arith.select %eq3A_1185, %jit3A_1186, %jit3A_1183 : i32
      %rem3A_1188 = arith.remsi %sub3A_1182, %select_n3A_1187 : i32
      %ne3A_1189 = arith.constant 0 : i32
      %ne3A_1190 = arith.cmpi ne, %rem3A_1188, %ne3A_1189 : i32
      %lt3A_1191 = arith.constant 0 : i32
      %lt3A_1192 = arith.cmpi slt, %rem3A_1188, %lt3A_1191 : i32
      %lt3A_1193 = arith.constant 0 : i32
      %lt3A_1194 = arith.cmpi slt, %select_n3A_1187, %lt3A_1193 : i32
      %ne3A_1195 = arith.xori %lt3A_1192, %lt3A_1194 : i1
      %and3A_1196 = arith.andi %ne3A_1195, %ne3A_1190 : i1
      %add3A_1197 = arith.addi %rem3A_1188, %select_n3A_1187 : i32
      %select_n3A_1198 = arith.select %and3A_1196, %add3A_1197, %rem3A_1188 : i32
      %add3A_1199 = arith.constant 11 : i32
      %add3A_1200 = arith.addi %squeeze3A_1180, %add3A_1199 : i32
      %min3A_1201 = arith.minsi %add3A_1200, %scan3A_6 : i32
      %sub3A_1202 = arith.constant 1 : i32
      %sub3A_1203 = arith.subi %min3A_1201, %sub3A_1202 : i32
      %broadcast_in_dim3A_1204 = vector.broadcast %sub3A_1203 : i32 to vector<16xi32>
      %gather3A_1205 = tpu.vector_load_idx %arg9[%broadcast_in_dim3A_1204] : memref<528xi32, #tpu.memory_space<vmem>>[vector<16xi32>], vector<16xi32>,
      %slice3A_1206 = vector.extract_strided_slice %gather3A_1205 {offsets = [0], sizes = [1], strides = [1]} : vector<16xi32> to vector<1xi32>
      %squeeze3A_1207 = vector.extract %slice3A_1206[0] : i32 from vector<1xi32>
      %gt3A_1208 = arith.cmpi sgt, %min3A_1201, %min3A_1088 : i32
      %convert_element_type3A_1209 = arith.extui %gt3A_1208 : i1 to i32
      %cond3A_1210 = arith.constant 0 : i32
      %cond3A_1211 = arith.cmpi ne, %convert_element_type3A_1209, %cond3A_1210 : i32
      scf.if %cond3A_1211 {
        %jit3A_1991 = arith.constant 12 : i32
        %eq3A_1992 = arith.constant 0 : i32
        %eq3A_1993 = arith.cmpi eq, %jit3A_1991, %eq3A_1992 : i32
        %jit3A_1994 = arith.constant 1 : i32
        %select_n3A_1995 = arith.select %eq3A_1993, %jit3A_1994, %jit3A_1991 : i32
        %rem3A_1996 = arith.remsi %sub3A_1203, %select_n3A_1995 : i32
        %ne3A_1997 = arith.constant 0 : i32
        %ne3A_1998 = arith.cmpi ne, %rem3A_1996, %ne3A_1997 : i32
        %lt3A_1999 = arith.constant 0 : i32
        %lt3A_2000 = arith.cmpi slt, %rem3A_1996, %lt3A_1999 : i32
        %lt3A_2001 = arith.constant 0 : i32
        %lt3A_2002 = arith.cmpi slt, %select_n3A_1995, %lt3A_2001 : i32
        %ne3A_2003 = arith.xori %lt3A_2000, %lt3A_2002 : i1
        %and3A_2004 = arith.andi %ne3A_2003, %ne3A_1998 : i1
        %add3A_2005 = arith.addi %rem3A_1996, %select_n3A_1995 : i32
        %select_n3A_2006 = arith.select %and3A_2004, %add3A_2005, %rem3A_1996 : i32
        %mul3A_2007 = arith.constant 128 : i32
        %mul3A_2008 = arith.muli %squeeze3A_1207, %mul3A_2007 : i32
        %multiple_of3A = tpu.assume_multiple %mul3A_2008, 128 : i32
        %dma_start3A = arith.constant 0 : i32
        %dma_start3A_2009 = arith.constant 0 : i32
        %dma_start3A_2010 = tpu.memref_slice %arg11[%select_n3A_2006, %dma_start3A, %dma_start3A_2009] : memref<12x64x128xf32, #tpu.memory_space<vmem>> -> memref<1x64x128xf32, #tpu.memory_space<vmem>>
        %dma_start3A_2011 = tpu.memref_squeeze %dma_start3A_2010 : memref<1x64x128xf32, #tpu.memory_space<vmem>> -> memref<64x128xf32, #tpu.memory_space<vmem>>
        %dma_start3A_2012 = arith.constant 0 : i32
        %dma_start3A_2013 = tpu.memref_slice %arg4[%dma_start3A_2012, %multiple_of3A] : memref<64x1000000xf32, #tpu.memory_space<hbm>> -> memref<64x128xf32, #tpu.memory_space<hbm>>
        %dma_start3A_2014 = tpu.memref_slice %arg13[%select_n3A_2006] : memref<12x!tpu.dma_semaphore, #tpu.memory_space<semaphore_mem>> -> memref<1x!tpu.dma_semaphore, #tpu.memory_space<semaphore_mem>>
        %dma_start3A_2015 = tpu.memref_squeeze %dma_start3A_2014 : memref<1x!tpu.dma_semaphore, #tpu.memory_space<semaphore_mem>> -> memref<!tpu.dma_semaphore, #tpu.memory_space<semaphore_mem>>
        %dma_start3A_2016 = arith.constant 0 : i32
        %dma_start3A_2017 = arith.constant 0 : i32
        %dma_start3A_2018 = tpu.memref_slice %arg11[%select_n3A_2006, %dma_start3A_2016, %dma_start3A_2017] : memref<12x64x128xf32, #tpu.memory_space<vmem>> -> memref<1x64x128xf32, #tpu.memory_space<vmem>>
        %dma_start3A_2019 = tpu.memref_squeeze %dma_start3A_2018 : memref<1x64x128xf32, #tpu.memory_space<vmem>> -> memref<64x128xf32, #tpu.memory_space<vmem>>
        %dma_start3A_2020 = arith.constant 0 : i32
        %dma_start3A_2021 = tpu.memref_slice %arg4[%dma_start3A_2020, %multiple_of3A] : memref<64x1000000xf32, #tpu.memory_space<hbm>> -> memref<64x128xf32, #tpu.memory_space<hbm>>
        tpu.enqueue_dma source(%dma_start3A_2021 : memref<64x128xf32, #tpu.memory_space<hbm>>) target(%dma_start3A_2019 : memref<64x128xf32, #tpu.memory_space<vmem>>) target_semaphore(%dma_start3A_2015 : memref<!tpu.dma_semaphore, #tpu.memory_space<semaphore_mem>>)
      } else {
      }
      %slice3A_1212 = vector.extract_strided_slice %get3A_110 {offsets = [9], sizes = [1], strides = [1]} : vector<16xi32> to vector<1xi32>
      %squeeze3A_1213 = vector.extract %slice3A_1212[0] : i32 from vector<1xi32>
      %eq3A_1214 = arith.constant 1 : i32
      %eq3A_1215 = arith.cmpi eq, %squeeze3A_1213, %eq3A_1214 : i32
      %convert_element_type3A_1216 = arith.extui %eq3A_1215 : i1 to i32
      %cond3A_1217 = arith.constant 0 : i32
      %cond3A_1218 = arith.cmpi ne, %convert_element_type3A_1216, %cond3A_1217 : i32
      scf.if %cond3A_1218 {
        %dma_wait3A_1991 = arith.constant 0 : i32
        %dma_wait3A_1992 = arith.constant 0 : i32
        %dma_wait3A_1993 = tpu.memref_slice %arg11[%select_n3A_1198, %dma_wait3A_1991, %dma_wait3A_1992] : memref<12x64x128xf32, #tpu.memory_space<vmem>> -> memref<1x64x128xf32, #tpu.memory_space<vmem>>
        %dma_wait3A_1994 = tpu.memref_squeeze %dma_wait3A_1993 : memref<1x64x128xf32, #tpu.memory_space<vmem>> -> memref<64x128xf32, #tpu.memory_space<vmem>>
        %dma_wait3A_1995 = arith.constant 0 : i32
        %dma_wait3A_1996 = arith.constant 0 : i32
        %dma_wait3A_1997 = tpu.memref_slice %arg4[%dma_wait3A_1995, %dma_wait3A_1996] : memref<64x1000000xf32, #tpu.memory_space<hbm>> -> memref<64x128xf32, #tpu.memory_space<hbm>>
        %dma_wait3A_1998 = tpu.memref_slice %arg13[%select_n3A_1198] : memref<12x!tpu.dma_semaphore, #tpu.memory_space<semaphore_mem>> -> memref<1x!tpu.dma_semaphore, #tpu.memory_space<semaphore_mem>>
        %dma_wait3A_1999 = tpu.memref_squeeze %dma_wait3A_1998 : memref<1x!tpu.dma_semaphore, #tpu.memory_space<semaphore_mem>> -> memref<!tpu.dma_semaphore, #tpu.memory_space<semaphore_mem>>
        %dma_wait3A_2000 = arith.constant 0 : i32
        %dma_wait3A_2001 = arith.constant 0 : i32
        %dma_wait3A_2002 = tpu.memref_slice %arg11[%select_n3A_1198, %dma_wait3A_2000, %dma_wait3A_2001] : memref<12x64x128xf32, #tpu.memory_space<vmem>> -> memref<1x64x128xf32, #tpu.memory_space<vmem>>
        %dma_wait3A_2003 = tpu.memref_squeeze %dma_wait3A_2002 : memref<1x64x128xf32, #tpu.memory_space<vmem>> -> memref<64x128xf32, #tpu.memory_space<vmem>>
        %dma_wait3A_2004 = arith.constant 0 : i32
        %dma_wait3A_2005 = arith.constant 0 : i32
        %dma_wait3A_2006 = tpu.memref_slice %arg4[%dma_wait3A_2004, %dma_wait3A_2005] : memref<64x1000000xf32, #tpu.memory_space<hbm>> -> memref<64x128xf32, #tpu.memory_space<hbm>>
        tpu.wait_dma2 semaphore(%dma_wait3A_1999 : memref<!tpu.dma_semaphore, #tpu.memory_space<semaphore_mem>>) src(%dma_wait3A_2006 : memref<64x128xf32, #tpu.memory_space<hbm>>) dst(%dma_wait3A_2003 : memref<64x128xf32, #tpu.memory_space<vmem>>)
      } else {
      }
      %slice3A_1219 = vector.extract_strided_slice %get3A_108 {offsets = [9], sizes = [1], strides = [1]} : vector<16xi32> to vector<1xi32>
      %squeeze3A_1220 = vector.extract %slice3A_1219[0] : i32 from vector<1xi32>
      %and3A_1221 = arith.constant 127 : i32
      %and3A_1222 = arith.andi %squeeze3A_1220, %and3A_1221 : i32
      %broadcast_in_dim3A_1223 = vector.broadcast %and3A_1222 : i32 to vector<16xi32>
      %jit3A_1224 = arith.constant 4 : i32
      %eq3A_1225 = arith.constant 0 : i32
      %eq3A_1226 = arith.cmpi eq, %jit3A_1224, %eq3A_1225 : i32
      %jit3A_1227 = arith.constant 1 : i32
      %select_n3A_1228 = arith.select %eq3A_1226, %jit3A_1227, %jit3A_1224 : i32
      %rem3A_1229 = arith.remsi %scan3A_103, %select_n3A_1228 : i32
      %ne3A_1230 = arith.constant 0 : i32
      %ne3A_1231 = arith.cmpi ne, %rem3A_1229, %ne3A_1230 : i32
      %lt3A_1232 = arith.constant 0 : i32
      %lt3A_1233 = arith.cmpi slt, %rem3A_1229, %lt3A_1232 : i32
      %lt3A_1234 = arith.constant 0 : i32
      %lt3A_1235 = arith.cmpi slt, %select_n3A_1228, %lt3A_1234 : i32
      %ne3A_1236 = arith.xori %lt3A_1233, %lt3A_1235 : i1
      %and3A_1237 = arith.andi %ne3A_1236, %ne3A_1231 : i1
      %add3A_1238 = arith.addi %rem3A_1229, %select_n3A_1228 : i32
      %select_n3A_1239 = arith.select %and3A_1237, %add3A_1238, %rem3A_1229 : i32
      %mul3A_1240 = arith.constant 16 : i32
      %mul3A_1241 = arith.muli %select_n3A_1239, %mul3A_1240 : i32
      %add3A_1242 = arith.constant 9 : i32
      %add3A_1243 = arith.addi %mul3A_1241, %add3A_1242 : i32
      %add3A_1244 = arith.constant 0 : i32
      %add3A_1245 = vector.broadcast %add3A_1244 : i32 to vector<16xi32>
      %add3A_1246 = arith.addi %iota3A, %add3A_1245 : vector<16xi32>
      %gather3A_1247 = arith.constant 0 : i32
      %gather3A_1248 = arith.constant 0 : i32
      %gather3A_1249 = tpu.memref_slice %arg11[%select_n3A_1198, %gather3A_1247, %gather3A_1248] : memref<12x64x128xf32, #tpu.memory_space<vmem>> -> memref<1x64x128xf32, #tpu.memory_space<vmem>>
      %gather3A_1250 = tpu.memref_squeeze %gather3A_1249 : memref<1x64x128xf32, #tpu.memory_space<vmem>> -> memref<64x128xf32, #tpu.memory_space<vmem>>
      %gather3A_1251 = tpu.vector_load_idx %gather3A_1250[%add3A_1246, %broadcast_in_dim3A_1223] : memref<64x128xf32, #tpu.memory_space<vmem>>[vector<16xi32>, vector<16xi32>], vector<16xf32>,
      %swap3A_1252 = arith.index_cast %select_n3A_142 : i32 to index
      %swap3A_1253 = arith.index_cast %add3A_1243 : i32 to index
      %swap3A_1254 = arith.constant 0 : index
      %swap3A_1255 = tpu.vector_load %arg12[%swap3A_1252, %swap3A_1253, %swap3A_1254] {strides = array<i32>} : memref<2x64x128xf32, #tpu.memory_space<vmem>>, vector<16xf32>,
      tpu.vector_store %arg12[%swap3A_1252, %swap3A_1253, %swap3A_1254], %gather3A_1251 {strides = array<i32>} : memref<2x64x128xf32, #tpu.memory_space<vmem>>, vector<16xf32>,
      %add3A_1256 = arith.constant 16 : i32
      %add3A_1257 = vector.broadcast %add3A_1256 : i32 to vector<16xi32>
      %add3A_1258 = arith.addi %iota3A, %add3A_1257 : vector<16xi32>
      %gather3A_1259 = arith.constant 0 : i32
      %gather3A_1260 = arith.constant 0 : i32
      %gather3A_1261 = tpu.memref_slice %arg11[%select_n3A_1198, %gather3A_1259, %gather3A_1260] : memref<12x64x128xf32, #tpu.memory_space<vmem>> -> memref<1x64x128xf32, #tpu.memory_space<vmem>>
      %gather3A_1262 = tpu.memref_squeeze %gather3A_1261 : memref<1x64x128xf32, #tpu.memory_space<vmem>> -> memref<64x128xf32, #tpu.memory_space<vmem>>
      %gather3A_1263 = tpu.vector_load_idx %gather3A_1262[%add3A_1258, %broadcast_in_dim3A_1223] : memref<64x128xf32, #tpu.memory_space<vmem>>[vector<16xi32>, vector<16xi32>], vector<16xf32>,
      %swap3A_1264 = arith.index_cast %select_n3A_142 : i32 to index
      %swap3A_1265 = arith.index_cast %add3A_1243 : i32 to index
      %swap3A_1266 = arith.constant 16 : index
      %swap3A_1267 = tpu.vector_load %arg12[%swap3A_1264, %swap3A_1265, %swap3A_1266] {strides = array<i32>} : memref<2x64x128xf32, #tpu.memory_space<vmem>>, vector<16xf32>,
      tpu.vector_store %arg12[%swap3A_1264, %swap3A_1265, %swap3A_1266], %gather3A_1263 {strides = array<i32>} : memref<2x64x128xf32, #tpu.memory_space<vmem>>, vector<16xf32>,
      %add3A_1268 = arith.constant 32 : i32
      %add3A_1269 = vector.broadcast %add3A_1268 : i32 to vector<16xi32>
      %add3A_1270 = arith.addi %iota3A, %add3A_1269 : vector<16xi32>
      %gather3A_1271 = arith.constant 0 : i32
      %gather3A_1272 = arith.constant 0 : i32
      %gather3A_1273 = tpu.memref_slice %arg11[%select_n3A_1198, %gather3A_1271, %gather3A_1272] : memref<12x64x128xf32, #tpu.memory_space<vmem>> -> memref<1x64x128xf32, #tpu.memory_space<vmem>>
      %gather3A_1274 = tpu.memref_squeeze %gather3A_1273 : memref<1x64x128xf32, #tpu.memory_space<vmem>> -> memref<64x128xf32, #tpu.memory_space<vmem>>
      %gather3A_1275 = tpu.vector_load_idx %gather3A_1274[%add3A_1270, %broadcast_in_dim3A_1223] : memref<64x128xf32, #tpu.memory_space<vmem>>[vector<16xi32>, vector<16xi32>], vector<16xf32>,
      %swap3A_1276 = arith.index_cast %select_n3A_142 : i32 to index
      %swap3A_1277 = arith.index_cast %add3A_1243 : i32 to index
      %swap3A_1278 = arith.constant 32 : index
      %swap3A_1279 = tpu.vector_load %arg12[%swap3A_1276, %swap3A_1277, %swap3A_1278] {strides = array<i32>} : memref<2x64x128xf32, #tpu.memory_space<vmem>>, vector<16xf32>,
      tpu.vector_store %arg12[%swap3A_1276, %swap3A_1277, %swap3A_1278], %gather3A_1275 {strides = array<i32>} : memref<2x64x128xf32, #tpu.memory_space<vmem>>, vector<16xf32>,
      %add3A_1280 = arith.constant 48 : i32
      %add3A_1281 = vector.broadcast %add3A_1280 : i32 to vector<16xi32>
      %add3A_1282 = arith.addi %iota3A, %add3A_1281 : vector<16xi32>
      %gather3A_1283 = arith.constant 0 : i32
      %gather3A_1284 = arith.constant 0 : i32
      %gather3A_1285 = tpu.memref_slice %arg11[%select_n3A_1198, %gather3A_1283, %gather3A_1284] : memref<12x64x128xf32, #tpu.memory_space<vmem>> -> memref<1x64x128xf32, #tpu.memory_space<vmem>>
      %gather3A_1286 = tpu.memref_squeeze %gather3A_1285 : memref<1x64x128xf32, #tpu.memory_space<vmem>> -> memref<64x128xf32, #tpu.memory_space<vmem>>
      %gather3A_1287 = tpu.vector_load_idx %gather3A_1286[%add3A_1282, %broadcast_in_dim3A_1223] : memref<64x128xf32, #tpu.memory_space<vmem>>[vector<16xi32>, vector<16xi32>], vector<16xf32>,
      %swap3A_1288 = arith.index_cast %select_n3A_142 : i32 to index
      %swap3A_1289 = arith.index_cast %add3A_1243 : i32 to index
      %swap3A_1290 = arith.constant 48 : index
      %swap3A_1291 = tpu.vector_load %arg12[%swap3A_1288, %swap3A_1289, %swap3A_1290] {strides = array<i32>} : memref<2x64x128xf32, #tpu.memory_space<vmem>>, vector<16xf32>,
      tpu.vector_store %arg12[%swap3A_1288, %swap3A_1289, %swap3A_1290], %gather3A_1287 {strides = array<i32>} : memref<2x64x128xf32, #tpu.memory_space<vmem>>, vector<16xf32>,
      %slice3A_1292 = vector.extract_strided_slice %get3A_112 {offsets = [10], sizes = [1], strides = [1]} : vector<16xi32> to vector<1xi32>
      %squeeze3A_1293 = vector.extract %slice3A_1292[0] : i32 from vector<1xi32>
      %sub3A_1294 = arith.constant 1 : i32
      %sub3A_1295 = arith.subi %squeeze3A_1293, %sub3A_1294 : i32
      %jit3A_1296 = arith.constant 12 : i32
      %eq3A_1297 = arith.constant 0 : i32
      %eq3A_1298 = arith.cmpi eq, %jit3A_1296, %eq3A_1297 : i32
      %jit3A_1299 = arith.constant 1 : i32
      %select_n3A_1300 = arith.select %eq3A_1298, %jit3A_1299, %jit3A_1296 : i32
      %rem3A_1301 = arith.remsi %sub3A_1295, %select_n3A_1300 : i32
      %ne3A_1302 = arith.constant 0 : i32
      %ne3A_1303 = arith.cmpi ne, %rem3A_1301, %ne3A_1302 : i32
      %lt3A_1304 = arith.constant 0 : i32
      %lt3A_1305 = arith.cmpi slt, %rem3A_1301, %lt3A_1304 : i32
      %lt3A_1306 = arith.constant 0 : i32
      %lt3A_1307 = arith.cmpi slt, %select_n3A_1300, %lt3A_1306 : i32
      %ne3A_1308 = arith.xori %lt3A_1305, %lt3A_1307 : i1
      %and3A_1309 = arith.andi %ne3A_1308, %ne3A_1303 : i1
      %add3A_1310 = arith.addi %rem3A_1301, %select_n3A_1300 : i32
      %select_n3A_1311 = arith.select %and3A_1309, %add3A_1310, %rem3A_1301 : i32
      %add3A_1312 = arith.constant 11 : i32
      %add3A_1313 = arith.addi %squeeze3A_1293, %add3A_1312 : i32
      %min3A_1314 = arith.minsi %add3A_1313, %scan3A_6 : i32
      %sub3A_1315 = arith.constant 1 : i32
      %sub3A_1316 = arith.subi %min3A_1314, %sub3A_1315 : i32
      %broadcast_in_dim3A_1317 = vector.broadcast %sub3A_1316 : i32 to vector<16xi32>
      %gather3A_1318 = tpu.vector_load_idx %arg9[%broadcast_in_dim3A_1317] : memref<528xi32, #tpu.memory_space<vmem>>[vector<16xi32>], vector<16xi32>,
      %slice3A_1319 = vector.extract_strided_slice %gather3A_1318 {offsets = [0], sizes = [1], strides = [1]} : vector<16xi32> to vector<1xi32>
      %squeeze3A_1320 = vector.extract %slice3A_1319[0] : i32 from vector<1xi32>
      %gt3A_1321 = arith.cmpi sgt, %min3A_1314, %min3A_1201 : i32
      %convert_element_type3A_1322 = arith.extui %gt3A_1321 : i1 to i32
      %cond3A_1323 = arith.constant 0 : i32
      %cond3A_1324 = arith.cmpi ne, %convert_element_type3A_1322, %cond3A_1323 : i32
      scf.if %cond3A_1324 {
        %jit3A_1991 = arith.constant 12 : i32
        %eq3A_1992 = arith.constant 0 : i32
        %eq3A_1993 = arith.cmpi eq, %jit3A_1991, %eq3A_1992 : i32
        %jit3A_1994 = arith.constant 1 : i32
        %select_n3A_1995 = arith.select %eq3A_1993, %jit3A_1994, %jit3A_1991 : i32
        %rem3A_1996 = arith.remsi %sub3A_1316, %select_n3A_1995 : i32
        %ne3A_1997 = arith.constant 0 : i32
        %ne3A_1998 = arith.cmpi ne, %rem3A_1996, %ne3A_1997 : i32
        %lt3A_1999 = arith.constant 0 : i32
        %lt3A_2000 = arith.cmpi slt, %rem3A_1996, %lt3A_1999 : i32
        %lt3A_2001 = arith.constant 0 : i32
        %lt3A_2002 = arith.cmpi slt, %select_n3A_1995, %lt3A_2001 : i32
        %ne3A_2003 = arith.xori %lt3A_2000, %lt3A_2002 : i1
        %and3A_2004 = arith.andi %ne3A_2003, %ne3A_1998 : i1
        %add3A_2005 = arith.addi %rem3A_1996, %select_n3A_1995 : i32
        %select_n3A_2006 = arith.select %and3A_2004, %add3A_2005, %rem3A_1996 : i32
        %mul3A_2007 = arith.constant 128 : i32
        %mul3A_2008 = arith.muli %squeeze3A_1320, %mul3A_2007 : i32
        %multiple_of3A = tpu.assume_multiple %mul3A_2008, 128 : i32
        %dma_start3A = arith.constant 0 : i32
        %dma_start3A_2009 = arith.constant 0 : i32
        %dma_start3A_2010 = tpu.memref_slice %arg11[%select_n3A_2006, %dma_start3A, %dma_start3A_2009] : memref<12x64x128xf32, #tpu.memory_space<vmem>> -> memref<1x64x128xf32, #tpu.memory_space<vmem>>
        %dma_start3A_2011 = tpu.memref_squeeze %dma_start3A_2010 : memref<1x64x128xf32, #tpu.memory_space<vmem>> -> memref<64x128xf32, #tpu.memory_space<vmem>>
        %dma_start3A_2012 = arith.constant 0 : i32
        %dma_start3A_2013 = tpu.memref_slice %arg4[%dma_start3A_2012, %multiple_of3A] : memref<64x1000000xf32, #tpu.memory_space<hbm>> -> memref<64x128xf32, #tpu.memory_space<hbm>>
        %dma_start3A_2014 = tpu.memref_slice %arg13[%select_n3A_2006] : memref<12x!tpu.dma_semaphore, #tpu.memory_space<semaphore_mem>> -> memref<1x!tpu.dma_semaphore, #tpu.memory_space<semaphore_mem>>
        %dma_start3A_2015 = tpu.memref_squeeze %dma_start3A_2014 : memref<1x!tpu.dma_semaphore, #tpu.memory_space<semaphore_mem>> -> memref<!tpu.dma_semaphore, #tpu.memory_space<semaphore_mem>>
        %dma_start3A_2016 = arith.constant 0 : i32
        %dma_start3A_2017 = arith.constant 0 : i32
        %dma_start3A_2018 = tpu.memref_slice %arg11[%select_n3A_2006, %dma_start3A_2016, %dma_start3A_2017] : memref<12x64x128xf32, #tpu.memory_space<vmem>> -> memref<1x64x128xf32, #tpu.memory_space<vmem>>
        %dma_start3A_2019 = tpu.memref_squeeze %dma_start3A_2018 : memref<1x64x128xf32, #tpu.memory_space<vmem>> -> memref<64x128xf32, #tpu.memory_space<vmem>>
        %dma_start3A_2020 = arith.constant 0 : i32
        %dma_start3A_2021 = tpu.memref_slice %arg4[%dma_start3A_2020, %multiple_of3A] : memref<64x1000000xf32, #tpu.memory_space<hbm>> -> memref<64x128xf32, #tpu.memory_space<hbm>>
        tpu.enqueue_dma source(%dma_start3A_2021 : memref<64x128xf32, #tpu.memory_space<hbm>>) target(%dma_start3A_2019 : memref<64x128xf32, #tpu.memory_space<vmem>>) target_semaphore(%dma_start3A_2015 : memref<!tpu.dma_semaphore, #tpu.memory_space<semaphore_mem>>)
      } else {
      }
      %slice3A_1325 = vector.extract_strided_slice %get3A_110 {offsets = [10], sizes = [1], strides = [1]} : vector<16xi32> to vector<1xi32>
      %squeeze3A_1326 = vector.extract %slice3A_1325[0] : i32 from vector<1xi32>
      %eq3A_1327 = arith.constant 1 : i32
      %eq3A_1328 = arith.cmpi eq, %squeeze3A_1326, %eq3A_1327 : i32
      %convert_element_type3A_1329 = arith.extui %eq3A_1328 : i1 to i32
      %cond3A_1330 = arith.constant 0 : i32
      %cond3A_1331 = arith.cmpi ne, %convert_element_type3A_1329, %cond3A_1330 : i32
      scf.if %cond3A_1331 {
        %dma_wait3A_1991 = arith.constant 0 : i32
        %dma_wait3A_1992 = arith.constant 0 : i32
        %dma_wait3A_1993 = tpu.memref_slice %arg11[%select_n3A_1311, %dma_wait3A_1991, %dma_wait3A_1992] : memref<12x64x128xf32, #tpu.memory_space<vmem>> -> memref<1x64x128xf32, #tpu.memory_space<vmem>>
        %dma_wait3A_1994 = tpu.memref_squeeze %dma_wait3A_1993 : memref<1x64x128xf32, #tpu.memory_space<vmem>> -> memref<64x128xf32, #tpu.memory_space<vmem>>
        %dma_wait3A_1995 = arith.constant 0 : i32
        %dma_wait3A_1996 = arith.constant 0 : i32
        %dma_wait3A_1997 = tpu.memref_slice %arg4[%dma_wait3A_1995, %dma_wait3A_1996] : memref<64x1000000xf32, #tpu.memory_space<hbm>> -> memref<64x128xf32, #tpu.memory_space<hbm>>
        %dma_wait3A_1998 = tpu.memref_slice %arg13[%select_n3A_1311] : memref<12x!tpu.dma_semaphore, #tpu.memory_space<semaphore_mem>> -> memref<1x!tpu.dma_semaphore, #tpu.memory_space<semaphore_mem>>
        %dma_wait3A_1999 = tpu.memref_squeeze %dma_wait3A_1998 : memref<1x!tpu.dma_semaphore, #tpu.memory_space<semaphore_mem>> -> memref<!tpu.dma_semaphore, #tpu.memory_space<semaphore_mem>>
        %dma_wait3A_2000 = arith.constant 0 : i32
        %dma_wait3A_2001 = arith.constant 0 : i32
        %dma_wait3A_2002 = tpu.memref_slice %arg11[%select_n3A_1311, %dma_wait3A_2000, %dma_wait3A_2001] : memref<12x64x128xf32, #tpu.memory_space<vmem>> -> memref<1x64x128xf32, #tpu.memory_space<vmem>>
        %dma_wait3A_2003 = tpu.memref_squeeze %dma_wait3A_2002 : memref<1x64x128xf32, #tpu.memory_space<vmem>> -> memref<64x128xf32, #tpu.memory_space<vmem>>
        %dma_wait3A_2004 = arith.constant 0 : i32
        %dma_wait3A_2005 = arith.constant 0 : i32
        %dma_wait3A_2006 = tpu.memref_slice %arg4[%dma_wait3A_2004, %dma_wait3A_2005] : memref<64x1000000xf32, #tpu.memory_space<hbm>> -> memref<64x128xf32, #tpu.memory_space<hbm>>
        tpu.wait_dma2 semaphore(%dma_wait3A_1999 : memref<!tpu.dma_semaphore, #tpu.memory_space<semaphore_mem>>) src(%dma_wait3A_2006 : memref<64x128xf32, #tpu.memory_space<hbm>>) dst(%dma_wait3A_2003 : memref<64x128xf32, #tpu.memory_space<vmem>>)
      } else {
      }
      %slice3A_1332 = vector.extract_strided_slice %get3A_108 {offsets = [10], sizes = [1], strides = [1]} : vector<16xi32> to vector<1xi32>
      %squeeze3A_1333 = vector.extract %slice3A_1332[0] : i32 from vector<1xi32>
      %and3A_1334 = arith.constant 127 : i32
      %and3A_1335 = arith.andi %squeeze3A_1333, %and3A_1334 : i32
      %broadcast_in_dim3A_1336 = vector.broadcast %and3A_1335 : i32 to vector<16xi32>
      %jit3A_1337 = arith.constant 4 : i32
      %eq3A_1338 = arith.constant 0 : i32
      %eq3A_1339 = arith.cmpi eq, %jit3A_1337, %eq3A_1338 : i32
      %jit3A_1340 = arith.constant 1 : i32
      %select_n3A_1341 = arith.select %eq3A_1339, %jit3A_1340, %jit3A_1337 : i32
      %rem3A_1342 = arith.remsi %scan3A_103, %select_n3A_1341 : i32
      %ne3A_1343 = arith.constant 0 : i32
      %ne3A_1344 = arith.cmpi ne, %rem3A_1342, %ne3A_1343 : i32
      %lt3A_1345 = arith.constant 0 : i32
      %lt3A_1346 = arith.cmpi slt, %rem3A_1342, %lt3A_1345 : i32
      %lt3A_1347 = arith.constant 0 : i32
      %lt3A_1348 = arith.cmpi slt, %select_n3A_1341, %lt3A_1347 : i32
      %ne3A_1349 = arith.xori %lt3A_1346, %lt3A_1348 : i1
      %and3A_1350 = arith.andi %ne3A_1349, %ne3A_1344 : i1
      %add3A_1351 = arith.addi %rem3A_1342, %select_n3A_1341 : i32
      %select_n3A_1352 = arith.select %and3A_1350, %add3A_1351, %rem3A_1342 : i32
      %mul3A_1353 = arith.constant 16 : i32
      %mul3A_1354 = arith.muli %select_n3A_1352, %mul3A_1353 : i32
      %add3A_1355 = arith.constant 10 : i32
      %add3A_1356 = arith.addi %mul3A_1354, %add3A_1355 : i32
      %add3A_1357 = arith.constant 0 : i32
      %add3A_1358 = vector.broadcast %add3A_1357 : i32 to vector<16xi32>
      %add3A_1359 = arith.addi %iota3A, %add3A_1358 : vector<16xi32>
      %gather3A_1360 = arith.constant 0 : i32
      %gather3A_1361 = arith.constant 0 : i32
      %gather3A_1362 = tpu.memref_slice %arg11[%select_n3A_1311, %gather3A_1360, %gather3A_1361] : memref<12x64x128xf32, #tpu.memory_space<vmem>> -> memref<1x64x128xf32, #tpu.memory_space<vmem>>
      %gather3A_1363 = tpu.memref_squeeze %gather3A_1362 : memref<1x64x128xf32, #tpu.memory_space<vmem>> -> memref<64x128xf32, #tpu.memory_space<vmem>>
      %gather3A_1364 = tpu.vector_load_idx %gather3A_1363[%add3A_1359, %broadcast_in_dim3A_1336] : memref<64x128xf32, #tpu.memory_space<vmem>>[vector<16xi32>, vector<16xi32>], vector<16xf32>,
      %swap3A_1365 = arith.index_cast %select_n3A_142 : i32 to index
      %swap3A_1366 = arith.index_cast %add3A_1356 : i32 to index
      %swap3A_1367 = arith.constant 0 : index
      %swap3A_1368 = tpu.vector_load %arg12[%swap3A_1365, %swap3A_1366, %swap3A_1367] {strides = array<i32>} : memref<2x64x128xf32, #tpu.memory_space<vmem>>, vector<16xf32>,
      tpu.vector_store %arg12[%swap3A_1365, %swap3A_1366, %swap3A_1367], %gather3A_1364 {strides = array<i32>} : memref<2x64x128xf32, #tpu.memory_space<vmem>>, vector<16xf32>,
      %add3A_1369 = arith.constant 16 : i32
      %add3A_1370 = vector.broadcast %add3A_1369 : i32 to vector<16xi32>
      %add3A_1371 = arith.addi %iota3A, %add3A_1370 : vector<16xi32>
      %gather3A_1372 = arith.constant 0 : i32
      %gather3A_1373 = arith.constant 0 : i32
      %gather3A_1374 = tpu.memref_slice %arg11[%select_n3A_1311, %gather3A_1372, %gather3A_1373] : memref<12x64x128xf32, #tpu.memory_space<vmem>> -> memref<1x64x128xf32, #tpu.memory_space<vmem>>
      %gather3A_1375 = tpu.memref_squeeze %gather3A_1374 : memref<1x64x128xf32, #tpu.memory_space<vmem>> -> memref<64x128xf32, #tpu.memory_space<vmem>>
      %gather3A_1376 = tpu.vector_load_idx %gather3A_1375[%add3A_1371, %broadcast_in_dim3A_1336] : memref<64x128xf32, #tpu.memory_space<vmem>>[vector<16xi32>, vector<16xi32>], vector<16xf32>,
      %swap3A_1377 = arith.index_cast %select_n3A_142 : i32 to index
      %swap3A_1378 = arith.index_cast %add3A_1356 : i32 to index
      %swap3A_1379 = arith.constant 16 : index
      %swap3A_1380 = tpu.vector_load %arg12[%swap3A_1377, %swap3A_1378, %swap3A_1379] {strides = array<i32>} : memref<2x64x128xf32, #tpu.memory_space<vmem>>, vector<16xf32>,
      tpu.vector_store %arg12[%swap3A_1377, %swap3A_1378, %swap3A_1379], %gather3A_1376 {strides = array<i32>} : memref<2x64x128xf32, #tpu.memory_space<vmem>>, vector<16xf32>,
      %add3A_1381 = arith.constant 32 : i32
      %add3A_1382 = vector.broadcast %add3A_1381 : i32 to vector<16xi32>
      %add3A_1383 = arith.addi %iota3A, %add3A_1382 : vector<16xi32>
      %gather3A_1384 = arith.constant 0 : i32
      %gather3A_1385 = arith.constant 0 : i32
      %gather3A_1386 = tpu.memref_slice %arg11[%select_n3A_1311, %gather3A_1384, %gather3A_1385] : memref<12x64x128xf32, #tpu.memory_space<vmem>> -> memref<1x64x128xf32, #tpu.memory_space<vmem>>
      %gather3A_1387 = tpu.memref_squeeze %gather3A_1386 : memref<1x64x128xf32, #tpu.memory_space<vmem>> -> memref<64x128xf32, #tpu.memory_space<vmem>>
      %gather3A_1388 = tpu.vector_load_idx %gather3A_1387[%add3A_1383, %broadcast_in_dim3A_1336] : memref<64x128xf32, #tpu.memory_space<vmem>>[vector<16xi32>, vector<16xi32>], vector<16xf32>,
      %swap3A_1389 = arith.index_cast %select_n3A_142 : i32 to index
      %swap3A_1390 = arith.index_cast %add3A_1356 : i32 to index
      %swap3A_1391 = arith.constant 32 : index
      %swap3A_1392 = tpu.vector_load %arg12[%swap3A_1389, %swap3A_1390, %swap3A_1391] {strides = array<i32>} : memref<2x64x128xf32, #tpu.memory_space<vmem>>, vector<16xf32>,
      tpu.vector_store %arg12[%swap3A_1389, %swap3A_1390, %swap3A_1391], %gather3A_1388 {strides = array<i32>} : memref<2x64x128xf32, #tpu.memory_space<vmem>>, vector<16xf32>,
      %add3A_1393 = arith.constant 48 : i32
      %add3A_1394 = vector.broadcast %add3A_1393 : i32 to vector<16xi32>
      %add3A_1395 = arith.addi %iota3A, %add3A_1394 : vector<16xi32>
      %gather3A_1396 = arith.constant 0 : i32
      %gather3A_1397 = arith.constant 0 : i32
      %gather3A_1398 = tpu.memref_slice %arg11[%select_n3A_1311, %gather3A_1396, %gather3A_1397] : memref<12x64x128xf32, #tpu.memory_space<vmem>> -> memref<1x64x128xf32, #tpu.memory_space<vmem>>
      %gather3A_1399 = tpu.memref_squeeze %gather3A_1398 : memref<1x64x128xf32, #tpu.memory_space<vmem>> -> memref<64x128xf32, #tpu.memory_space<vmem>>
      %gather3A_1400 = tpu.vector_load_idx %gather3A_1399[%add3A_1395, %broadcast_in_dim3A_1336] : memref<64x128xf32, #tpu.memory_space<vmem>>[vector<16xi32>, vector<16xi32>], vector<16xf32>,
      %swap3A_1401 = arith.index_cast %select_n3A_142 : i32 to index
      %swap3A_1402 = arith.index_cast %add3A_1356 : i32 to index
      %swap3A_1403 = arith.constant 48 : index
      %swap3A_1404 = tpu.vector_load %arg12[%swap3A_1401, %swap3A_1402, %swap3A_1403] {strides = array<i32>} : memref<2x64x128xf32, #tpu.memory_space<vmem>>, vector<16xf32>,
      tpu.vector_store %arg12[%swap3A_1401, %swap3A_1402, %swap3A_1403], %gather3A_1400 {strides = array<i32>} : memref<2x64x128xf32, #tpu.memory_space<vmem>>, vector<16xf32>,
      %slice3A_1405 = vector.extract_strided_slice %get3A_112 {offsets = [11], sizes = [1], strides = [1]} : vector<16xi32> to vector<1xi32>
      %squeeze3A_1406 = vector.extract %slice3A_1405[0] : i32 from vector<1xi32>
      %sub3A_1407 = arith.constant 1 : i32
      %sub3A_1408 = arith.subi %squeeze3A_1406, %sub3A_1407 : i32
      %jit3A_1409 = arith.constant 12 : i32
      %eq3A_1410 = arith.constant 0 : i32
      %eq3A_1411 = arith.cmpi eq, %jit3A_1409, %eq3A_1410 : i32
      %jit3A_1412 = arith.constant 1 : i32
      %select_n3A_1413 = arith.select %eq3A_1411, %jit3A_1412, %jit3A_1409 : i32
      %rem3A_1414 = arith.remsi %sub3A_1408, %select_n3A_1413 : i32
      %ne3A_1415 = arith.constant 0 : i32
      %ne3A_1416 = arith.cmpi ne, %rem3A_1414, %ne3A_1415 : i32
      %lt3A_1417 = arith.constant 0 : i32
      %lt3A_1418 = arith.cmpi slt, %rem3A_1414, %lt3A_1417 : i32
      %lt3A_1419 = arith.constant 0 : i32
      %lt3A_1420 = arith.cmpi slt, %select_n3A_1413, %lt3A_1419 : i32
      %ne3A_1421 = arith.xori %lt3A_1418, %lt3A_1420 : i1
      %and3A_1422 = arith.andi %ne3A_1421, %ne3A_1416 : i1
      %add3A_1423 = arith.addi %rem3A_1414, %select_n3A_1413 : i32
      %select_n3A_1424 = arith.select %and3A_1422, %add3A_1423, %rem3A_1414 : i32
      %add3A_1425 = arith.constant 11 : i32
      %add3A_1426 = arith.addi %squeeze3A_1406, %add3A_1425 : i32
      %min3A_1427 = arith.minsi %add3A_1426, %scan3A_6 : i32
      %sub3A_1428 = arith.constant 1 : i32
      %sub3A_1429 = arith.subi %min3A_1427, %sub3A_1428 : i32
      %broadcast_in_dim3A_1430 = vector.broadcast %sub3A_1429 : i32 to vector<16xi32>
      %gather3A_1431 = tpu.vector_load_idx %arg9[%broadcast_in_dim3A_1430] : memref<528xi32, #tpu.memory_space<vmem>>[vector<16xi32>], vector<16xi32>,
      %slice3A_1432 = vector.extract_strided_slice %gather3A_1431 {offsets = [0], sizes = [1], strides = [1]} : vector<16xi32> to vector<1xi32>
      %squeeze3A_1433 = vector.extract %slice3A_1432[0] : i32 from vector<1xi32>
      %gt3A_1434 = arith.cmpi sgt, %min3A_1427, %min3A_1314 : i32
      %convert_element_type3A_1435 = arith.extui %gt3A_1434 : i1 to i32
      %cond3A_1436 = arith.constant 0 : i32
      %cond3A_1437 = arith.cmpi ne, %convert_element_type3A_1435, %cond3A_1436 : i32
      scf.if %cond3A_1437 {
        %jit3A_1991 = arith.constant 12 : i32
        %eq3A_1992 = arith.constant 0 : i32
        %eq3A_1993 = arith.cmpi eq, %jit3A_1991, %eq3A_1992 : i32
        %jit3A_1994 = arith.constant 1 : i32
        %select_n3A_1995 = arith.select %eq3A_1993, %jit3A_1994, %jit3A_1991 : i32
        %rem3A_1996 = arith.remsi %sub3A_1429, %select_n3A_1995 : i32
        %ne3A_1997 = arith.constant 0 : i32
        %ne3A_1998 = arith.cmpi ne, %rem3A_1996, %ne3A_1997 : i32
        %lt3A_1999 = arith.constant 0 : i32
        %lt3A_2000 = arith.cmpi slt, %rem3A_1996, %lt3A_1999 : i32
        %lt3A_2001 = arith.constant 0 : i32
        %lt3A_2002 = arith.cmpi slt, %select_n3A_1995, %lt3A_2001 : i32
        %ne3A_2003 = arith.xori %lt3A_2000, %lt3A_2002 : i1
        %and3A_2004 = arith.andi %ne3A_2003, %ne3A_1998 : i1
        %add3A_2005 = arith.addi %rem3A_1996, %select_n3A_1995 : i32
        %select_n3A_2006 = arith.select %and3A_2004, %add3A_2005, %rem3A_1996 : i32
        %mul3A_2007 = arith.constant 128 : i32
        %mul3A_2008 = arith.muli %squeeze3A_1433, %mul3A_2007 : i32
        %multiple_of3A = tpu.assume_multiple %mul3A_2008, 128 : i32
        %dma_start3A = arith.constant 0 : i32
        %dma_start3A_2009 = arith.constant 0 : i32
        %dma_start3A_2010 = tpu.memref_slice %arg11[%select_n3A_2006, %dma_start3A, %dma_start3A_2009] : memref<12x64x128xf32, #tpu.memory_space<vmem>> -> memref<1x64x128xf32, #tpu.memory_space<vmem>>
        %dma_start3A_2011 = tpu.memref_squeeze %dma_start3A_2010 : memref<1x64x128xf32, #tpu.memory_space<vmem>> -> memref<64x128xf32, #tpu.memory_space<vmem>>
        %dma_start3A_2012 = arith.constant 0 : i32
        %dma_start3A_2013 = tpu.memref_slice %arg4[%dma_start3A_2012, %multiple_of3A] : memref<64x1000000xf32, #tpu.memory_space<hbm>> -> memref<64x128xf32, #tpu.memory_space<hbm>>
        %dma_start3A_2014 = tpu.memref_slice %arg13[%select_n3A_2006] : memref<12x!tpu.dma_semaphore, #tpu.memory_space<semaphore_mem>> -> memref<1x!tpu.dma_semaphore, #tpu.memory_space<semaphore_mem>>
        %dma_start3A_2015 = tpu.memref_squeeze %dma_start3A_2014 : memref<1x!tpu.dma_semaphore, #tpu.memory_space<semaphore_mem>> -> memref<!tpu.dma_semaphore, #tpu.memory_space<semaphore_mem>>
        %dma_start3A_2016 = arith.constant 0 : i32
        %dma_start3A_2017 = arith.constant 0 : i32
        %dma_start3A_2018 = tpu.memref_slice %arg11[%select_n3A_2006, %dma_start3A_2016, %dma_start3A_2017] : memref<12x64x128xf32, #tpu.memory_space<vmem>> -> memref<1x64x128xf32, #tpu.memory_space<vmem>>
        %dma_start3A_2019 = tpu.memref_squeeze %dma_start3A_2018 : memref<1x64x128xf32, #tpu.memory_space<vmem>> -> memref<64x128xf32, #tpu.memory_space<vmem>>
        %dma_start3A_2020 = arith.constant 0 : i32
        %dma_start3A_2021 = tpu.memref_slice %arg4[%dma_start3A_2020, %multiple_of3A] : memref<64x1000000xf32, #tpu.memory_space<hbm>> -> memref<64x128xf32, #tpu.memory_space<hbm>>
        tpu.enqueue_dma source(%dma_start3A_2021 : memref<64x128xf32, #tpu.memory_space<hbm>>) target(%dma_start3A_2019 : memref<64x128xf32, #tpu.memory_space<vmem>>) target_semaphore(%dma_start3A_2015 : memref<!tpu.dma_semaphore, #tpu.memory_space<semaphore_mem>>)
      } else {
      }
      %slice3A_1438 = vector.extract_strided_slice %get3A_110 {offsets = [11], sizes = [1], strides = [1]} : vector<16xi32> to vector<1xi32>
      %squeeze3A_1439 = vector.extract %slice3A_1438[0] : i32 from vector<1xi32>
      %eq3A_1440 = arith.constant 1 : i32
      %eq3A_1441 = arith.cmpi eq, %squeeze3A_1439, %eq3A_1440 : i32
      %convert_element_type3A_1442 = arith.extui %eq3A_1441 : i1 to i32
      %cond3A_1443 = arith.constant 0 : i32
      %cond3A_1444 = arith.cmpi ne, %convert_element_type3A_1442, %cond3A_1443 : i32
      scf.if %cond3A_1444 {
        %dma_wait3A_1991 = arith.constant 0 : i32
        %dma_wait3A_1992 = arith.constant 0 : i32
        %dma_wait3A_1993 = tpu.memref_slice %arg11[%select_n3A_1424, %dma_wait3A_1991, %dma_wait3A_1992] : memref<12x64x128xf32, #tpu.memory_space<vmem>> -> memref<1x64x128xf32, #tpu.memory_space<vmem>>
        %dma_wait3A_1994 = tpu.memref_squeeze %dma_wait3A_1993 : memref<1x64x128xf32, #tpu.memory_space<vmem>> -> memref<64x128xf32, #tpu.memory_space<vmem>>
        %dma_wait3A_1995 = arith.constant 0 : i32
        %dma_wait3A_1996 = arith.constant 0 : i32
        %dma_wait3A_1997 = tpu.memref_slice %arg4[%dma_wait3A_1995, %dma_wait3A_1996] : memref<64x1000000xf32, #tpu.memory_space<hbm>> -> memref<64x128xf32, #tpu.memory_space<hbm>>
        %dma_wait3A_1998 = tpu.memref_slice %arg13[%select_n3A_1424] : memref<12x!tpu.dma_semaphore, #tpu.memory_space<semaphore_mem>> -> memref<1x!tpu.dma_semaphore, #tpu.memory_space<semaphore_mem>>
        %dma_wait3A_1999 = tpu.memref_squeeze %dma_wait3A_1998 : memref<1x!tpu.dma_semaphore, #tpu.memory_space<semaphore_mem>> -> memref<!tpu.dma_semaphore, #tpu.memory_space<semaphore_mem>>
        %dma_wait3A_2000 = arith.constant 0 : i32
        %dma_wait3A_2001 = arith.constant 0 : i32
        %dma_wait3A_2002 = tpu.memref_slice %arg11[%select_n3A_1424, %dma_wait3A_2000, %dma_wait3A_2001] : memref<12x64x128xf32, #tpu.memory_space<vmem>> -> memref<1x64x128xf32, #tpu.memory_space<vmem>>
        %dma_wait3A_2003 = tpu.memref_squeeze %dma_wait3A_2002 : memref<1x64x128xf32, #tpu.memory_space<vmem>> -> memref<64x128xf32, #tpu.memory_space<vmem>>
        %dma_wait3A_2004 = arith.constant 0 : i32
        %dma_wait3A_2005 = arith.constant 0 : i32
        %dma_wait3A_2006 = tpu.memref_slice %arg4[%dma_wait3A_2004, %dma_wait3A_2005] : memref<64x1000000xf32, #tpu.memory_space<hbm>> -> memref<64x128xf32, #tpu.memory_space<hbm>>
        tpu.wait_dma2 semaphore(%dma_wait3A_1999 : memref<!tpu.dma_semaphore, #tpu.memory_space<semaphore_mem>>) src(%dma_wait3A_2006 : memref<64x128xf32, #tpu.memory_space<hbm>>) dst(%dma_wait3A_2003 : memref<64x128xf32, #tpu.memory_space<vmem>>)
      } else {
      }
      %slice3A_1445 = vector.extract_strided_slice %get3A_108 {offsets = [11], sizes = [1], strides = [1]} : vector<16xi32> to vector<1xi32>
      %squeeze3A_1446 = vector.extract %slice3A_1445[0] : i32 from vector<1xi32>
      %and3A_1447 = arith.constant 127 : i32
      %and3A_1448 = arith.andi %squeeze3A_1446, %and3A_1447 : i32
      %broadcast_in_dim3A_1449 = vector.broadcast %and3A_1448 : i32 to vector<16xi32>
      %jit3A_1450 = arith.constant 4 : i32
      %eq3A_1451 = arith.constant 0 : i32
      %eq3A_1452 = arith.cmpi eq, %jit3A_1450, %eq3A_1451 : i32
      %jit3A_1453 = arith.constant 1 : i32
      %select_n3A_1454 = arith.select %eq3A_1452, %jit3A_1453, %jit3A_1450 : i32
      %rem3A_1455 = arith.remsi %scan3A_103, %select_n3A_1454 : i32
      %ne3A_1456 = arith.constant 0 : i32
      %ne3A_1457 = arith.cmpi ne, %rem3A_1455, %ne3A_1456 : i32
      %lt3A_1458 = arith.constant 0 : i32
      %lt3A_1459 = arith.cmpi slt, %rem3A_1455, %lt3A_1458 : i32
      %lt3A_1460 = arith.constant 0 : i32
      %lt3A_1461 = arith.cmpi slt, %select_n3A_1454, %lt3A_1460 : i32
      %ne3A_1462 = arith.xori %lt3A_1459, %lt3A_1461 : i1
      %and3A_1463 = arith.andi %ne3A_1462, %ne3A_1457 : i1
      %add3A_1464 = arith.addi %rem3A_1455, %select_n3A_1454 : i32
      %select_n3A_1465 = arith.select %and3A_1463, %add3A_1464, %rem3A_1455 : i32
      %mul3A_1466 = arith.constant 16 : i32
      %mul3A_1467 = arith.muli %select_n3A_1465, %mul3A_1466 : i32
      %add3A_1468 = arith.constant 11 : i32
      %add3A_1469 = arith.addi %mul3A_1467, %add3A_1468 : i32
      %add3A_1470 = arith.constant 0 : i32
      %add3A_1471 = vector.broadcast %add3A_1470 : i32 to vector<16xi32>
      %add3A_1472 = arith.addi %iota3A, %add3A_1471 : vector<16xi32>
      %gather3A_1473 = arith.constant 0 : i32
      %gather3A_1474 = arith.constant 0 : i32
      %gather3A_1475 = tpu.memref_slice %arg11[%select_n3A_1424, %gather3A_1473, %gather3A_1474] : memref<12x64x128xf32, #tpu.memory_space<vmem>> -> memref<1x64x128xf32, #tpu.memory_space<vmem>>
      %gather3A_1476 = tpu.memref_squeeze %gather3A_1475 : memref<1x64x128xf32, #tpu.memory_space<vmem>> -> memref<64x128xf32, #tpu.memory_space<vmem>>
      %gather3A_1477 = tpu.vector_load_idx %gather3A_1476[%add3A_1472, %broadcast_in_dim3A_1449] : memref<64x128xf32, #tpu.memory_space<vmem>>[vector<16xi32>, vector<16xi32>], vector<16xf32>,
      %swap3A_1478 = arith.index_cast %select_n3A_142 : i32 to index
      %swap3A_1479 = arith.index_cast %add3A_1469 : i32 to index
      %swap3A_1480 = arith.constant 0 : index
      %swap3A_1481 = tpu.vector_load %arg12[%swap3A_1478, %swap3A_1479, %swap3A_1480] {strides = array<i32>} : memref<2x64x128xf32, #tpu.memory_space<vmem>>, vector<16xf32>,
      tpu.vector_store %arg12[%swap3A_1478, %swap3A_1479, %swap3A_1480], %gather3A_1477 {strides = array<i32>} : memref<2x64x128xf32, #tpu.memory_space<vmem>>, vector<16xf32>,
      %add3A_1482 = arith.constant 16 : i32
      %add3A_1483 = vector.broadcast %add3A_1482 : i32 to vector<16xi32>
      %add3A_1484 = arith.addi %iota3A, %add3A_1483 : vector<16xi32>
      %gather3A_1485 = arith.constant 0 : i32
      %gather3A_1486 = arith.constant 0 : i32
      %gather3A_1487 = tpu.memref_slice %arg11[%select_n3A_1424, %gather3A_1485, %gather3A_1486] : memref<12x64x128xf32, #tpu.memory_space<vmem>> -> memref<1x64x128xf32, #tpu.memory_space<vmem>>
      %gather3A_1488 = tpu.memref_squeeze %gather3A_1487 : memref<1x64x128xf32, #tpu.memory_space<vmem>> -> memref<64x128xf32, #tpu.memory_space<vmem>>
      %gather3A_1489 = tpu.vector_load_idx %gather3A_1488[%add3A_1484, %broadcast_in_dim3A_1449] : memref<64x128xf32, #tpu.memory_space<vmem>>[vector<16xi32>, vector<16xi32>], vector<16xf32>,
      %swap3A_1490 = arith.index_cast %select_n3A_142 : i32 to index
      %swap3A_1491 = arith.index_cast %add3A_1469 : i32 to index
      %swap3A_1492 = arith.constant 16 : index
      %swap3A_1493 = tpu.vector_load %arg12[%swap3A_1490, %swap3A_1491, %swap3A_1492] {strides = array<i32>} : memref<2x64x128xf32, #tpu.memory_space<vmem>>, vector<16xf32>,
      tpu.vector_store %arg12[%swap3A_1490, %swap3A_1491, %swap3A_1492], %gather3A_1489 {strides = array<i32>} : memref<2x64x128xf32, #tpu.memory_space<vmem>>, vector<16xf32>,
      %add3A_1494 = arith.constant 32 : i32
      %add3A_1495 = vector.broadcast %add3A_1494 : i32 to vector<16xi32>
      %add3A_1496 = arith.addi %iota3A, %add3A_1495 : vector<16xi32>
      %gather3A_1497 = arith.constant 0 : i32
      %gather3A_1498 = arith.constant 0 : i32
      %gather3A_1499 = tpu.memref_slice %arg11[%select_n3A_1424, %gather3A_1497, %gather3A_1498] : memref<12x64x128xf32, #tpu.memory_space<vmem>> -> memref<1x64x128xf32, #tpu.memory_space<vmem>>
      %gather3A_1500 = tpu.memref_squeeze %gather3A_1499 : memref<1x64x128xf32, #tpu.memory_space<vmem>> -> memref<64x128xf32, #tpu.memory_space<vmem>>
      %gather3A_1501 = tpu.vector_load_idx %gather3A_1500[%add3A_1496, %broadcast_in_dim3A_1449] : memref<64x128xf32, #tpu.memory_space<vmem>>[vector<16xi32>, vector<16xi32>], vector<16xf32>,
      %swap3A_1502 = arith.index_cast %select_n3A_142 : i32 to index
      %swap3A_1503 = arith.index_cast %add3A_1469 : i32 to index
      %swap3A_1504 = arith.constant 32 : index
      %swap3A_1505 = tpu.vector_load %arg12[%swap3A_1502, %swap3A_1503, %swap3A_1504] {strides = array<i32>} : memref<2x64x128xf32, #tpu.memory_space<vmem>>, vector<16xf32>,
      tpu.vector_store %arg12[%swap3A_1502, %swap3A_1503, %swap3A_1504], %gather3A_1501 {strides = array<i32>} : memref<2x64x128xf32, #tpu.memory_space<vmem>>, vector<16xf32>,
      %add3A_1506 = arith.constant 48 : i32
      %add3A_1507 = vector.broadcast %add3A_1506 : i32 to vector<16xi32>
      %add3A_1508 = arith.addi %iota3A, %add3A_1507 : vector<16xi32>
      %gather3A_1509 = arith.constant 0 : i32
      %gather3A_1510 = arith.constant 0 : i32
      %gather3A_1511 = tpu.memref_slice %arg11[%select_n3A_1424, %gather3A_1509, %gather3A_1510] : memref<12x64x128xf32, #tpu.memory_space<vmem>> -> memref<1x64x128xf32, #tpu.memory_space<vmem>>
      %gather3A_1512 = tpu.memref_squeeze %gather3A_1511 : memref<1x64x128xf32, #tpu.memory_space<vmem>> -> memref<64x128xf32, #tpu.memory_space<vmem>>
      %gather3A_1513 = tpu.vector_load_idx %gather3A_1512[%add3A_1508, %broadcast_in_dim3A_1449] : memref<64x128xf32, #tpu.memory_space<vmem>>[vector<16xi32>, vector<16xi32>], vector<16xf32>,
      %swap3A_1514 = arith.index_cast %select_n3A_142 : i32 to index
      %swap3A_1515 = arith.index_cast %add3A_1469 : i32 to index
      %swap3A_1516 = arith.constant 48 : index
      %swap3A_1517 = tpu.vector_load %arg12[%swap3A_1514, %swap3A_1515, %swap3A_1516] {strides = array<i32>} : memref<2x64x128xf32, #tpu.memory_space<vmem>>, vector<16xf32>,
      tpu.vector_store %arg12[%swap3A_1514, %swap3A_1515, %swap3A_1516], %gather3A_1513 {strides = array<i32>} : memref<2x64x128xf32, #tpu.memory_space<vmem>>, vector<16xf32>,
      %slice3A_1518 = vector.extract_strided_slice %get3A_112 {offsets = [12], sizes = [1], strides = [1]} : vector<16xi32> to vector<1xi32>
      %squeeze3A_1519 = vector.extract %slice3A_1518[0] : i32 from vector<1xi32>
      %sub3A_1520 = arith.constant 1 : i32
      %sub3A_1521 = arith.subi %squeeze3A_1519, %sub3A_1520 : i32
      %jit3A_1522 = arith.constant 12 : i32
      %eq3A_1523 = arith.constant 0 : i32
      %eq3A_1524 = arith.cmpi eq, %jit3A_1522, %eq3A_1523 : i32
      %jit3A_1525 = arith.constant 1 : i32
      %select_n3A_1526 = arith.select %eq3A_1524, %jit3A_1525, %jit3A_1522 : i32
      %rem3A_1527 = arith.remsi %sub3A_1521, %select_n3A_1526 : i32
      %ne3A_1528 = arith.constant 0 : i32
      %ne3A_1529 = arith.cmpi ne, %rem3A_1527, %ne3A_1528 : i32
      %lt3A_1530 = arith.constant 0 : i32
      %lt3A_1531 = arith.cmpi slt, %rem3A_1527, %lt3A_1530 : i32
      %lt3A_1532 = arith.constant 0 : i32
      %lt3A_1533 = arith.cmpi slt, %select_n3A_1526, %lt3A_1532 : i32
      %ne3A_1534 = arith.xori %lt3A_1531, %lt3A_1533 : i1
      %and3A_1535 = arith.andi %ne3A_1534, %ne3A_1529 : i1
      %add3A_1536 = arith.addi %rem3A_1527, %select_n3A_1526 : i32
      %select_n3A_1537 = arith.select %and3A_1535, %add3A_1536, %rem3A_1527 : i32
      %add3A_1538 = arith.constant 11 : i32
      %add3A_1539 = arith.addi %squeeze3A_1519, %add3A_1538 : i32
      %min3A_1540 = arith.minsi %add3A_1539, %scan3A_6 : i32
      %sub3A_1541 = arith.constant 1 : i32
      %sub3A_1542 = arith.subi %min3A_1540, %sub3A_1541 : i32
      %broadcast_in_dim3A_1543 = vector.broadcast %sub3A_1542 : i32 to vector<16xi32>
      %gather3A_1544 = tpu.vector_load_idx %arg9[%broadcast_in_dim3A_1543] : memref<528xi32, #tpu.memory_space<vmem>>[vector<16xi32>], vector<16xi32>,
      %slice3A_1545 = vector.extract_strided_slice %gather3A_1544 {offsets = [0], sizes = [1], strides = [1]} : vector<16xi32> to vector<1xi32>
      %squeeze3A_1546 = vector.extract %slice3A_1545[0] : i32 from vector<1xi32>
      %gt3A_1547 = arith.cmpi sgt, %min3A_1540, %min3A_1427 : i32
      %convert_element_type3A_1548 = arith.extui %gt3A_1547 : i1 to i32
      %cond3A_1549 = arith.constant 0 : i32
      %cond3A_1550 = arith.cmpi ne, %convert_element_type3A_1548, %cond3A_1549 : i32
      scf.if %cond3A_1550 {
        %jit3A_1991 = arith.constant 12 : i32
        %eq3A_1992 = arith.constant 0 : i32
        %eq3A_1993 = arith.cmpi eq, %jit3A_1991, %eq3A_1992 : i32
        %jit3A_1994 = arith.constant 1 : i32
        %select_n3A_1995 = arith.select %eq3A_1993, %jit3A_1994, %jit3A_1991 : i32
        %rem3A_1996 = arith.remsi %sub3A_1542, %select_n3A_1995 : i32
        %ne3A_1997 = arith.constant 0 : i32
        %ne3A_1998 = arith.cmpi ne, %rem3A_1996, %ne3A_1997 : i32
        %lt3A_1999 = arith.constant 0 : i32
        %lt3A_2000 = arith.cmpi slt, %rem3A_1996, %lt3A_1999 : i32
        %lt3A_2001 = arith.constant 0 : i32
        %lt3A_2002 = arith.cmpi slt, %select_n3A_1995, %lt3A_2001 : i32
        %ne3A_2003 = arith.xori %lt3A_2000, %lt3A_2002 : i1
        %and3A_2004 = arith.andi %ne3A_2003, %ne3A_1998 : i1
        %add3A_2005 = arith.addi %rem3A_1996, %select_n3A_1995 : i32
        %select_n3A_2006 = arith.select %and3A_2004, %add3A_2005, %rem3A_1996 : i32
        %mul3A_2007 = arith.constant 128 : i32
        %mul3A_2008 = arith.muli %squeeze3A_1546, %mul3A_2007 : i32
        %multiple_of3A = tpu.assume_multiple %mul3A_2008, 128 : i32
        %dma_start3A = arith.constant 0 : i32
        %dma_start3A_2009 = arith.constant 0 : i32
        %dma_start3A_2010 = tpu.memref_slice %arg11[%select_n3A_2006, %dma_start3A, %dma_start3A_2009] : memref<12x64x128xf32, #tpu.memory_space<vmem>> -> memref<1x64x128xf32, #tpu.memory_space<vmem>>
        %dma_start3A_2011 = tpu.memref_squeeze %dma_start3A_2010 : memref<1x64x128xf32, #tpu.memory_space<vmem>> -> memref<64x128xf32, #tpu.memory_space<vmem>>
        %dma_start3A_2012 = arith.constant 0 : i32
        %dma_start3A_2013 = tpu.memref_slice %arg4[%dma_start3A_2012, %multiple_of3A] : memref<64x1000000xf32, #tpu.memory_space<hbm>> -> memref<64x128xf32, #tpu.memory_space<hbm>>
        %dma_start3A_2014 = tpu.memref_slice %arg13[%select_n3A_2006] : memref<12x!tpu.dma_semaphore, #tpu.memory_space<semaphore_mem>> -> memref<1x!tpu.dma_semaphore, #tpu.memory_space<semaphore_mem>>
        %dma_start3A_2015 = tpu.memref_squeeze %dma_start3A_2014 : memref<1x!tpu.dma_semaphore, #tpu.memory_space<semaphore_mem>> -> memref<!tpu.dma_semaphore, #tpu.memory_space<semaphore_mem>>
        %dma_start3A_2016 = arith.constant 0 : i32
        %dma_start3A_2017 = arith.constant 0 : i32
        %dma_start3A_2018 = tpu.memref_slice %arg11[%select_n3A_2006, %dma_start3A_2016, %dma_start3A_2017] : memref<12x64x128xf32, #tpu.memory_space<vmem>> -> memref<1x64x128xf32, #tpu.memory_space<vmem>>
        %dma_start3A_2019 = tpu.memref_squeeze %dma_start3A_2018 : memref<1x64x128xf32, #tpu.memory_space<vmem>> -> memref<64x128xf32, #tpu.memory_space<vmem>>
        %dma_start3A_2020 = arith.constant 0 : i32
        %dma_start3A_2021 = tpu.memref_slice %arg4[%dma_start3A_2020, %multiple_of3A] : memref<64x1000000xf32, #tpu.memory_space<hbm>> -> memref<64x128xf32, #tpu.memory_space<hbm>>
        tpu.enqueue_dma source(%dma_start3A_2021 : memref<64x128xf32, #tpu.memory_space<hbm>>) target(%dma_start3A_2019 : memref<64x128xf32, #tpu.memory_space<vmem>>) target_semaphore(%dma_start3A_2015 : memref<!tpu.dma_semaphore, #tpu.memory_space<semaphore_mem>>)
      } else {
      }
      %slice3A_1551 = vector.extract_strided_slice %get3A_110 {offsets = [12], sizes = [1], strides = [1]} : vector<16xi32> to vector<1xi32>
      %squeeze3A_1552 = vector.extract %slice3A_1551[0] : i32 from vector<1xi32>
      %eq3A_1553 = arith.constant 1 : i32
      %eq3A_1554 = arith.cmpi eq, %squeeze3A_1552, %eq3A_1553 : i32
      %convert_element_type3A_1555 = arith.extui %eq3A_1554 : i1 to i32
      %cond3A_1556 = arith.constant 0 : i32
      %cond3A_1557 = arith.cmpi ne, %convert_element_type3A_1555, %cond3A_1556 : i32
      scf.if %cond3A_1557 {
        %dma_wait3A_1991 = arith.constant 0 : i32
        %dma_wait3A_1992 = arith.constant 0 : i32
        %dma_wait3A_1993 = tpu.memref_slice %arg11[%select_n3A_1537, %dma_wait3A_1991, %dma_wait3A_1992] : memref<12x64x128xf32, #tpu.memory_space<vmem>> -> memref<1x64x128xf32, #tpu.memory_space<vmem>>
        %dma_wait3A_1994 = tpu.memref_squeeze %dma_wait3A_1993 : memref<1x64x128xf32, #tpu.memory_space<vmem>> -> memref<64x128xf32, #tpu.memory_space<vmem>>
        %dma_wait3A_1995 = arith.constant 0 : i32
        %dma_wait3A_1996 = arith.constant 0 : i32
        %dma_wait3A_1997 = tpu.memref_slice %arg4[%dma_wait3A_1995, %dma_wait3A_1996] : memref<64x1000000xf32, #tpu.memory_space<hbm>> -> memref<64x128xf32, #tpu.memory_space<hbm>>
        %dma_wait3A_1998 = tpu.memref_slice %arg13[%select_n3A_1537] : memref<12x!tpu.dma_semaphore, #tpu.memory_space<semaphore_mem>> -> memref<1x!tpu.dma_semaphore, #tpu.memory_space<semaphore_mem>>
        %dma_wait3A_1999 = tpu.memref_squeeze %dma_wait3A_1998 : memref<1x!tpu.dma_semaphore, #tpu.memory_space<semaphore_mem>> -> memref<!tpu.dma_semaphore, #tpu.memory_space<semaphore_mem>>
        %dma_wait3A_2000 = arith.constant 0 : i32
        %dma_wait3A_2001 = arith.constant 0 : i32
        %dma_wait3A_2002 = tpu.memref_slice %arg11[%select_n3A_1537, %dma_wait3A_2000, %dma_wait3A_2001] : memref<12x64x128xf32, #tpu.memory_space<vmem>> -> memref<1x64x128xf32, #tpu.memory_space<vmem>>
        %dma_wait3A_2003 = tpu.memref_squeeze %dma_wait3A_2002 : memref<1x64x128xf32, #tpu.memory_space<vmem>> -> memref<64x128xf32, #tpu.memory_space<vmem>>
        %dma_wait3A_2004 = arith.constant 0 : i32
        %dma_wait3A_2005 = arith.constant 0 : i32
        %dma_wait3A_2006 = tpu.memref_slice %arg4[%dma_wait3A_2004, %dma_wait3A_2005] : memref<64x1000000xf32, #tpu.memory_space<hbm>> -> memref<64x128xf32, #tpu.memory_space<hbm>>
        tpu.wait_dma2 semaphore(%dma_wait3A_1999 : memref<!tpu.dma_semaphore, #tpu.memory_space<semaphore_mem>>) src(%dma_wait3A_2006 : memref<64x128xf32, #tpu.memory_space<hbm>>) dst(%dma_wait3A_2003 : memref<64x128xf32, #tpu.memory_space<vmem>>)
      } else {
      }
      %slice3A_1558 = vector.extract_strided_slice %get3A_108 {offsets = [12], sizes = [1], strides = [1]} : vector<16xi32> to vector<1xi32>
      %squeeze3A_1559 = vector.extract %slice3A_1558[0] : i32 from vector<1xi32>
      %and3A_1560 = arith.constant 127 : i32
      %and3A_1561 = arith.andi %squeeze3A_1559, %and3A_1560 : i32
      %broadcast_in_dim3A_1562 = vector.broadcast %and3A_1561 : i32 to vector<16xi32>
      %jit3A_1563 = arith.constant 4 : i32
      %eq3A_1564 = arith.constant 0 : i32
      %eq3A_1565 = arith.cmpi eq, %jit3A_1563, %eq3A_1564 : i32
      %jit3A_1566 = arith.constant 1 : i32
      %select_n3A_1567 = arith.select %eq3A_1565, %jit3A_1566, %jit3A_1563 : i32
      %rem3A_1568 = arith.remsi %scan3A_103, %select_n3A_1567 : i32
      %ne3A_1569 = arith.constant 0 : i32
      %ne3A_1570 = arith.cmpi ne, %rem3A_1568, %ne3A_1569 : i32
      %lt3A_1571 = arith.constant 0 : i32
      %lt3A_1572 = arith.cmpi slt, %rem3A_1568, %lt3A_1571 : i32
      %lt3A_1573 = arith.constant 0 : i32
      %lt3A_1574 = arith.cmpi slt, %select_n3A_1567, %lt3A_1573 : i32
      %ne3A_1575 = arith.xori %lt3A_1572, %lt3A_1574 : i1
      %and3A_1576 = arith.andi %ne3A_1575, %ne3A_1570 : i1
      %add3A_1577 = arith.addi %rem3A_1568, %select_n3A_1567 : i32
      %select_n3A_1578 = arith.select %and3A_1576, %add3A_1577, %rem3A_1568 : i32
      %mul3A_1579 = arith.constant 16 : i32
      %mul3A_1580 = arith.muli %select_n3A_1578, %mul3A_1579 : i32
      %add3A_1581 = arith.constant 12 : i32
      %add3A_1582 = arith.addi %mul3A_1580, %add3A_1581 : i32
      %add3A_1583 = arith.constant 0 : i32
      %add3A_1584 = vector.broadcast %add3A_1583 : i32 to vector<16xi32>
      %add3A_1585 = arith.addi %iota3A, %add3A_1584 : vector<16xi32>
      %gather3A_1586 = arith.constant 0 : i32
      %gather3A_1587 = arith.constant 0 : i32
      %gather3A_1588 = tpu.memref_slice %arg11[%select_n3A_1537, %gather3A_1586, %gather3A_1587] : memref<12x64x128xf32, #tpu.memory_space<vmem>> -> memref<1x64x128xf32, #tpu.memory_space<vmem>>
      %gather3A_1589 = tpu.memref_squeeze %gather3A_1588 : memref<1x64x128xf32, #tpu.memory_space<vmem>> -> memref<64x128xf32, #tpu.memory_space<vmem>>
      %gather3A_1590 = tpu.vector_load_idx %gather3A_1589[%add3A_1585, %broadcast_in_dim3A_1562] : memref<64x128xf32, #tpu.memory_space<vmem>>[vector<16xi32>, vector<16xi32>], vector<16xf32>,
      %swap3A_1591 = arith.index_cast %select_n3A_142 : i32 to index
      %swap3A_1592 = arith.index_cast %add3A_1582 : i32 to index
      %swap3A_1593 = arith.constant 0 : index
      %swap3A_1594 = tpu.vector_load %arg12[%swap3A_1591, %swap3A_1592, %swap3A_1593] {strides = array<i32>} : memref<2x64x128xf32, #tpu.memory_space<vmem>>, vector<16xf32>,
      tpu.vector_store %arg12[%swap3A_1591, %swap3A_1592, %swap3A_1593], %gather3A_1590 {strides = array<i32>} : memref<2x64x128xf32, #tpu.memory_space<vmem>>, vector<16xf32>,
      %add3A_1595 = arith.constant 16 : i32
      %add3A_1596 = vector.broadcast %add3A_1595 : i32 to vector<16xi32>
      %add3A_1597 = arith.addi %iota3A, %add3A_1596 : vector<16xi32>
      %gather3A_1598 = arith.constant 0 : i32
      %gather3A_1599 = arith.constant 0 : i32
      %gather3A_1600 = tpu.memref_slice %arg11[%select_n3A_1537, %gather3A_1598, %gather3A_1599] : memref<12x64x128xf32, #tpu.memory_space<vmem>> -> memref<1x64x128xf32, #tpu.memory_space<vmem>>
      %gather3A_1601 = tpu.memref_squeeze %gather3A_1600 : memref<1x64x128xf32, #tpu.memory_space<vmem>> -> memref<64x128xf32, #tpu.memory_space<vmem>>
      %gather3A_1602 = tpu.vector_load_idx %gather3A_1601[%add3A_1597, %broadcast_in_dim3A_1562] : memref<64x128xf32, #tpu.memory_space<vmem>>[vector<16xi32>, vector<16xi32>], vector<16xf32>,
      %swap3A_1603 = arith.index_cast %select_n3A_142 : i32 to index
      %swap3A_1604 = arith.index_cast %add3A_1582 : i32 to index
      %swap3A_1605 = arith.constant 16 : index
      %swap3A_1606 = tpu.vector_load %arg12[%swap3A_1603, %swap3A_1604, %swap3A_1605] {strides = array<i32>} : memref<2x64x128xf32, #tpu.memory_space<vmem>>, vector<16xf32>,
      tpu.vector_store %arg12[%swap3A_1603, %swap3A_1604, %swap3A_1605], %gather3A_1602 {strides = array<i32>} : memref<2x64x128xf32, #tpu.memory_space<vmem>>, vector<16xf32>,
      %add3A_1607 = arith.constant 32 : i32
      %add3A_1608 = vector.broadcast %add3A_1607 : i32 to vector<16xi32>
      %add3A_1609 = arith.addi %iota3A, %add3A_1608 : vector<16xi32>
      %gather3A_1610 = arith.constant 0 : i32
      %gather3A_1611 = arith.constant 0 : i32
      %gather3A_1612 = tpu.memref_slice %arg11[%select_n3A_1537, %gather3A_1610, %gather3A_1611] : memref<12x64x128xf32, #tpu.memory_space<vmem>> -> memref<1x64x128xf32, #tpu.memory_space<vmem>>
      %gather3A_1613 = tpu.memref_squeeze %gather3A_1612 : memref<1x64x128xf32, #tpu.memory_space<vmem>> -> memref<64x128xf32, #tpu.memory_space<vmem>>
      %gather3A_1614 = tpu.vector_load_idx %gather3A_1613[%add3A_1609, %broadcast_in_dim3A_1562] : memref<64x128xf32, #tpu.memory_space<vmem>>[vector<16xi32>, vector<16xi32>], vector<16xf32>,
      %swap3A_1615 = arith.index_cast %select_n3A_142 : i32 to index
      %swap3A_1616 = arith.index_cast %add3A_1582 : i32 to index
      %swap3A_1617 = arith.constant 32 : index
      %swap3A_1618 = tpu.vector_load %arg12[%swap3A_1615, %swap3A_1616, %swap3A_1617] {strides = array<i32>} : memref<2x64x128xf32, #tpu.memory_space<vmem>>, vector<16xf32>,
      tpu.vector_store %arg12[%swap3A_1615, %swap3A_1616, %swap3A_1617], %gather3A_1614 {strides = array<i32>} : memref<2x64x128xf32, #tpu.memory_space<vmem>>, vector<16xf32>,
      %add3A_1619 = arith.constant 48 : i32
      %add3A_1620 = vector.broadcast %add3A_1619 : i32 to vector<16xi32>
      %add3A_1621 = arith.addi %iota3A, %add3A_1620 : vector<16xi32>
      %gather3A_1622 = arith.constant 0 : i32
      %gather3A_1623 = arith.constant 0 : i32
      %gather3A_1624 = tpu.memref_slice %arg11[%select_n3A_1537, %gather3A_1622, %gather3A_1623] : memref<12x64x128xf32, #tpu.memory_space<vmem>> -> memref<1x64x128xf32, #tpu.memory_space<vmem>>
      %gather3A_1625 = tpu.memref_squeeze %gather3A_1624 : memref<1x64x128xf32, #tpu.memory_space<vmem>> -> memref<64x128xf32, #tpu.memory_space<vmem>>
      %gather3A_1626 = tpu.vector_load_idx %gather3A_1625[%add3A_1621, %broadcast_in_dim3A_1562] : memref<64x128xf32, #tpu.memory_space<vmem>>[vector<16xi32>, vector<16xi32>], vector<16xf32>,
      %swap3A_1627 = arith.index_cast %select_n3A_142 : i32 to index
      %swap3A_1628 = arith.index_cast %add3A_1582 : i32 to index
      %swap3A_1629 = arith.constant 48 : index
      %swap3A_1630 = tpu.vector_load %arg12[%swap3A_1627, %swap3A_1628, %swap3A_1629] {strides = array<i32>} : memref<2x64x128xf32, #tpu.memory_space<vmem>>, vector<16xf32>,
      tpu.vector_store %arg12[%swap3A_1627, %swap3A_1628, %swap3A_1629], %gather3A_1626 {strides = array<i32>} : memref<2x64x128xf32, #tpu.memory_space<vmem>>, vector<16xf32>,
      %slice3A_1631 = vector.extract_strided_slice %get3A_112 {offsets = [13], sizes = [1], strides = [1]} : vector<16xi32> to vector<1xi32>
      %squeeze3A_1632 = vector.extract %slice3A_1631[0] : i32 from vector<1xi32>
      %sub3A_1633 = arith.constant 1 : i32
      %sub3A_1634 = arith.subi %squeeze3A_1632, %sub3A_1633 : i32
      %jit3A_1635 = arith.constant 12 : i32
      %eq3A_1636 = arith.constant 0 : i32
      %eq3A_1637 = arith.cmpi eq, %jit3A_1635, %eq3A_1636 : i32
      %jit3A_1638 = arith.constant 1 : i32
      %select_n3A_1639 = arith.select %eq3A_1637, %jit3A_1638, %jit3A_1635 : i32
      %rem3A_1640 = arith.remsi %sub3A_1634, %select_n3A_1639 : i32
      %ne3A_1641 = arith.constant 0 : i32
      %ne3A_1642 = arith.cmpi ne, %rem3A_1640, %ne3A_1641 : i32
      %lt3A_1643 = arith.constant 0 : i32
      %lt3A_1644 = arith.cmpi slt, %rem3A_1640, %lt3A_1643 : i32
      %lt3A_1645 = arith.constant 0 : i32
      %lt3A_1646 = arith.cmpi slt, %select_n3A_1639, %lt3A_1645 : i32
      %ne3A_1647 = arith.xori %lt3A_1644, %lt3A_1646 : i1
      %and3A_1648 = arith.andi %ne3A_1647, %ne3A_1642 : i1
      %add3A_1649 = arith.addi %rem3A_1640, %select_n3A_1639 : i32
      %select_n3A_1650 = arith.select %and3A_1648, %add3A_1649, %rem3A_1640 : i32
      %add3A_1651 = arith.constant 11 : i32
      %add3A_1652 = arith.addi %squeeze3A_1632, %add3A_1651 : i32
      %min3A_1653 = arith.minsi %add3A_1652, %scan3A_6 : i32
      %sub3A_1654 = arith.constant 1 : i32
      %sub3A_1655 = arith.subi %min3A_1653, %sub3A_1654 : i32
      %broadcast_in_dim3A_1656 = vector.broadcast %sub3A_1655 : i32 to vector<16xi32>
      %gather3A_1657 = tpu.vector_load_idx %arg9[%broadcast_in_dim3A_1656] : memref<528xi32, #tpu.memory_space<vmem>>[vector<16xi32>], vector<16xi32>,
      %slice3A_1658 = vector.extract_strided_slice %gather3A_1657 {offsets = [0], sizes = [1], strides = [1]} : vector<16xi32> to vector<1xi32>
      %squeeze3A_1659 = vector.extract %slice3A_1658[0] : i32 from vector<1xi32>
      %gt3A_1660 = arith.cmpi sgt, %min3A_1653, %min3A_1540 : i32
      %convert_element_type3A_1661 = arith.extui %gt3A_1660 : i1 to i32
      %cond3A_1662 = arith.constant 0 : i32
      %cond3A_1663 = arith.cmpi ne, %convert_element_type3A_1661, %cond3A_1662 : i32
      scf.if %cond3A_1663 {
        %jit3A_1991 = arith.constant 12 : i32
        %eq3A_1992 = arith.constant 0 : i32
        %eq3A_1993 = arith.cmpi eq, %jit3A_1991, %eq3A_1992 : i32
        %jit3A_1994 = arith.constant 1 : i32
        %select_n3A_1995 = arith.select %eq3A_1993, %jit3A_1994, %jit3A_1991 : i32
        %rem3A_1996 = arith.remsi %sub3A_1655, %select_n3A_1995 : i32
        %ne3A_1997 = arith.constant 0 : i32
        %ne3A_1998 = arith.cmpi ne, %rem3A_1996, %ne3A_1997 : i32
        %lt3A_1999 = arith.constant 0 : i32
        %lt3A_2000 = arith.cmpi slt, %rem3A_1996, %lt3A_1999 : i32
        %lt3A_2001 = arith.constant 0 : i32
        %lt3A_2002 = arith.cmpi slt, %select_n3A_1995, %lt3A_2001 : i32
        %ne3A_2003 = arith.xori %lt3A_2000, %lt3A_2002 : i1
        %and3A_2004 = arith.andi %ne3A_2003, %ne3A_1998 : i1
        %add3A_2005 = arith.addi %rem3A_1996, %select_n3A_1995 : i32
        %select_n3A_2006 = arith.select %and3A_2004, %add3A_2005, %rem3A_1996 : i32
        %mul3A_2007 = arith.constant 128 : i32
        %mul3A_2008 = arith.muli %squeeze3A_1659, %mul3A_2007 : i32
        %multiple_of3A = tpu.assume_multiple %mul3A_2008, 128 : i32
        %dma_start3A = arith.constant 0 : i32
        %dma_start3A_2009 = arith.constant 0 : i32
        %dma_start3A_2010 = tpu.memref_slice %arg11[%select_n3A_2006, %dma_start3A, %dma_start3A_2009] : memref<12x64x128xf32, #tpu.memory_space<vmem>> -> memref<1x64x128xf32, #tpu.memory_space<vmem>>
        %dma_start3A_2011 = tpu.memref_squeeze %dma_start3A_2010 : memref<1x64x128xf32, #tpu.memory_space<vmem>> -> memref<64x128xf32, #tpu.memory_space<vmem>>
        %dma_start3A_2012 = arith.constant 0 : i32
        %dma_start3A_2013 = tpu.memref_slice %arg4[%dma_start3A_2012, %multiple_of3A] : memref<64x1000000xf32, #tpu.memory_space<hbm>> -> memref<64x128xf32, #tpu.memory_space<hbm>>
        %dma_start3A_2014 = tpu.memref_slice %arg13[%select_n3A_2006] : memref<12x!tpu.dma_semaphore, #tpu.memory_space<semaphore_mem>> -> memref<1x!tpu.dma_semaphore, #tpu.memory_space<semaphore_mem>>
        %dma_start3A_2015 = tpu.memref_squeeze %dma_start3A_2014 : memref<1x!tpu.dma_semaphore, #tpu.memory_space<semaphore_mem>> -> memref<!tpu.dma_semaphore, #tpu.memory_space<semaphore_mem>>
        %dma_start3A_2016 = arith.constant 0 : i32
        %dma_start3A_2017 = arith.constant 0 : i32
        %dma_start3A_2018 = tpu.memref_slice %arg11[%select_n3A_2006, %dma_start3A_2016, %dma_start3A_2017] : memref<12x64x128xf32, #tpu.memory_space<vmem>> -> memref<1x64x128xf32, #tpu.memory_space<vmem>>
        %dma_start3A_2019 = tpu.memref_squeeze %dma_start3A_2018 : memref<1x64x128xf32, #tpu.memory_space<vmem>> -> memref<64x128xf32, #tpu.memory_space<vmem>>
        %dma_start3A_2020 = arith.constant 0 : i32
        %dma_start3A_2021 = tpu.memref_slice %arg4[%dma_start3A_2020, %multiple_of3A] : memref<64x1000000xf32, #tpu.memory_space<hbm>> -> memref<64x128xf32, #tpu.memory_space<hbm>>
        tpu.enqueue_dma source(%dma_start3A_2021 : memref<64x128xf32, #tpu.memory_space<hbm>>) target(%dma_start3A_2019 : memref<64x128xf32, #tpu.memory_space<vmem>>) target_semaphore(%dma_start3A_2015 : memref<!tpu.dma_semaphore, #tpu.memory_space<semaphore_mem>>)
      } else {
      }
      %slice3A_1664 = vector.extract_strided_slice %get3A_110 {offsets = [13], sizes = [1], strides = [1]} : vector<16xi32> to vector<1xi32>
      %squeeze3A_1665 = vector.extract %slice3A_1664[0] : i32 from vector<1xi32>
      %eq3A_1666 = arith.constant 1 : i32
      %eq3A_1667 = arith.cmpi eq, %squeeze3A_1665, %eq3A_1666 : i32
      %convert_element_type3A_1668 = arith.extui %eq3A_1667 : i1 to i32
      %cond3A_1669 = arith.constant 0 : i32
      %cond3A_1670 = arith.cmpi ne, %convert_element_type3A_1668, %cond3A_1669 : i32
      scf.if %cond3A_1670 {
        %dma_wait3A_1991 = arith.constant 0 : i32
        %dma_wait3A_1992 = arith.constant 0 : i32
        %dma_wait3A_1993 = tpu.memref_slice %arg11[%select_n3A_1650, %dma_wait3A_1991, %dma_wait3A_1992] : memref<12x64x128xf32, #tpu.memory_space<vmem>> -> memref<1x64x128xf32, #tpu.memory_space<vmem>>
        %dma_wait3A_1994 = tpu.memref_squeeze %dma_wait3A_1993 : memref<1x64x128xf32, #tpu.memory_space<vmem>> -> memref<64x128xf32, #tpu.memory_space<vmem>>
        %dma_wait3A_1995 = arith.constant 0 : i32
        %dma_wait3A_1996 = arith.constant 0 : i32
        %dma_wait3A_1997 = tpu.memref_slice %arg4[%dma_wait3A_1995, %dma_wait3A_1996] : memref<64x1000000xf32, #tpu.memory_space<hbm>> -> memref<64x128xf32, #tpu.memory_space<hbm>>
        %dma_wait3A_1998 = tpu.memref_slice %arg13[%select_n3A_1650] : memref<12x!tpu.dma_semaphore, #tpu.memory_space<semaphore_mem>> -> memref<1x!tpu.dma_semaphore, #tpu.memory_space<semaphore_mem>>
        %dma_wait3A_1999 = tpu.memref_squeeze %dma_wait3A_1998 : memref<1x!tpu.dma_semaphore, #tpu.memory_space<semaphore_mem>> -> memref<!tpu.dma_semaphore, #tpu.memory_space<semaphore_mem>>
        %dma_wait3A_2000 = arith.constant 0 : i32
        %dma_wait3A_2001 = arith.constant 0 : i32
        %dma_wait3A_2002 = tpu.memref_slice %arg11[%select_n3A_1650, %dma_wait3A_2000, %dma_wait3A_2001] : memref<12x64x128xf32, #tpu.memory_space<vmem>> -> memref<1x64x128xf32, #tpu.memory_space<vmem>>
        %dma_wait3A_2003 = tpu.memref_squeeze %dma_wait3A_2002 : memref<1x64x128xf32, #tpu.memory_space<vmem>> -> memref<64x128xf32, #tpu.memory_space<vmem>>
        %dma_wait3A_2004 = arith.constant 0 : i32
        %dma_wait3A_2005 = arith.constant 0 : i32
        %dma_wait3A_2006 = tpu.memref_slice %arg4[%dma_wait3A_2004, %dma_wait3A_2005] : memref<64x1000000xf32, #tpu.memory_space<hbm>> -> memref<64x128xf32, #tpu.memory_space<hbm>>
        tpu.wait_dma2 semaphore(%dma_wait3A_1999 : memref<!tpu.dma_semaphore, #tpu.memory_space<semaphore_mem>>) src(%dma_wait3A_2006 : memref<64x128xf32, #tpu.memory_space<hbm>>) dst(%dma_wait3A_2003 : memref<64x128xf32, #tpu.memory_space<vmem>>)
      } else {
      }
      %slice3A_1671 = vector.extract_strided_slice %get3A_108 {offsets = [13], sizes = [1], strides = [1]} : vector<16xi32> to vector<1xi32>
      %squeeze3A_1672 = vector.extract %slice3A_1671[0] : i32 from vector<1xi32>
      %and3A_1673 = arith.constant 127 : i32
      %and3A_1674 = arith.andi %squeeze3A_1672, %and3A_1673 : i32
      %broadcast_in_dim3A_1675 = vector.broadcast %and3A_1674 : i32 to vector<16xi32>
      %jit3A_1676 = arith.constant 4 : i32
      %eq3A_1677 = arith.constant 0 : i32
      %eq3A_1678 = arith.cmpi eq, %jit3A_1676, %eq3A_1677 : i32
      %jit3A_1679 = arith.constant 1 : i32
      %select_n3A_1680 = arith.select %eq3A_1678, %jit3A_1679, %jit3A_1676 : i32
      %rem3A_1681 = arith.remsi %scan3A_103, %select_n3A_1680 : i32
      %ne3A_1682 = arith.constant 0 : i32
      %ne3A_1683 = arith.cmpi ne, %rem3A_1681, %ne3A_1682 : i32
      %lt3A_1684 = arith.constant 0 : i32
      %lt3A_1685 = arith.cmpi slt, %rem3A_1681, %lt3A_1684 : i32
      %lt3A_1686 = arith.constant 0 : i32
      %lt3A_1687 = arith.cmpi slt, %select_n3A_1680, %lt3A_1686 : i32
      %ne3A_1688 = arith.xori %lt3A_1685, %lt3A_1687 : i1
      %and3A_1689 = arith.andi %ne3A_1688, %ne3A_1683 : i1
      %add3A_1690 = arith.addi %rem3A_1681, %select_n3A_1680 : i32
      %select_n3A_1691 = arith.select %and3A_1689, %add3A_1690, %rem3A_1681 : i32
      %mul3A_1692 = arith.constant 16 : i32
      %mul3A_1693 = arith.muli %select_n3A_1691, %mul3A_1692 : i32
      %add3A_1694 = arith.constant 13 : i32
      %add3A_1695 = arith.addi %mul3A_1693, %add3A_1694 : i32
      %add3A_1696 = arith.constant 0 : i32
      %add3A_1697 = vector.broadcast %add3A_1696 : i32 to vector<16xi32>
      %add3A_1698 = arith.addi %iota3A, %add3A_1697 : vector<16xi32>
      %gather3A_1699 = arith.constant 0 : i32
      %gather3A_1700 = arith.constant 0 : i32
      %gather3A_1701 = tpu.memref_slice %arg11[%select_n3A_1650, %gather3A_1699, %gather3A_1700] : memref<12x64x128xf32, #tpu.memory_space<vmem>> -> memref<1x64x128xf32, #tpu.memory_space<vmem>>
      %gather3A_1702 = tpu.memref_squeeze %gather3A_1701 : memref<1x64x128xf32, #tpu.memory_space<vmem>> -> memref<64x128xf32, #tpu.memory_space<vmem>>
      %gather3A_1703 = tpu.vector_load_idx %gather3A_1702[%add3A_1698, %broadcast_in_dim3A_1675] : memref<64x128xf32, #tpu.memory_space<vmem>>[vector<16xi32>, vector<16xi32>], vector<16xf32>,
      %swap3A_1704 = arith.index_cast %select_n3A_142 : i32 to index
      %swap3A_1705 = arith.index_cast %add3A_1695 : i32 to index
      %swap3A_1706 = arith.constant 0 : index
      %swap3A_1707 = tpu.vector_load %arg12[%swap3A_1704, %swap3A_1705, %swap3A_1706] {strides = array<i32>} : memref<2x64x128xf32, #tpu.memory_space<vmem>>, vector<16xf32>,
      tpu.vector_store %arg12[%swap3A_1704, %swap3A_1705, %swap3A_1706], %gather3A_1703 {strides = array<i32>} : memref<2x64x128xf32, #tpu.memory_space<vmem>>, vector<16xf32>,
      %add3A_1708 = arith.constant 16 : i32
      %add3A_1709 = vector.broadcast %add3A_1708 : i32 to vector<16xi32>
      %add3A_1710 = arith.addi %iota3A, %add3A_1709 : vector<16xi32>
      %gather3A_1711 = arith.constant 0 : i32
      %gather3A_1712 = arith.constant 0 : i32
      %gather3A_1713 = tpu.memref_slice %arg11[%select_n3A_1650, %gather3A_1711, %gather3A_1712] : memref<12x64x128xf32, #tpu.memory_space<vmem>> -> memref<1x64x128xf32, #tpu.memory_space<vmem>>
      %gather3A_1714 = tpu.memref_squeeze %gather3A_1713 : memref<1x64x128xf32, #tpu.memory_space<vmem>> -> memref<64x128xf32, #tpu.memory_space<vmem>>
      %gather3A_1715 = tpu.vector_load_idx %gather3A_1714[%add3A_1710, %broadcast_in_dim3A_1675] : memref<64x128xf32, #tpu.memory_space<vmem>>[vector<16xi32>, vector<16xi32>], vector<16xf32>,
      %swap3A_1716 = arith.index_cast %select_n3A_142 : i32 to index
      %swap3A_1717 = arith.index_cast %add3A_1695 : i32 to index
      %swap3A_1718 = arith.constant 16 : index
      %swap3A_1719 = tpu.vector_load %arg12[%swap3A_1716, %swap3A_1717, %swap3A_1718] {strides = array<i32>} : memref<2x64x128xf32, #tpu.memory_space<vmem>>, vector<16xf32>,
      tpu.vector_store %arg12[%swap3A_1716, %swap3A_1717, %swap3A_1718], %gather3A_1715 {strides = array<i32>} : memref<2x64x128xf32, #tpu.memory_space<vmem>>, vector<16xf32>,
      %add3A_1720 = arith.constant 32 : i32
      %add3A_1721 = vector.broadcast %add3A_1720 : i32 to vector<16xi32>
      %add3A_1722 = arith.addi %iota3A, %add3A_1721 : vector<16xi32>
      %gather3A_1723 = arith.constant 0 : i32
      %gather3A_1724 = arith.constant 0 : i32
      %gather3A_1725 = tpu.memref_slice %arg11[%select_n3A_1650, %gather3A_1723, %gather3A_1724] : memref<12x64x128xf32, #tpu.memory_space<vmem>> -> memref<1x64x128xf32, #tpu.memory_space<vmem>>
      %gather3A_1726 = tpu.memref_squeeze %gather3A_1725 : memref<1x64x128xf32, #tpu.memory_space<vmem>> -> memref<64x128xf32, #tpu.memory_space<vmem>>
      %gather3A_1727 = tpu.vector_load_idx %gather3A_1726[%add3A_1722, %broadcast_in_dim3A_1675] : memref<64x128xf32, #tpu.memory_space<vmem>>[vector<16xi32>, vector<16xi32>], vector<16xf32>,
      %swap3A_1728 = arith.index_cast %select_n3A_142 : i32 to index
      %swap3A_1729 = arith.index_cast %add3A_1695 : i32 to index
      %swap3A_1730 = arith.constant 32 : index
      %swap3A_1731 = tpu.vector_load %arg12[%swap3A_1728, %swap3A_1729, %swap3A_1730] {strides = array<i32>} : memref<2x64x128xf32, #tpu.memory_space<vmem>>, vector<16xf32>,
      tpu.vector_store %arg12[%swap3A_1728, %swap3A_1729, %swap3A_1730], %gather3A_1727 {strides = array<i32>} : memref<2x64x128xf32, #tpu.memory_space<vmem>>, vector<16xf32>,
      %add3A_1732 = arith.constant 48 : i32
      %add3A_1733 = vector.broadcast %add3A_1732 : i32 to vector<16xi32>
      %add3A_1734 = arith.addi %iota3A, %add3A_1733 : vector<16xi32>
      %gather3A_1735 = arith.constant 0 : i32
      %gather3A_1736 = arith.constant 0 : i32
      %gather3A_1737 = tpu.memref_slice %arg11[%select_n3A_1650, %gather3A_1735, %gather3A_1736] : memref<12x64x128xf32, #tpu.memory_space<vmem>> -> memref<1x64x128xf32, #tpu.memory_space<vmem>>
      %gather3A_1738 = tpu.memref_squeeze %gather3A_1737 : memref<1x64x128xf32, #tpu.memory_space<vmem>> -> memref<64x128xf32, #tpu.memory_space<vmem>>
      %gather3A_1739 = tpu.vector_load_idx %gather3A_1738[%add3A_1734, %broadcast_in_dim3A_1675] : memref<64x128xf32, #tpu.memory_space<vmem>>[vector<16xi32>, vector<16xi32>], vector<16xf32>,
      %swap3A_1740 = arith.index_cast %select_n3A_142 : i32 to index
      %swap3A_1741 = arith.index_cast %add3A_1695 : i32 to index
      %swap3A_1742 = arith.constant 48 : index
      %swap3A_1743 = tpu.vector_load %arg12[%swap3A_1740, %swap3A_1741, %swap3A_1742] {strides = array<i32>} : memref<2x64x128xf32, #tpu.memory_space<vmem>>, vector<16xf32>,
      tpu.vector_store %arg12[%swap3A_1740, %swap3A_1741, %swap3A_1742], %gather3A_1739 {strides = array<i32>} : memref<2x64x128xf32, #tpu.memory_space<vmem>>, vector<16xf32>,
      %slice3A_1744 = vector.extract_strided_slice %get3A_112 {offsets = [14], sizes = [1], strides = [1]} : vector<16xi32> to vector<1xi32>
      %squeeze3A_1745 = vector.extract %slice3A_1744[0] : i32 from vector<1xi32>
      %sub3A_1746 = arith.constant 1 : i32
      %sub3A_1747 = arith.subi %squeeze3A_1745, %sub3A_1746 : i32
      %jit3A_1748 = arith.constant 12 : i32
      %eq3A_1749 = arith.constant 0 : i32
      %eq3A_1750 = arith.cmpi eq, %jit3A_1748, %eq3A_1749 : i32
      %jit3A_1751 = arith.constant 1 : i32
      %select_n3A_1752 = arith.select %eq3A_1750, %jit3A_1751, %jit3A_1748 : i32
      %rem3A_1753 = arith.remsi %sub3A_1747, %select_n3A_1752 : i32
      %ne3A_1754 = arith.constant 0 : i32
      %ne3A_1755 = arith.cmpi ne, %rem3A_1753, %ne3A_1754 : i32
      %lt3A_1756 = arith.constant 0 : i32
      %lt3A_1757 = arith.cmpi slt, %rem3A_1753, %lt3A_1756 : i32
      %lt3A_1758 = arith.constant 0 : i32
      %lt3A_1759 = arith.cmpi slt, %select_n3A_1752, %lt3A_1758 : i32
      %ne3A_1760 = arith.xori %lt3A_1757, %lt3A_1759 : i1
      %and3A_1761 = arith.andi %ne3A_1760, %ne3A_1755 : i1
      %add3A_1762 = arith.addi %rem3A_1753, %select_n3A_1752 : i32
      %select_n3A_1763 = arith.select %and3A_1761, %add3A_1762, %rem3A_1753 : i32
      %add3A_1764 = arith.constant 11 : i32
      %add3A_1765 = arith.addi %squeeze3A_1745, %add3A_1764 : i32
      %min3A_1766 = arith.minsi %add3A_1765, %scan3A_6 : i32
      %sub3A_1767 = arith.constant 1 : i32
      %sub3A_1768 = arith.subi %min3A_1766, %sub3A_1767 : i32
      %broadcast_in_dim3A_1769 = vector.broadcast %sub3A_1768 : i32 to vector<16xi32>
      %gather3A_1770 = tpu.vector_load_idx %arg9[%broadcast_in_dim3A_1769] : memref<528xi32, #tpu.memory_space<vmem>>[vector<16xi32>], vector<16xi32>,
      %slice3A_1771 = vector.extract_strided_slice %gather3A_1770 {offsets = [0], sizes = [1], strides = [1]} : vector<16xi32> to vector<1xi32>
      %squeeze3A_1772 = vector.extract %slice3A_1771[0] : i32 from vector<1xi32>
      %gt3A_1773 = arith.cmpi sgt, %min3A_1766, %min3A_1653 : i32
      %convert_element_type3A_1774 = arith.extui %gt3A_1773 : i1 to i32
      %cond3A_1775 = arith.constant 0 : i32
      %cond3A_1776 = arith.cmpi ne, %convert_element_type3A_1774, %cond3A_1775 : i32
      scf.if %cond3A_1776 {
        %jit3A_1991 = arith.constant 12 : i32
        %eq3A_1992 = arith.constant 0 : i32
        %eq3A_1993 = arith.cmpi eq, %jit3A_1991, %eq3A_1992 : i32
        %jit3A_1994 = arith.constant 1 : i32
        %select_n3A_1995 = arith.select %eq3A_1993, %jit3A_1994, %jit3A_1991 : i32
        %rem3A_1996 = arith.remsi %sub3A_1768, %select_n3A_1995 : i32
        %ne3A_1997 = arith.constant 0 : i32
        %ne3A_1998 = arith.cmpi ne, %rem3A_1996, %ne3A_1997 : i32
        %lt3A_1999 = arith.constant 0 : i32
        %lt3A_2000 = arith.cmpi slt, %rem3A_1996, %lt3A_1999 : i32
        %lt3A_2001 = arith.constant 0 : i32
        %lt3A_2002 = arith.cmpi slt, %select_n3A_1995, %lt3A_2001 : i32
        %ne3A_2003 = arith.xori %lt3A_2000, %lt3A_2002 : i1
        %and3A_2004 = arith.andi %ne3A_2003, %ne3A_1998 : i1
        %add3A_2005 = arith.addi %rem3A_1996, %select_n3A_1995 : i32
        %select_n3A_2006 = arith.select %and3A_2004, %add3A_2005, %rem3A_1996 : i32
        %mul3A_2007 = arith.constant 128 : i32
        %mul3A_2008 = arith.muli %squeeze3A_1772, %mul3A_2007 : i32
        %multiple_of3A = tpu.assume_multiple %mul3A_2008, 128 : i32
        %dma_start3A = arith.constant 0 : i32
        %dma_start3A_2009 = arith.constant 0 : i32
        %dma_start3A_2010 = tpu.memref_slice %arg11[%select_n3A_2006, %dma_start3A, %dma_start3A_2009] : memref<12x64x128xf32, #tpu.memory_space<vmem>> -> memref<1x64x128xf32, #tpu.memory_space<vmem>>
        %dma_start3A_2011 = tpu.memref_squeeze %dma_start3A_2010 : memref<1x64x128xf32, #tpu.memory_space<vmem>> -> memref<64x128xf32, #tpu.memory_space<vmem>>
        %dma_start3A_2012 = arith.constant 0 : i32
        %dma_start3A_2013 = tpu.memref_slice %arg4[%dma_start3A_2012, %multiple_of3A] : memref<64x1000000xf32, #tpu.memory_space<hbm>> -> memref<64x128xf32, #tpu.memory_space<hbm>>
        %dma_start3A_2014 = tpu.memref_slice %arg13[%select_n3A_2006] : memref<12x!tpu.dma_semaphore, #tpu.memory_space<semaphore_mem>> -> memref<1x!tpu.dma_semaphore, #tpu.memory_space<semaphore_mem>>
        %dma_start3A_2015 = tpu.memref_squeeze %dma_start3A_2014 : memref<1x!tpu.dma_semaphore, #tpu.memory_space<semaphore_mem>> -> memref<!tpu.dma_semaphore, #tpu.memory_space<semaphore_mem>>
        %dma_start3A_2016 = arith.constant 0 : i32
        %dma_start3A_2017 = arith.constant 0 : i32
        %dma_start3A_2018 = tpu.memref_slice %arg11[%select_n3A_2006, %dma_start3A_2016, %dma_start3A_2017] : memref<12x64x128xf32, #tpu.memory_space<vmem>> -> memref<1x64x128xf32, #tpu.memory_space<vmem>>
        %dma_start3A_2019 = tpu.memref_squeeze %dma_start3A_2018 : memref<1x64x128xf32, #tpu.memory_space<vmem>> -> memref<64x128xf32, #tpu.memory_space<vmem>>
        %dma_start3A_2020 = arith.constant 0 : i32
        %dma_start3A_2021 = tpu.memref_slice %arg4[%dma_start3A_2020, %multiple_of3A] : memref<64x1000000xf32, #tpu.memory_space<hbm>> -> memref<64x128xf32, #tpu.memory_space<hbm>>
        tpu.enqueue_dma source(%dma_start3A_2021 : memref<64x128xf32, #tpu.memory_space<hbm>>) target(%dma_start3A_2019 : memref<64x128xf32, #tpu.memory_space<vmem>>) target_semaphore(%dma_start3A_2015 : memref<!tpu.dma_semaphore, #tpu.memory_space<semaphore_mem>>)
      } else {
      }
      %slice3A_1777 = vector.extract_strided_slice %get3A_110 {offsets = [14], sizes = [1], strides = [1]} : vector<16xi32> to vector<1xi32>
      %squeeze3A_1778 = vector.extract %slice3A_1777[0] : i32 from vector<1xi32>
      %eq3A_1779 = arith.constant 1 : i32
      %eq3A_1780 = arith.cmpi eq, %squeeze3A_1778, %eq3A_1779 : i32
      %convert_element_type3A_1781 = arith.extui %eq3A_1780 : i1 to i32
      %cond3A_1782 = arith.constant 0 : i32
      %cond3A_1783 = arith.cmpi ne, %convert_element_type3A_1781, %cond3A_1782 : i32
      scf.if %cond3A_1783 {
        %dma_wait3A_1991 = arith.constant 0 : i32
        %dma_wait3A_1992 = arith.constant 0 : i32
        %dma_wait3A_1993 = tpu.memref_slice %arg11[%select_n3A_1763, %dma_wait3A_1991, %dma_wait3A_1992] : memref<12x64x128xf32, #tpu.memory_space<vmem>> -> memref<1x64x128xf32, #tpu.memory_space<vmem>>
        %dma_wait3A_1994 = tpu.memref_squeeze %dma_wait3A_1993 : memref<1x64x128xf32, #tpu.memory_space<vmem>> -> memref<64x128xf32, #tpu.memory_space<vmem>>
        %dma_wait3A_1995 = arith.constant 0 : i32
        %dma_wait3A_1996 = arith.constant 0 : i32
        %dma_wait3A_1997 = tpu.memref_slice %arg4[%dma_wait3A_1995, %dma_wait3A_1996] : memref<64x1000000xf32, #tpu.memory_space<hbm>> -> memref<64x128xf32, #tpu.memory_space<hbm>>
        %dma_wait3A_1998 = tpu.memref_slice %arg13[%select_n3A_1763] : memref<12x!tpu.dma_semaphore, #tpu.memory_space<semaphore_mem>> -> memref<1x!tpu.dma_semaphore, #tpu.memory_space<semaphore_mem>>
        %dma_wait3A_1999 = tpu.memref_squeeze %dma_wait3A_1998 : memref<1x!tpu.dma_semaphore, #tpu.memory_space<semaphore_mem>> -> memref<!tpu.dma_semaphore, #tpu.memory_space<semaphore_mem>>
        %dma_wait3A_2000 = arith.constant 0 : i32
        %dma_wait3A_2001 = arith.constant 0 : i32
        %dma_wait3A_2002 = tpu.memref_slice %arg11[%select_n3A_1763, %dma_wait3A_2000, %dma_wait3A_2001] : memref<12x64x128xf32, #tpu.memory_space<vmem>> -> memref<1x64x128xf32, #tpu.memory_space<vmem>>
        %dma_wait3A_2003 = tpu.memref_squeeze %dma_wait3A_2002 : memref<1x64x128xf32, #tpu.memory_space<vmem>> -> memref<64x128xf32, #tpu.memory_space<vmem>>
        %dma_wait3A_2004 = arith.constant 0 : i32
        %dma_wait3A_2005 = arith.constant 0 : i32
        %dma_wait3A_2006 = tpu.memref_slice %arg4[%dma_wait3A_2004, %dma_wait3A_2005] : memref<64x1000000xf32, #tpu.memory_space<hbm>> -> memref<64x128xf32, #tpu.memory_space<hbm>>
        tpu.wait_dma2 semaphore(%dma_wait3A_1999 : memref<!tpu.dma_semaphore, #tpu.memory_space<semaphore_mem>>) src(%dma_wait3A_2006 : memref<64x128xf32, #tpu.memory_space<hbm>>) dst(%dma_wait3A_2003 : memref<64x128xf32, #tpu.memory_space<vmem>>)
      } else {
      }
      %slice3A_1784 = vector.extract_strided_slice %get3A_108 {offsets = [14], sizes = [1], strides = [1]} : vector<16xi32> to vector<1xi32>
      %squeeze3A_1785 = vector.extract %slice3A_1784[0] : i32 from vector<1xi32>
      %and3A_1786 = arith.constant 127 : i32
      %and3A_1787 = arith.andi %squeeze3A_1785, %and3A_1786 : i32
      %broadcast_in_dim3A_1788 = vector.broadcast %and3A_1787 : i32 to vector<16xi32>
      %jit3A_1789 = arith.constant 4 : i32
      %eq3A_1790 = arith.constant 0 : i32
      %eq3A_1791 = arith.cmpi eq, %jit3A_1789, %eq3A_1790 : i32
      %jit3A_1792 = arith.constant 1 : i32
      %select_n3A_1793 = arith.select %eq3A_1791, %jit3A_1792, %jit3A_1789 : i32
      %rem3A_1794 = arith.remsi %scan3A_103, %select_n3A_1793 : i32
      %ne3A_1795 = arith.constant 0 : i32
      %ne3A_1796 = arith.cmpi ne, %rem3A_1794, %ne3A_1795 : i32
      %lt3A_1797 = arith.constant 0 : i32
      %lt3A_1798 = arith.cmpi slt, %rem3A_1794, %lt3A_1797 : i32
      %lt3A_1799 = arith.constant 0 : i32
      %lt3A_1800 = arith.cmpi slt, %select_n3A_1793, %lt3A_1799 : i32
      %ne3A_1801 = arith.xori %lt3A_1798, %lt3A_1800 : i1
      %and3A_1802 = arith.andi %ne3A_1801, %ne3A_1796 : i1
      %add3A_1803 = arith.addi %rem3A_1794, %select_n3A_1793 : i32
      %select_n3A_1804 = arith.select %and3A_1802, %add3A_1803, %rem3A_1794 : i32
      %mul3A_1805 = arith.constant 16 : i32
      %mul3A_1806 = arith.muli %select_n3A_1804, %mul3A_1805 : i32
      %add3A_1807 = arith.constant 14 : i32
      %add3A_1808 = arith.addi %mul3A_1806, %add3A_1807 : i32
      %add3A_1809 = arith.constant 0 : i32
      %add3A_1810 = vector.broadcast %add3A_1809 : i32 to vector<16xi32>
      %add3A_1811 = arith.addi %iota3A, %add3A_1810 : vector<16xi32>
      %gather3A_1812 = arith.constant 0 : i32
      %gather3A_1813 = arith.constant 0 : i32
      %gather3A_1814 = tpu.memref_slice %arg11[%select_n3A_1763, %gather3A_1812, %gather3A_1813] : memref<12x64x128xf32, #tpu.memory_space<vmem>> -> memref<1x64x128xf32, #tpu.memory_space<vmem>>
      %gather3A_1815 = tpu.memref_squeeze %gather3A_1814 : memref<1x64x128xf32, #tpu.memory_space<vmem>> -> memref<64x128xf32, #tpu.memory_space<vmem>>
      %gather3A_1816 = tpu.vector_load_idx %gather3A_1815[%add3A_1811, %broadcast_in_dim3A_1788] : memref<64x128xf32, #tpu.memory_space<vmem>>[vector<16xi32>, vector<16xi32>], vector<16xf32>,
      %swap3A_1817 = arith.index_cast %select_n3A_142 : i32 to index
      %swap3A_1818 = arith.index_cast %add3A_1808 : i32 to index
      %swap3A_1819 = arith.constant 0 : index
      %swap3A_1820 = tpu.vector_load %arg12[%swap3A_1817, %swap3A_1818, %swap3A_1819] {strides = array<i32>} : memref<2x64x128xf32, #tpu.memory_space<vmem>>, vector<16xf32>,
      tpu.vector_store %arg12[%swap3A_1817, %swap3A_1818, %swap3A_1819], %gather3A_1816 {strides = array<i32>} : memref<2x64x128xf32, #tpu.memory_space<vmem>>, vector<16xf32>,
      %add3A_1821 = arith.constant 16 : i32
      %add3A_1822 = vector.broadcast %add3A_1821 : i32 to vector<16xi32>
      %add3A_1823 = arith.addi %iota3A, %add3A_1822 : vector<16xi32>
      %gather3A_1824 = arith.constant 0 : i32
      %gather3A_1825 = arith.constant 0 : i32
      %gather3A_1826 = tpu.memref_slice %arg11[%select_n3A_1763, %gather3A_1824, %gather3A_1825] : memref<12x64x128xf32, #tpu.memory_space<vmem>> -> memref<1x64x128xf32, #tpu.memory_space<vmem>>
      %gather3A_1827 = tpu.memref_squeeze %gather3A_1826 : memref<1x64x128xf32, #tpu.memory_space<vmem>> -> memref<64x128xf32, #tpu.memory_space<vmem>>
      %gather3A_1828 = tpu.vector_load_idx %gather3A_1827[%add3A_1823, %broadcast_in_dim3A_1788] : memref<64x128xf32, #tpu.memory_space<vmem>>[vector<16xi32>, vector<16xi32>], vector<16xf32>,
      %swap3A_1829 = arith.index_cast %select_n3A_142 : i32 to index
      %swap3A_1830 = arith.index_cast %add3A_1808 : i32 to index
      %swap3A_1831 = arith.constant 16 : index
      %swap3A_1832 = tpu.vector_load %arg12[%swap3A_1829, %swap3A_1830, %swap3A_1831] {strides = array<i32>} : memref<2x64x128xf32, #tpu.memory_space<vmem>>, vector<16xf32>,
      tpu.vector_store %arg12[%swap3A_1829, %swap3A_1830, %swap3A_1831], %gather3A_1828 {strides = array<i32>} : memref<2x64x128xf32, #tpu.memory_space<vmem>>, vector<16xf32>,
      %add3A_1833 = arith.constant 32 : i32
      %add3A_1834 = vector.broadcast %add3A_1833 : i32 to vector<16xi32>
      %add3A_1835 = arith.addi %iota3A, %add3A_1834 : vector<16xi32>
      %gather3A_1836 = arith.constant 0 : i32
      %gather3A_1837 = arith.constant 0 : i32
      %gather3A_1838 = tpu.memref_slice %arg11[%select_n3A_1763, %gather3A_1836, %gather3A_1837] : memref<12x64x128xf32, #tpu.memory_space<vmem>> -> memref<1x64x128xf32, #tpu.memory_space<vmem>>
      %gather3A_1839 = tpu.memref_squeeze %gather3A_1838 : memref<1x64x128xf32, #tpu.memory_space<vmem>> -> memref<64x128xf32, #tpu.memory_space<vmem>>
      %gather3A_1840 = tpu.vector_load_idx %gather3A_1839[%add3A_1835, %broadcast_in_dim3A_1788] : memref<64x128xf32, #tpu.memory_space<vmem>>[vector<16xi32>, vector<16xi32>], vector<16xf32>,
      %swap3A_1841 = arith.index_cast %select_n3A_142 : i32 to index
      %swap3A_1842 = arith.index_cast %add3A_1808 : i32 to index
      %swap3A_1843 = arith.constant 32 : index
      %swap3A_1844 = tpu.vector_load %arg12[%swap3A_1841, %swap3A_1842, %swap3A_1843] {strides = array<i32>} : memref<2x64x128xf32, #tpu.memory_space<vmem>>, vector<16xf32>,
      tpu.vector_store %arg12[%swap3A_1841, %swap3A_1842, %swap3A_1843], %gather3A_1840 {strides = array<i32>} : memref<2x64x128xf32, #tpu.memory_space<vmem>>, vector<16xf32>,
      %add3A_1845 = arith.constant 48 : i32
      %add3A_1846 = vector.broadcast %add3A_1845 : i32 to vector<16xi32>
      %add3A_1847 = arith.addi %iota3A, %add3A_1846 : vector<16xi32>
      %gather3A_1848 = arith.constant 0 : i32
      %gather3A_1849 = arith.constant 0 : i32
      %gather3A_1850 = tpu.memref_slice %arg11[%select_n3A_1763, %gather3A_1848, %gather3A_1849] : memref<12x64x128xf32, #tpu.memory_space<vmem>> -> memref<1x64x128xf32, #tpu.memory_space<vmem>>
      %gather3A_1851 = tpu.memref_squeeze %gather3A_1850 : memref<1x64x128xf32, #tpu.memory_space<vmem>> -> memref<64x128xf32, #tpu.memory_space<vmem>>
      %gather3A_1852 = tpu.vector_load_idx %gather3A_1851[%add3A_1847, %broadcast_in_dim3A_1788] : memref<64x128xf32, #tpu.memory_space<vmem>>[vector<16xi32>, vector<16xi32>], vector<16xf32>,
      %swap3A_1853 = arith.index_cast %select_n3A_142 : i32 to index
      %swap3A_1854 = arith.index_cast %add3A_1808 : i32 to index
      %swap3A_1855 = arith.constant 48 : index
      %swap3A_1856 = tpu.vector_load %arg12[%swap3A_1853, %swap3A_1854, %swap3A_1855] {strides = array<i32>} : memref<2x64x128xf32, #tpu.memory_space<vmem>>, vector<16xf32>,
      tpu.vector_store %arg12[%swap3A_1853, %swap3A_1854, %swap3A_1855], %gather3A_1852 {strides = array<i32>} : memref<2x64x128xf32, #tpu.memory_space<vmem>>, vector<16xf32>,
      %slice3A_1857 = vector.extract_strided_slice %get3A_112 {offsets = [15], sizes = [1], strides = [1]} : vector<16xi32> to vector<1xi32>
      %squeeze3A_1858 = vector.extract %slice3A_1857[0] : i32 from vector<1xi32>
      %sub3A_1859 = arith.constant 1 : i32
      %sub3A_1860 = arith.subi %squeeze3A_1858, %sub3A_1859 : i32
      %jit3A_1861 = arith.constant 12 : i32
      %eq3A_1862 = arith.constant 0 : i32
      %eq3A_1863 = arith.cmpi eq, %jit3A_1861, %eq3A_1862 : i32
      %jit3A_1864 = arith.constant 1 : i32
      %select_n3A_1865 = arith.select %eq3A_1863, %jit3A_1864, %jit3A_1861 : i32
      %rem3A_1866 = arith.remsi %sub3A_1860, %select_n3A_1865 : i32
      %ne3A_1867 = arith.constant 0 : i32
      %ne3A_1868 = arith.cmpi ne, %rem3A_1866, %ne3A_1867 : i32
      %lt3A_1869 = arith.constant 0 : i32
      %lt3A_1870 = arith.cmpi slt, %rem3A_1866, %lt3A_1869 : i32
      %lt3A_1871 = arith.constant 0 : i32
      %lt3A_1872 = arith.cmpi slt, %select_n3A_1865, %lt3A_1871 : i32
      %ne3A_1873 = arith.xori %lt3A_1870, %lt3A_1872 : i1
      %and3A_1874 = arith.andi %ne3A_1873, %ne3A_1868 : i1
      %add3A_1875 = arith.addi %rem3A_1866, %select_n3A_1865 : i32
      %select_n3A_1876 = arith.select %and3A_1874, %add3A_1875, %rem3A_1866 : i32
      %add3A_1877 = arith.constant 11 : i32
      %add3A_1878 = arith.addi %squeeze3A_1858, %add3A_1877 : i32
      %min3A_1879 = arith.minsi %add3A_1878, %scan3A_6 : i32
      %sub3A_1880 = arith.constant 1 : i32
      %sub3A_1881 = arith.subi %min3A_1879, %sub3A_1880 : i32
      %broadcast_in_dim3A_1882 = vector.broadcast %sub3A_1881 : i32 to vector<16xi32>
      %gather3A_1883 = tpu.vector_load_idx %arg9[%broadcast_in_dim3A_1882] : memref<528xi32, #tpu.memory_space<vmem>>[vector<16xi32>], vector<16xi32>,
      %slice3A_1884 = vector.extract_strided_slice %gather3A_1883 {offsets = [0], sizes = [1], strides = [1]} : vector<16xi32> to vector<1xi32>
      %squeeze3A_1885 = vector.extract %slice3A_1884[0] : i32 from vector<1xi32>
      %gt3A_1886 = arith.cmpi sgt, %min3A_1879, %min3A_1766 : i32
      %convert_element_type3A_1887 = arith.extui %gt3A_1886 : i1 to i32
      %cond3A_1888 = arith.constant 0 : i32
      %cond3A_1889 = arith.cmpi ne, %convert_element_type3A_1887, %cond3A_1888 : i32
      scf.if %cond3A_1889 {
        %jit3A_1991 = arith.constant 12 : i32
        %eq3A_1992 = arith.constant 0 : i32
        %eq3A_1993 = arith.cmpi eq, %jit3A_1991, %eq3A_1992 : i32
        %jit3A_1994 = arith.constant 1 : i32
        %select_n3A_1995 = arith.select %eq3A_1993, %jit3A_1994, %jit3A_1991 : i32
        %rem3A_1996 = arith.remsi %sub3A_1881, %select_n3A_1995 : i32
        %ne3A_1997 = arith.constant 0 : i32
        %ne3A_1998 = arith.cmpi ne, %rem3A_1996, %ne3A_1997 : i32
        %lt3A_1999 = arith.constant 0 : i32
        %lt3A_2000 = arith.cmpi slt, %rem3A_1996, %lt3A_1999 : i32
        %lt3A_2001 = arith.constant 0 : i32
        %lt3A_2002 = arith.cmpi slt, %select_n3A_1995, %lt3A_2001 : i32
        %ne3A_2003 = arith.xori %lt3A_2000, %lt3A_2002 : i1
        %and3A_2004 = arith.andi %ne3A_2003, %ne3A_1998 : i1
        %add3A_2005 = arith.addi %rem3A_1996, %select_n3A_1995 : i32
        %select_n3A_2006 = arith.select %and3A_2004, %add3A_2005, %rem3A_1996 : i32
        %mul3A_2007 = arith.constant 128 : i32
        %mul3A_2008 = arith.muli %squeeze3A_1885, %mul3A_2007 : i32
        %multiple_of3A = tpu.assume_multiple %mul3A_2008, 128 : i32
        %dma_start3A = arith.constant 0 : i32
        %dma_start3A_2009 = arith.constant 0 : i32
        %dma_start3A_2010 = tpu.memref_slice %arg11[%select_n3A_2006, %dma_start3A, %dma_start3A_2009] : memref<12x64x128xf32, #tpu.memory_space<vmem>> -> memref<1x64x128xf32, #tpu.memory_space<vmem>>
        %dma_start3A_2011 = tpu.memref_squeeze %dma_start3A_2010 : memref<1x64x128xf32, #tpu.memory_space<vmem>> -> memref<64x128xf32, #tpu.memory_space<vmem>>
        %dma_start3A_2012 = arith.constant 0 : i32
        %dma_start3A_2013 = tpu.memref_slice %arg4[%dma_start3A_2012, %multiple_of3A] : memref<64x1000000xf32, #tpu.memory_space<hbm>> -> memref<64x128xf32, #tpu.memory_space<hbm>>
        %dma_start3A_2014 = tpu.memref_slice %arg13[%select_n3A_2006] : memref<12x!tpu.dma_semaphore, #tpu.memory_space<semaphore_mem>> -> memref<1x!tpu.dma_semaphore, #tpu.memory_space<semaphore_mem>>
        %dma_start3A_2015 = tpu.memref_squeeze %dma_start3A_2014 : memref<1x!tpu.dma_semaphore, #tpu.memory_space<semaphore_mem>> -> memref<!tpu.dma_semaphore, #tpu.memory_space<semaphore_mem>>
        %dma_start3A_2016 = arith.constant 0 : i32
        %dma_start3A_2017 = arith.constant 0 : i32
        %dma_start3A_2018 = tpu.memref_slice %arg11[%select_n3A_2006, %dma_start3A_2016, %dma_start3A_2017] : memref<12x64x128xf32, #tpu.memory_space<vmem>> -> memref<1x64x128xf32, #tpu.memory_space<vmem>>
        %dma_start3A_2019 = tpu.memref_squeeze %dma_start3A_2018 : memref<1x64x128xf32, #tpu.memory_space<vmem>> -> memref<64x128xf32, #tpu.memory_space<vmem>>
        %dma_start3A_2020 = arith.constant 0 : i32
        %dma_start3A_2021 = tpu.memref_slice %arg4[%dma_start3A_2020, %multiple_of3A] : memref<64x1000000xf32, #tpu.memory_space<hbm>> -> memref<64x128xf32, #tpu.memory_space<hbm>>
        tpu.enqueue_dma source(%dma_start3A_2021 : memref<64x128xf32, #tpu.memory_space<hbm>>) target(%dma_start3A_2019 : memref<64x128xf32, #tpu.memory_space<vmem>>) target_semaphore(%dma_start3A_2015 : memref<!tpu.dma_semaphore, #tpu.memory_space<semaphore_mem>>)
      } else {
      }
      %slice3A_1890 = vector.extract_strided_slice %get3A_110 {offsets = [15], sizes = [1], strides = [1]} : vector<16xi32> to vector<1xi32>
      %squeeze3A_1891 = vector.extract %slice3A_1890[0] : i32 from vector<1xi32>
      %eq3A_1892 = arith.constant 1 : i32
      %eq3A_1893 = arith.cmpi eq, %squeeze3A_1891, %eq3A_1892 : i32
      %convert_element_type3A_1894 = arith.extui %eq3A_1893 : i1 to i32
      %cond3A_1895 = arith.constant 0 : i32
      %cond3A_1896 = arith.cmpi ne, %convert_element_type3A_1894, %cond3A_1895 : i32
      scf.if %cond3A_1896 {
        %dma_wait3A_1991 = arith.constant 0 : i32
        %dma_wait3A_1992 = arith.constant 0 : i32
        %dma_wait3A_1993 = tpu.memref_slice %arg11[%select_n3A_1876, %dma_wait3A_1991, %dma_wait3A_1992] : memref<12x64x128xf32, #tpu.memory_space<vmem>> -> memref<1x64x128xf32, #tpu.memory_space<vmem>>
        %dma_wait3A_1994 = tpu.memref_squeeze %dma_wait3A_1993 : memref<1x64x128xf32, #tpu.memory_space<vmem>> -> memref<64x128xf32, #tpu.memory_space<vmem>>
        %dma_wait3A_1995 = arith.constant 0 : i32
        %dma_wait3A_1996 = arith.constant 0 : i32
        %dma_wait3A_1997 = tpu.memref_slice %arg4[%dma_wait3A_1995, %dma_wait3A_1996] : memref<64x1000000xf32, #tpu.memory_space<hbm>> -> memref<64x128xf32, #tpu.memory_space<hbm>>
        %dma_wait3A_1998 = tpu.memref_slice %arg13[%select_n3A_1876] : memref<12x!tpu.dma_semaphore, #tpu.memory_space<semaphore_mem>> -> memref<1x!tpu.dma_semaphore, #tpu.memory_space<semaphore_mem>>
        %dma_wait3A_1999 = tpu.memref_squeeze %dma_wait3A_1998 : memref<1x!tpu.dma_semaphore, #tpu.memory_space<semaphore_mem>> -> memref<!tpu.dma_semaphore, #tpu.memory_space<semaphore_mem>>
        %dma_wait3A_2000 = arith.constant 0 : i32
        %dma_wait3A_2001 = arith.constant 0 : i32
        %dma_wait3A_2002 = tpu.memref_slice %arg11[%select_n3A_1876, %dma_wait3A_2000, %dma_wait3A_2001] : memref<12x64x128xf32, #tpu.memory_space<vmem>> -> memref<1x64x128xf32, #tpu.memory_space<vmem>>
        %dma_wait3A_2003 = tpu.memref_squeeze %dma_wait3A_2002 : memref<1x64x128xf32, #tpu.memory_space<vmem>> -> memref<64x128xf32, #tpu.memory_space<vmem>>
        %dma_wait3A_2004 = arith.constant 0 : i32
        %dma_wait3A_2005 = arith.constant 0 : i32
        %dma_wait3A_2006 = tpu.memref_slice %arg4[%dma_wait3A_2004, %dma_wait3A_2005] : memref<64x1000000xf32, #tpu.memory_space<hbm>> -> memref<64x128xf32, #tpu.memory_space<hbm>>
        tpu.wait_dma2 semaphore(%dma_wait3A_1999 : memref<!tpu.dma_semaphore, #tpu.memory_space<semaphore_mem>>) src(%dma_wait3A_2006 : memref<64x128xf32, #tpu.memory_space<hbm>>) dst(%dma_wait3A_2003 : memref<64x128xf32, #tpu.memory_space<vmem>>)
      } else {
      }
      %slice3A_1897 = vector.extract_strided_slice %get3A_108 {offsets = [15], sizes = [1], strides = [1]} : vector<16xi32> to vector<1xi32>
      %squeeze3A_1898 = vector.extract %slice3A_1897[0] : i32 from vector<1xi32>
      %and3A_1899 = arith.constant 127 : i32
      %and3A_1900 = arith.andi %squeeze3A_1898, %and3A_1899 : i32
      %broadcast_in_dim3A_1901 = vector.broadcast %and3A_1900 : i32 to vector<16xi32>
      %jit3A_1902 = arith.constant 4 : i32
      %eq3A_1903 = arith.constant 0 : i32
      %eq3A_1904 = arith.cmpi eq, %jit3A_1902, %eq3A_1903 : i32
      %jit3A_1905 = arith.constant 1 : i32
      %select_n3A_1906 = arith.select %eq3A_1904, %jit3A_1905, %jit3A_1902 : i32
      %rem3A_1907 = arith.remsi %scan3A_103, %select_n3A_1906 : i32
      %ne3A_1908 = arith.constant 0 : i32
      %ne3A_1909 = arith.cmpi ne, %rem3A_1907, %ne3A_1908 : i32
      %lt3A_1910 = arith.constant 0 : i32
      %lt3A_1911 = arith.cmpi slt, %rem3A_1907, %lt3A_1910 : i32
      %lt3A_1912 = arith.constant 0 : i32
      %lt3A_1913 = arith.cmpi slt, %select_n3A_1906, %lt3A_1912 : i32
      %ne3A_1914 = arith.xori %lt3A_1911, %lt3A_1913 : i1
      %and3A_1915 = arith.andi %ne3A_1914, %ne3A_1909 : i1
      %add3A_1916 = arith.addi %rem3A_1907, %select_n3A_1906 : i32
      %select_n3A_1917 = arith.select %and3A_1915, %add3A_1916, %rem3A_1907 : i32
      %mul3A_1918 = arith.constant 16 : i32
      %mul3A_1919 = arith.muli %select_n3A_1917, %mul3A_1918 : i32
      %add3A_1920 = arith.constant 15 : i32
      %add3A_1921 = arith.addi %mul3A_1919, %add3A_1920 : i32
      %add3A_1922 = arith.constant 0 : i32
      %add3A_1923 = vector.broadcast %add3A_1922 : i32 to vector<16xi32>
      %add3A_1924 = arith.addi %iota3A, %add3A_1923 : vector<16xi32>
      %gather3A_1925 = arith.constant 0 : i32
      %gather3A_1926 = arith.constant 0 : i32
      %gather3A_1927 = tpu.memref_slice %arg11[%select_n3A_1876, %gather3A_1925, %gather3A_1926] : memref<12x64x128xf32, #tpu.memory_space<vmem>> -> memref<1x64x128xf32, #tpu.memory_space<vmem>>
      %gather3A_1928 = tpu.memref_squeeze %gather3A_1927 : memref<1x64x128xf32, #tpu.memory_space<vmem>> -> memref<64x128xf32, #tpu.memory_space<vmem>>
      %gather3A_1929 = tpu.vector_load_idx %gather3A_1928[%add3A_1924, %broadcast_in_dim3A_1901] : memref<64x128xf32, #tpu.memory_space<vmem>>[vector<16xi32>, vector<16xi32>], vector<16xf32>,
      %swap3A_1930 = arith.index_cast %select_n3A_142 : i32 to index
      %swap3A_1931 = arith.index_cast %add3A_1921 : i32 to index
      %swap3A_1932 = arith.constant 0 : index
      %swap3A_1933 = tpu.vector_load %arg12[%swap3A_1930, %swap3A_1931, %swap3A_1932] {strides = array<i32>} : memref<2x64x128xf32, #tpu.memory_space<vmem>>, vector<16xf32>,
      tpu.vector_store %arg12[%swap3A_1930, %swap3A_1931, %swap3A_1932], %gather3A_1929 {strides = array<i32>} : memref<2x64x128xf32, #tpu.memory_space<vmem>>, vector<16xf32>,
      %add3A_1934 = arith.constant 16 : i32
      %add3A_1935 = vector.broadcast %add3A_1934 : i32 to vector<16xi32>
      %add3A_1936 = arith.addi %iota3A, %add3A_1935 : vector<16xi32>
      %gather3A_1937 = arith.constant 0 : i32
      %gather3A_1938 = arith.constant 0 : i32
      %gather3A_1939 = tpu.memref_slice %arg11[%select_n3A_1876, %gather3A_1937, %gather3A_1938] : memref<12x64x128xf32, #tpu.memory_space<vmem>> -> memref<1x64x128xf32, #tpu.memory_space<vmem>>
      %gather3A_1940 = tpu.memref_squeeze %gather3A_1939 : memref<1x64x128xf32, #tpu.memory_space<vmem>> -> memref<64x128xf32, #tpu.memory_space<vmem>>
      %gather3A_1941 = tpu.vector_load_idx %gather3A_1940[%add3A_1936, %broadcast_in_dim3A_1901] : memref<64x128xf32, #tpu.memory_space<vmem>>[vector<16xi32>, vector<16xi32>], vector<16xf32>,
      %swap3A_1942 = arith.index_cast %select_n3A_142 : i32 to index
      %swap3A_1943 = arith.index_cast %add3A_1921 : i32 to index
      %swap3A_1944 = arith.constant 16 : index
      %swap3A_1945 = tpu.vector_load %arg12[%swap3A_1942, %swap3A_1943, %swap3A_1944] {strides = array<i32>} : memref<2x64x128xf32, #tpu.memory_space<vmem>>, vector<16xf32>,
      tpu.vector_store %arg12[%swap3A_1942, %swap3A_1943, %swap3A_1944], %gather3A_1941 {strides = array<i32>} : memref<2x64x128xf32, #tpu.memory_space<vmem>>, vector<16xf32>,
      %add3A_1946 = arith.constant 32 : i32
      %add3A_1947 = vector.broadcast %add3A_1946 : i32 to vector<16xi32>
      %add3A_1948 = arith.addi %iota3A, %add3A_1947 : vector<16xi32>
      %gather3A_1949 = arith.constant 0 : i32
      %gather3A_1950 = arith.constant 0 : i32
      %gather3A_1951 = tpu.memref_slice %arg11[%select_n3A_1876, %gather3A_1949, %gather3A_1950] : memref<12x64x128xf32, #tpu.memory_space<vmem>> -> memref<1x64x128xf32, #tpu.memory_space<vmem>>
      %gather3A_1952 = tpu.memref_squeeze %gather3A_1951 : memref<1x64x128xf32, #tpu.memory_space<vmem>> -> memref<64x128xf32, #tpu.memory_space<vmem>>
      %gather3A_1953 = tpu.vector_load_idx %gather3A_1952[%add3A_1948, %broadcast_in_dim3A_1901] : memref<64x128xf32, #tpu.memory_space<vmem>>[vector<16xi32>, vector<16xi32>], vector<16xf32>,
      %swap3A_1954 = arith.index_cast %select_n3A_142 : i32 to index
      %swap3A_1955 = arith.index_cast %add3A_1921 : i32 to index
      %swap3A_1956 = arith.constant 32 : index
      %swap3A_1957 = tpu.vector_load %arg12[%swap3A_1954, %swap3A_1955, %swap3A_1956] {strides = array<i32>} : memref<2x64x128xf32, #tpu.memory_space<vmem>>, vector<16xf32>,
      tpu.vector_store %arg12[%swap3A_1954, %swap3A_1955, %swap3A_1956], %gather3A_1953 {strides = array<i32>} : memref<2x64x128xf32, #tpu.memory_space<vmem>>, vector<16xf32>,
      %add3A_1958 = arith.constant 48 : i32
      %add3A_1959 = vector.broadcast %add3A_1958 : i32 to vector<16xi32>
      %add3A_1960 = arith.addi %iota3A, %add3A_1959 : vector<16xi32>
      %gather3A_1961 = arith.constant 0 : i32
      %gather3A_1962 = arith.constant 0 : i32
      %gather3A_1963 = tpu.memref_slice %arg11[%select_n3A_1876, %gather3A_1961, %gather3A_1962] : memref<12x64x128xf32, #tpu.memory_space<vmem>> -> memref<1x64x128xf32, #tpu.memory_space<vmem>>
      %gather3A_1964 = tpu.memref_squeeze %gather3A_1963 : memref<1x64x128xf32, #tpu.memory_space<vmem>> -> memref<64x128xf32, #tpu.memory_space<vmem>>
      %gather3A_1965 = tpu.vector_load_idx %gather3A_1964[%add3A_1960, %broadcast_in_dim3A_1901] : memref<64x128xf32, #tpu.memory_space<vmem>>[vector<16xi32>, vector<16xi32>], vector<16xf32>,
      %swap3A_1966 = arith.index_cast %select_n3A_142 : i32 to index
      %swap3A_1967 = arith.index_cast %add3A_1921 : i32 to index
      %swap3A_1968 = arith.constant 48 : index
      %swap3A_1969 = tpu.vector_load %arg12[%swap3A_1966, %swap3A_1967, %swap3A_1968] {strides = array<i32>} : memref<2x64x128xf32, #tpu.memory_space<vmem>>, vector<16xf32>,
      tpu.vector_store %arg12[%swap3A_1966, %swap3A_1967, %swap3A_1968], %gather3A_1965 {strides = array<i32>} : memref<2x64x128xf32, #tpu.memory_space<vmem>>, vector<16xf32>,
      %jit3A_1970 = arith.constant 4 : i32
      %eq3A_1971 = arith.constant 0 : i32
      %eq3A_1972 = arith.cmpi eq, %jit3A_1970, %eq3A_1971 : i32
      %jit3A_1973 = arith.constant 1 : i32
      %select_n3A_1974 = arith.select %eq3A_1972, %jit3A_1973, %jit3A_1970 : i32
      %rem3A_1975 = arith.remsi %scan3A_103, %select_n3A_1974 : i32
      %ne3A_1976 = arith.constant 0 : i32
      %ne3A_1977 = arith.cmpi ne, %rem3A_1975, %ne3A_1976 : i32
      %lt3A_1978 = arith.constant 0 : i32
      %lt3A_1979 = arith.cmpi slt, %rem3A_1975, %lt3A_1978 : i32
      %lt3A_1980 = arith.constant 0 : i32
      %lt3A_1981 = arith.cmpi slt, %select_n3A_1974, %lt3A_1980 : i32
      %ne3A_1982 = arith.xori %lt3A_1979, %lt3A_1981 : i1
      %and3A_1983 = arith.andi %ne3A_1982, %ne3A_1977 : i1
      %add3A_1984 = arith.addi %rem3A_1975, %select_n3A_1974 : i32
      %select_n3A_1985 = arith.select %and3A_1983, %add3A_1984, %rem3A_1975 : i32
      %eq3A_1986 = arith.constant 3 : i32
      %eq3A_1987 = arith.cmpi eq, %select_n3A_1985, %eq3A_1986 : i32
      %convert_element_type3A_1988 = arith.extui %eq3A_1987 : i1 to i32
      %cond3A_1989 = arith.constant 0 : i32
      %cond3A_1990 = arith.cmpi ne, %convert_element_type3A_1988, %cond3A_1989 : i32
      scf.if %cond3A_1990 {
        %jit3A_1991 = arith.constant 4 : i32
        %div3A_1992 = arith.divsi %scan3A_103, %jit3A_1991 : i32
        %sign3A_1993 = arith.constant 0 : i32
        %sign3A_1994 = arith.cmpi sgt, %scan3A_103, %sign3A_1993 : i32
        %sign3A_1995 = arith.extui %sign3A_1994 : i1 to i32
        %sign3A_1996 = arith.constant 0 : i32
        %sign3A_1997 = arith.cmpi slt, %scan3A_103, %sign3A_1996 : i32
        %sign3A_1998 = arith.extui %sign3A_1997 : i1 to i32
        %sign3A_1999 = arith.subi %sign3A_1995, %sign3A_1998 : i32
        %sign3A_2000 = arith.constant 0 : i32
        %sign3A_2001 = arith.cmpi sgt, %jit3A_1991, %sign3A_2000 : i32
        %sign3A_2002 = arith.extui %sign3A_2001 : i1 to i32
        %sign3A_2003 = arith.constant 0 : i32
        %sign3A_2004 = arith.cmpi slt, %jit3A_1991, %sign3A_2003 : i32
        %sign3A_2005 = arith.extui %sign3A_2004 : i1 to i32
        %sign3A_2006 = arith.subi %sign3A_2002, %sign3A_2005 : i32
        %ne3A_2007 = arith.cmpi ne, %sign3A_1999, %sign3A_2006 : i32
        %rem3A_2008 = arith.remsi %scan3A_103, %jit3A_1991 : i32
        %ne3A_2009 = arith.constant 0 : i32
        %ne3A_2010 = arith.cmpi ne, %rem3A_2008, %ne3A_2009 : i32
        %and3A_2011 = arith.andi %ne3A_2007, %ne3A_2010 : i1
        %sub3A_2012 = arith.constant 1 : i32
        %sub3A_2013 = arith.subi %div3A_1992, %sub3A_2012 : i32
        %select_n3A_2014 = arith.select %and3A_2011, %sub3A_2013, %div3A_1992 : i32
        %dma_start3A = arith.constant 0 : i32
        %dma_start3A_2015 = arith.constant 0 : i32
        %dma_start3A_2016 = tpu.memref_slice %arg12[%select_n3A_142, %dma_start3A, %dma_start3A_2015] : memref<2x64x128xf32, #tpu.memory_space<vmem>> -> memref<1x64x128xf32, #tpu.memory_space<vmem>>
        %dma_start3A_2017 = tpu.memref_squeeze %dma_start3A_2016 : memref<1x64x128xf32, #tpu.memory_space<vmem>> -> memref<64x128xf32, #tpu.memory_space<vmem>>
        %dma_start3A_2018 = arith.constant 0 : i32
        %dma_start3A_2019 = tpu.memref_slice %arg10[%select_n3A_2014, %dma_start3A_2018] : memref<8x64xi32, #tpu.memory_space<vmem>> -> memref<1x64xi32, #tpu.memory_space<vmem>>
        %dma_start3A_2020 = tpu.memref_squeeze %dma_start3A_2019 : memref<1x64xi32, #tpu.memory_space<vmem>> -> memref<64xi32, #tpu.memory_space<vmem>>
        %dma_start3A_2021 = arith.constant 0 : i32
        %dma_start3A_2022 = arith.constant 0 : i32
        %dma_start3A_2023 = tpu.memref_slice %arg5[%dma_start3A_2021, %dma_start3A_2022] : memref<16384x128xf32, #tpu.memory_space<hbm>> -> memref<16384x128xf32, #tpu.memory_space<hbm>>
        %dma_start3A_2024 = tpu.memref_slice %arg14[%select_n3A_142] : memref<2x!tpu.dma_semaphore, #tpu.memory_space<semaphore_mem>> -> memref<1x!tpu.dma_semaphore, #tpu.memory_space<semaphore_mem>>
        %dma_start3A_2025 = tpu.memref_squeeze %dma_start3A_2024 : memref<1x!tpu.dma_semaphore, #tpu.memory_space<semaphore_mem>> -> memref<!tpu.dma_semaphore, #tpu.memory_space<semaphore_mem>>
        tpu.enqueue_indirect_dma source(%dma_start3A_2017 : memref<64x128xf32, #tpu.memory_space<vmem>>) target(%dma_start3A_2023 : memref<16384x128xf32, #tpu.memory_space<hbm>>) offsets(%dma_start3A_2020 : memref<64xi32, #tpu.memory_space<vmem>>) semaphore(%dma_start3A_2025 : memref<!tpu.dma_semaphore, #tpu.memory_space<semaphore_mem>>)
      } else {
      }
      scf.yield %min3A_1879 : i32
    }
    %scan3A_73 = arith.constant 32 : i32
    %dma_wait3A = arith.constant 0 : i32
    %dma_wait3A_74 = arith.constant 0 : i32
    %dma_wait3A_75 = arith.constant 0 : i32
    %dma_wait3A_76 = arith.constant 0 : i32
    %dma_wait3A_77 = arith.constant 0 : i32
    %dma_wait3A_78 = tpu.memref_slice %arg12[%dma_wait3A, %dma_wait3A_76, %dma_wait3A_77] : memref<2x64x128xf32, #tpu.memory_space<vmem>> -> memref<1x64x128xf32, #tpu.memory_space<vmem>>
    %dma_wait3A_79 = tpu.memref_squeeze %dma_wait3A_78 : memref<1x64x128xf32, #tpu.memory_space<vmem>> -> memref<64x128xf32, #tpu.memory_space<vmem>>
    %dma_wait3A_80 = arith.constant 0 : i32
    %dma_wait3A_81 = tpu.memref_slice %arg10[%dma_wait3A_74, %dma_wait3A_80] : memref<8x64xi32, #tpu.memory_space<vmem>> -> memref<1x64xi32, #tpu.memory_space<vmem>>
    %dma_wait3A_82 = tpu.memref_squeeze %dma_wait3A_81 : memref<1x64xi32, #tpu.memory_space<vmem>> -> memref<64xi32, #tpu.memory_space<vmem>>
    %dma_wait3A_83 = arith.constant 0 : i32
    %dma_wait3A_84 = arith.constant 0 : i32
    %dma_wait3A_85 = tpu.memref_slice %arg5[%dma_wait3A_83, %dma_wait3A_84] : memref<16384x128xf32, #tpu.memory_space<hbm>> -> memref<16384x128xf32, #tpu.memory_space<hbm>>
    %dma_wait3A_86 = tpu.memref_slice %arg14[%dma_wait3A_75] : memref<2x!tpu.dma_semaphore, #tpu.memory_space<semaphore_mem>> -> memref<1x!tpu.dma_semaphore, #tpu.memory_space<semaphore_mem>>
    %dma_wait3A_87 = tpu.memref_squeeze %dma_wait3A_86 : memref<1x!tpu.dma_semaphore, #tpu.memory_space<semaphore_mem>> -> memref<!tpu.dma_semaphore, #tpu.memory_space<semaphore_mem>>
    tpu.wait_indirect_dma semaphore(%dma_wait3A_87 : memref<!tpu.dma_semaphore, #tpu.memory_space<semaphore_mem>>) src(%dma_wait3A_79 : memref<64x128xf32, #tpu.memory_space<vmem>>) dst(%dma_wait3A_85 : memref<16384x128xf32, #tpu.memory_space<hbm>>)
    %dma_wait3A_88 = arith.constant 1 : i32
    %dma_wait3A_89 = arith.constant 0 : i32
    %dma_wait3A_90 = arith.constant 1 : i32
    %dma_wait3A_91 = arith.constant 0 : i32
    %dma_wait3A_92 = arith.constant 0 : i32
    %dma_wait3A_93 = tpu.memref_slice %arg12[%dma_wait3A_88, %dma_wait3A_91, %dma_wait3A_92] : memref<2x64x128xf32, #tpu.memory_space<vmem>> -> memref<1x64x128xf32, #tpu.memory_space<vmem>>
    %dma_wait3A_94 = tpu.memref_squeeze %dma_wait3A_93 : memref<1x64x128xf32, #tpu.memory_space<vmem>> -> memref<64x128xf32, #tpu.memory_space<vmem>>
    %dma_wait3A_95 = arith.constant 0 : i32
    %dma_wait3A_96 = tpu.memref_slice %arg10[%dma_wait3A_89, %dma_wait3A_95] : memref<8x64xi32, #tpu.memory_space<vmem>> -> memref<1x64xi32, #tpu.memory_space<vmem>>
    %dma_wait3A_97 = tpu.memref_squeeze %dma_wait3A_96 : memref<1x64xi32, #tpu.memory_space<vmem>> -> memref<64xi32, #tpu.memory_space<vmem>>
    %dma_wait3A_98 = arith.constant 0 : i32
    %dma_wait3A_99 = arith.constant 0 : i32
    %dma_wait3A_100 = tpu.memref_slice %arg5[%dma_wait3A_98, %dma_wait3A_99] : memref<16384x128xf32, #tpu.memory_space<hbm>> -> memref<16384x128xf32, #tpu.memory_space<hbm>>
    %dma_wait3A_101 = tpu.memref_slice %arg14[%dma_wait3A_90] : memref<2x!tpu.dma_semaphore, #tpu.memory_space<semaphore_mem>> -> memref<1x!tpu.dma_semaphore, #tpu.memory_space<semaphore_mem>>
    %dma_wait3A_102 = tpu.memref_squeeze %dma_wait3A_101 : memref<1x!tpu.dma_semaphore, #tpu.memory_space<semaphore_mem>> -> memref<!tpu.dma_semaphore, #tpu.memory_space<semaphore_mem>>
    tpu.wait_indirect_dma semaphore(%dma_wait3A_102 : memref<!tpu.dma_semaphore, #tpu.memory_space<semaphore_mem>>) src(%dma_wait3A_94 : memref<64x128xf32, #tpu.memory_space<vmem>>) dst(%dma_wait3A_100 : memref<16384x128xf32, #tpu.memory_space<hbm>>)
    return
  }
}

</mosaic_0001>

<sc_bundles>
// kernel: kernel.3.cloned.1.call-start
scs
__scs_entry_jumppad:
0x0: {  	(pc) =	sbr.rel $0x88, $3  }
0x1: {  	(tag) =	ssettag $0x0;
	lr =	simm.s32 $0x1  }
0x2: {  	[smem:$0x3F9F] =	sst lr;
	_ =	strace $0xD0000000  }
0x3: {  	_ = 	snop  }
0x4: {  	_ = 	snop  }
0x5: {  	_ = 	snop  }
0x6: {  	_ = 	snop  }
0x7: {  	_ = 	snop  }
__scs_overlays_trampoline_lowered:
0x8: {  	[smem:$0x3FAE] =	sst s0  }
0x9: {  	[smem:$0x3FAF] =	sst s1  }
0xa: {  	[smem:$0x3FB0] =	sst s2  }
0xb: {  	[smem:$0x3FB1] =	sst s3  }
0xc: {  	[smem:$0x3FB2] =	sst s4  }
0xd: {  	[smem:$0x3FB3] =	sst s5  }
0xe: {  	[smem:$0x3FB4] =	sst s6  }
0xf: {  	[smem:$0x3FB5] =	sst s7  }
0x10: {  	[smem:$0x3FB6] =	sst s8  }
0x11: {  	[smem:$0x3FB7] =	sst s9;
	s0 =	simm.s32 @!p0 $0x0  }
0x12: {  	s1 =	sld [smem:$0x3F9D];
	s0 =	simm.s32 @p0 $0x1  }
0x13: {  	[smem:$0x3FB8] =	sst s0;
	s0 =	simm.s32 @!p1 $0x0  }
0x14: {  	s2 =	sld [smem:$0x3F9C];
	s0 =	simm.s32 @p1 $0x1  }
0x15: {  	[smem:$0x3FB9] =	sst s0;
	s0 =	simm.s32 @!p2 $0x0  }
0x16: {  	s3 =	sld [smem:$0x3FDB];
	s0 =	simm.s32 @p2 $0x1  }
0x17: {  	s4 =	simm.s32 $0x1BF5;
	[smem:$0x3FBB] =	sst s0  }
0x18: {  	s0 =	sld [smem:$0x3F9E];
	_ =	swait.ge [sflag:s4], $0x0  }
0x19: {  	s7 =	sld [smem:$0x3F9F]  }
0x1a: {  	s8 =	sadd.s32 $0xFFFFE003, lr  }
0x1b: {  	s9 =	sadd.s32 $0xFFFFFEF7, lr;
	s5 =	simm.s32 $0xFFFFFFFF;
	p2 =	slt.u32 s8, $0xFFFFF086  }
0x1c: {  	p1 =	slt.u32 s9, $0xF7A;
	s5 =	simm.s32 @!p2 $0x0  }
0x1d: {  	s5 =	simm.s32 @p1 $0x1;
	p0 =	seq.s32 s7, s2  }
0x1e: {  	s7 =	smul.u32 @!p0 $0xF7A, s2;
	p2 =	seq.s32 @!p0 s5, $0x0  }
0x1f: {  	s9 =	smul.u32 $0xF7A, s1;
	s8 =	simm.s32 @!p0 $0x1BF5;
	p2 =	por !p2, p0  }
0x20: {  	[sflag:s8] =	ssyncset.s32 @!p0 $0xFFFFF086;
	s6 =	sadd.s32 @!p0 s3, s7;
	s7 =	simm.s32 @!p0 $0x108  }
0x21: {  	s3 =	sadd.s32 s3, s9;
	s6 =	sadd.s32 @!p0 $0x88, s6;
	s7 =	simm.s32 @p2 $0x1082  }
0x22: {  	[simem:s7], [sflag:s8] =	dma.local @!p0 [hbm:s6], $0xF7A  }
0x23: {  	s9 =	sor.u32 $0xD0000000, s2;
	s6 =	simm.s32 $0x108;
	_ =	swait.ge @!p0 [sflag:s8], $0x0  }
0x24: {  	s3 =	sadd.s32 $0x88, s3;
	s6 =	simm.s32 @!p1 $0x1082;
	[sflag:s4] =	ssyncset.s32 $0xFFFFF086  }
0x25: {  	[simem:s6], [sflag:s4] =	dma.local [hbm:s3], $0xF7A  }
0x26: {  	[smem:$0x3F9F] =	sst s1;
	(tag) =	ssettag s2;
	_ =	strace s9  }
0x27: {  	s1 =	sld [smem:$0x3FAF]  }
0x28: {  	s2 =	sld [smem:$0x3FB0]  }
0x29: {  	s4 =	sld [smem:$0x3FB2]  }
0x2a: {  	p0 =	seq.s32 s5, $0x0;
	s5 =	sld [smem:$0x3FB3]  }
0x2b: {  	s6 =	sld [smem:$0x3FB4]  }
0x2c: {  	s7 =	sld [smem:$0x3FB5]  }
0x2d: {  	s3 =	simm.s32 $0x108;
	s8 =	sld [smem:$0x3FB6]  }
0x2e: {  	s3 =	simm.s32 @!p0 $0x1082;
	s9 =	sld [smem:$0x3FB7]  }
0x2f: {  	lr =	sadd.s32 s0, s3;
	s0 =	sld [smem:$0x3FAE]  }
0x30: {  	s3 =	sld [smem:$0x3FB1]  }
0x31: {  	[smem:$0x3FBA] =	sst s10  }
0x32: {  	s10 =	sld [smem:$0x3FB8];
	_ =	sdelay $0x3  }
0x33: {  	p0 =	seq.s32 s10, $0x1;
	s10 =	sld [smem:$0x3FBA];
	_ =	sdelay $0x3  }
0x34: {  	[smem:$0x3FBA] =	sst s10  }
0x35: {  	s10 =	sld [smem:$0x3FB9];
	_ =	sdelay $0x3  }
0x36: {  	p1 =	seq.s32 s10, $0x1;
	s10 =	sld [smem:$0x3FBA];
	_ =	sdelay $0x3  }
0x37: {  	[smem:$0x3FBA] =	sst s10  }
0x38: {  	s10 =	sld [smem:$0x3FBB]  }
0x39: {  	_ = 	snop;
	(pc) =	sbr.ind lr, $3  }
0x3a: {  	_ = 	snop  }
0x3b: {  	_ = 	snop  }
0x3c: {  	p2 =	seq.s32 s10, $0x1;
	s10 =	sld [smem:$0x3FBA]  }
0x3d: {  	_ =	shalt  }
0x3e: {  	_ =	shalt  }
0x3f: {  	_ =	shalt  }
0x40: {  	_ =	shalt  }
0x41: {  	_ =	shalt  }
0x42: {  	_ =	shalt  }
0x43: {  	_ =	shalt  }
0x44: {  	_ =	shalt  }
0x45: {  	_ =	shalt  }
0x46: {  	_ =	shalt  }
0x47: {  	_ =	shalt  }
0x48: {  	_ =	shalt  }
0x49: {  	_ =	shalt  }
0x4a: {  	_ =	shalt  }
0x4b: {  	_ =	shalt  }
0x4c: {  	_ =	shalt  }
0x4d: {  	_ =	shalt  }
0x4e: {  	_ =	shalt  }
0x4f: {  	_ =	shalt  }
0x50: {  	_ =	shalt  }
0x51: {  	_ =	shalt  }
0x52: {  	_ =	shalt  }
0x53: {  	_ =	shalt  }
0x54: {  	_ =	shalt  }
0x55: {  	_ =	shalt  }
0x56: {  	_ =	shalt  }
0x57: {  	_ =	shalt  }
0x58: {  	_ =	shalt  }
0x59: {  	_ =	shalt  }
0x5a: {  	_ =	shalt  }
0x5b: {  	_ =	shalt  }
0x5c: {  	_ =	shalt  }
0x5d: {  	_ =	shalt  }
0x5e: {  	_ =	shalt  }
0x5f: {  	_ =	shalt  }
0x60: {  	_ =	shalt  }
0x61: {  	_ =	shalt  }
0x62: {  	_ =	shalt  }
0x63: {  	_ =	shalt  }
0x64: {  	_ =	shalt  }
0x65: {  	_ =	shalt  }
0x66: {  	_ =	shalt  }
0x67: {  	_ =	shalt  }
0x68: {  	_ =	shalt  }
0x69: {  	_ =	shalt  }
0x6a: {  	_ =	shalt  }
0x6b: {  	_ =	shalt  }
0x6c: {  	_ =	shalt  }
0x6d: {  	_ =	shalt  }
0x6e: {  	_ =	shalt  }
0x6f: {  	_ =	shalt  }
0x70: {  	_ =	shalt  }
0x71: {  	_ =	shalt  }
0x72: {  	_ =	shalt  }
0x73: {  	_ =	shalt  }
0x74: {  	_ =	shalt  }
0x75: {  	_ =	shalt  }
0x76: {  	_ =	shalt  }
0x77: {  	_ =	shalt  }
0x78: {  	_ =	shalt  }
0x79: {  	_ =	shalt  }
0x7a: {  	_ =	shalt  }
0x7b: {  	_ =	shalt  }
0x7c: {  	_ =	shalt  }
0x7d: {  	_ =	shalt  }
0x7e: {  	_ =	shalt  }
0x7f: {  	_ =	shalt  }
0x80: {  	_ =	shalt  }
0x81: {  	_ =	shalt  }
0x82: {  	_ =	shalt  }
0x83: {  	_ =	shalt  }
0x84: {  	_ =	shalt  }
0x85: {  	_ =	shalt  }
0x86: {  	_ =	shalt  }
0x87: {  	_ =	shalt  }
.Lfunc_end0:
.L_simem_size_0:
called_computation_lowered:
.L_overlay_start_0:
0x88: {  	s2 =	sld [smem:$0x3FD9]  }
0x89: {  	s3 =	sld [smem:$0x3FFE];
	_ =	sdelay $0x1  }
0x8a: {  	s1 =	srdreg.scid  }
0x8b: {  	s0 =	sand.u32 $0x1, s1  }
0x8c: {  	s17 =	sshll.u32 s0, $0xA;
	s2 =	sadd.s32 s3, s2  }
0x8d: {  	s2 =	sadd.s32 s2, s17  }
0x8e: {  	[smem:$0x3FC6] =	sst s2  }
0x8f: {  	_ = 	snop  }
0x90: {  	s2 =	sld [smem:$0x3FC8]  }
0x91: {  	s18 =	sld [smem:$0x3FD0];
	(tm) =	ssettm $0x1  }
0x92: {  	s4 =	sld [smem:$0x3FFB];
	_ =	sdelay $0x3  }
0x93: {  	_ =	strace s4  }
0x94: {  	s4 =	sld [smem:$0x3FFC];
	_ =	sdelay $0x3  }
0x95: {  	_ =	strace s4  }
0x96: {  	s4 =	sld [smem:$0x3FFD];
	_ =	sdelay $0x3  }
0x97: {  	_ =	strace s4  }
0x98: {  	_ =	strace $0x8FFFFFFF  }
0x99: {  	s19 =	sld [smem:$0x3FDB];
	_ =	sdelay $0x1  }
0x9a: {  	s5 =	simm.s32 $_scs_section_size  }
0x9b: {  	s6 =	simm.s32 $_size__tile_overlayer_lowered;
	s7 =	simm.s32 $_tile_overlayer_lowered  }
0x9c: {  	s22 =	simm.s32 $0x1BFF;
	s21 =	sshll.u32 s7, $0x1;
	s4 =	sadd.s32 s5, s19  }
0x9d: {  	s8 =	simm.s32 $0x0;
	s20 =	sshll.u32 s6, $0x1;
	s6 =	sadd.s32 s21, s4  }
0x9e: {  	[timem:s8], [sflag:s22] =	dma.local [hbm:s6], s20  }
0x9f: {  	_ =	swait.ge [sflag:s22], s20  }
0xa0: {  	s5 =	ssub.s32 $0x0, s20;
	[sflag:s22] =	ssyncset.done $0x0  }
0xa1: {  	[sflag:s22] =	ssyncadd.s32 s5;
	_ =	sdelay $0x1  }
0xa2: {  	s23 =	simm.s32 $0x1B8B  }
0xa3: {  	_ =	swait.ge [sflag:s23], $0x1  }
0xa4: {  	[sflag:s23] =	ssyncset.done $0x0  }
0xa5: {  	s25 =	simm.s32 $0x1B8E;
	s24 =	sld [smem:$0x3FFE];
	[sflag:s23] =	ssyncadd.s32 $0xFFFFFFFF  }
0xa6: {  	s26 =	simm.s32 $execute0_lowered;
	[smem:$0x3FD2] =	sst s25  }
0xa7: {  	s6 =	sshll.u32 s26, $0x1;
	_ =	strace $0x80000046;
	[dreg:$0x1] =	wrdreg $0xFFFFFFFF  }
0xa8: {  	s28 =	simm.s32 $_size_execute0_lowered;
	s4 =	sadd.s32 s4, s6;
	[dreg:$0x0] =	wrdreg $0x0  }
0xa9: {  	s6 =	sshll.u32 s28, $0x1;
	[dreg:$0x2] =	wrdreg s4  }
0xaa: {  	[dreg:$0x3] =	wrdreg s6  }
0xab: {  	[dreg:$0x4] =	wrdreg $0xC0  }
0xac: {  	_ =	task [dreg:s8], $0x5FFFF  }
0xad: {  	[dreg:$0x1] =	wrdreg $0xFFFFFFFF  }
0xae: {  	[dreg:$0x0] =	wrdreg $0x60  }
0xaf: {  	[dreg:$0x2] =	wrdreg s24  }
0xb0: {  	[dreg:$0x3] =	wrdreg s2  }
0xb1: {  	[dreg:$0x4] =	wrdreg s18  }
0xb2: {  	[dreg:$0x5] =	wrdreg $0x9  }
0xb3: {  	_ =	task.clear_ibuf [dreg:s8], $0x6FFFF;
	_ =	strace $0x90000046  }
0xb4: {  	s29 =	simm.s32 $0x9;
	_ =	strace $0x80000048  }
0xb5: {  	_ =	swait.ge [sflag:s29], $0x1  }
0xb6: {  	[sflag:s29] =	ssyncadd.s32 $0xFFFFFFFF  }
0xb7: {  	_ =	strace $0x90000048  }
0xb8: {  	_ =	sfence  }
0xb9: {  	s30 =	sld [smem:$0x0];
	_ =	sdelay $0x2  }
0xba: {  	s31 =	sshll.u32 s1, $0xD;
	s1 =	sshrl.u32 s1, $0x2  }
0xbb: {  	s3 =	sand.u32 $0x4000, s31;
	s1 =	sadd.s32 s1, s30  }
0xbc: {  	s0 =	sor.u32 s3, s0;
	s1 =	sshll.u32 s1, $0x11  }
0xbd: {  	s0 =	sor.u32 s1, s0  }
0xbe: {  	s0 =	sadd.s32 $0x8F2B, s0  }
0xbf: {  	[sflag:s0] =	ssyncadd.remote.s32 $0x1  }
0xc0: {  	_ =	sfence.sel $0xFFFF  }
0xc1: {  	[dreg:$0x0] =	wrdreg $0xFFFFFFFF;
	(pc) =	sbr.abs _section_cstart, $3  }
0xc2: {  	[dreg:$0x1] =	wrdreg $0xFFFFFFFF  }
0xc3: {  	_ =	task.clear_ibuf [dreg:s8], $0x2FFFF;
	_ =	strace $0x9FFFFFFF  }
0xc4: {  	(tm) =	ssettm $0x7FFFFFFF  }
0xc5: {  	_ =	shalt  }
tec
execute0_lowered:
.L_overlay_start_1:
0x0: {  	(tag) =	ssettag $0x1  }
0x1: {  	s4 =	rddreg [dreg:$0x0]  }
0x2: {  	s2 =	srdreg.scid;
	s1 =	rddreg [dreg:$0x1]  }
0x3: {  	s0 =	stileid.u32;
	s31 =	rddreg [dreg:$0x2];
	s9 =	simm.s32 $0x880  }
0x4: {  	s10 =	simm.s32 $0x600;
	s11 =	simm.s32 $0xD;
	s12 =	simm.s32 $0xE  }
0x5: {  	s13 =	simm.s32 $0x400;
	s15 =	simm.s32 $0xEC80;
	s16 =	simm.s32 $0x0  }
0x6: {  	s5 =	sand.u32 $0x1, s2;
	s3 =	sshll.u32 s0, $0x8;
	[dreg:$0x4] =	wrdreg s31  }
0x7: {  	s7 =	sshll.u32 s0, $0xA;
	s6 =	sshll.u32 s5, $0x7;
	s5 =	ssub.s32 $0x2, s5  }
0x8: {  	s6 =	sor.u32 s6, s3;
	s3 =	simm.s32 $0x0;
	s8 =	sshrl.u32 s5, $0x1  }
0x9: {  	v0 =	vlaneseq.u32;
	s7 =	sor.u32 s7, s6;
	[smem:$0x7FF] =	sst s3;
	s6 =	sadd.s32 s6, s4  }
0xa: {  	v1 =	vmul.u32 $0x80, v0;
	s8 =	ssub.s32 s5, s8;
	s7 =	sand.u32 $0x3380, s7;
	_ =	strace $0x80000047  }
0xb: {  	v3 =	vimm.s32 $0x0;
	v4 =	vimm.f32 $0.0e+00;
	v2 =	vadd.s32 $0xFFFFFFFF, v0;
	s5 =	sadd.s32 $0x800, s6;
	s6 =	smax.u32 s8, $0x1;
	s7 =	sshrl.u32 s7, $0x3  }
0xc: {  	v5 =	vor.u32 $0x800, v1;
	v6 =	vor.u32 $0x1000, v1;
	v7 =	vor.u32 $0x1800, v1;
	s8 =	simm.s32 $0xF;
	s4 =	sadd.s32 s4, s7;
	s7 =	simm.s32 $0x80  }
.LBB2_1:
0xd: {  	[tilespmem:s3], [sflag:$0xF] =	stream.strided.gather [hbm4b:s4+s7], $0x200, s13, s7, $0x38;
	[tilespmem:$0x1CC80] =	vst v63  }
0xe: {  	v8 =	vadd.s32 s3, v2;
	_ =	swait.ge [sflag:s8], $0x200  }
0xf: {  	vm0 =	vgt.s32 v8, $0x0;
	[sflag:s8] =	ssyncset.done $0x0  }
0x10: {  	v8 =	vnsel vm0, $0x0, v8;
	[sflag:s8] =	ssyncadd.s32 $0xFFFFFE00  }
0x11: {  	[tilespmem:s9], [sflag:$0xF] =	stream.linear.gather [hbm4b:s5+s3], $0x400, $0x38;
	[tilespmem:$0x1CC80] =	vst v63  }
0x12: {  	_ =	swait.ge [sflag:s8], $0x400  }
0x13: {  	[sflag:s8] =	ssyncset.done $0x0  }
0x14: {  	[sflag:s8] =	ssyncadd.s32 $0xFFFFFC00  }
0x15: {  	v8 =	vld.idx.msk [tilespmem:v8+s3+$0x0], $0xffff  }
0x16: {  	v9 =	vld [tilespmem:s3+$0x0];
	_ =	sdelay $0x4  }
0x17: {  	v10 =	vmov s3;
	v9 =	vshra.s32 v9, $0x7;
	v8 =	vshra.s32 v8, $0x7  }
0x18: {  	vm12 =	veq.s32 v10, v0;
	vm1 =	vne.s32 v9, v8  }
0x19: {  	vm0 =	vmor vm12, vm1  }
0x1a: {  	v8 =	vsel vm0, $0x1, v3  }
0x1b: {  	(xrf0) =	vadd.scan.msk.s32 $0xffff, v8;
	_ =	sdelay $0x5  }
0x1c: {  	s17 =	simm.s32 $0x10;
	v10, _, _ =	vpop (xrf0)  }
0x1d: {  	v11 =	vadd.s32 s17, v2;
	v10 =	vadd.s32 s3, v10  }
0x1e: {  	vm13 =	vgt.s32 v11, $0x0;
	v12 =	vadd.s32 $0xFFFFFFFF, v10  }
0x1f: {  	v11 =	vnsel vm13, $0x0, v11  }
0x20: {  	s18 =	simm.s32 $0x200  }
0x21: {  	[tilespmem:s18+$0x0] =	vst v8  }
0x22: {  	[tilespmem:s13+$0x0] =	vst v10  }
0x23: {  	[tilespmem:v12+s10+$0x0] =	vst.idx.msk $0xffff, v9  }
0x24: {  	v9 =	vld.idx.msk [tilespmem:v11+s3+$0x0], $0xffff  }
0x25: {  	(v2sf) =	vpush v10, $0xF;
	v8 =	vld [tilespmem:s17+$0x0];
	_ =	sdelay $0x4  }
0x26: {  	v10 =	vmov s17;
	v8 =	vshra.s32 v8, $0x7;
	v9 =	vshra.s32 v9, $0x7  }
0x27: {  	vm14 =	veq.s32 v10, v0;
	vm15 =	vne.s32 v8, v9  }
0x28: {  	vm0 =	vmor vm14, vm15  }
0x29: {  	v9 =	vsel vm0, $0x1, v3  }
0x2a: {  	(xrf0) =	vadd.scan.msk.s32 $0xffff, v9;
	_ =	sdelay $0x5  }
0x2b: {  	s19 =	simm.s32 $0x20;
	s20 =	spop (v2sf);
	v10, _, _ =	vpop (xrf0)  }
0x2c: {  	s21 =	simm.s32 $0x30;
	v11 =	vadd.s32 s19, v2;
	v10 =	vadd.s32 s20, v10;
	s20 =	simm.s32 $0x400  }
.LBB2_2:
0x2d: {  	p0 =	sne.s32 s21, $0x1F0;
	vm0 =	vgt.s32 v11, $0x0;
	v12 =	vadd.s32 $0xFFFFFFFF, v10;
	(v2sf) =	vpush v10, $0xF  }
0x2e: {  	v11 =	vnsel vm0, $0x0, v11  }
0x2f: {  	s18 =	sadd.s32 $0x10, s18  }
0x30: {  	s20 =	sadd.s32 $0x10, s20;
	[tilespmem:s18+$0x0] =	vst v9  }
0x31: {  	[tilespmem:s20+$0x0] =	vst v10  }
0x32: {  	[tilespmem:v12+s10+$0x0] =	vst.idx.msk $0xffff, v8  }
0x33: {  	s17 =	sadd.s32 $0x10, s17;
	v9 =	vld.idx.msk [tilespmem:v11+s3+$0x0], $0xffff  }
0x34: {  	v8 =	vld [tilespmem:s17+$0x0];
	_ =	sdelay $0x4  }
0x35: {  	v10 =	vmov s19;
	s19 =	smov.u32 s21;
	v9 =	vshra.s32 v9, $0x7;
	v8 =	vshra.s32 v8, $0x7  }
0x36: {  	vm0 =	veq.s32 v10, v0;
	vm1 =	vne.s32 v8, v9  }
0x37: {  	vm0 =	vmor vm0, vm1  }
0x38: {  	v9 =	vsel vm0, $0x1, v3;
	s22 =	spop (v2sf)  }
0x39: {  	(xrf0) =	vadd.scan.msk.s32 $0xffff, v9;
	_ =	sdelay $0x2  }
.Ltmp0:
0x3a: {  	(pc) =	sbr.rel @p0 .LBB2_2-.Ltmp0, $3  }
0x3b: {  	_ =	sdelay $0x1  }
0x3c: {  	v10, _, _ =	vpop (xrf0)  }
0x3d: {  	s21 =	sadd.s32 $0x10, s21;
	v11 =	vadd.s32 s19, v2;
	v10 =	vadd.s32 s22, v10  }
0x3e: {  	vm0 =	vgt.s32 v11, $0x0;
	v12 =	vadd.s32 $0xFFFFFFFF, v10  }
0x3f: {  	v11 =	vnsel vm0, $0x0, v11  }
0x40: {  	s18 =	sadd.s32 $0x10, s18  }
0x41: {  	s20 =	sadd.s32 $0x10, s20;
	[tilespmem:s18+$0x0] =	vst v9  }
0x42: {  	[tilespmem:s20+$0x0] =	vst v10  }
0x43: {  	[tilespmem:v12+s10+$0x0] =	vst.idx.msk $0xffff, v8  }
0x44: {  	s17 =	sadd.s32 $0x10, s17;
	v8 =	vld.idx.msk [tilespmem:v11+s3+$0x0], $0xffff  }
0x45: {  	(v2sf) =	vpush v10, $0xF;
	v9 =	vld [tilespmem:s17+$0x0];
	_ =	sdelay $0x4  }
0x46: {  	v10 =	vmov s19;
	v9 =	vshra.s32 v9, $0x7;
	v8 =	vshra.s32 v8, $0x7  }
0x47: {  	vm15 =	veq.s32 v10, v0;
	vm1 =	vne.s32 v9, v8  }
0x48: {  	vm0 =	vmor vm15, vm1  }
0x49: {  	v8 =	vsel vm0, $0x1, v3  }
0x4a: {  	(xrf0) =	vadd.scan.msk.s32 $0xffff, v8;
	_ =	sdelay $0x5  }
0x4b: {  	s29 =	spop (v2sf);
	v10, _, _ =	vpop (xrf0)  }
0x4c: {  	v10 =	vadd.s32 s29, v10  }
0x4d: {  	(v2sf) =	vpush v10, $0xF;
	_ =	sdelay $0x5  }
0x4e: {  	v11 =	vadd.s32 $0xFFFFFFFF, v10;
	_ =	sdelay $0x1  }
0x4f: {  	s30 =	sadd.s32 $0x10, s18  }
0x50: {  	s31 =	sadd.s32 $0x10, s20;
	[tilespmem:s30+$0x0] =	vst v8  }
0x51: {  	[tilespmem:s31+$0x0] =	vst v10  }
0x52: {  	[tilespmem:v11+s10+$0x0] =	vst.idx.msk $0xffff, v9  }
0x53: {  	v8 =	vld [tilespmem:$0x600];
	_ =	sdelay $0x2  }
0x54: {  	s17 =	spop (v2sf)  }
0x55: {  	p1 =	slt.s32 s17, $0x1  }
0x56: {  	(v2sf) =	vpush @!p1 v8, $0x0;
	_ =	sdelay $0x2  }
0x57: {  	p0 =	seq.s32 @!p1 s17, $0x1  }
0x58: {  	p3 =	por p1, p0  }
0x59: {  	(v2sf) =	vpush @!p3 v8, $0x1;
	_ =	sdelay $0x2  }
0x5a: {  	p0 =	slt.u32 @!p3 s17, $0x3  }
0x5b: {  	p2 =	por p3, p0  }
0x5c: {  	(v2sf) =	vpush @!p2 v8, $0x2;
	_ =	sdelay $0x4  }
0x5d: {  	p0 =	seq.s32 @!p2 s17, $0x3;
	s18 =	spop @!p1 (v2sf)  }
0x5e: {  	p0 =	por p2, p0;
	s18 =	sshll.u32 @!p1 s18, $0x7  }
0x5f: {  	s19 =	simm.s32 @!p1 $0x400;
	(v2sf) =	vpush @!p0 v8, $0x3;
	s18 =	sand.u32 @!p1 $0x1FFFFF80, s18  }
0x60: {  	s20 =	simm.s32 @!p1 $0x7A1400;
	s21 =	simm.s32 @!p1 $0xC80;
	s18 =	sadd.s32 @!p1 s1, s18  }
0x61: {  	[tilespmem:s21], [sflag:$0x1] =	stream.strided.gather @!p1 [hbm4b:s18+s19], $0x2000, s20, s19, $0x38;
	[tilespmem:$0x1CC80] =	vst v63  }
0x62: {  	s18 =	spop @!p3 (v2sf);
	p1 =	slt.u32 @!p0 s17, $0x5  }
0x63: {  	s18 =	sshll.u32 @!p3 s18, $0x7;
	p1 =	por p0, p1  }
0x64: {  	s19 =	simm.s32 @!p3 $0x400;
	s18 =	sand.u32 @!p3 $0x1FFFFF80, s18;
	(v2sf) =	vpush @!p1 v8, $0x4  }
0x65: {  	s20 =	simm.s32 @!p3 $0x7A1400;
	s21 =	simm.s32 @!p3 $0x2C80;
	s18 =	sadd.s32 @!p3 s1, s18  }
0x66: {  	[tilespmem:s21], [sflag:$0x2] =	stream.strided.gather @!p3 [hbm4b:s18+s19], $0x2000, s20, s19, $0x38;
	[tilespmem:$0x1CC80] =	vst v63  }
0x67: {  	s18 =	spop @!p2 (v2sf);
	p3 =	seq.s32 @!p1 s17, $0x5  }
0x68: {  	s18 =	sshll.u32 @!p2 s18, $0x7;
	p3 =	por p1, p3  }
0x69: {  	s19 =	simm.s32 @!p2 $0x400;
	s18 =	sand.u32 @!p2 $0x1FFFFF80, s18;
	(v2sf) =	vpush @!p3 v8, $0x5  }
0x6a: {  	s20 =	simm.s32 @!p2 $0x7A1400;
	s21 =	simm.s32 @!p2 $0x4C80;
	s18 =	sadd.s32 @!p2 s1, s18  }
0x6b: {  	[tilespmem:s21], [sflag:$0x3] =	stream.strided.gather @!p2 [hbm4b:s18+s19], $0x2000, s20, s19, $0x38;
	[tilespmem:$0x1CC80] =	vst v63  }
0x6c: {  	p2 =	slt.u32 @!p3 s17, $0x7  }
0x6d: {  	p2 =	por p3, p2  }
0x6e: {  	s18 =	spop @!p0 (v2sf);
	(v2sf) =	vpush @!p2 v8, $0x6  }
0x6f: {  	s18 =	sshll.u32 @!p0 s18, $0x7  }
0x70: {  	s19 =	simm.s32 @!p0 $0x400;
	s18 =	sand.u32 @!p0 $0x1FFFFF80, s18  }
0x71: {  	s20 =	simm.s32 @!p0 $0x7A1400;
	s21 =	simm.s32 @!p0 $0x6C80;
	s18 =	sadd.s32 @!p0 s1, s18  }
0x72: {  	[tilespmem:s21], [sflag:$0x4] =	stream.strided.gather @!p0 [hbm4b:s18+s19], $0x2000, s20, s19, $0x38;
	[tilespmem:$0x1CC80] =	vst v63  }
0x73: {  	s18 =	spop @!p1 (v2sf)  }
0x74: {  	s18 =	sshll.u32 @!p1 s18, $0x7  }
0x75: {  	s19 =	simm.s32 @!p1 $0x400;
	s18 =	sand.u32 @!p1 $0x1FFFFF80, s18  }
0x76: {  	s20 =	simm.s32 @!p1 $0x7A1400;
	s21 =	simm.s32 @!p1 $0x8C80;
	s18 =	sadd.s32 @!p1 s1, s18  }
0x77: {  	[tilespmem:s21], [sflag:$0x5] =	stream.strided.gather @!p1 [hbm4b:s18+s19], $0x2000, s20, s19, $0x38;
	[tilespmem:$0x1CC80] =	vst v63  }
0x78: {  	s18 =	spop @!p3 (v2sf)  }
0x79: {  	p0 =	seq.s32 @!p2 s17, $0x7;
	s18 =	sshll.u32 @!p3 s18, $0x7  }
0x7a: {  	p0 =	por p2, p0;
	s19 =	simm.s32 @!p3 $0x400;
	s18 =	sand.u32 @!p3 $0x1FFFFF80, s18  }
0x7b: {  	s20 =	simm.s32 @!p3 $0x7A1400;
	s21 =	simm.s32 @!p3 $0xAC80;
	s18 =	sadd.s32 @!p3 s1, s18  }
0x7c: {  	[tilespmem:s21], [sflag:$0x6] =	stream.strided.gather @!p3 [hbm4b:s18+s19], $0x2000, s20, s19, $0x38;
	[tilespmem:$0x1CC80] =	vst v63  }
.Ltmp1:
0x7d: {  	s18 =	spop @!p2 (v2sf);
	(pc) =	sbr.rel @p0 .LBB2_5-.Ltmp1, $4  }
0x7e: {  	s18 =	sshll.u32 @!p2 s18, $0x7  }
0x7f: {  	s19 =	simm.s32 @!p2 $0x400;
	s18 =	sand.u32 @!p2 $0x1FFFFF80, s18  }
0x80: {  	s20 =	simm.s32 @!p2 $0x7A1400;
	s21 =	simm.s32 @!p2 $0xCC80;
	s18 =	sadd.s32 @!p2 s1, s18  }
0x81: {  	[tilespmem:s21], [sflag:$0x7] =	stream.strided.gather @!p2 [hbm4b:s18+s19], $0x2000, s20, s19, $0x38;
	[tilespmem:$0x1CC80] =	vst v63  }
0x82: {  	(v2sf) =	vpush v8, $0x7;
	_ =	sdelay $0x2  }
0x83: {  	p2 =	slt.u32 s17, $0x9  }
0x84: {  	(v2sf) =	vpush @!p2 v8, $0x8;
	_ =	sdelay $0x3  }
0x85: {  	p0 =	seq.s32 @!p2 s17, $0x9  }
0x86: {  	p1 =	por p0, p2  }
0x87: {  	(v2sf) =	vpush @!p1 v8, $0x9;
	_ =	sdelay $0x1  }
0x88: {  	p3 =	slt.u32 @!p1 s17, $0xB  }
0x89: {  	p0 =	por @!p2 p3, p0  }
0x8a: {  	p0 =	por p0, p2  }
0x8b: {  	s18 =	spop (v2sf);
	(v2sf) =	vpush @!p0 v8, $0xA;
	_ =	sdelay $0x1  }
0x8c: {  	s18 =	sshll.u32 s18, $0x7  }
0x8d: {  	s18 =	sand.u32 $0x1FFFFF80, s18  }
0x8e: {  	s0 =	simm.s32 $0x7A1400;
	s19 =	spop @!p2 (v2sf);
	s18 =	sadd.s32 s1, s18  }
0x8f: {  	[tilespmem:s15], [sflag:$0x8] =	stream.strided.gather [hbm4b:s18+s13], $0x2000, s0, s13, $0x38;
	[tilespmem:$0x1CC80] =	vst v63  }
0x90: {  	s18 =	sshll.u32 @!p2 s19, $0x7  }
0x91: {  	s20 =	simm.s32 @!p2 $0x7A1400;
	s18 =	sand.u32 @!p2 $0x1FFFFF80, s18  }
0x92: {  	s21 =	simm.s32 @!p2 $0x10C80;
	s19 =	simm.s32 @!p2 $0x400;
	s18 =	sadd.s32 @!p2 s1, s18  }
0x93: {  	[tilespmem:s21], [sflag:$0x9] =	stream.strided.gather @!p2 [hbm4b:s18+s19], $0x2000, s20, s19, $0x38;
	[tilespmem:$0x1CC80] =	vst v63  }
0x94: {  	s18 =	spop @!p1 (v2sf)  }
0x95: {  	s18 =	sshll.u32 @!p1 s18, $0x7  }
0x96: {  	s19 =	simm.s32 @!p1 $0x400;
	s18 =	sand.u32 @!p1 $0x1FFFFF80, s18  }
0x97: {  	s20 =	simm.s32 @!p1 $0x7A1400;
	s21 =	simm.s32 @!p1 $0x12C80;
	s18 =	sadd.s32 @!p1 s1, s18  }
0x98: {  	[tilespmem:s21], [sflag:$0xA] =	stream.strided.gather @!p1 [hbm4b:s18+s19], $0x2000, s20, s19, $0x38;
	[tilespmem:$0x1CC80] =	vst v63  }
0x99: {  	s18 =	spop @!p0 (v2sf)  }
0x9a: {  	s18 =	sshll.u32 @!p0 s18, $0x7  }
0x9b: {  	s19 =	simm.s32 @!p0 $0x400;
	s18 =	sand.u32 @!p0 $0x1FFFFF80, s18  }
0x9c: {  	s20 =	simm.s32 @!p0 $0x7A1400;
	s21 =	simm.s32 @!p0 $0x14C80;
	s18 =	sadd.s32 @!p0 s1, s18  }
0x9d: {  	[tilespmem:s21], [sflag:$0xB] =	stream.strided.gather @!p0 [hbm4b:s18+s19], $0x2000, s20, s19, $0x38;
	[tilespmem:$0x1CC80] =	vst v63  }
.LBB2_5:
0x9e: {  	s18 =	simm.s32 $0xFFFF0200;
	s19 =	simm.s32 $0xFFFFC000  }
.LBB2_6:
0x9f: {  	p0 =	sne.s32 s18, $0xFFFFFE00;
	[tilespmem:s19+$0x1CCF0] =	vst v4;
	s20 =	smov.u32 s18;
	s18 =	sadd.s32 $0x200, s18  }
.Ltmp2:
0xa0: {  	[tilespmem:s19+$0x1CCE0] =	vst v4;
	(pc) =	sbr.rel @p0 .LBB2_6-.Ltmp2, $3  }
0xa1: {  	[tilespmem:s19+$0x1CCC0] =	vst v4  }
0xa2: {  	[tilespmem:s19+$0x1CCD0] =	vst v4;
	_ =	sdelay $0x1  }
0xa3: {  	s19 =	sshra.s32 s20, $0x2  }
0xa4: {  	[tilespmem:s19+$0x1CCF0] =	vst v4  }
0xa5: {  	[tilespmem:s19+$0x1CCE0] =	vst v4  }
0xa6: {  	p0 =	slt.s32 s17, $0xB;
	[tilespmem:s19+$0x1CCC0] =	vst v4  }
0xa7: {  	s28 =	smov.u32 s17;
	s18 =	simm.s32 $0x0;
	[tilespmem:s19+$0x1CCD0] =	vst v4;
	s19 =	simm.s32 $0x200  }
0xa8: {  	s20 =	simm.s32 $0x400;
	s21 =	simm.s32 $0x0;
	s28 =	simm.s32 @!p0 $0xB  }
.LBB2_8:
0xa9: {  	v10 =	vld [tilespmem:s20+$0x0];
	s23 =	sand.u32 $0x3, s21;
	p0 =	slt.u32 s21, $0x8  }
0xaa: {  	s24 =	sshrl.u32 s21, $0x2;
	p1 =	sne.s32 @!p0 s23, $0x0  }
0xab: {  	s22 =	sand.u32 $0x1, s24;
	p0 =	por p1, p0  }
0xac: {  	v8 =	vld [tilespmem:s18+$0x0];
	s25 =	sadd.s32 @!p0 $0xD, s22  }
0xad: {  	v9 =	vld [tilespmem:s19+$0x0];
	_ =	swait.ge @!p0 [sflag:s25], $0x2000  }
0xae: {  	(v2sf) =	vpush v10, $0x0;
	_ =	sdelay $0xe  }
0xaf: {  	s26 =	spop (v2sf)  }
0xb0: {  	s29 =	sadd.s32 $0xB, s26  }
0xb1: {  	s30 =	smov.u32 s17;
	p1 =	slt.s32 s29, s17  }
0xb2: {  	s30 =	smov.u32 @p1 s29  }
0xb3: {  	s31 =	sadd.s32 $0xFFFFFFFF, s30  }
0xb4: {  	v11 =	vmov s31;
	_ =	sdelay $0x2  }
0xb5: {  	[sflag:s25] =	ssyncset.done @!p0 $0x0  }
0xb6: {  	[sflag:s25] =	ssyncadd.s32 @!p0 $0xFFFFE000  }
0xb7: {  	v11 =	vld.idx.msk [tilespmem:v11+s10+$0x0], $0xffff;
	_ =	sdelay $0x3  }
0xb8: {  	p0 =	sle.s32 s30, s28  }
0xb9: {  	(v2sf) =	vpush @!p0 v11, $0x0;
	_ =	sdelay $0x3  }
0xba: {  	s25 =	smulhi.u32 @!p0 $0x2AAAAAAB, s31;
	s28 =	sshra.s32 @!p0 s31, $0x1F  }
0xbb: {  	s28 =	smul.u32 @!p0 $0x2AAAAAAB, s28;
	(v2sf) =	vpush v9, $0x0  }
0xbc: {  	s26 =	sadd.s32 $0xFFFFFFFF, s26  }
0xbd: {  	s14 =	smulhi.u32 $0x2AAAAAAB, s26;
	s25 =	sadd.s32 @!p0 s28, s25  }
0xbe: {  	s28 =	sshra.s32 s26, $0x1F;
	s2 =	sshrl.u32 @!p0 s25, $0x1F;
	s25 =	sshrl.u32 @!p0 s25, $0x1  }
0xbf: {  	s28 =	smul.u32 $0x2AAAAAAB, s28;
	s2 =	sadd.s32 @!p0 s2, s25  }
0xc0: {  	s2 =	smul.u32 @!p0 $0xC, s2  }
0xc1: {  	s0 =	sadd.s32 s28, s14  }
0xc2: {  	s28 =	sshrl.u32 s0, $0x1F;
	s25 =	sshrl.u32 s0, $0x1;
	s2 =	ssub.s32 @!p0 s31, s2  }
0xc3: {  	s25 =	sadd.s32 s28, s25;
	p1 =	slt.s32 @!p0 s2, $0x0  }
0xc4: {  	s28 =	sadd.s32 @!p0 $0xC, s2;
	s25 =	smul.u32 $0xC, s25;
	p1 =	por !p1, p0  }
0xc5: {  	s31 =	simm.s32 @!p0 $0x7A1400;
	s28 =	smov.u32 @p1 s2;
	s30 =	spop @!p0 (v2sf)  }
0xc6: {  	s25 =	ssub.s32 s26, s25;
	s2 =	sshll.u32 @!p0 s28, $0xF;
	s26 =	sshll.u32 @!p0 s30, $0x7  }
0xc7: {  	s28 =	sadd.s32 @!p0 $0x1, s28;
	s2 =	sshra.s32 @!p0 s2, $0x2;
	s26 =	sand.u32 @!p0 $0x1FFFFF80, s26  }
0xc8: {  	s2 =	sor.u32 @!p0 $0xC80, s2;
	s30 =	simm.s32 @!p0 $0x400;
	s26 =	sadd.s32 @!p0 s1, s26  }
0xc9: {  	[tilespmem:s2], [sflag:s28] =	stream.strided.gather @!p0 [hbm4b:s26+s30], $0x2000, s31, s30, $0x38;
	[tilespmem:$0x1CC80] =	vst v63  }
0xca: {  	s14 =	spop (v2sf);
	p0 =	slt.s32 s25, $0x0;
	s2 =	sadd.s32 $0xC, s25  }
0xcb: {  	s25 =	smov.u32 @p0 s2;
	p0 =	sne.s32 s14, $0x1  }
0xcc: {  	s2 =	sadd.s32 @!p0 $0x1, s25  }
0xcd: {  	_ =	swait.ge @!p0 [sflag:s2], $0x2000  }
0xce: {  	(v2sf) =	vpush v8, $0x0;
	_ =	sdelay $0xe  }
0xcf: {  	s30 =	spop (v2sf)  }
0xd0: {  	s28 =	sand.u32 $0x7F, s30  }
0xd1: {  	v35 =	vor.u32 s28, v1;
	_ =	sdelay $0x1  }
0xd2: {  	s25 =	sshll.u32 s25, $0xF  }
0xd3: {  	s25 =	sshra.s32 s25, $0x2;
	[sflag:s2] =	ssyncset.done @!p0 $0x0  }
0xd4: {  	[sflag:s2] =	ssyncadd.s32 @!p0 $0xFFFFE000;
	s2 =	sor.u32 $0xC80, s25;
	(v2sf) =	vpush v10, $0x1  }
0xd5: {  	v11 =	vld.idx.msk [tilespmem:v35+s2+$0x0], $0xffff  }
0xd6: {  	v12 =	vor.u32 s28, v5  }
0xd7: {  	s31 =	sshll.u32 s22, $0xD  }
0xd8: {  	s0 =	sshll.u32 s23, $0xB;
	s25 =	sor.u32 $0x18C80, s31  }
0xd9: {  	s26 =	sadd.s32 s0, s25  }
0xda: {  	[tilespmem:s26+$0x0] =	vst v11  }
0xdb: {  	v11 =	vld.idx.msk [tilespmem:v12+s2+$0x0], $0xffff  }
0xdc: {  	v36 =	vor.u32 s28, v6;
	_ =	sdelay $0x3  }
0xdd: {  	[tilespmem:s26+$0x10] =	vst v11  }
0xde: {  	v11 =	vld.idx.msk [tilespmem:v36+s2+$0x0], $0xffff  }
0xdf: {  	v37 =	vor.u32 s28, v7  }
0xe0: {  	s14 =	spop (v2sf)  }
0xe1: {  	s28 =	sadd.s32 $0xB, s14  }
0xe2: {  	s31 =	smov.u32 s17;
	p0 =	slt.s32 s28, s17  }
0xe3: {  	s31 =	smov.u32 @p0 s28;
	[tilespmem:s26+$0x20] =	vst v11  }
0xe4: {  	v11 =	vld.idx.msk [tilespmem:v37+s2+$0x0], $0xffff;
	s2 =	sadd.s32 $0xFFFFFFFF, s31  }
0xe5: {  	v38 =	vmov s2;
	_ =	sdelay $0x3  }
0xe6: {  	[tilespmem:s26+$0x30] =	vst v11  }
0xe7: {  	v11 =	vld.idx.msk [tilespmem:v38+s10+$0x0], $0xffff;
	_ =	sdelay $0x3  }
0xe8: {  	p0 =	sge.s32 s29, s31  }
0xe9: {  	(v2sf) =	vpush @!p0 v11, $0x0;
	_ =	sdelay $0x3  }
0xea: {  	s29 =	smulhi.u32 @!p0 $0x2AAAAAAB, s2;
	s31 =	sshra.s32 @!p0 s2, $0x1F  }
0xeb: {  	s31 =	smul.u32 @!p0 $0x2AAAAAAB, s31;
	(v2sf) =	vpush v9, $0x1  }
0xec: {  	s30 =	sadd.s32 $0xFFFFFFFF, s14  }
0xed: {  	s0 =	smulhi.u32 $0x2AAAAAAB, s30;
	s29 =	sadd.s32 @!p0 s31, s29  }
0xee: {  	s31 =	sshra.s32 s30, $0x1F;
	s14 =	sshrl.u32 @!p0 s29, $0x1F;
	s29 =	sshrl.u32 @!p0 s29, $0x1  }
0xef: {  	s31 =	smul.u32 $0x2AAAAAAB, s31;
	s14 =	sadd.s32 @!p0 s14, s29  }
0xf0: {  	s14 =	smul.u32 @!p0 $0xC, s14  }
0xf1: {  	s0 =	sadd.s32 s31, s0  }
0xf2: {  	s29 =	sshrl.u32 s0, $0x1F;
	s0 =	sshrl.u32 s0, $0x1;
	s2 =	ssub.s32 @!p0 s2, s14  }
0xf3: {  	s0 =	sadd.s32 s29, s0;
	p1 =	slt.s32 @!p0 s2, $0x0  }
0xf4: {  	s14 =	sadd.s32 @!p0 $0xC, s2;
	s0 =	smul.u32 $0xC, s0;
	p1 =	por !p1, p0  }
0xf5: {  	s31 =	simm.s32 @!p0 $0x7A1400;
	s14 =	smov.u32 @p1 s2;
	s29 =	spop @!p0 (v2sf)  }
0xf6: {  	s0 =	ssub.s32 s30, s0;
	s2 =	sshll.u32 @!p0 s14, $0xF;
	s29 =	sshll.u32 @!p0 s29, $0x7  }
0xf7: {  	s30 =	simm.s32 @!p0 $0x400;
	s2 =	sshra.s32 @!p0 s2, $0x2;
	s29 =	sand.u32 @!p0 $0x1FFFFF80, s29  }
0xf8: {  	s14 =	sadd.s32 @!p0 $0x1, s14;
	s2 =	sor.u32 @!p0 $0xC80, s2;
	s29 =	sadd.s32 @!p0 s1, s29  }
0xf9: {  	[tilespmem:s2], [sflag:s14] =	stream.strided.gather @!p0 [hbm4b:s29+s30], $0x2000, s31, s30, $0x38;
	[tilespmem:$0x1CC80] =	vst v63  }
0xfa: {  	p0 =	slt.s32 s0, $0x0;
	s2 =	sadd.s32 $0xC, s0;
	s31 =	spop (v2sf)  }
0xfb: {  	s0 =	smov.u32 @p0 s2;
	p0 =	sne.s32 s31, $0x1  }
0xfc: {  	s2 =	sadd.s32 @!p0 $0x1, s0  }
0xfd: {  	_ =	swait.ge @!p0 [sflag:s2], $0x2000  }
0xfe: {  	(v2sf) =	vpush v8, $0x1;
	_ =	sdelay $0xe  }
0xff: {  	s29 =	spop (v2sf)  }
0x100: {  	s14 =	sand.u32 $0x7F, s29  }
0x101: {  	v39 =	vor.u32 s14, v1;
	_ =	sdelay $0x1  }
0x102: {  	s0 =	sshll.u32 s0, $0xF  }
0x103: {  	s0 =	sshra.s32 s0, $0x2;
	[sflag:s2] =	ssyncset.done @!p0 $0x0  }
0x104: {  	s0 =	sor.u32 $0xC80, s0;
	[sflag:s2] =	ssyncadd.s32 @!p0 $0xFFFFE000;
	(v2sf) =	vpush v10, $0x2  }
0x105: {  	v11 =	vld.idx.msk [tilespmem:v39+s0+$0x0], $0xffff  }
0x106: {  	v40 =	vor.u32 s14, v5;
	_ =	sdelay $0x3  }
0x107: {  	[tilespmem:s26+$0x80] =	vst v11  }
0x108: {  	v11 =	vld.idx.msk [tilespmem:v40+s0+$0x0], $0xffff  }
0x109: {  	v41 =	vor.u32 s14, v6;
	_ =	sdelay $0x3  }
0x10a: {  	[tilespmem:s26+$0x90] =	vst v11  }
0x10b: {  	v11 =	vld.idx.msk [tilespmem:v41+s0+$0x0], $0xffff  }
0x10c: {  	v42 =	vor.u32 s14, v7  }
0x10d: {  	s30 =	spop (v2sf)  }
0x10e: {  	s29 =	sadd.s32 $0xB, s30  }
0x10f: {  	s14 =	smov.u32 s17;
	p0 =	slt.s32 s29, s17  }
0x110: {  	s14 =	smov.u32 @p0 s29;
	[tilespmem:s26+$0xA0] =	vst v11  }
0x111: {  	v11 =	vld.idx.msk [tilespmem:v42+s0+$0x0], $0xffff;
	s0 =	sadd.s32 $0xFFFFFFFF, s14  }
0x112: {  	v43 =	vmov s0;
	_ =	sdelay $0x3  }
0x113: {  	[tilespmem:s26+$0xB0] =	vst v11  }
0x114: {  	v11 =	vld.idx.msk [tilespmem:v43+s10+$0x0], $0xffff;
	_ =	sdelay $0x3  }
0x115: {  	p0 =	sge.s32 s28, s14  }
0x116: {  	(v2sf) =	vpush @!p0 v11, $0x0;
	_ =	sdelay $0x3  }
0x117: {  	s14 =	smulhi.u32 @!p0 $0x2AAAAAAB, s0;
	s28 =	sshra.s32 @!p0 s0, $0x1F  }
0x118: {  	s28 =	smul.u32 @!p0 $0x2AAAAAAB, s28;
	(v2sf) =	vpush v9, $0x2  }
0x119: {  	s2 =	sadd.s32 $0xFFFFFFFF, s30  }
0x11a: {  	s30 =	smulhi.u32 $0x2AAAAAAB, s2;
	s14 =	sadd.s32 @!p0 s28, s14  }
0x11b: {  	s28 =	sshra.s32 s2, $0x1F;
	s31 =	sshrl.u32 @!p0 s14, $0x1F;
	s14 =	sshrl.u32 @!p0 s14, $0x1  }
0x11c: {  	s28 =	smul.u32 $0x2AAAAAAB, s28;
	s14 =	sadd.s32 @!p0 s31, s14  }
0x11d: {  	s14 =	smul.u32 @!p0 $0xC, s14  }
0x11e: {  	s28 =	sadd.s32 s28, s30  }
0x11f: {  	s31 =	sshrl.u32 s28, $0x1F;
	s28 =	sshrl.u32 s28, $0x1;
	s0 =	ssub.s32 @!p0 s0, s14  }
0x120: {  	s14 =	sadd.s32 s31, s28;
	p1 =	slt.s32 @!p0 s0, $0x0  }
0x121: {  	s28 =	sadd.s32 @!p0 $0xC, s0;
	s14 =	smul.u32 $0xC, s14;
	p1 =	por !p1, p0  }
0x122: {  	s31 =	simm.s32 @!p0 $0x7A1400;
	s28 =	smov.u32 @p1 s0;
	s30 =	spop @!p0 (v2sf)  }
0x123: {  	s2 =	ssub.s32 s2, s14;
	s0 =	sshll.u32 @!p0 s28, $0xF;
	s14 =	sshll.u32 @!p0 s30, $0x7  }
0x124: {  	s28 =	sadd.s32 @!p0 $0x1, s28;
	s0 =	sshra.s32 @!p0 s0, $0x2;
	s14 =	sand.u32 @!p0 $0x1FFFFF80, s14  }
0x125: {  	s0 =	sor.u32 @!p0 $0xC80, s0;
	s30 =	simm.s32 @!p0 $0x400;
	s14 =	sadd.s32 @!p0 s1, s14  }
0x126: {  	[tilespmem:s0], [sflag:s28] =	stream.strided.gather @!p0 [hbm4b:s14+s30], $0x2000, s31, s30, $0x38;
	[tilespmem:$0x1CC80] =	vst v63  }
0x127: {  	p0 =	slt.s32 s2, $0x0;
	s0 =	sadd.s32 $0xC, s2;
	s30 =	spop (v2sf)  }
0x128: {  	s2 =	smov.u32 @p0 s0;
	p0 =	sne.s32 s30, $0x1  }
0x129: {  	s0 =	sadd.s32 @!p0 $0x1, s2  }
0x12a: {  	_ =	swait.ge @!p0 [sflag:s0], $0x2000  }
0x12b: {  	(v2sf) =	vpush v8, $0x2;
	_ =	sdelay $0xe  }
0x12c: {  	s31 =	spop (v2sf)  }
0x12d: {  	s14 =	sand.u32 $0x7F, s31  }
0x12e: {  	v44 =	vor.u32 s14, v1;
	_ =	sdelay $0x1  }
0x12f: {  	s2 =	sshll.u32 s2, $0xF  }
0x130: {  	s2 =	sshra.s32 s2, $0x2;
	[sflag:s0] =	ssyncset.done @!p0 $0x0  }
0x131: {  	s2 =	sor.u32 $0xC80, s2;
	[sflag:s0] =	ssyncadd.s32 @!p0 $0xFFFFE000;
	(v2sf) =	vpush v10, $0x3  }
0x132: {  	v11 =	vld.idx.msk [tilespmem:v44+s2+$0x0], $0xffff  }
0x133: {  	v45 =	vor.u32 s14, v5;
	_ =	sdelay $0x3  }
0x134: {  	[tilespmem:s26+$0x100] =	vst v11  }
0x135: {  	v11 =	vld.idx.msk [tilespmem:v45+s2+$0x0], $0xffff  }
0x136: {  	v46 =	vor.u32 s14, v6;
	_ =	sdelay $0x3  }
0x137: {  	[tilespmem:s26+$0x110] =	vst v11  }
0x138: {  	v11 =	vld.idx.msk [tilespmem:v46+s2+$0x0], $0xffff  }
0x139: {  	v47 =	vor.u32 s14, v7  }
0x13a: {  	s30 =	spop (v2sf)  }
0x13b: {  	s28 =	sadd.s32 $0xB, s30  }
0x13c: {  	s14 =	smov.u32 s17;
	p0 =	slt.s32 s28, s17  }
0x13d: {  	s14 =	smov.u32 @p0 s28;
	[tilespmem:s26+$0x120] =	vst v11  }
0x13e: {  	s0 =	sadd.s32 $0xFFFFFFFF, s14;
	v11 =	vld.idx.msk [tilespmem:v47+s2+$0x0], $0xffff  }
0x13f: {  	v48 =	vmov s0;
	_ =	sdelay $0x3  }
0x140: {  	[tilespmem:s26+$0x130] =	vst v11  }
0x141: {  	v11 =	vld.idx.msk [tilespmem:v48+s10+$0x0], $0xffff;
	_ =	sdelay $0x3  }
0x142: {  	p0 =	sge.s32 s29, s14  }
0x143: {  	(v2sf) =	vpush @!p0 v11, $0x0;
	_ =	sdelay $0x2  }
0x144: {  	s14 =	smulhi.u32 @!p0 $0x2AAAAAAB, s0;
	s29 =	sshra.s32 @!p0 s0, $0x1F  }
0x145: {  	s29 =	smul.u32 @!p0 $0x2AAAAAAB, s29  }
0x146: {  	(v2sf) =	vpush v9, $0x3  }
0x147: {  	s14 =	sadd.s32 @!p0 s29, s14  }
0x148: {  	s31 =	sshrl.u32 @!p0 s14, $0x1F;
	s2 =	sadd.s32 $0xFFFFFFFF, s30  }
0x149: {  	s14 =	sshrl.u32 @!p0 s14, $0x1;
	s30 =	smulhi.u32 $0x2AAAAAAB, s2;
	s29 =	sshra.s32 s2, $0x1F  }
0x14a: {  	s14 =	sadd.s32 @!p0 s31, s14;
	s29 =	smul.u32 $0x2AAAAAAB, s29  }
0x14b: {  	s14 =	smul.u32 @!p0 $0xC, s14  }
0x14c: {  	s29 =	sadd.s32 s29, s30  }
0x14d: {  	s0 =	ssub.s32 @!p0 s0, s14;
	s31 =	sshrl.u32 s29, $0x1F;
	s29 =	sshrl.u32 s29, $0x1  }
0x14e: {  	p1 =	slt.s32 @!p0 s0, $0x0;
	s14 =	sadd.s32 s31, s29  }
0x14f: {  	p1 =	por !p1, p0;
	s29 =	sadd.s32 @!p0 $0xC, s0;
	s14 =	smul.u32 $0xC, s14  }
0x150: {  	s31 =	simm.s32 @!p0 $0x7A1400;
	s29 =	smov.u32 @p1 s0;
	s30 =	spop @!p0 (v2sf)  }
0x151: {  	s0 =	sshll.u32 @!p0 s29, $0xF;
	s2 =	ssub.s32 s2, s14;
	s14 =	sshll.u32 @!p0 s30, $0x7  }
0x152: {  	s29 =	sadd.s32 @!p0 $0x1, s29;
	s0 =	sshra.s32 @!p0 s0, $0x2;
	s14 =	sand.u32 @!p0 $0x1FFFFF80, s14  }
0x153: {  	s0 =	sor.u32 @!p0 $0xC80, s0;
	s30 =	simm.s32 @!p0 $0x400;
	s14 =	sadd.s32 @!p0 s1, s14  }
0x154: {  	[tilespmem:s0], [sflag:s29] =	stream.strided.gather @!p0 [hbm4b:s14+s30], $0x2000, s31, s30, $0x38;
	[tilespmem:$0x1CC80] =	vst v63  }
0x155: {  	p0 =	slt.s32 s2, $0x0;
	s0 =	sadd.s32 $0xC, s2;
	s30 =	spop (v2sf)  }
0x156: {  	s2 =	smov.u32 @p0 s0;
	p0 =	sne.s32 s30, $0x1  }
0x157: {  	s0 =	sadd.s32 @!p0 $0x1, s2  }
0x158: {  	_ =	swait.ge @!p0 [sflag:s0], $0x2000  }
0x159: {  	(v2sf) =	vpush v8, $0x3;
	_ =	sdelay $0xe  }
0x15a: {  	s31 =	spop (v2sf)  }
0x15b: {  	s14 =	sand.u32 $0x7F, s31  }
0x15c: {  	v49 =	vor.u32 s14, v1;
	_ =	sdelay $0x1  }
0x15d: {  	s2 =	sshll.u32 s2, $0xF  }
0x15e: {  	s2 =	sshra.s32 s2, $0x2;
	[sflag:s0] =	ssyncset.done @!p0 $0x0  }
0x15f: {  	s2 =	sor.u32 $0xC80, s2;
	[sflag:s0] =	ssyncadd.s32 @!p0 $0xFFFFE000;
	(v2sf) =	vpush v10, $0x4  }
0x160: {  	v11 =	vld.idx.msk [tilespmem:v49+s2+$0x0], $0xffff  }
0x161: {  	v50 =	vor.u32 s14, v5;
	_ =	sdelay $0x3  }
0x162: {  	[tilespmem:s26+$0x180] =	vst v11  }
0x163: {  	v11 =	vld.idx.msk [tilespmem:v50+s2+$0x0], $0xffff  }
0x164: {  	v51 =	vor.u32 s14, v6;
	_ =	sdelay $0x3  }
0x165: {  	[tilespmem:s26+$0x190] =	vst v11  }
0x166: {  	v11 =	vld.idx.msk [tilespmem:v51+s2+$0x0], $0xffff  }
0x167: {  	v52 =	vor.u32 s14, v7  }
0x168: {  	s30 =	spop (v2sf)  }
0x169: {  	s29 =	sadd.s32 $0xB, s30  }
0x16a: {  	s14 =	smov.u32 s17;
	p0 =	slt.s32 s29, s17  }
0x16b: {  	s14 =	smov.u32 @p0 s29;
	[tilespmem:s26+$0x1A0] =	vst v11  }
0x16c: {  	s0 =	sadd.s32 $0xFFFFFFFF, s14;
	v11 =	vld.idx.msk [tilespmem:v52+s2+$0x0], $0xffff  }
0x16d: {  	v53 =	vmov s0;
	_ =	sdelay $0x3  }
0x16e: {  	[tilespmem:s26+$0x1B0] =	vst v11  }
0x16f: {  	v11 =	vld.idx.msk [tilespmem:v53+s10+$0x0], $0xffff;
	_ =	sdelay $0x3  }
0x170: {  	p0 =	sge.s32 s28, s14  }
0x171: {  	(v2sf) =	vpush @!p0 v11, $0x0;
	_ =	sdelay $0x2  }
0x172: {  	s14 =	smulhi.u32 @!p0 $0x2AAAAAAB, s0;
	s28 =	sshra.s32 @!p0 s0, $0x1F  }
0x173: {  	s28 =	smul.u32 @!p0 $0x2AAAAAAB, s28  }
0x174: {  	(v2sf) =	vpush v9, $0x4  }
0x175: {  	s14 =	sadd.s32 @!p0 s28, s14  }
0x176: {  	s31 =	sshrl.u32 @!p0 s14, $0x1F;
	s2 =	sadd.s32 $0xFFFFFFFF, s30  }
0x177: {  	s14 =	sshrl.u32 @!p0 s14, $0x1;
	s30 =	smulhi.u32 $0x2AAAAAAB, s2;
	s28 =	sshra.s32 s2, $0x1F  }
0x178: {  	s14 =	sadd.s32 @!p0 s31, s14;
	s28 =	smul.u32 $0x2AAAAAAB, s28  }
0x179: {  	s14 =	smul.u32 @!p0 $0xC, s14  }
0x17a: {  	s28 =	sadd.s32 s28, s30  }
0x17b: {  	s0 =	ssub.s32 @!p0 s0, s14;
	s31 =	sshrl.u32 s28, $0x1F;
	s28 =	sshrl.u32 s28, $0x1  }
0x17c: {  	p1 =	slt.s32 @!p0 s0, $0x0;
	s14 =	sadd.s32 s31, s28  }
0x17d: {  	p1 =	por !p1, p0;
	s28 =	sadd.s32 @!p0 $0xC, s0;
	s14 =	smul.u32 $0xC, s14  }
0x17e: {  	s31 =	simm.s32 @!p0 $0x7A1400;
	s28 =	smov.u32 @p1 s0;
	s30 =	spop @!p0 (v2sf)  }
0x17f: {  	s0 =	sshll.u32 @!p0 s28, $0xF;
	s2 =	ssub.s32 s2, s14;
	s14 =	sshll.u32 @!p0 s30, $0x7  }
0x180: {  	s28 =	sadd.s32 @!p0 $0x1, s28;
	s0 =	sshra.s32 @!p0 s0, $0x2;
	s14 =	sand.u32 @!p0 $0x1FFFFF80, s14  }
0x181: {  	s0 =	sor.u32 @!p0 $0xC80, s0;
	s30 =	simm.s32 @!p0 $0x400;
	s14 =	sadd.s32 @!p0 s1, s14  }
0x182: {  	[tilespmem:s0], [sflag:s28] =	stream.strided.gather @!p0 [hbm4b:s14+s30], $0x2000, s31, s30, $0x38;
	[tilespmem:$0x1CC80] =	vst v63  }
0x183: {  	p0 =	slt.s32 s2, $0x0;
	s0 =	sadd.s32 $0xC, s2;
	s30 =	spop (v2sf)  }
0x184: {  	s2 =	smov.u32 @p0 s0;
	p0 =	sne.s32 s30, $0x1  }
0x185: {  	s0 =	sadd.s32 @!p0 $0x1, s2  }
0x186: {  	_ =	swait.ge @!p0 [sflag:s0], $0x2000  }
0x187: {  	(v2sf) =	vpush v8, $0x4;
	_ =	sdelay $0xe  }
0x188: {  	s31 =	spop (v2sf)  }
0x189: {  	s14 =	sand.u32 $0x7F, s31  }
0x18a: {  	v54 =	vor.u32 s14, v1;
	_ =	sdelay $0x1  }
0x18b: {  	s2 =	sshll.u32 s2, $0xF  }
0x18c: {  	s2 =	sshra.s32 s2, $0x2;
	[sflag:s0] =	ssyncset.done @!p0 $0x0  }
0x18d: {  	s2 =	sor.u32 $0xC80, s2;
	[sflag:s0] =	ssyncadd.s32 @!p0 $0xFFFFE000;
	(v2sf) =	vpush v10, $0x5  }
0x18e: {  	v11 =	vld.idx.msk [tilespmem:v54+s2+$0x0], $0xffff  }
0x18f: {  	v55 =	vor.u32 s14, v5;
	_ =	sdelay $0x3  }
0x190: {  	[tilespmem:s26+$0x200] =	vst v11  }
0x191: {  	v11 =	vld.idx.msk [tilespmem:v55+s2+$0x0], $0xffff  }
0x192: {  	v56 =	vor.u32 s14, v6;
	_ =	sdelay $0x3  }
0x193: {  	[tilespmem:s26+$0x210] =	vst v11  }
0x194: {  	v11 =	vld.idx.msk [tilespmem:v56+s2+$0x0], $0xffff  }
0x195: {  	v57 =	vor.u32 s14, v7  }
0x196: {  	s30 =	spop (v2sf)  }
0x197: {  	s28 =	sadd.s32 $0xB, s30  }
0x198: {  	s14 =	smov.u32 s17;
	p0 =	slt.s32 s28, s17  }
0x199: {  	s14 =	smov.u32 @p0 s28;
	[tilespmem:s26+$0x220] =	vst v11  }
0x19a: {  	s0 =	sadd.s32 $0xFFFFFFFF, s14;
	v11 =	vld.idx.msk [tilespmem:v57+s2+$0x0], $0xffff  }
0x19b: {  	v58 =	vmov s0;
	_ =	sdelay $0x3  }
0x19c: {  	[tilespmem:s26+$0x230] =	vst v11  }
0x19d: {  	v11 =	vld.idx.msk [tilespmem:v58+s10+$0x0], $0xffff;
	_ =	sdelay $0x3  }
0x19e: {  	p0 =	sge.s32 s29, s14  }
0x19f: {  	(v2sf) =	vpush @!p0 v11, $0x0;
	_ =	sdelay $0x2  }
0x1a0: {  	s14 =	smulhi.u32 @!p0 $0x2AAAAAAB, s0;
	s29 =	sshra.s32 @!p0 s0, $0x1F  }
0x1a1: {  	s29 =	smul.u32 @!p0 $0x2AAAAAAB, s29  }
0x1a2: {  	(v2sf) =	vpush v9, $0x5  }
0x1a3: {  	s14 =	sadd.s32 @!p0 s29, s14  }
0x1a4: {  	s31 =	sshrl.u32 @!p0 s14, $0x1F;
	s2 =	sadd.s32 $0xFFFFFFFF, s30  }
0x1a5: {  	s14 =	sshrl.u32 @!p0 s14, $0x1;
	s30 =	smulhi.u32 $0x2AAAAAAB, s2;
	s29 =	sshra.s32 s2, $0x1F  }
0x1a6: {  	s14 =	sadd.s32 @!p0 s31, s14;
	s29 =	smul.u32 $0x2AAAAAAB, s29  }
0x1a7: {  	s14 =	smul.u32 @!p0 $0xC, s14  }
0x1a8: {  	s29 =	sadd.s32 s29, s30  }
0x1a9: {  	s0 =	ssub.s32 @!p0 s0, s14;
	s31 =	sshrl.u32 s29, $0x1F;
	s29 =	sshrl.u32 s29, $0x1  }
0x1aa: {  	p1 =	slt.s32 @!p0 s0, $0x0;
	s14 =	sadd.s32 s31, s29  }
0x1ab: {  	p1 =	por !p1, p0;
	s29 =	sadd.s32 @!p0 $0xC, s0;
	s14 =	smul.u32 $0xC, s14  }
0x1ac: {  	s31 =	simm.s32 @!p0 $0x7A1400;
	s29 =	smov.u32 @p1 s0;
	s30 =	spop @!p0 (v2sf)  }
0x1ad: {  	s0 =	sshll.u32 @!p0 s29, $0xF;
	s2 =	ssub.s32 s2, s14;
	s14 =	sshll.u32 @!p0 s30, $0x7  }
0x1ae: {  	s29 =	sadd.s32 @!p0 $0x1, s29;
	s0 =	sshra.s32 @!p0 s0, $0x2;
	s14 =	sand.u32 @!p0 $0x1FFFFF80, s14  }
0x1af: {  	s0 =	sor.u32 @!p0 $0xC80, s0;
	s30 =	simm.s32 @!p0 $0x400;
	s14 =	sadd.s32 @!p0 s1, s14  }
0x1b0: {  	[tilespmem:s0], [sflag:s29] =	stream.strided.gather @!p0 [hbm4b:s14+s30], $0x2000, s31, s30, $0x38;
	[tilespmem:$0x1CC80] =	vst v63  }
0x1b1: {  	p0 =	slt.s32 s2, $0x0;
	s0 =	sadd.s32 $0xC, s2;
	s30 =	spop (v2sf)  }
0x1b2: {  	s2 =	smov.u32 @p0 s0;
	p0 =	sne.s32 s30, $0x1  }
0x1b3: {  	s0 =	sadd.s32 @!p0 $0x1, s2  }
0x1b4: {  	_ =	swait.ge @!p0 [sflag:s0], $0x2000  }
0x1b5: {  	(v2sf) =	vpush v8, $0x5;
	_ =	sdelay $0xe  }
0x1b6: {  	s31 =	spop (v2sf)  }
0x1b7: {  	s14 =	sand.u32 $0x7F, s31  }
0x1b8: {  	v59 =	vor.u32 s14, v1;
	_ =	sdelay $0x1  }
0x1b9: {  	s2 =	sshll.u32 s2, $0xF  }
0x1ba: {  	s2 =	sshra.s32 s2, $0x2;
	[sflag:s0] =	ssyncset.done @!p0 $0x0  }
0x1bb: {  	s2 =	sor.u32 $0xC80, s2;
	[sflag:s0] =	ssyncadd.s32 @!p0 $0xFFFFE000;
	(v2sf) =	vpush v10, $0x6  }
0x1bc: {  	v11 =	vld.idx.msk [tilespmem:v59+s2+$0x0], $0xffff  }
0x1bd: {  	v60 =	vor.u32 s14, v5;
	_ =	sdelay $0x3  }
0x1be: {  	[tilespmem:s26+$0x280] =	vst v11  }
0x1bf: {  	v11 =	vld.idx.msk [tilespmem:v60+s2+$0x0], $0xffff  }
0x1c0: {  	v61 =	vor.u32 s14, v6;
	_ =	sdelay $0x3  }
0x1c1: {  	[tilespmem:s26+$0x290] =	vst v11  }
0x1c2: {  	v11 =	vld.idx.msk [tilespmem:v61+s2+$0x0], $0xffff  }
0x1c3: {  	v62 =	vor.u32 s14, v7  }
0x1c4: {  	s30 =	spop (v2sf)  }
0x1c5: {  	s29 =	sadd.s32 $0xB, s30  }
0x1c6: {  	s14 =	smov.u32 s17;
	p0 =	slt.s32 s29, s17  }
0x1c7: {  	s14 =	smov.u32 @p0 s29;
	[tilespmem:s26+$0x2A0] =	vst v11  }
0x1c8: {  	s0 =	sadd.s32 $0xFFFFFFFF, s14;
	v11 =	vld.idx.msk [tilespmem:v62+s2+$0x0], $0xffff  }
0x1c9: {  	v63 =	vmov s0;
	_ =	sdelay $0x3  }
0x1ca: {  	[tilespmem:s26+$0x2B0] =	vst v11  }
0x1cb: {  	v11 =	vld.idx.msk [tilespmem:v63+s10+$0x0], $0xffff;
	_ =	sdelay $0x3  }
0x1cc: {  	p0 =	sge.s32 s28, s14  }
0x1cd: {  	(v2sf) =	vpush @!p0 v11, $0x0;
	_ =	sdelay $0x2  }
0x1ce: {  	s14 =	smulhi.u32 @!p0 $0x2AAAAAAB, s0;
	s28 =	sshra.s32 @!p0 s0, $0x1F  }
0x1cf: {  	s28 =	smul.u32 @!p0 $0x2AAAAAAB, s28  }
0x1d0: {  	(v2sf) =	vpush v9, $0x6  }
0x1d1: {  	s14 =	sadd.s32 @!p0 s28, s14  }
0x1d2: {  	s31 =	sshrl.u32 @!p0 s14, $0x1F;
	s2 =	sadd.s32 $0xFFFFFFFF, s30  }
0x1d3: {  	s14 =	sshrl.u32 @!p0 s14, $0x1;
	s30 =	smulhi.u32 $0x2AAAAAAB, s2;
	s28 =	sshra.s32 s2, $0x1F  }
0x1d4: {  	s14 =	sadd.s32 @!p0 s31, s14;
	s28 =	smul.u32 $0x2AAAAAAB, s28  }
0x1d5: {  	s14 =	smul.u32 @!p0 $0xC, s14  }
0x1d6: {  	s28 =	sadd.s32 s28, s30  }
0x1d7: {  	s0 =	ssub.s32 @!p0 s0, s14;
	s31 =	sshrl.u32 s28, $0x1F;
	s28 =	sshrl.u32 s28, $0x1  }
0x1d8: {  	p1 =	slt.s32 @!p0 s0, $0x0;
	s14 =	sadd.s32 s31, s28  }
0x1d9: {  	p1 =	por !p1, p0;
	s28 =	sadd.s32 @!p0 $0xC, s0;
	s14 =	smul.u32 $0xC, s14  }
0x1da: {  	s31 =	simm.s32 @!p0 $0x7A1400;
	s28 =	smov.u32 @p1 s0;
	s30 =	spop @!p0 (v2sf)  }
0x1db: {  	s0 =	sshll.u32 @!p0 s28, $0xF;
	s2 =	ssub.s32 s2, s14;
	s14 =	sshll.u32 @!p0 s30, $0x7  }
0x1dc: {  	s28 =	sadd.s32 @!p0 $0x1, s28;
	s0 =	sshra.s32 @!p0 s0, $0x2;
	s14 =	sand.u32 @!p0 $0x1FFFFF80, s14  }
0x1dd: {  	s0 =	sor.u32 @!p0 $0xC80, s0;
	s30 =	simm.s32 @!p0 $0x400;
	s14 =	sadd.s32 @!p0 s1, s14  }
0x1de: {  	[tilespmem:s0], [sflag:s28] =	stream.strided.gather @!p0 [hbm4b:s14+s30], $0x2000, s31, s30, $0x38;
	[tilespmem:$0x1CC80] =	vst v63  }
0x1df: {  	p0 =	slt.s32 s2, $0x0;
	s0 =	sadd.s32 $0xC, s2;
	s30 =	spop (v2sf)  }
0x1e0: {  	s2 =	smov.u32 @p0 s0;
	p0 =	sne.s32 s30, $0x1  }
0x1e1: {  	s0 =	sadd.s32 @!p0 $0x1, s2  }
0x1e2: {  	_ =	swait.ge @!p0 [sflag:s0], $0x2000  }
0x1e3: {  	(v2sf) =	vpush v8, $0x6;
	_ =	sdelay $0xe  }
0x1e4: {  	s31 =	spop (v2sf)  }
0x1e5: {  	s14 =	sand.u32 $0x7F, s31  }
0x1e6: {  	v15 =	vor.u32 s14, v1;
	_ =	sdelay $0x1  }
0x1e7: {  	s2 =	sshll.u32 s2, $0xF  }
0x1e8: {  	s2 =	sshra.s32 s2, $0x2;
	[sflag:s0] =	ssyncset.done @!p0 $0x0  }
0x1e9: {  	s2 =	sor.u32 $0xC80, s2;
	[sflag:s0] =	ssyncadd.s32 @!p0 $0xFFFFE000;
	(v2sf) =	vpush v10, $0x7  }
0x1ea: {  	v11 =	vld.idx.msk [tilespmem:v15+s2+$0x0], $0xffff  }
0x1eb: {  	v16 =	vor.u32 s14, v5;
	_ =	sdelay $0x3  }
0x1ec: {  	[tilespmem:s26+$0x300] =	vst v11  }
0x1ed: {  	v11 =	vld.idx.msk [tilespmem:v16+s2+$0x0], $0xffff  }
0x1ee: {  	v17 =	vor.u32 s14, v6;
	_ =	sdelay $0x3  }
0x1ef: {  	[tilespmem:s26+$0x310] =	vst v11  }
0x1f0: {  	v11 =	vld.idx.msk [tilespmem:v17+s2+$0x0], $0xffff  }
0x1f1: {  	v18 =	vor.u32 s14, v7  }
0x1f2: {  	s30 =	spop (v2sf)  }
0x1f3: {  	s28 =	sadd.s32 $0xB, s30  }
0x1f4: {  	s14 =	smov.u32 s17;
	p0 =	slt.s32 s28, s17  }
0x1f5: {  	s14 =	smov.u32 @p0 s28;
	[tilespmem:s26+$0x320] =	vst v11  }
0x1f6: {  	s0 =	sadd.s32 $0xFFFFFFFF, s14;
	v11 =	vld.idx.msk [tilespmem:v18+s2+$0x0], $0xffff  }
0x1f7: {  	v19 =	vmov s0;
	_ =	sdelay $0x3  }
0x1f8: {  	[tilespmem:s26+$0x330] =	vst v11  }
0x1f9: {  	v11 =	vld.idx.msk [tilespmem:v19+s10+$0x0], $0xffff;
	_ =	sdelay $0x3  }
0x1fa: {  	p0 =	sge.s32 s29, s14  }
0x1fb: {  	(v2sf) =	vpush @!p0 v11, $0x0;
	_ =	sdelay $0x2  }
0x1fc: {  	s14 =	smulhi.u32 @!p0 $0x2AAAAAAB, s0;
	s29 =	sshra.s32 @!p0 s0, $0x1F  }
0x1fd: {  	s29 =	smul.u32 @!p0 $0x2AAAAAAB, s29  }
0x1fe: {  	(v2sf) =	vpush v9, $0x7  }
0x1ff: {  	s14 =	sadd.s32 @!p0 s29, s14  }
0x200: {  	s31 =	sshrl.u32 @!p0 s14, $0x1F;
	s2 =	sadd.s32 $0xFFFFFFFF, s30  }
0x201: {  	s14 =	sshrl.u32 @!p0 s14, $0x1;
	s30 =	smulhi.u32 $0x2AAAAAAB, s2;
	s29 =	sshra.s32 s2, $0x1F  }
0x202: {  	s14 =	sadd.s32 @!p0 s31, s14;
	s29 =	smul.u32 $0x2AAAAAAB, s29  }
0x203: {  	s14 =	smul.u32 @!p0 $0xC, s14  }
0x204: {  	s29 =	sadd.s32 s29, s30  }
0x205: {  	s0 =	ssub.s32 @!p0 s0, s14;
	s31 =	sshrl.u32 s29, $0x1F;
	s29 =	sshrl.u32 s29, $0x1  }
0x206: {  	p1 =	slt.s32 @!p0 s0, $0x0;
	s14 =	sadd.s32 s31, s29  }
0x207: {  	p1 =	por !p1, p0;
	s29 =	sadd.s32 @!p0 $0xC, s0;
	s14 =	smul.u32 $0xC, s14  }
0x208: {  	s31 =	simm.s32 @!p0 $0x7A1400;
	s29 =	smov.u32 @p1 s0;
	s30 =	spop @!p0 (v2sf)  }
0x209: {  	s0 =	sshll.u32 @!p0 s29, $0xF;
	s2 =	ssub.s32 s2, s14;
	s14 =	sshll.u32 @!p0 s30, $0x7  }
0x20a: {  	s29 =	sadd.s32 @!p0 $0x1, s29;
	s0 =	sshra.s32 @!p0 s0, $0x2;
	s14 =	sand.u32 @!p0 $0x1FFFFF80, s14  }
0x20b: {  	s0 =	sor.u32 @!p0 $0xC80, s0;
	s30 =	simm.s32 @!p0 $0x400;
	s14 =	sadd.s32 @!p0 s1, s14  }
0x20c: {  	[tilespmem:s0], [sflag:s29] =	stream.strided.gather @!p0 [hbm4b:s14+s30], $0x2000, s31, s30, $0x38;
	[tilespmem:$0x1CC80] =	vst v63  }
0x20d: {  	p0 =	slt.s32 s2, $0x0;
	s0 =	sadd.s32 $0xC, s2;
	s30 =	spop (v2sf)  }
0x20e: {  	s2 =	smov.u32 @p0 s0;
	p0 =	sne.s32 s30, $0x1  }
0x20f: {  	s0 =	sadd.s32 @!p0 $0x1, s2  }
0x210: {  	_ =	swait.ge @!p0 [sflag:s0], $0x2000  }
0x211: {  	(v2sf) =	vpush v8, $0x7;
	_ =	sdelay $0xe  }
0x212: {  	s31 =	spop (v2sf)  }
0x213: {  	s14 =	sand.u32 $0x7F, s31  }
0x214: {  	v20 =	vor.u32 s14, v1;
	_ =	sdelay $0x1  }
0x215: {  	s2 =	sshll.u32 s2, $0xF  }
0x216: {  	s2 =	sshra.s32 s2, $0x2;
	[sflag:s0] =	ssyncset.done @!p0 $0x0  }
0x217: {  	s2 =	sor.u32 $0xC80, s2;
	[sflag:s0] =	ssyncadd.s32 @!p0 $0xFFFFE000;
	(v2sf) =	vpush v10, $0x8  }
0x218: {  	v11 =	vld.idx.msk [tilespmem:v20+s2+$0x0], $0xffff  }
0x219: {  	v21 =	vor.u32 s14, v5;
	_ =	sdelay $0x3  }
0x21a: {  	[tilespmem:s26+$0x380] =	vst v11  }
0x21b: {  	v11 =	vld.idx.msk [tilespmem:v21+s2+$0x0], $0xffff  }
0x21c: {  	v22 =	vor.u32 s14, v6;
	_ =	sdelay $0x3  }
0x21d: {  	[tilespmem:s26+$0x390] =	vst v11  }
0x21e: {  	v11 =	vld.idx.msk [tilespmem:v22+s2+$0x0], $0xffff  }
0x21f: {  	v23 =	vor.u32 s14, v7  }
0x220: {  	s30 =	spop (v2sf)  }
0x221: {  	s29 =	sadd.s32 $0xB, s30  }
0x222: {  	s14 =	smov.u32 s17;
	p0 =	slt.s32 s29, s17  }
0x223: {  	s14 =	smov.u32 @p0 s29;
	[tilespmem:s26+$0x3A0] =	vst v11  }
0x224: {  	s0 =	sadd.s32 $0xFFFFFFFF, s14;
	v11 =	vld.idx.msk [tilespmem:v23+s2+$0x0], $0xffff  }
0x225: {  	v24 =	vmov s0;
	_ =	sdelay $0x3  }
0x226: {  	[tilespmem:s26+$0x3B0] =	vst v11  }
0x227: {  	v11 =	vld.idx.msk [tilespmem:v24+s10+$0x0], $0xffff;
	_ =	sdelay $0x3  }
0x228: {  	p0 =	sge.s32 s28, s14  }
0x229: {  	(v2sf) =	vpush @!p0 v11, $0x0;
	_ =	sdelay $0x2  }
0x22a: {  	s14 =	smulhi.u32 @!p0 $0x2AAAAAAB, s0;
	s28 =	sshra.s32 @!p0 s0, $0x1F  }
0x22b: {  	s28 =	smul.u32 @!p0 $0x2AAAAAAB, s28  }
0x22c: {  	(v2sf) =	vpush v9, $0x8  }
0x22d: {  	s14 =	sadd.s32 @!p0 s28, s14  }
0x22e: {  	s31 =	sshrl.u32 @!p0 s14, $0x1F;
	s2 =	sadd.s32 $0xFFFFFFFF, s30  }
0x22f: {  	s14 =	sshrl.u32 @!p0 s14, $0x1;
	s30 =	smulhi.u32 $0x2AAAAAAB, s2;
	s28 =	sshra.s32 s2, $0x1F  }
0x230: {  	s14 =	sadd.s32 @!p0 s31, s14;
	s28 =	smul.u32 $0x2AAAAAAB, s28  }
0x231: {  	s14 =	smul.u32 @!p0 $0xC, s14  }
0x232: {  	s28 =	sadd.s32 s28, s30  }
0x233: {  	s0 =	ssub.s32 @!p0 s0, s14;
	s31 =	sshrl.u32 s28, $0x1F;
	s28 =	sshrl.u32 s28, $0x1  }
0x234: {  	p1 =	slt.s32 @!p0 s0, $0x0;
	s14 =	sadd.s32 s31, s28  }
0x235: {  	p1 =	por !p1, p0;
	s28 =	sadd.s32 @!p0 $0xC, s0;
	s14 =	smul.u32 $0xC, s14  }
0x236: {  	s31 =	simm.s32 @!p0 $0x7A1400;
	s28 =	smov.u32 @p1 s0;
	s30 =	spop @!p0 (v2sf)  }
0x237: {  	s0 =	sshll.u32 @!p0 s28, $0xF;
	s2 =	ssub.s32 s2, s14;
	s14 =	sshll.u32 @!p0 s30, $0x7  }
0x238: {  	s28 =	sadd.s32 @!p0 $0x1, s28;
	s0 =	sshra.s32 @!p0 s0, $0x2;
	s14 =	sand.u32 @!p0 $0x1FFFFF80, s14  }
0x239: {  	s0 =	sor.u32 @!p0 $0xC80, s0;
	s30 =	simm.s32 @!p0 $0x400;
	s14 =	sadd.s32 @!p0 s1, s14  }
0x23a: {  	[tilespmem:s0], [sflag:s28] =	stream.strided.gather @!p0 [hbm4b:s14+s30], $0x2000, s31, s30, $0x38;
	[tilespmem:$0x1CC80] =	vst v63  }
0x23b: {  	p0 =	slt.s32 s2, $0x0;
	s0 =	sadd.s32 $0xC, s2;
	s30 =	spop (v2sf)  }
0x23c: {  	s2 =	smov.u32 @p0 s0;
	p0 =	sne.s32 s30, $0x1  }
0x23d: {  	s0 =	sadd.s32 @!p0 $0x1, s2  }
0x23e: {  	_ =	swait.ge @!p0 [sflag:s0], $0x2000  }
0x23f: {  	(v2sf) =	vpush v8, $0x8;
	_ =	sdelay $0xe  }
0x240: {  	s31 =	spop (v2sf)  }
0x241: {  	s14 =	sand.u32 $0x7F, s31  }
0x242: {  	v25 =	vor.u32 s14, v1;
	_ =	sdelay $0x1  }
0x243: {  	s2 =	sshll.u32 s2, $0xF  }
0x244: {  	s2 =	sshra.s32 s2, $0x2;
	[sflag:s0] =	ssyncset.done @!p0 $0x0  }
0x245: {  	s2 =	sor.u32 $0xC80, s2;
	[sflag:s0] =	ssyncadd.s32 @!p0 $0xFFFFE000;
	(v2sf) =	vpush v10, $0x9  }
0x246: {  	v11 =	vld.idx.msk [tilespmem:v25+s2+$0x0], $0xffff  }
0x247: {  	v26 =	vor.u32 s14, v5;
	_ =	sdelay $0x3  }
0x248: {  	[tilespmem:s26+$0x400] =	vst v11  }
0x249: {  	v11 =	vld.idx.msk [tilespmem:v26+s2+$0x0], $0xffff  }
0x24a: {  	v27 =	vor.u32 s14, v6;
	_ =	sdelay $0x3  }
0x24b: {  	[tilespmem:s26+$0x410] =	vst v11  }
0x24c: {  	v11 =	vld.idx.msk [tilespmem:v27+s2+$0x0], $0xffff  }
0x24d: {  	v28 =	vor.u32 s14, v7  }
0x24e: {  	s30 =	spop (v2sf)  }
0x24f: {  	s28 =	sadd.s32 $0xB, s30  }
0x250: {  	s14 =	smov.u32 s17;
	p0 =	slt.s32 s28, s17  }
0x251: {  	s14 =	smov.u32 @p0 s28;
	[tilespmem:s26+$0x420] =	vst v11  }
0x252: {  	s0 =	sadd.s32 $0xFFFFFFFF, s14;
	v11 =	vld.idx.msk [tilespmem:v28+s2+$0x0], $0xffff  }
0x253: {  	v29 =	vmov s0;
	_ =	sdelay $0x3  }
0x254: {  	[tilespmem:s26+$0x430] =	vst v11  }
0x255: {  	v11 =	vld.idx.msk [tilespmem:v29+s10+$0x0], $0xffff;
	_ =	sdelay $0x3  }
0x256: {  	p0 =	sge.s32 s29, s14  }
0x257: {  	(v2sf) =	vpush @!p0 v11, $0x0;
	_ =	sdelay $0x2  }
0x258: {  	s14 =	smulhi.u32 @!p0 $0x2AAAAAAB, s0;
	s29 =	sshra.s32 @!p0 s0, $0x1F  }
0x259: {  	s29 =	smul.u32 @!p0 $0x2AAAAAAB, s29  }
0x25a: {  	(v2sf) =	vpush v9, $0x9  }
0x25b: {  	s14 =	sadd.s32 @!p0 s29, s14  }
0x25c: {  	s31 =	sshrl.u32 @!p0 s14, $0x1F;
	s2 =	sadd.s32 $0xFFFFFFFF, s30  }
0x25d: {  	s14 =	sshrl.u32 @!p0 s14, $0x1;
	s30 =	smulhi.u32 $0x2AAAAAAB, s2;
	s29 =	sshra.s32 s2, $0x1F  }
0x25e: {  	s14 =	sadd.s32 @!p0 s31, s14;
	s29 =	smul.u32 $0x2AAAAAAB, s29  }
0x25f: {  	s14 =	smul.u32 @!p0 $0xC, s14  }
0x260: {  	s29 =	sadd.s32 s29, s30  }
0x261: {  	s0 =	ssub.s32 @!p0 s0, s14;
	s31 =	sshrl.u32 s29, $0x1F;
	s29 =	sshrl.u32 s29, $0x1  }
0x262: {  	p1 =	slt.s32 @!p0 s0, $0x0;
	s14 =	sadd.s32 s31, s29  }
0x263: {  	p1 =	por !p1, p0;
	s29 =	sadd.s32 @!p0 $0xC, s0;
	s14 =	smul.u32 $0xC, s14  }
0x264: {  	s31 =	simm.s32 @!p0 $0x7A1400;
	s29 =	smov.u32 @p1 s0;
	s30 =	spop @!p0 (v2sf)  }
0x265: {  	s0 =	sshll.u32 @!p0 s29, $0xF;
	s2 =	ssub.s32 s2, s14;
	s14 =	sshll.u32 @!p0 s30, $0x7  }
0x266: {  	s29 =	sadd.s32 @!p0 $0x1, s29;
	s0 =	sshra.s32 @!p0 s0, $0x2;
	s14 =	sand.u32 @!p0 $0x1FFFFF80, s14  }
0x267: {  	s0 =	sor.u32 @!p0 $0xC80, s0;
	s30 =	simm.s32 @!p0 $0x400;
	s14 =	sadd.s32 @!p0 s1, s14  }
0x268: {  	[tilespmem:s0], [sflag:s29] =	stream.strided.gather @!p0 [hbm4b:s14+s30], $0x2000, s31, s30, $0x38;
	[tilespmem:$0x1CC80] =	vst v63  }
0x269: {  	p0 =	slt.s32 s2, $0x0;
	s0 =	sadd.s32 $0xC, s2;
	s30 =	spop (v2sf)  }
0x26a: {  	s2 =	smov.u32 @p0 s0;
	p0 =	sne.s32 s30, $0x1  }
0x26b: {  	s0 =	sadd.s32 @!p0 $0x1, s2  }
0x26c: {  	_ =	swait.ge @!p0 [sflag:s0], $0x2000  }
0x26d: {  	(v2sf) =	vpush v8, $0x9;
	_ =	sdelay $0xe  }
0x26e: {  	s31 =	spop (v2sf)  }
0x26f: {  	s14 =	sand.u32 $0x7F, s31  }
0x270: {  	v30 =	vor.u32 s14, v1;
	_ =	sdelay $0x1  }
0x271: {  	s2 =	sshll.u32 s2, $0xF  }
0x272: {  	s2 =	sshra.s32 s2, $0x2;
	[sflag:s0] =	ssyncset.done @!p0 $0x0  }
0x273: {  	s2 =	sor.u32 $0xC80, s2;
	[sflag:s0] =	ssyncadd.s32 @!p0 $0xFFFFE000;
	(v2sf) =	vpush v10, $0xA  }
0x274: {  	v11 =	vld.idx.msk [tilespmem:v30+s2+$0x0], $0xffff  }
0x275: {  	v31 =	vor.u32 s14, v5;
	_ =	sdelay $0x3  }
0x276: {  	[tilespmem:s26+$0x480] =	vst v11  }
0x277: {  	v11 =	vld.idx.msk [tilespmem:v31+s2+$0x0], $0xffff  }
0x278: {  	v32 =	vor.u32 s14, v6;
	_ =	sdelay $0x3  }
0x279: {  	[tilespmem:s26+$0x490] =	vst v11  }
0x27a: {  	v11 =	vld.idx.msk [tilespmem:v32+s2+$0x0], $0xffff  }
0x27b: {  	v33 =	vor.u32 s14, v7  }
0x27c: {  	s30 =	spop (v2sf)  }
0x27d: {  	s29 =	sadd.s32 $0xB, s30  }
0x27e: {  	s14 =	smov.u32 s17;
	p0 =	slt.s32 s29, s17  }
0x27f: {  	s14 =	smov.u32 @p0 s29;
	[tilespmem:s26+$0x4A0] =	vst v11  }
0x280: {  	s0 =	sadd.s32 $0xFFFFFFFF, s14;
	v11 =	vld.idx.msk [tilespmem:v33+s2+$0x0], $0xffff  }
0x281: {  	v34 =	vmov s0;
	_ =	sdelay $0x3  }
0x282: {  	[tilespmem:s26+$0x4B0] =	vst v11  }
0x283: {  	v11 =	vld.idx.msk [tilespmem:v34+s10+$0x0], $0xffff;
	_ =	sdelay $0x3  }
0x284: {  	p0 =	sge.s32 s28, s14  }
0x285: {  	(v2sf) =	vpush @!p0 v11, $0x0;
	_ =	sdelay $0x2  }
0x286: {  	s14 =	smulhi.u32 @!p0 $0x2AAAAAAB, s0;
	s28 =	sshra.s32 @!p0 s0, $0x1F  }
0x287: {  	s28 =	smul.u32 @!p0 $0x2AAAAAAB, s28  }
0x288: {  	(v2sf) =	vpush v9, $0xA  }
0x289: {  	s14 =	sadd.s32 @!p0 s28, s14  }
0x28a: {  	s31 =	sshrl.u32 @!p0 s14, $0x1F;
	s2 =	sadd.s32 $0xFFFFFFFF, s30  }
0x28b: {  	s14 =	sshrl.u32 @!p0 s14, $0x1;
	s30 =	smulhi.u32 $0x2AAAAAAB, s2;
	s28 =	sshra.s32 s2, $0x1F  }
0x28c: {  	s14 =	sadd.s32 @!p0 s31, s14;
	s28 =	smul.u32 $0x2AAAAAAB, s28  }
0x28d: {  	s14 =	smul.u32 @!p0 $0xC, s14  }
0x28e: {  	s28 =	sadd.s32 s28, s30  }
0x28f: {  	s0 =	ssub.s32 @!p0 s0, s14;
	s31 =	sshrl.u32 s28, $0x1F;
	s28 =	sshrl.u32 s28, $0x1  }
0x290: {  	p1 =	slt.s32 @!p0 s0, $0x0;
	s14 =	sadd.s32 s31, s28  }
0x291: {  	p1 =	por !p1, p0;
	s28 =	sadd.s32 @!p0 $0xC, s0;
	s14 =	smul.u32 $0xC, s14  }
0x292: {  	s31 =	simm.s32 @!p0 $0x7A1400;
	s28 =	smov.u32 @p1 s0;
	s30 =	spop @!p0 (v2sf)  }
0x293: {  	s0 =	sshll.u32 @!p0 s28, $0xF;
	s2 =	ssub.s32 s2, s14;
	s14 =	sshll.u32 @!p0 s30, $0x7  }
0x294: {  	s28 =	sadd.s32 @!p0 $0x1, s28;
	s0 =	sshra.s32 @!p0 s0, $0x2;
	s14 =	sand.u32 @!p0 $0x1FFFFF80, s14  }
0x295: {  	s0 =	sor.u32 @!p0 $0xC80, s0;
	s30 =	simm.s32 @!p0 $0x400;
	s14 =	sadd.s32 @!p0 s1, s14  }
0x296: {  	[tilespmem:s0], [sflag:s28] =	stream.strided.gather @!p0 [hbm4b:s14+s30], $0x2000, s31, s30, $0x38;
	[tilespmem:$0x1CC80] =	vst v63  }
0x297: {  	p0 =	slt.s32 s2, $0x0;
	s0 =	sadd.s32 $0xC, s2;
	s30 =	spop (v2sf)  }
0x298: {  	s2 =	smov.u32 @p0 s0;
	p0 =	sne.s32 s30, $0x1  }
0x299: {  	s0 =	sadd.s32 @!p0 $0x1, s2  }
0x29a: {  	_ =	swait.ge @!p0 [sflag:s0], $0x2000  }
0x29b: {  	(v2sf) =	vpush v8, $0xA;
	_ =	sdelay $0xe  }
0x29c: {  	s31 =	spop (v2sf)  }
0x29d: {  	s14 =	sand.u32 $0x7F, s31  }
0x29e: {  	v35 =	vor.u32 s14, v1;
	_ =	sdelay $0x1  }
0x29f: {  	s2 =	sshll.u32 s2, $0xF  }
0x2a0: {  	s2 =	sshra.s32 s2, $0x2;
	[sflag:s0] =	ssyncset.done @!p0 $0x0  }
0x2a1: {  	s2 =	sor.u32 $0xC80, s2;
	[sflag:s0] =	ssyncadd.s32 @!p0 $0xFFFFE000;
	(v2sf) =	vpush v10, $0xB  }
0x2a2: {  	v11 =	vld.idx.msk [tilespmem:v35+s2+$0x0], $0xffff  }
0x2a3: {  	v36 =	vor.u32 s14, v5;
	_ =	sdelay $0x3  }
0x2a4: {  	[tilespmem:s26+$0x500] =	vst v11  }
0x2a5: {  	v11 =	vld.idx.msk [tilespmem:v36+s2+$0x0], $0xffff  }
0x2a6: {  	v37 =	vor.u32 s14, v6;
	_ =	sdelay $0x3  }
0x2a7: {  	[tilespmem:s26+$0x510] =	vst v11  }
0x2a8: {  	v11 =	vld.idx.msk [tilespmem:v37+s2+$0x0], $0xffff  }
0x2a9: {  	v38 =	vor.u32 s14, v7  }
0x2aa: {  	s30 =	spop (v2sf)  }
0x2ab: {  	s28 =	sadd.s32 $0xB, s30  }
0x2ac: {  	s14 =	smov.u32 s17;
	p0 =	slt.s32 s28, s17  }
0x2ad: {  	s14 =	smov.u32 @p0 s28;
	[tilespmem:s26+$0x520] =	vst v11  }
0x2ae: {  	s0 =	sadd.s32 $0xFFFFFFFF, s14;
	v11 =	vld.idx.msk [tilespmem:v38+s2+$0x0], $0xffff  }
0x2af: {  	v39 =	vmov s0;
	_ =	sdelay $0x3  }
0x2b0: {  	[tilespmem:s26+$0x530] =	vst v11  }
0x2b1: {  	v11 =	vld.idx.msk [tilespmem:v39+s10+$0x0], $0xffff;
	_ =	sdelay $0x3  }
0x2b2: {  	p0 =	sge.s32 s29, s14  }
0x2b3: {  	(v2sf) =	vpush @!p0 v11, $0x0;
	_ =	sdelay $0x2  }
0x2b4: {  	s14 =	smulhi.u32 @!p0 $0x2AAAAAAB, s0;
	s29 =	sshra.s32 @!p0 s0, $0x1F  }
0x2b5: {  	s29 =	smul.u32 @!p0 $0x2AAAAAAB, s29  }
0x2b6: {  	(v2sf) =	vpush v9, $0xB  }
0x2b7: {  	s14 =	sadd.s32 @!p0 s29, s14  }
0x2b8: {  	s31 =	sshrl.u32 @!p0 s14, $0x1F;
	s2 =	sadd.s32 $0xFFFFFFFF, s30  }
0x2b9: {  	s14 =	sshrl.u32 @!p0 s14, $0x1;
	s30 =	smulhi.u32 $0x2AAAAAAB, s2;
	s29 =	sshra.s32 s2, $0x1F  }
0x2ba: {  	s14 =	sadd.s32 @!p0 s31, s14;
	s29 =	smul.u32 $0x2AAAAAAB, s29  }
0x2bb: {  	s14 =	smul.u32 @!p0 $0xC, s14  }
0x2bc: {  	s29 =	sadd.s32 s29, s30  }
0x2bd: {  	s0 =	ssub.s32 @!p0 s0, s14;
	s31 =	sshrl.u32 s29, $0x1F;
	s29 =	sshrl.u32 s29, $0x1  }
0x2be: {  	p1 =	slt.s32 @!p0 s0, $0x0;
	s14 =	sadd.s32 s31, s29  }
0x2bf: {  	p1 =	por !p1, p0;
	s29 =	sadd.s32 @!p0 $0xC, s0;
	s14 =	smul.u32 $0xC, s14  }
0x2c0: {  	s31 =	simm.s32 @!p0 $0x7A1400;
	s29 =	smov.u32 @p1 s0;
	s30 =	spop @!p0 (v2sf)  }
0x2c1: {  	s0 =	sshll.u32 @!p0 s29, $0xF;
	s2 =	ssub.s32 s2, s14;
	s14 =	sshll.u32 @!p0 s30, $0x7  }
0x2c2: {  	s29 =	sadd.s32 @!p0 $0x1, s29;
	s0 =	sshra.s32 @!p0 s0, $0x2;
	s14 =	sand.u32 @!p0 $0x1FFFFF80, s14  }
0x2c3: {  	s0 =	sor.u32 @!p0 $0xC80, s0;
	s30 =	simm.s32 @!p0 $0x400;
	s14 =	sadd.s32 @!p0 s1, s14  }
0x2c4: {  	[tilespmem:s0], [sflag:s29] =	stream.strided.gather @!p0 [hbm4b:s14+s30], $0x2000, s31, s30, $0x38;
	[tilespmem:$0x1CC80] =	vst v63  }
0x2c5: {  	p0 =	slt.s32 s2, $0x0;
	s0 =	sadd.s32 $0xC, s2;
	s30 =	spop (v2sf)  }
0x2c6: {  	s2 =	smov.u32 @p0 s0;
	p0 =	sne.s32 s30, $0x1  }
0x2c7: {  	s0 =	sadd.s32 @!p0 $0x1, s2  }
0x2c8: {  	_ =	swait.ge @!p0 [sflag:s0], $0x2000  }
0x2c9: {  	(v2sf) =	vpush v8, $0xB;
	_ =	sdelay $0xe  }
0x2ca: {  	s31 =	spop (v2sf)  }
0x2cb: {  	s14 =	sand.u32 $0x7F, s31  }
0x2cc: {  	v40 =	vor.u32 s14, v1;
	_ =	sdelay $0x1  }
0x2cd: {  	s2 =	sshll.u32 s2, $0xF  }
0x2ce: {  	s2 =	sshra.s32 s2, $0x2;
	[sflag:s0] =	ssyncset.done @!p0 $0x0  }
0x2cf: {  	s2 =	sor.u32 $0xC80, s2;
	[sflag:s0] =	ssyncadd.s32 @!p0 $0xFFFFE000;
	(v2sf) =	vpush v10, $0xC  }
0x2d0: {  	v11 =	vld.idx.msk [tilespmem:v40+s2+$0x0], $0xffff  }
0x2d1: {  	v41 =	vor.u32 s14, v5;
	_ =	sdelay $0x3  }
0x2d2: {  	[tilespmem:s26+$0x580] =	vst v11  }
0x2d3: {  	v11 =	vld.idx.msk [tilespmem:v41+s2+$0x0], $0xffff  }
0x2d4: {  	v42 =	vor.u32 s14, v6;
	_ =	sdelay $0x3  }
0x2d5: {  	[tilespmem:s26+$0x590] =	vst v11  }
0x2d6: {  	v11 =	vld.idx.msk [tilespmem:v42+s2+$0x0], $0xffff  }
0x2d7: {  	v43 =	vor.u32 s14, v7  }
0x2d8: {  	s30 =	spop (v2sf)  }
0x2d9: {  	s29 =	sadd.s32 $0xB, s30  }
0x2da: {  	s14 =	smov.u32 s17;
	p0 =	slt.s32 s29, s17  }
0x2db: {  	s14 =	smov.u32 @p0 s29;
	[tilespmem:s26+$0x5A0] =	vst v11  }
0x2dc: {  	s0 =	sadd.s32 $0xFFFFFFFF, s14;
	v11 =	vld.idx.msk [tilespmem:v43+s2+$0x0], $0xffff  }
0x2dd: {  	v44 =	vmov s0;
	_ =	sdelay $0x3  }
0x2de: {  	[tilespmem:s26+$0x5B0] =	vst v11  }
0x2df: {  	v11 =	vld.idx.msk [tilespmem:v44+s10+$0x0], $0xffff;
	_ =	sdelay $0x3  }
0x2e0: {  	p0 =	sge.s32 s28, s14  }
0x2e1: {  	(v2sf) =	vpush @!p0 v11, $0x0;
	_ =	sdelay $0x2  }
0x2e2: {  	s14 =	smulhi.u32 @!p0 $0x2AAAAAAB, s0;
	s28 =	sshra.s32 @!p0 s0, $0x1F  }
0x2e3: {  	s28 =	smul.u32 @!p0 $0x2AAAAAAB, s28  }
0x2e4: {  	(v2sf) =	vpush v9, $0xC  }
0x2e5: {  	s14 =	sadd.s32 @!p0 s28, s14  }
0x2e6: {  	s31 =	sshrl.u32 @!p0 s14, $0x1F;
	s2 =	sadd.s32 $0xFFFFFFFF, s30  }
0x2e7: {  	s14 =	sshrl.u32 @!p0 s14, $0x1;
	s30 =	smulhi.u32 $0x2AAAAAAB, s2;
	s28 =	sshra.s32 s2, $0x1F  }
0x2e8: {  	s14 =	sadd.s32 @!p0 s31, s14;
	s28 =	smul.u32 $0x2AAAAAAB, s28  }
0x2e9: {  	s14 =	smul.u32 @!p0 $0xC, s14  }
0x2ea: {  	s28 =	sadd.s32 s28, s30  }
0x2eb: {  	s0 =	ssub.s32 @!p0 s0, s14;
	s31 =	sshrl.u32 s28, $0x1F;
	s28 =	sshrl.u32 s28, $0x1  }
0x2ec: {  	p1 =	slt.s32 @!p0 s0, $0x0;
	s14 =	sadd.s32 s31, s28  }
0x2ed: {  	p1 =	por !p1, p0;
	s28 =	sadd.s32 @!p0 $0xC, s0;
	s14 =	smul.u32 $0xC, s14  }
0x2ee: {  	s31 =	simm.s32 @!p0 $0x7A1400;
	s28 =	smov.u32 @p1 s0;
	s30 =	spop @!p0 (v2sf)  }
0x2ef: {  	s0 =	sshll.u32 @!p0 s28, $0xF;
	s2 =	ssub.s32 s2, s14;
	s14 =	sshll.u32 @!p0 s30, $0x7  }
0x2f0: {  	s28 =	sadd.s32 @!p0 $0x1, s28;
	s0 =	sshra.s32 @!p0 s0, $0x2;
	s14 =	sand.u32 @!p0 $0x1FFFFF80, s14  }
0x2f1: {  	s0 =	sor.u32 @!p0 $0xC80, s0;
	s30 =	simm.s32 @!p0 $0x400;
	s14 =	sadd.s32 @!p0 s1, s14  }
0x2f2: {  	[tilespmem:s0], [sflag:s28] =	stream.strided.gather @!p0 [hbm4b:s14+s30], $0x2000, s31, s30, $0x38;
	[tilespmem:$0x1CC80] =	vst v63  }
0x2f3: {  	p0 =	slt.s32 s2, $0x0;
	s0 =	sadd.s32 $0xC, s2;
	s30 =	spop (v2sf)  }
0x2f4: {  	s2 =	smov.u32 @p0 s0;
	p0 =	sne.s32 s30, $0x1  }
0x2f5: {  	s0 =	sadd.s32 @!p0 $0x1, s2  }
0x2f6: {  	_ =	swait.ge @!p0 [sflag:s0], $0x2000  }
0x2f7: {  	(v2sf) =	vpush v8, $0xC;
	_ =	sdelay $0xe  }
0x2f8: {  	s31 =	spop (v2sf)  }
0x2f9: {  	s14 =	sand.u32 $0x7F, s31  }
0x2fa: {  	v45 =	vor.u32 s14, v1;
	_ =	sdelay $0x1  }
0x2fb: {  	s2 =	sshll.u32 s2, $0xF  }
0x2fc: {  	s2 =	sshra.s32 s2, $0x2;
	[sflag:s0] =	ssyncset.done @!p0 $0x0  }
0x2fd: {  	s2 =	sor.u32 $0xC80, s2;
	[sflag:s0] =	ssyncadd.s32 @!p0 $0xFFFFE000;
	(v2sf) =	vpush v10, $0xD  }
0x2fe: {  	v11 =	vld.idx.msk [tilespmem:v45+s2+$0x0], $0xffff  }
0x2ff: {  	v46 =	vor.u32 s14, v5;
	_ =	sdelay $0x3  }
0x300: {  	[tilespmem:s26+$0x600] =	vst v11  }
0x301: {  	v11 =	vld.idx.msk [tilespmem:v46+s2+$0x0], $0xffff  }
0x302: {  	v47 =	vor.u32 s14, v6;
	_ =	sdelay $0x3  }
0x303: {  	[tilespmem:s26+$0x610] =	vst v11  }
0x304: {  	v11 =	vld.idx.msk [tilespmem:v47+s2+$0x0], $0xffff  }
0x305: {  	v48 =	vor.u32 s14, v7  }
0x306: {  	s30 =	spop (v2sf)  }
0x307: {  	s28 =	sadd.s32 $0xB, s30  }
0x308: {  	s14 =	smov.u32 s17;
	p0 =	slt.s32 s28, s17  }
0x309: {  	s14 =	smov.u32 @p0 s28;
	[tilespmem:s26+$0x620] =	vst v11  }
0x30a: {  	s0 =	sadd.s32 $0xFFFFFFFF, s14;
	v11 =	vld.idx.msk [tilespmem:v48+s2+$0x0], $0xffff  }
0x30b: {  	v49 =	vmov s0;
	_ =	sdelay $0x3  }
0x30c: {  	[tilespmem:s26+$0x630] =	vst v11  }
0x30d: {  	v11 =	vld.idx.msk [tilespmem:v49+s10+$0x0], $0xffff;
	_ =	sdelay $0x3  }
0x30e: {  	p0 =	sge.s32 s29, s14  }
0x30f: {  	(v2sf) =	vpush @!p0 v11, $0x0;
	_ =	sdelay $0x2  }
0x310: {  	s14 =	smulhi.u32 @!p0 $0x2AAAAAAB, s0;
	s29 =	sshra.s32 @!p0 s0, $0x1F  }
0x311: {  	s29 =	smul.u32 @!p0 $0x2AAAAAAB, s29  }
0x312: {  	(v2sf) =	vpush v9, $0xD  }
0x313: {  	s14 =	sadd.s32 @!p0 s29, s14  }
0x314: {  	s31 =	sshrl.u32 @!p0 s14, $0x1F;
	s2 =	sadd.s32 $0xFFFFFFFF, s30  }
0x315: {  	s14 =	sshrl.u32 @!p0 s14, $0x1;
	s30 =	smulhi.u32 $0x2AAAAAAB, s2;
	s29 =	sshra.s32 s2, $0x1F  }
0x316: {  	s14 =	sadd.s32 @!p0 s31, s14;
	s29 =	smul.u32 $0x2AAAAAAB, s29  }
0x317: {  	s14 =	smul.u32 @!p0 $0xC, s14  }
0x318: {  	s29 =	sadd.s32 s29, s30  }
0x319: {  	s0 =	ssub.s32 @!p0 s0, s14;
	s31 =	sshrl.u32 s29, $0x1F;
	s29 =	sshrl.u32 s29, $0x1  }
0x31a: {  	p1 =	slt.s32 @!p0 s0, $0x0;
	s14 =	sadd.s32 s31, s29  }
0x31b: {  	p1 =	por !p1, p0;
	s29 =	sadd.s32 @!p0 $0xC, s0;
	s14 =	smul.u32 $0xC, s14  }
0x31c: {  	s31 =	simm.s32 @!p0 $0x7A1400;
	s29 =	smov.u32 @p1 s0;
	s30 =	spop @!p0 (v2sf)  }
0x31d: {  	s0 =	sshll.u32 @!p0 s29, $0xF;
	s2 =	ssub.s32 s2, s14;
	s14 =	sshll.u32 @!p0 s30, $0x7  }
0x31e: {  	s29 =	sadd.s32 @!p0 $0x1, s29;
	s0 =	sshra.s32 @!p0 s0, $0x2;
	s14 =	sand.u32 @!p0 $0x1FFFFF80, s14  }
0x31f: {  	s0 =	sor.u32 @!p0 $0xC80, s0;
	s30 =	simm.s32 @!p0 $0x400;
	s14 =	sadd.s32 @!p0 s1, s14  }
0x320: {  	[tilespmem:s0], [sflag:s29] =	stream.strided.gather @!p0 [hbm4b:s14+s30], $0x2000, s31, s30, $0x38;
	[tilespmem:$0x1CC80] =	vst v63  }
0x321: {  	p0 =	slt.s32 s2, $0x0;
	s0 =	sadd.s32 $0xC, s2;
	s30 =	spop (v2sf)  }
0x322: {  	s2 =	smov.u32 @p0 s0;
	p0 =	sne.s32 s30, $0x1  }
0x323: {  	s0 =	sadd.s32 @!p0 $0x1, s2  }
0x324: {  	_ =	swait.ge @!p0 [sflag:s0], $0x2000  }
0x325: {  	(v2sf) =	vpush v8, $0xD;
	_ =	sdelay $0xe  }
0x326: {  	s31 =	spop (v2sf)  }
0x327: {  	s14 =	sand.u32 $0x7F, s31  }
0x328: {  	v50 =	vor.u32 s14, v1;
	_ =	sdelay $0x1  }
0x329: {  	s2 =	sshll.u32 s2, $0xF  }
0x32a: {  	s2 =	sshra.s32 s2, $0x2;
	[sflag:s0] =	ssyncset.done @!p0 $0x0  }
0x32b: {  	s2 =	sor.u32 $0xC80, s2;
	[sflag:s0] =	ssyncadd.s32 @!p0 $0xFFFFE000;
	(v2sf) =	vpush v10, $0xE  }
0x32c: {  	v11 =	vld.idx.msk [tilespmem:v50+s2+$0x0], $0xffff  }
0x32d: {  	v51 =	vor.u32 s14, v5;
	_ =	sdelay $0x3  }
0x32e: {  	[tilespmem:s26+$0x680] =	vst v11  }
0x32f: {  	v11 =	vld.idx.msk [tilespmem:v51+s2+$0x0], $0xffff  }
0x330: {  	v52 =	vor.u32 s14, v6;
	_ =	sdelay $0x3  }
0x331: {  	[tilespmem:s26+$0x690] =	vst v11  }
0x332: {  	v11 =	vld.idx.msk [tilespmem:v52+s2+$0x0], $0xffff  }
0x333: {  	v53 =	vor.u32 s14, v7  }
0x334: {  	s30 =	spop (v2sf)  }
0x335: {  	s29 =	sadd.s32 $0xB, s30  }
0x336: {  	s14 =	smov.u32 s17;
	p0 =	slt.s32 s29, s17  }
0x337: {  	s14 =	smov.u32 @p0 s29;
	[tilespmem:s26+$0x6A0] =	vst v11  }
0x338: {  	s0 =	sadd.s32 $0xFFFFFFFF, s14;
	v11 =	vld.idx.msk [tilespmem:v53+s2+$0x0], $0xffff  }
0x339: {  	v54 =	vmov s0;
	_ =	sdelay $0x3  }
0x33a: {  	[tilespmem:s26+$0x6B0] =	vst v11  }
0x33b: {  	v11 =	vld.idx.msk [tilespmem:v54+s10+$0x0], $0xffff;
	_ =	sdelay $0x3  }
0x33c: {  	p0 =	sge.s32 s28, s14  }
0x33d: {  	(v2sf) =	vpush @!p0 v11, $0x0;
	_ =	sdelay $0x2  }
0x33e: {  	s14 =	smulhi.u32 @!p0 $0x2AAAAAAB, s0;
	s28 =	sshra.s32 @!p0 s0, $0x1F  }
0x33f: {  	s28 =	smul.u32 @!p0 $0x2AAAAAAB, s28  }
0x340: {  	(v2sf) =	vpush v9, $0xE  }
0x341: {  	s14 =	sadd.s32 @!p0 s28, s14  }
0x342: {  	s31 =	sshrl.u32 @!p0 s14, $0x1F;
	s2 =	sadd.s32 $0xFFFFFFFF, s30  }
0x343: {  	s14 =	sshrl.u32 @!p0 s14, $0x1;
	s30 =	smulhi.u32 $0x2AAAAAAB, s2;
	s28 =	sshra.s32 s2, $0x1F  }
0x344: {  	s14 =	sadd.s32 @!p0 s31, s14;
	s28 =	smul.u32 $0x2AAAAAAB, s28  }
0x345: {  	s14 =	smul.u32 @!p0 $0xC, s14  }
0x346: {  	s28 =	sadd.s32 s28, s30  }
0x347: {  	s0 =	ssub.s32 @!p0 s0, s14;
	s31 =	sshrl.u32 s28, $0x1F;
	s28 =	sshrl.u32 s28, $0x1  }
0x348: {  	p1 =	slt.s32 @!p0 s0, $0x0;
	s14 =	sadd.s32 s31, s28  }
0x349: {  	p1 =	por !p1, p0;
	s28 =	sadd.s32 @!p0 $0xC, s0;
	s14 =	smul.u32 $0xC, s14  }
0x34a: {  	s31 =	simm.s32 @!p0 $0x7A1400;
	s28 =	smov.u32 @p1 s0;
	s30 =	spop @!p0 (v2sf)  }
0x34b: {  	s0 =	sshll.u32 @!p0 s28, $0xF;
	s2 =	ssub.s32 s2, s14;
	s14 =	sshll.u32 @!p0 s30, $0x7  }
0x34c: {  	s28 =	sadd.s32 @!p0 $0x1, s28;
	s0 =	sshra.s32 @!p0 s0, $0x2;
	s14 =	sand.u32 @!p0 $0x1FFFFF80, s14  }
0x34d: {  	s0 =	sor.u32 @!p0 $0xC80, s0;
	s30 =	simm.s32 @!p0 $0x400;
	s14 =	sadd.s32 @!p0 s1, s14  }
0x34e: {  	[tilespmem:s0], [sflag:s28] =	stream.strided.gather @!p0 [hbm4b:s14+s30], $0x2000, s31, s30, $0x38;
	[tilespmem:$0x1CC80] =	vst v63  }
0x34f: {  	p0 =	slt.s32 s2, $0x0;
	s0 =	sadd.s32 $0xC, s2;
	s30 =	spop (v2sf)  }
0x350: {  	s2 =	smov.u32 @p0 s0;
	p0 =	sne.s32 s30, $0x1  }
0x351: {  	s0 =	sadd.s32 @!p0 $0x1, s2  }
0x352: {  	_ =	swait.ge @!p0 [sflag:s0], $0x2000  }
0x353: {  	(v2sf) =	vpush v8, $0xE;
	_ =	sdelay $0xe  }
0x354: {  	s31 =	spop (v2sf)  }
0x355: {  	s14 =	sand.u32 $0x7F, s31  }
0x356: {  	v55 =	vor.u32 s14, v1;
	_ =	sdelay $0x1  }
0x357: {  	s2 =	sshll.u32 s2, $0xF  }
0x358: {  	s2 =	sshra.s32 s2, $0x2;
	[sflag:s0] =	ssyncset.done @!p0 $0x0  }
0x359: {  	s2 =	sor.u32 $0xC80, s2;
	[sflag:s0] =	ssyncadd.s32 @!p0 $0xFFFFE000;
	(v2sf) =	vpush v10, $0xF  }
0x35a: {  	v56 =	vld.idx.msk [tilespmem:v55+s2+$0x0], $0xffff  }
0x35b: {  	v57 =	vor.u32 s14, v5;
	_ =	sdelay $0x3  }
0x35c: {  	[tilespmem:s26+$0x700] =	vst v56  }
0x35d: {  	v10 =	vld.idx.msk [tilespmem:v57+s2+$0x0], $0xffff  }
0x35e: {  	v58 =	vor.u32 s14, v6;
	_ =	sdelay $0x3  }
0x35f: {  	[tilespmem:s26+$0x710] =	vst v10  }
0x360: {  	v10 =	vld.idx.msk [tilespmem:v58+s2+$0x0], $0xffff  }
0x361: {  	v59 =	vor.u32 s14, v7  }
0x362: {  	s30 =	spop (v2sf)  }
0x363: {  	s14 =	sadd.s32 $0xB, s30  }
0x364: {  	s28 =	smov.u32 s17;
	p0 =	slt.s32 s14, s17  }
0x365: {  	s28 =	smov.u32 @p0 s14;
	[tilespmem:s26+$0x720] =	vst v10  }
0x366: {  	s0 =	sadd.s32 $0xFFFFFFFF, s28;
	v10 =	vld.idx.msk [tilespmem:v59+s2+$0x0], $0xffff  }
0x367: {  	v60 =	vmov s0;
	_ =	sdelay $0x3  }
0x368: {  	[tilespmem:s26+$0x730] =	vst v10  }
0x369: {  	v10 =	vld.idx.msk [tilespmem:v60+s10+$0x0], $0xffff;
	_ =	sdelay $0x3  }
0x36a: {  	p0 =	sge.s32 s29, s28  }
0x36b: {  	(v2sf) =	vpush @!p0 v10, $0x0;
	_ =	sdelay $0x2  }
0x36c: {  	s14 =	smulhi.u32 @!p0 $0x2AAAAAAB, s0;
	s29 =	sshra.s32 @!p0 s0, $0x1F  }
0x36d: {  	s29 =	smul.u32 @!p0 $0x2AAAAAAB, s29  }
0x36e: {  	(v2sf) =	vpush v9, $0xF  }
0x36f: {  	s14 =	sadd.s32 @!p0 s29, s14  }
0x370: {  	s31 =	sshrl.u32 @!p0 s14, $0x1F;
	s14 =	sshrl.u32 @!p0 s14, $0x1;
	s2 =	sadd.s32 $0xFFFFFFFF, s30  }
0x371: {  	s14 =	sadd.s32 @!p0 s31, s14;
	s30 =	smulhi.u32 $0x2AAAAAAB, s2  }
0x372: {  	s29 =	sshra.s32 s2, $0x1F;
	s14 =	smul.u32 @!p0 $0xC, s14  }
0x373: {  	s29 =	smul.u32 $0x2AAAAAAB, s29  }
0x374: {  	s0 =	ssub.s32 @!p0 s0, s14  }
0x375: {  	s29 =	sadd.s32 s29, s30;
	p1 =	slt.s32 @!p0 s0, $0x0  }
0x376: {  	s31 =	sshrl.u32 s29, $0x1F;
	s29 =	sshrl.u32 s29, $0x1;
	p1 =	por !p1, p0  }
0x377: {  	s14 =	sadd.s32 s31, s29;
	s29 =	sadd.s32 @!p0 $0xC, s0;
	s31 =	simm.s32 @!p0 $0x7A1400  }
0x378: {  	s14 =	smul.u32 $0xC, s14;
	s29 =	smov.u32 @p1 s0;
	s0 =	spop @!p0 (v2sf)  }
0x379: {  	s30 =	sshll.u32 @!p0 s29, $0xF;
	s29 =	sadd.s32 @!p0 $0x1, s29;
	s0 =	sshll.u32 @!p0 s0, $0x7  }
0x37a: {  	s2 =	ssub.s32 s2, s14;
	s14 =	sshra.s32 @!p0 s30, $0x2;
	s0 =	sand.u32 @!p0 $0x1FFFFF80, s0  }
0x37b: {  	s30 =	simm.s32 @!p0 $0x400;
	s14 =	sor.u32 @!p0 $0xC80, s14;
	s0 =	sadd.s32 @!p0 s1, s0  }
0x37c: {  	[tilespmem:s14], [sflag:s29] =	stream.strided.gather @!p0 [hbm4b:s0+s30], $0x2000, s31, s30, $0x38;
	[tilespmem:$0x1CC80] =	vst v63  }
0x37d: {  	p0 =	slt.s32 s2, $0x0;
	s0 =	sadd.s32 $0xC, s2;
	s29 =	spop (v2sf)  }
0x37e: {  	s2 =	smov.u32 @p0 s0;
	p0 =	sne.s32 s29, $0x1  }
0x37f: {  	s0 =	sadd.s32 @!p0 $0x1, s2  }
0x380: {  	_ =	swait.ge @!p0 [sflag:s0], $0x2000  }
0x381: {  	(v2sf) =	vpush v8, $0xF;
	_ =	sdelay $0xe  }
0x382: {  	s30 =	spop (v2sf)  }
0x383: {  	s14 =	sand.u32 $0x7F, s30  }
0x384: {  	v8 =	vor.u32 s14, v1;
	_ =	sdelay $0x1  }
0x385: {  	s2 =	sshll.u32 s2, $0xF  }
0x386: {  	s2 =	sshra.s32 s2, $0x2;
	[sflag:s0] =	ssyncset.done @!p0 $0x0  }
0x387: {  	s31 =	sor.u32 $0xC80, s2;
	[sflag:s0] =	ssyncadd.s32 @!p0 $0xFFFFE000  }
0x388: {  	v8 =	vld.idx.msk [tilespmem:v8+s31+$0x0], $0xffff  }
0x389: {  	v61 =	vor.u32 s14, v5;
	_ =	sdelay $0x3  }
0x38a: {  	[tilespmem:s26+$0x780] =	vst v8  }
0x38b: {  	v8 =	vld.idx.msk [tilespmem:v61+s31+$0x0], $0xffff  }
0x38c: {  	v62 =	vor.u32 s14, v6;
	_ =	sdelay $0x3  }
0x38d: {  	[tilespmem:s26+$0x790] =	vst v8  }
0x38e: {  	v8 =	vld.idx.msk [tilespmem:v62+s31+$0x0], $0xffff  }
0x38f: {  	v63 =	vor.u32 s14, v7;
	_ =	sdelay $0x3  }
0x390: {  	[tilespmem:s26+$0x7A0] =	vst v8  }
0x391: {  	v8 =	vld.idx.msk [tilespmem:v63+s31+$0x0], $0xffff;
	_ =	sdelay $0x1  }
0x392: {  	p0 =	sne.s32 s23, $0x3  }
0x393: {  	s0 =	sshll.u32 @!p0 s24, $0x7  }
0x394: {  	s21 =	sadd.s32 $0x1, s21;
	s2 =	rddreg [dreg:$0x4];
	s0 =	sand.u32 @!p0 $0x3FFFFF80, s0  }
0x395: {  	s0 =	sadd.s32 @!p0 $0x880, s0;
	s14 =	sadd.s32 @!p0 $0xD, s22;
	s22 =	simm.s32 @!p0 $0x40;
	[tilespmem:s26+$0x7B0] =	vst v8  }
0x396: {  	[hbm4b:s2+s22] =	stream.indirect.scatter @!p0 [tilespmem:s25], [sflag:s14], $0x80, s0, s22, $0xb8;
	[tilespmem:$0x1CC80] =	vst v63  }
0x397: {  	p0 =	sne.s32 s21, $0x20  }
.Ltmp3:
0x398: {  	_ = 	snop;
	(pc) =	sbr.rel @p0 .LBB2_8-.Ltmp3, $2  }
0x399: {  	_ =	sdelay $0x2  }
0x39a: {  	s18 =	sadd.s32 $0x10, s18;
	s19 =	sadd.s32 $0x10, s19;
	s20 =	sadd.s32 $0x10, s20  }
0x39b: {  	s16 =	sadd.s32 $0x1, s16  }
0x39c: {  	_ =	swait.ge [sflag:s11], $0x2000;
	p0 =	sne.s32 s16, s6  }
.Ltmp4:
0x39d: {  	[sflag:s11] =	ssyncset.done $0x0;
	(pc) =	sbr.rel @p0 .LBB2_1-.Ltmp4, $4  }
0x39e: {  	[sflag:s11] =	ssyncadd.s32 $0xFFFFE000  }
0x39f: {  	_ =	swait.ge [sflag:s12], $0x2000  }
0x3a0: {  	[sflag:s12] =	ssyncset.done $0x0  }
0x3a1: {  	[sflag:s12] =	ssyncadd.s32 $0xFFFFE000  }
0x3a2: {  	_ =	sfence.sel $0x180000  }
0x3a3: {  	[bflag:$0x0] =	sbarrier.arrive $0xFFFF  }
0x3a4: {  	_ =	strace $0x90000047  }
0x3a5: {  	s0 =	stileid.u32;
	[bflag:$0x2] =	sbarrier.arrive $0xFFFF  }
0x3a6: {  	p0 =	sne.s32 s0, $0x0;
	s0 =	rddreg [dreg:$0x3]  }
0x3a7: {  	s0 =	sadd.s32 @!p0 $0x100000, s0  }
0x3a8: {  	[sflag:s0] =	ssyncadd.tile.s32 @!p0 $0x1;
	_ =	shalt  }
.Lfunc_end2:
_tile_overlayer_lowered:
.L_overlay_start_2:
0x3a9: {  	(tag) =	ssettag $0x2  }
0x3aa: {  	s0 =	rddreg [dreg:$0x0];
	s2 =	stileid.u32  }
0x3ab: {  	s1 =	rddreg [dreg:$0x1];
	p0 =	sne.s32 s2, $0x0  }
0x3ac: {  	s3 =	rddreg [dreg:$0x2];
	[bflag:$0x3] =	sbarrier.arrive $0xFFFF;
	s2 =	simm.s32 @!p0 $0x1C0F  }
0x3ad: {  	[timem:s3], [sflag:s2] =	dma.local @!p0 [hbm:s0], s1  }
0x3ae: {  	s0 =	simm.s32 @!p0 $0xF  }
0x3af: {  	_ =	swait.ge @!p0 [sflag:s0], s1  }
0x3b0: {  	s1 =	ssub.s32 @!p0 $0x0, s1;
	[sflag:s0] =	ssyncset.done @!p0 $0x0  }
0x3b1: {  	[sflag:s0] =	ssyncadd.s32 @!p0 s1  }
0x3b2: {  	[bflag:$0x3] =	sbarrier.arrive $0xFFFF  }
0x3b3: {  	_ =	shalt  }

</sc_bundles>
